<compile_context>
chip_gen: v7x
topology: tpu7x:2x2x1
jax: 0.10.2.dev20260603
libtpu: 0.0.44.dev20260713+nightly
codegen_flags: <defaults>
</compile_context>

<pallas_src>
import functools

import jax
import jax.numpy as jnp
from jax import lax
from jax.experimental import pallas as pl
from jax.experimental.pallas import tpu as pltpu
from jax.experimental.pallas import tpu_sc as plsc

NC = 2
NS = 16
NW = NC * NS
H = 128


def _matmul_body(x_ref, w_ref, b_ref, o_ref):
    o_ref[...] = (
        jnp.dot(x_ref[...], w_ref[...], preferred_element_type=jnp.float32)
        + b_ref[...]
    )


def _linear(x, w, b, bm):
    m = x.shape[0]
    return pl.pallas_call(
        _matmul_body,
        grid=(m // bm,),
        in_specs=[
            pl.BlockSpec((bm, 16), lambda i: (i, 0)),
            pl.BlockSpec((16, H), lambda i: (0, 0)),
            pl.BlockSpec((1, H), lambda i: (0, 0)),
        ],
        out_specs=pl.BlockSpec((bm, H), lambda i: (i, 0)),
        out_shape=jax.ShapeDtypeStruct((m, H), jnp.float32),
    )(x, w, b.reshape(1, H))


def _matmul_t_body(x_ref, w_ref, b_ref, o_ref, *, bt):
    for j in range(bt):
        o_ref[j] = lax.dot_general(
            x_ref[j], w_ref[...], (((0,), (0,)), ((), ())),
            preferred_element_type=jnp.float32) + b_ref[...]


def _linear_t(x_t, w, b, bt):
    t_dim, _, b_dim = x_t.shape
    return pl.pallas_call(
        functools.partial(_matmul_t_body, bt=bt),
        grid=(t_dim // bt,),
        in_specs=[
            pl.BlockSpec((bt, 16, b_dim), lambda i: (i, 0, 0)),
            pl.BlockSpec((16, H), lambda i: (0, 0)),
            pl.BlockSpec((1, H), lambda i: (0, 0)),
        ],
        out_specs=pl.BlockSpec((bt, b_dim, H), lambda i: (i, 0, 0)),
        out_shape=jax.ShapeDtypeStruct((t_dim, b_dim, H), jnp.float32),
    )(x_t, w, b.reshape(1, H))


def _phase_runner2(bufs):
    def run_phase(n, csz, out, out_off, fire, wait_do):
        def o_copy(k, bd, make_only):
            mk = pltpu.make_async_copy if make_only else pltpu.async_copy
            return mk(bd[0].at[pl.ds(0, csz)],
                      out.at[pl.ds(out_off(k), csz)], bd[2])

        def step(k, j):
            wait_do(k, bufs[j])
            o_copy(k, bufs[j], False)

        if n >= 1:
            fire(0, bufs[0])
        if n >= 2:
            fire(1, bufs[1])

        n_main = (n // 4) * 4

        def body(i, carry):
            for j in range(4):
                k = 4 * i + j
                step(k, j)

                @pl.when(k + 2 < n)
                def _():
                    bd2 = bufs[(j + 2) % 4]

                    @pl.when(k >= 2)
                    def _():
                        o_copy(jnp.maximum(k - 2, 0), bd2, True).wait()

                    fire(k + 2, bd2)
            return carry

        lax.fori_loop(0, n // 4, body, 0)
        for k in range(n_main, n):
            j = k % 4
            step(k, j)
            if k + 2 < n:
                bd2 = bufs[(j + 2) % 4]
                if k >= 2:
                    o_copy(k - 2, bd2, True).wait()
                fire(k + 2, bd2)
        for k in range(max(n - 4, 0), n):
            o_copy(k, bufs[k % 4], True).wait()

    return run_phase


def _simple_idx_src(src, ixv, csz, bufs):
    def fire(k, bd):
        pltpu.async_copy(src.at[ixv.at[pl.ds(k * csz, csz)]],
                         bd[0].at[pl.ds(0, csz)], bd[1])

    def wait_do(k, bd):
        pltpu.make_async_copy(src.at[ixv.at[pl.ds(k * csz, csz)]],
                              bd[0].at[pl.ds(0, csz)], bd[1]).wait()
    return fire, wait_do


NBUF = 4


def _sc_scratch(idx_sizes, shared_rows):
    scratch = [pltpu.VMEM_SHARED((r, H), jnp.float32) for r in shared_rows]
    scratch += [pltpu.VMEM((n,), jnp.int32) for n in idx_sizes]
    for _ in range(NBUF):
        scratch += [pltpu.VMEM((128, H), jnp.float32),
                    pltpu.SemaphoreType.DMA, pltpu.SemaphoreType.DMA]
    return scratch


def _make_sc_gather_fs(n_f, n_s):
    rpt_f, rpt_s = n_f // NW, n_s // NW
    mesh = plsc.VectorSubcoreMesh(core_axis_name="c", subcore_axis_name="s")
    out_type = [jax.ShapeDtypeStruct((n_f, H), jnp.float32),
                jax.ShapeDtypeStruct((n_s, H), jnp.float32)]

    @functools.partial(
        pl.kernel, mesh=mesh, out_type=out_type,
        scratch_types=_sc_scratch([rpt_f, rpt_s], [3000]),
        compiler_params=pltpu.CompilerParams(needs_layout_passes=False))
    def sc_kernel(tab_f, idx_f, tab_s, idx_s, out_f, out_s,
                  shr_f, ixf, ixs, *bs):
        sid = lax.axis_index("s")
        wid = sid * NC + lax.axis_index("c")
        bufs = tuple(bs[3 * i: 3 * i + 3] for i in range(NBUF))

        @pl.when(sid == 0)
        def _():
            pltpu.sync_copy(tab_f, shr_f)

        pltpu.sync_copy(idx_f.at[pl.ds(wid * rpt_f, rpt_f)], ixf)
        pltpu.sync_copy(idx_s.at[pl.ds(wid * rpt_s, rpt_s)], ixs)
        plsc.subcore_barrier()

        run_phase = _phase_runner2(bufs)
        run_phase(rpt_f // 128, 128, out_f,
                  lambda k: wid * rpt_f + k * 128,
                  *_simple_idx_src(shr_f, ixf, 128, bufs))
        run_phase(rpt_s // 128, 128, out_s,
                  lambda k: wid * rpt_s + k * 128,
                  *_simple_idx_src(tab_s, ixs, 128, bufs))

    return sc_kernel


def _make_sc_gather_h(t_h, b_dim):
    n_h = t_h * 5 * b_dim
    n_cat = t_h * 4 * b_dim
    cat_cpt = (n_cat // 128) // NW
    cont_cpt = (t_h * b_dim // 64) // NW
    assert cat_cpt * NW * 128 == n_cat
    assert cont_cpt * NW * 64 == t_h * b_dim
    mesh = plsc.VectorSubcoreMesh(core_axis_name="c", subcore_axis_name="s")

    @functools.partial(
        pl.kernel, mesh=mesh,
        out_type=jax.ShapeDtypeStruct((n_h, H), jnp.float32),
        scratch_types=_sc_scratch([cat_cpt * 128], [4000]),
        compiler_params=pltpu.CompilerParams(needs_layout_passes=False))
    def sc_kernel(cont_h, tab_h, idx_cat, out_h, shr_h, ixh, *bs):
        sid = lax.axis_index("s")
        wid = sid * NC + lax.axis_index("c")
        bufs = tuple(bs[3 * i: 3 * i + 3] for i in range(NBUF))

        @pl.when(sid == 0)
        def _():
            pltpu.sync_copy(tab_h, shr_h)

        pltpu.sync_copy(idx_cat.at[pl.ds(wid * cat_cpt * 128,
                                         cat_cpt * 128)], ixh)
        plsc.subcore_barrier()
        run_phase = _phase_runner2(bufs)

        def cat_out_off(k):
            gj = wid * cat_cpt + k
            p = gj // 8
            t = p // 4
            cc = p % 4
            return (t * 5 + cc + 1) * b_dim + (gj % 8) * 128

        run_phase(cat_cpt, 128, out_h, cat_out_off,
                  *_simple_idx_src(shr_h, ixh, 128, bufs))

        def cont_src_off(k):
            gj = wid * cont_cpt + k
            return (gj // 16) * b_dim + (gj % 16) * 64

        def cont_out_off(k):
            gj = wid * cont_cpt + k
            return (gj // 16) * 5 * b_dim + (gj % 16) * 64

        def cont_fire(k, bd):
            pltpu.async_copy(cont_h.at[pl.ds(cont_src_off(k), 64)],
                             bd[0].at[pl.ds(0, 64)], bd[1])

        def cont_wait(k, bd):
            pltpu.make_async_copy(cont_h.at[pl.ds(cont_src_off(k), 64)],
                                  bd[0].at[pl.ds(0, 64)], bd[1]).wait()

        run_phase(cont_cpt, 64, out_h, cont_out_off, cont_fire, cont_wait)

    return sc_kernel


def kernel(static_cont_input, static_cat_input, history_cont_input,
           history_cat_input, future_input, W_s, b_s, W_h, b_h,
           static_tables, history_tables, future_tables):
    B, T_h, _ = history_cont_input.shape
    T_f = future_input.shape[1]
    i32 = jnp.int32

    tab_s = static_tables.reshape(4 * 10000, H)
    tab_h = history_tables.reshape(4 * 1000, H)
    tab_f = future_tables.reshape(3 * 1000, H)

    idx_f = (future_input.astype(i32).transpose(1, 2, 0)
             + (jnp.arange(3, dtype=i32) * 1000).reshape(1, 3, 1)
             ).reshape(-1)
    idx_s = (static_cat_input.astype(i32).T
             + (jnp.arange(4, dtype=i32) * 10000).reshape(4, 1)
             ).reshape(-1)

    fut_rows, stat_rows = _make_sc_gather_fs(T_f * 3 * B, 4 * B)(
        tab_f, idx_f, tab_s, idx_s)

    static_cont_emb = _linear(static_cont_input, W_s, b_s, bm=B)
    cont_h = _linear_t(history_cont_input.transpose(1, 2, 0),
                       W_h, b_h, bt=5).reshape(T_h * B, H)

    idx_cat = (history_cat_input.astype(i32).transpose(1, 2, 0)
               + (jnp.arange(4, dtype=i32) * 1000).reshape(1, 4, 1)
               ).reshape(-1)

    hist_rows = _make_sc_gather_h(T_h, B)(cont_h, tab_h, idx_cat)

    static_out = jnp.concatenate(
        [static_cont_emb[None], stat_rows.reshape(4, B, H)], axis=0
    ).transpose(1, 2, 0)
    hist_out = hist_rows.reshape(T_h, 5, B, H).transpose(2, 0, 3, 1)
    fut_out = fut_rows.reshape(T_f, 3, B, H).transpose(2, 0, 3, 1)

    return (static_out, hist_out, fut_out)

# --- scband reference (transcript-rebuilt; emitter-appended) ---
"""Pipeline reference for scband-tft-embedding-61744449847983 (READ-ONLY COPY).

The authoritative reference and input builder live on the scoring server;
editing this copy changes nothing except your own understanding.
"""

import jax, jax.numpy as jnp
import numpy as np


def setup_inputs(seed: int = 0) -> dict:
    key = jax.random.key(seed)
    ks = jax.random.split(key, 10)
    B, T_h, T_f, H = 1024, 50, 20, 128
    inp = {}
    inp["static_cont_input"] = jax.random.normal(ks[0], (B, 16), dtype=jnp.float32)
    inp["static_cat_input"] = jax.random.randint(ks[1], (B, 4), 0, 10000)
    inp["history_cont_input"] = jax.random.normal(ks[2], (B, T_h, 16), dtype=jnp.float32)
    inp["history_cat_input"] = jax.random.randint(ks[3], (B, T_h, 4), 0, 1000)
    inp["future_input"] = jax.random.randint(ks[4], (B, T_f, 3), 0, 1000)
    inp["W_s"] = jax.random.normal(ks[5], (16, H), dtype=jnp.float32) * 0.05
    inp["b_s"] = jnp.zeros((H,), dtype=jnp.float32)
    inp["W_h"] = jax.random.normal(ks[6], (16, H), dtype=jnp.float32) * 0.05
    inp["b_h"] = jnp.zeros((H,), dtype=jnp.float32)
    inp["static_tables"] = jax.random.normal(ks[7], (4, 10000, H), dtype=jnp.float32) * 0.02
    inp["history_tables"] = jax.random.normal(ks[8], (4, 1000, H), dtype=jnp.float32) * 0.02
    inp["future_tables"] = jax.random.normal(ks[9], (3, 1000, H), dtype=jnp.float32) * 0.02
    return inp


def reference(static_cont_input, static_cat_input, history_cont_input, history_cat_input, future_input, W_s, b_s, W_h, b_h, static_tables, history_tables, future_tables):
    # static continuous: Linear(16 -> H)
    static_cont_emb = static_cont_input @ W_s + b_s  # [B, H]
    # static categorical: 4 embedding lookups, stacked on last dim
    static_cat_embs = [jnp.take(static_tables[i], static_cat_input[:, i], axis=0) for i in range(4)]
    static_cat_emb = jnp.stack(static_cat_embs, axis=-1)  # [B, H, 4]
    # history continuous: Linear(16 -> H) over time
    history_cont_emb = history_cont_input @ W_h + b_h  # [B, T_h, H]
    # history categorical: 4 embedding lookups over time
    history_cat_embs = [jnp.take(history_tables[i], history_cat_input[:, :, i], axis=0) for i in range(4)]
    history_cat_emb = jnp.stack(history_cat_embs, axis=-1)  # [B, T_h, H, 4]
    # future categorical: 3 embedding lookups over time
    future_embs = [jnp.take(future_tables[i], future_input[:, :, i], axis=0) for i in range(3)]
    future_emb = jnp.stack(future_embs, axis=-1)  # [B, T_f, H, 3]
    static_input = jnp.concatenate([static_cont_emb[..., None], static_cat_emb], axis=-1)  # [B, H, 5]
    history_input = jnp.concatenate([history_cont_emb[..., None], history_cat_emb], axis=-1)  # [B, T_h, H, 5]
    return (static_input, history_input, future_emb)

if __name__ == "__main__":
    import jax
    _d = setup_inputs()
    print(jax.jit(kernel)(*tuple(_d.values())))

</pallas_src>

<mosaic_0001>
#map = affine_map<(d0, d1) -> (0, 0)>
#map1 = affine_map<(d0, d1) -> (0)>
module attributes {stable_mosaic.version = 14 : i64} {
  func.func @sc_kernel(%arg0: i32, %arg1: i32, %arg2: memref<3000x128xf32, #tpu.memory_space<hbm>>, %arg3: memref<61440xi32, #tpu.memory_space<hbm>>, %arg4: memref<40000x128xf32, #tpu.memory_space<hbm>>, %arg5: memref<4096xi32, #tpu.memory_space<hbm>>, %arg6: memref<61440x128xf32, #tpu.memory_space<hbm>>, %arg7: memref<4096x128xf32, #tpu.memory_space<hbm>>, %arg8: memref<3000x128xf32, #tpu.memory_space<vmem_shared>>, %arg9: memref<1920xi32, #tpu.memory_space<vmem>>, %arg10: memref<128xi32, #tpu.memory_space<vmem>>, %arg11: memref<128x128xf32, #tpu.memory_space<vmem>>, %arg12: memref<!tpu.dma_semaphore, #tpu.memory_space<semaphore_mem>>, %arg13: memref<!tpu.dma_semaphore, #tpu.memory_space<semaphore_mem>>, %arg14: memref<128x128xf32, #tpu.memory_space<vmem>>, %arg15: memref<!tpu.dma_semaphore, #tpu.memory_space<semaphore_mem>>, %arg16: memref<!tpu.dma_semaphore, #tpu.memory_space<semaphore_mem>>, %arg17: memref<128x128xf32, #tpu.memory_space<vmem>>, %arg18: memref<!tpu.dma_semaphore, #tpu.memory_space<semaphore_mem>>, %arg19: memref<!tpu.dma_semaphore, #tpu.memory_space<semaphore_mem>>, %arg20: memref<128x128xf32, #tpu.memory_space<vmem>>, %arg21: memref<!tpu.dma_semaphore, #tpu.memory_space<semaphore_mem>>, %arg22: memref<!tpu.dma_semaphore, #tpu.memory_space<semaphore_mem>>) attributes {dimension_semantics = [#tpu.dimension_semantics<core_parallel>, #tpu.dimension_semantics<subcore_parallel>], iteration_bounds = array<i64: 2, 16>, scalar_prefetch = 0 : i64, scratch_operands = 15 : i64, tpu.core_type = #tpu.core_type<sc_vector_subcore>, window_params = [{transform_indices = #map}, {transform_indices = #map1}, {transform_indices = #map}, {transform_indices = #map1}, {transform_indices = #map}, {transform_indices = #map}]} {
    %mul3A = arith.constant 2 : i32
    %mul3A_0 = arith.muli %arg1, %mul3A : i32
    %add3A = arith.addi %mul3A_0, %arg0 : i32
    %eq3A = arith.constant 0 : i32
    %eq3A_1 = arith.cmpi eq, %arg1, %eq3A : i32
    %convert_element_type3A = arith.extui %eq3A_1 : i1 to i32
    %cond3A = arith.constant 0 : i32
    %cond3A_2 = arith.cmpi ne, %convert_element_type3A, %cond3A : i32
    scf.if %cond3A_2 {
      "tpu.region"() ({
        %run_scoped3A = tpu.sem_alloc : memref<!tpu.dma_semaphore, #tpu.memory_space<semaphore_mem>>
        tpu.enqueue_dma source(%arg2 : memref<3000x128xf32, #tpu.memory_space<hbm>>) target(%arg8 : memref<3000x128xf32, #tpu.memory_space<vmem_shared>>) target_semaphore(%run_scoped3A : memref<!tpu.dma_semaphore, #tpu.memory_space<semaphore_mem>>)
        tpu.wait_dma2 semaphore(%run_scoped3A : memref<!tpu.dma_semaphore, #tpu.memory_space<semaphore_mem>>) src(%arg2 : memref<3000x128xf32, #tpu.memory_space<hbm>>) dst(%arg8 : memref<3000x128xf32, #tpu.memory_space<vmem_shared>>)
        tpu.yield
      }) : () -> ()
    } else {
    }
    %mul3A_3 = arith.constant 1920 : i32
    %mul3A_4 = arith.muli %add3A, %mul3A_3 : i32
    "tpu.region"() ({
      %run_scoped3A = tpu.sem_alloc : memref<!tpu.dma_semaphore, #tpu.memory_space<semaphore_mem>>
      %dma_start3A_219 = tpu.memref_slice %arg3[%mul3A_4] : memref<61440xi32, #tpu.memory_space<hbm>> -> memref<1920xi32, #tpu.memory_space<hbm>>
      %dma_start3A_220 = tpu.memref_slice %arg3[%mul3A_4] : memref<61440xi32, #tpu.memory_space<hbm>> -> memref<1920xi32, #tpu.memory_space<hbm>>
      tpu.enqueue_dma source(%dma_start3A_220 : memref<1920xi32, #tpu.memory_space<hbm>>) target(%arg9 : memref<1920xi32, #tpu.memory_space<vmem>>) target_semaphore(%run_scoped3A : memref<!tpu.dma_semaphore, #tpu.memory_space<semaphore_mem>>)
      %dma_wait3A_221 = tpu.memref_slice %arg3[%mul3A_4] : memref<61440xi32, #tpu.memory_space<hbm>> -> memref<1920xi32, #tpu.memory_space<hbm>>
      %dma_wait3A_222 = tpu.memref_slice %arg3[%mul3A_4] : memref<61440xi32, #tpu.memory_space<hbm>> -> memref<1920xi32, #tpu.memory_space<hbm>>
      tpu.wait_dma2 semaphore(%run_scoped3A : memref<!tpu.dma_semaphore, #tpu.memory_space<semaphore_mem>>) src(%dma_wait3A_222 : memref<1920xi32, #tpu.memory_space<hbm>>) dst(%arg9 : memref<1920xi32, #tpu.memory_space<vmem>>)
      tpu.yield
    }) : () -> ()
    %mul3A_5 = arith.constant 128 : i32
    %mul3A_6 = arith.muli %add3A, %mul3A_5 : i32
    "tpu.region"() ({
      %run_scoped3A = tpu.sem_alloc : memref<!tpu.dma_semaphore, #tpu.memory_space<semaphore_mem>>
      %dma_start3A_219 = tpu.memref_slice %arg5[%mul3A_6] : memref<4096xi32, #tpu.memory_space<hbm>> -> memref<128xi32, #tpu.memory_space<hbm>>
      %dma_start3A_220 = tpu.memref_slice %arg5[%mul3A_6] : memref<4096xi32, #tpu.memory_space<hbm>> -> memref<128xi32, #tpu.memory_space<hbm>>
      tpu.enqueue_dma source(%dma_start3A_220 : memref<128xi32, #tpu.memory_space<hbm>>) target(%arg10 : memref<128xi32, #tpu.memory_space<vmem>>) target_semaphore(%run_scoped3A : memref<!tpu.dma_semaphore, #tpu.memory_space<semaphore_mem>>)
      %dma_wait3A_221 = tpu.memref_slice %arg5[%mul3A_6] : memref<4096xi32, #tpu.memory_space<hbm>> -> memref<128xi32, #tpu.memory_space<hbm>>
      %dma_wait3A_222 = tpu.memref_slice %arg5[%mul3A_6] : memref<4096xi32, #tpu.memory_space<hbm>> -> memref<128xi32, #tpu.memory_space<hbm>>
      tpu.wait_dma2 semaphore(%run_scoped3A : memref<!tpu.dma_semaphore, #tpu.memory_space<semaphore_mem>>) src(%dma_wait3A_222 : memref<128xi32, #tpu.memory_space<hbm>>) dst(%arg10 : memref<128xi32, #tpu.memory_space<vmem>>)
      tpu.yield
    }) : () -> ()
    %barrier3A = arith.constant 0 : index
    tpu.barrier barrier_id(%barrier3A)
    %dma_start3A = arith.constant 0 : i32
    %dma_start3A_7 = arith.constant 0 : i32
    %dma_start3A_8 = tpu.memref_slice %arg11[%dma_start3A, %dma_start3A_7] : memref<128x128xf32, #tpu.memory_space<vmem>> -> memref<128x128xf32, #tpu.memory_space<vmem>>
    %dma_start3A_9 = arith.constant 0 : i32
    %dma_start3A_10 = tpu.memref_slice %arg9[%dma_start3A_9] : memref<1920xi32, #tpu.memory_space<vmem>> -> memref<128xi32, #tpu.memory_space<vmem>>
    %dma_start3A_11 = arith.constant 0 : i32
    %dma_start3A_12 = arith.constant 0 : i32
    %dma_start3A_13 = tpu.memref_slice %arg8[%dma_start3A_11, %dma_start3A_12] : memref<3000x128xf32, #tpu.memory_space<vmem_shared>> -> memref<3000x128xf32, #tpu.memory_space<vmem_shared>>
    tpu.enqueue_indirect_dma source(%dma_start3A_13 : memref<3000x128xf32, #tpu.memory_space<vmem_shared>>) target(%dma_start3A_8 : memref<128x128xf32, #tpu.memory_space<vmem>>) offsets(%dma_start3A_10 : memref<128xi32, #tpu.memory_space<vmem>>) semaphore(%arg12 : memref<!tpu.dma_semaphore, #tpu.memory_space<semaphore_mem>>)
    %dma_start3A_14 = arith.constant 0 : i32
    %dma_start3A_15 = arith.constant 0 : i32
    %dma_start3A_16 = tpu.memref_slice %arg14[%dma_start3A_14, %dma_start3A_15] : memref<128x128xf32, #tpu.memory_space<vmem>> -> memref<128x128xf32, #tpu.memory_space<vmem>>
    %dma_start3A_17 = arith.constant 128 : i32
    %dma_start3A_18 = tpu.memref_slice %arg9[%dma_start3A_17] : memref<1920xi32, #tpu.memory_space<vmem>> -> memref<128xi32, #tpu.memory_space<vmem>>
    %dma_start3A_19 = arith.constant 0 : i32
    %dma_start3A_20 = arith.constant 0 : i32
    %dma_start3A_21 = tpu.memref_slice %arg8[%dma_start3A_19, %dma_start3A_20] : memref<3000x128xf32, #tpu.memory_space<vmem_shared>> -> memref<3000x128xf32, #tpu.memory_space<vmem_shared>>
    tpu.enqueue_indirect_dma source(%dma_start3A_21 : memref<3000x128xf32, #tpu.memory_space<vmem_shared>>) target(%dma_start3A_16 : memref<128x128xf32, #tpu.memory_space<vmem>>) offsets(%dma_start3A_18 : memref<128xi32, #tpu.memory_space<vmem>>) semaphore(%arg15 : memref<!tpu.dma_semaphore, #tpu.memory_space<semaphore_mem>>)
    %scan3A = arith.constant 0 : i32
    %scan3A_22 = arith.constant 0 : i32
    %scan3A_23 = arith.constant 3 : i32
    %scan3A_24 = arith.addi %scan3A_22, %scan3A_23 : i32
    %scan3A_25 = arith.constant 1 : i32
    scf.for %scan3A_219 = %scan3A_22 to %scan3A_24 step %scan3A_25  : i32 {
      %mul3A_220 = arith.constant 4 : i32
      %mul3A_221 = arith.muli %mul3A_220, %scan3A_219 : i32
      %add3A_222 = arith.constant 0 : i32
      %add3A_223 = arith.addi %mul3A_221, %add3A_222 : i32
      %mul3A_224 = arith.constant 128 : i32
      %mul3A_225 = arith.muli %add3A_223, %mul3A_224 : i32
      %dma_wait3A_226 = arith.constant 0 : i32
      %dma_wait3A_227 = arith.constant 0 : i32
      %dma_wait3A_228 = tpu.memref_slice %arg11[%dma_wait3A_226, %dma_wait3A_227] : memref<128x128xf32, #tpu.memory_space<vmem>> -> memref<128x128xf32, #tpu.memory_space<vmem>>
      %dma_wait3A_229 = tpu.memref_slice %arg9[%mul3A_225] : memref<1920xi32, #tpu.memory_space<vmem>> -> memref<128xi32, #tpu.memory_space<vmem>>
      %dma_wait3A_230 = arith.constant 0 : i32
      %dma_wait3A_231 = arith.constant 0 : i32
      %dma_wait3A_232 = tpu.memref_slice %arg8[%dma_wait3A_230, %dma_wait3A_231] : memref<3000x128xf32, #tpu.memory_space<vmem_shared>> -> memref<3000x128xf32, #tpu.memory_space<vmem_shared>>
      tpu.wait_indirect_dma semaphore(%arg12 : memref<!tpu.dma_semaphore, #tpu.memory_space<semaphore_mem>>) src(%dma_wait3A_232 : memref<3000x128xf32, #tpu.memory_space<vmem_shared>>) dst(%dma_wait3A_228 : memref<128x128xf32, #tpu.memory_space<vmem>>)
      %mul3A_233 = arith.constant 1920 : i32
      %mul3A_234 = arith.muli %add3A, %mul3A_233 : i32
      %mul3A_235 = arith.constant 128 : i32
      %mul3A_236 = arith.muli %add3A_223, %mul3A_235 : i32
      %add3A_237 = arith.addi %mul3A_234, %mul3A_236 : i32
      %dma_start3A_238 = arith.constant 0 : i32
      %dma_start3A_239 = arith.constant 0 : i32
      %dma_start3A_240 = tpu.memref_slice %arg11[%dma_start3A_238, %dma_start3A_239] : memref<128x128xf32, #tpu.memory_space<vmem>> -> memref<128x128xf32, #tpu.memory_space<vmem>>
      %dma_start3A_241 = arith.constant 0 : i32
      %dma_start3A_242 = tpu.memref_slice %arg6[%add3A_237, %dma_start3A_241] : memref<61440x128xf32, #tpu.memory_space<hbm>> -> memref<128x128xf32, #tpu.memory_space<hbm>>
      %dma_start3A_243 = arith.constant 0 : i32
      %dma_start3A_244 = tpu.memref_slice %arg6[%add3A_237, %dma_start3A_243] : memref<61440x128xf32, #tpu.memory_space<hbm>> -> memref<128x128xf32, #tpu.memory_space<hbm>>
      %dma_start3A_245 = arith.constant 0 : i32
      %dma_start3A_246 = arith.constant 0 : i32
      %dma_start3A_247 = tpu.memref_slice %arg11[%dma_start3A_245, %dma_start3A_246] : memref<128x128xf32, #tpu.memory_space<vmem>> -> memref<128x128xf32, #tpu.memory_space<vmem>>
      tpu.enqueue_dma source(%dma_start3A_247 : memref<128x128xf32, #tpu.memory_space<vmem>>) target(%dma_start3A_244 : memref<128x128xf32, #tpu.memory_space<hbm>>) target_semaphore(%arg13 : memref<!tpu.dma_semaphore, #tpu.memory_space<semaphore_mem>>)
      %add3A_248 = arith.constant 2 : i32
      %add3A_249 = arith.addi %add3A_223, %add3A_248 : i32
      %lt3A = arith.constant 15 : i32
      %lt3A_250 = arith.cmpi slt, %add3A_249, %lt3A : i32
      %convert_element_type3A_251 = arith.extui %lt3A_250 : i1 to i32
      %cond3A_252 = arith.constant 0 : i32
      %cond3A_253 = arith.cmpi ne, %convert_element_type3A_251, %cond3A_252 : i32
      scf.if %cond3A_253 {
        %ge3A = arith.constant 2 : i32
        %ge3A_359 = arith.cmpi sge, %add3A_223, %ge3A : i32
        %convert_element_type3A_360 = arith.extui %ge3A_359 : i1 to i32
        %cond3A_361 = arith.constant 0 : i32
        %cond3A_362 = arith.cmpi ne, %convert_element_type3A_360, %cond3A_361 : i32
        scf.if %cond3A_362 {
          %sub3A = arith.constant 2 : i32
          %sub3A_374 = arith.subi %add3A_223, %sub3A : i32
          %max3A = arith.constant 0 : i32
          %max3A_375 = arith.maxsi %sub3A_374, %max3A : i32
          %mul3A_376 = arith.constant 1920 : i32
          %mul3A_377 = arith.muli %add3A, %mul3A_376 : i32
          %mul3A_378 = arith.constant 128 : i32
          %mul3A_379 = arith.muli %max3A_375, %mul3A_378 : i32
          %add3A_380 = arith.addi %mul3A_377, %mul3A_379 : i32
          %dma_wait3A_381 = arith.constant 0 : i32
          %dma_wait3A_382 = arith.constant 0 : i32
          %dma_wait3A_383 = tpu.memref_slice %arg17[%dma_wait3A_381, %dma_wait3A_382] : memref<128x128xf32, #tpu.memory_space<vmem>> -> memref<128x128xf32, #tpu.memory_space<vmem>>
          %dma_wait3A_384 = arith.constant 0 : i32
          %dma_wait3A_385 = tpu.memref_slice %arg6[%add3A_380, %dma_wait3A_384] : memref<61440x128xf32, #tpu.memory_space<hbm>> -> memref<128x128xf32, #tpu.memory_space<hbm>>
          %dma_wait3A_386 = arith.constant 0 : i32
          %dma_wait3A_387 = tpu.memref_slice %arg6[%add3A_380, %dma_wait3A_386] : memref<61440x128xf32, #tpu.memory_space<hbm>> -> memref<128x128xf32, #tpu.memory_space<hbm>>
          %dma_wait3A_388 = arith.constant 0 : i32
          %dma_wait3A_389 = arith.constant 0 : i32
          %dma_wait3A_390 = tpu.memref_slice %arg17[%dma_wait3A_388, %dma_wait3A_389] : memref<128x128xf32, #tpu.memory_space<vmem>> -> memref<128x128xf32, #tpu.memory_space<vmem>>
          tpu.wait_dma2 semaphore(%arg19 : memref<!tpu.dma_semaphore, #tpu.memory_space<semaphore_mem>>) src(%dma_wait3A_390 : memref<128x128xf32, #tpu.memory_space<vmem>>) dst(%dma_wait3A_387 : memref<128x128xf32, #tpu.memory_space<hbm>>)
        } else {
        }
        %add3A_363 = arith.constant 2 : i32
        %add3A_364 = arith.addi %add3A_223, %add3A_363 : i32
        %mul3A_365 = arith.constant 128 : i32
        %mul3A_366 = arith.muli %add3A_364, %mul3A_365 : i32
        %dma_start3A_367 = arith.constant 0 : i32
        %dma_start3A_368 = arith.constant 0 : i32
        %dma_start3A_369 = tpu.memref_slice %arg17[%dma_start3A_367, %dma_start3A_368] : memref<128x128xf32, #tpu.memory_space<vmem>> -> memref<128x128xf32, #tpu.memory_space<vmem>>
        %dma_start3A_370 = tpu.memref_slice %arg9[%mul3A_366] : memref<1920xi32, #tpu.memory_space<vmem>> -> memref<128xi32, #tpu.memory_space<vmem>>
        %dma_start3A_371 = arith.constant 0 : i32
        %dma_start3A_372 = arith.constant 0 : i32
        %dma_start3A_373 = tpu.memref_slice %arg8[%dma_start3A_371, %dma_start3A_372] : memref<3000x128xf32, #tpu.memory_space<vmem_shared>> -> memref<3000x128xf32, #tpu.memory_space<vmem_shared>>
        tpu.enqueue_indirect_dma source(%dma_start3A_373 : memref<3000x128xf32, #tpu.memory_space<vmem_shared>>) target(%dma_start3A_369 : memref<128x128xf32, #tpu.memory_space<vmem>>) offsets(%dma_start3A_370 : memref<128xi32, #tpu.memory_space<vmem>>) semaphore(%arg18 : memref<!tpu.dma_semaphore, #tpu.memory_space<semaphore_mem>>)
      } else {
      }
      %mul3A_254 = arith.constant 4 : i32
      %mul3A_255 = arith.muli %mul3A_254, %scan3A_219 : i32
      %add3A_256 = arith.constant 1 : i32
      %add3A_257 = arith.addi %mul3A_255, %add3A_256 : i32
      %mul3A_258 = arith.constant 128 : i32
      %mul3A_259 = arith.muli %add3A_257, %mul3A_258 : i32
      %dma_wait3A_260 = arith.constant 0 : i32
      %dma_wait3A_261 = arith.constant 0 : i32
      %dma_wait3A_262 = tpu.memref_slice %arg14[%dma_wait3A_260, %dma_wait3A_261] : memref<128x128xf32, #tpu.memory_space<vmem>> -> memref<128x128xf32, #tpu.memory_space<vmem>>
      %dma_wait3A_263 = tpu.memref_slice %arg9[%mul3A_259] : memref<1920xi32, #tpu.memory_space<vmem>> -> memref<128xi32, #tpu.memory_space<vmem>>
      %dma_wait3A_264 = arith.constant 0 : i32
      %dma_wait3A_265 = arith.constant 0 : i32
      %dma_wait3A_266 = tpu.memref_slice %arg8[%dma_wait3A_264, %dma_wait3A_265] : memref<3000x128xf32, #tpu.memory_space<vmem_shared>> -> memref<3000x128xf32, #tpu.memory_space<vmem_shared>>
      tpu.wait_indirect_dma semaphore(%arg15 : memref<!tpu.dma_semaphore, #tpu.memory_space<semaphore_mem>>) src(%dma_wait3A_266 : memref<3000x128xf32, #tpu.memory_space<vmem_shared>>) dst(%dma_wait3A_262 : memref<128x128xf32, #tpu.memory_space<vmem>>)
      %mul3A_267 = arith.constant 1920 : i32
      %mul3A_268 = arith.muli %add3A, %mul3A_267 : i32
      %mul3A_269 = arith.constant 128 : i32
      %mul3A_270 = arith.muli %add3A_257, %mul3A_269 : i32
      %add3A_271 = arith.addi %mul3A_268, %mul3A_270 : i32
      %dma_start3A_272 = arith.constant 0 : i32
      %dma_start3A_273 = arith.constant 0 : i32
      %dma_start3A_274 = tpu.memref_slice %arg14[%dma_start3A_272, %dma_start3A_273] : memref<128x128xf32, #tpu.memory_space<vmem>> -> memref<128x128xf32, #tpu.memory_space<vmem>>
      %dma_start3A_275 = arith.constant 0 : i32
      %dma_start3A_276 = tpu.memref_slice %arg6[%add3A_271, %dma_start3A_275] : memref<61440x128xf32, #tpu.memory_space<hbm>> -> memref<128x128xf32, #tpu.memory_space<hbm>>
      %dma_start3A_277 = arith.constant 0 : i32
      %dma_start3A_278 = tpu.memref_slice %arg6[%add3A_271, %dma_start3A_277] : memref<61440x128xf32, #tpu.memory_space<hbm>> -> memref<128x128xf32, #tpu.memory_space<hbm>>
      %dma_start3A_279 = arith.constant 0 : i32
      %dma_start3A_280 = arith.constant 0 : i32
      %dma_start3A_281 = tpu.memref_slice %arg14[%dma_start3A_279, %dma_start3A_280] : memref<128x128xf32, #tpu.memory_space<vmem>> -> memref<128x128xf32, #tpu.memory_space<vmem>>
      tpu.enqueue_dma source(%dma_start3A_281 : memref<128x128xf32, #tpu.memory_space<vmem>>) target(%dma_start3A_278 : memref<128x128xf32, #tpu.memory_space<hbm>>) target_semaphore(%arg16 : memref<!tpu.dma_semaphore, #tpu.memory_space<semaphore_mem>>)
      %add3A_282 = arith.constant 2 : i32
      %add3A_283 = arith.addi %add3A_257, %add3A_282 : i32
      %lt3A_284 = arith.constant 15 : i32
      %lt3A_285 = arith.cmpi slt, %add3A_283, %lt3A_284 : i32
      %convert_element_type3A_286 = arith.extui %lt3A_285 : i1 to i32
      %cond3A_287 = arith.constant 0 : i32
      %cond3A_288 = arith.cmpi ne, %convert_element_type3A_286, %cond3A_287 : i32
      scf.if %cond3A_288 {
        %ge3A = arith.constant 2 : i32
        %ge3A_359 = arith.cmpi sge, %add3A_257, %ge3A : i32
        %convert_element_type3A_360 = arith.extui %ge3A_359 : i1 to i32
        %cond3A_361 = arith.constant 0 : i32
        %cond3A_362 = arith.cmpi ne, %convert_element_type3A_360, %cond3A_361 : i32
        scf.if %cond3A_362 {
          %sub3A = arith.constant 2 : i32
          %sub3A_374 = arith.subi %add3A_257, %sub3A : i32
          %max3A = arith.constant 0 : i32
          %max3A_375 = arith.maxsi %sub3A_374, %max3A : i32
          %mul3A_376 = arith.constant 1920 : i32
          %mul3A_377 = arith.muli %add3A, %mul3A_376 : i32
          %mul3A_378 = arith.constant 128 : i32
          %mul3A_379 = arith.muli %max3A_375, %mul3A_378 : i32
          %add3A_380 = arith.addi %mul3A_377, %mul3A_379 : i32
          %dma_wait3A_381 = arith.constant 0 : i32
          %dma_wait3A_382 = arith.constant 0 : i32
          %dma_wait3A_383 = tpu.memref_slice %arg20[%dma_wait3A_381, %dma_wait3A_382] : memref<128x128xf32, #tpu.memory_space<vmem>> -> memref<128x128xf32, #tpu.memory_space<vmem>>
          %dma_wait3A_384 = arith.constant 0 : i32
          %dma_wait3A_385 = tpu.memref_slice %arg6[%add3A_380, %dma_wait3A_384] : memref<61440x128xf32, #tpu.memory_space<hbm>> -> memref<128x128xf32, #tpu.memory_space<hbm>>
          %dma_wait3A_386 = arith.constant 0 : i32
          %dma_wait3A_387 = tpu.memref_slice %arg6[%add3A_380, %dma_wait3A_386] : memref<61440x128xf32, #tpu.memory_space<hbm>> -> memref<128x128xf32, #tpu.memory_space<hbm>>
          %dma_wait3A_388 = arith.constant 0 : i32
          %dma_wait3A_389 = arith.constant 0 : i32
          %dma_wait3A_390 = tpu.memref_slice %arg20[%dma_wait3A_388, %dma_wait3A_389] : memref<128x128xf32, #tpu.memory_space<vmem>> -> memref<128x128xf32, #tpu.memory_space<vmem>>
          tpu.wait_dma2 semaphore(%arg22 : memref<!tpu.dma_semaphore, #tpu.memory_space<semaphore_mem>>) src(%dma_wait3A_390 : memref<128x128xf32, #tpu.memory_space<vmem>>) dst(%dma_wait3A_387 : memref<128x128xf32, #tpu.memory_space<hbm>>)
        } else {
        }
        %add3A_363 = arith.constant 2 : i32
        %add3A_364 = arith.addi %add3A_257, %add3A_363 : i32
        %mul3A_365 = arith.constant 128 : i32
        %mul3A_366 = arith.muli %add3A_364, %mul3A_365 : i32
        %dma_start3A_367 = arith.constant 0 : i32
        %dma_start3A_368 = arith.constant 0 : i32
        %dma_start3A_369 = tpu.memref_slice %arg20[%dma_start3A_367, %dma_start3A_368] : memref<128x128xf32, #tpu.memory_space<vmem>> -> memref<128x128xf32, #tpu.memory_space<vmem>>
        %dma_start3A_370 = tpu.memref_slice %arg9[%mul3A_366] : memref<1920xi32, #tpu.memory_space<vmem>> -> memref<128xi32, #tpu.memory_space<vmem>>
        %dma_start3A_371 = arith.constant 0 : i32
        %dma_start3A_372 = arith.constant 0 : i32
        %dma_start3A_373 = tpu.memref_slice %arg8[%dma_start3A_371, %dma_start3A_372] : memref<3000x128xf32, #tpu.memory_space<vmem_shared>> -> memref<3000x128xf32, #tpu.memory_space<vmem_shared>>
        tpu.enqueue_indirect_dma source(%dma_start3A_373 : memref<3000x128xf32, #tpu.memory_space<vmem_shared>>) target(%dma_start3A_369 : memref<128x128xf32, #tpu.memory_space<vmem>>) offsets(%dma_start3A_370 : memref<128xi32, #tpu.memory_space<vmem>>) semaphore(%arg21 : memref<!tpu.dma_semaphore, #tpu.memory_space<semaphore_mem>>)
      } else {
      }
      %mul3A_289 = arith.constant 4 : i32
      %mul3A_290 = arith.muli %mul3A_289, %scan3A_219 : i32
      %add3A_291 = arith.constant 2 : i32
      %add3A_292 = arith.addi %mul3A_290, %add3A_291 : i32
      %mul3A_293 = arith.constant 128 : i32
      %mul3A_294 = arith.muli %add3A_292, %mul3A_293 : i32
      %dma_wait3A_295 = arith.constant 0 : i32
      %dma_wait3A_296 = arith.constant 0 : i32
      %dma_wait3A_297 = tpu.memref_slice %arg17[%dma_wait3A_295, %dma_wait3A_296] : memref<128x128xf32, #tpu.memory_space<vmem>> -> memref<128x128xf32, #tpu.memory_space<vmem>>
      %dma_wait3A_298 = tpu.memref_slice %arg9[%mul3A_294] : memref<1920xi32, #tpu.memory_space<vmem>> -> memref<128xi32, #tpu.memory_space<vmem>>
      %dma_wait3A_299 = arith.constant 0 : i32
      %dma_wait3A_300 = arith.constant 0 : i32
      %dma_wait3A_301 = tpu.memref_slice %arg8[%dma_wait3A_299, %dma_wait3A_300] : memref<3000x128xf32, #tpu.memory_space<vmem_shared>> -> memref<3000x128xf32, #tpu.memory_space<vmem_shared>>
      tpu.wait_indirect_dma semaphore(%arg18 : memref<!tpu.dma_semaphore, #tpu.memory_space<semaphore_mem>>) src(%dma_wait3A_301 : memref<3000x128xf32, #tpu.memory_space<vmem_shared>>) dst(%dma_wait3A_297 : memref<128x128xf32, #tpu.memory_space<vmem>>)
      %mul3A_302 = arith.constant 1920 : i32
      %mul3A_303 = arith.muli %add3A, %mul3A_302 : i32
      %mul3A_304 = arith.constant 128 : i32
      %mul3A_305 = arith.muli %add3A_292, %mul3A_304 : i32
      %add3A_306 = arith.addi %mul3A_303, %mul3A_305 : i32
      %dma_start3A_307 = arith.constant 0 : i32
      %dma_start3A_308 = arith.constant 0 : i32
      %dma_start3A_309 = tpu.memref_slice %arg17[%dma_start3A_307, %dma_start3A_308] : memref<128x128xf32, #tpu.memory_space<vmem>> -> memref<128x128xf32, #tpu.memory_space<vmem>>
      %dma_start3A_310 = arith.constant 0 : i32
      %dma_start3A_311 = tpu.memref_slice %arg6[%add3A_306, %dma_start3A_310] : memref<61440x128xf32, #tpu.memory_space<hbm>> -> memref<128x128xf32, #tpu.memory_space<hbm>>
      %dma_start3A_312 = arith.constant 0 : i32
      %dma_start3A_313 = tpu.memref_slice %arg6[%add3A_306, %dma_start3A_312] : memref<61440x128xf32, #tpu.memory_space<hbm>> -> memref<128x128xf32, #tpu.memory_space<hbm>>
      %dma_start3A_314 = arith.constant 0 : i32
      %dma_start3A_315 = arith.constant 0 : i32
      %dma_start3A_316 = tpu.memref_slice %arg17[%dma_start3A_314, %dma_start3A_315] : memref<128x128xf32, #tpu.memory_space<vmem>> -> memref<128x128xf32, #tpu.memory_space<vmem>>
      tpu.enqueue_dma source(%dma_start3A_316 : memref<128x128xf32, #tpu.memory_space<vmem>>) target(%dma_start3A_313 : memref<128x128xf32, #tpu.memory_space<hbm>>) target_semaphore(%arg19 : memref<!tpu.dma_semaphore, #tpu.memory_space<semaphore_mem>>)
      %add3A_317 = arith.constant 2 : i32
      %add3A_318 = arith.addi %add3A_292, %add3A_317 : i32
      %lt3A_319 = arith.constant 15 : i32
      %lt3A_320 = arith.cmpi slt, %add3A_318, %lt3A_319 : i32
      %convert_element_type3A_321 = arith.extui %lt3A_320 : i1 to i32
      %cond3A_322 = arith.constant 0 : i32
      %cond3A_323 = arith.cmpi ne, %convert_element_type3A_321, %cond3A_322 : i32
      scf.if %cond3A_323 {
        %ge3A = arith.constant 2 : i32
        %ge3A_359 = arith.cmpi sge, %add3A_292, %ge3A : i32
        %convert_element_type3A_360 = arith.extui %ge3A_359 : i1 to i32
        %cond3A_361 = arith.constant 0 : i32
        %cond3A_362 = arith.cmpi ne, %convert_element_type3A_360, %cond3A_361 : i32
        scf.if %cond3A_362 {
          %sub3A = arith.constant 2 : i32
          %sub3A_374 = arith.subi %add3A_292, %sub3A : i32
          %max3A = arith.constant 0 : i32
          %max3A_375 = arith.maxsi %sub3A_374, %max3A : i32
          %mul3A_376 = arith.constant 1920 : i32
          %mul3A_377 = arith.muli %add3A, %mul3A_376 : i32
          %mul3A_378 = arith.constant 128 : i32
          %mul3A_379 = arith.muli %max3A_375, %mul3A_378 : i32
          %add3A_380 = arith.addi %mul3A_377, %mul3A_379 : i32
          %dma_wait3A_381 = arith.constant 0 : i32
          %dma_wait3A_382 = arith.constant 0 : i32
          %dma_wait3A_383 = tpu.memref_slice %arg11[%dma_wait3A_381, %dma_wait3A_382] : memref<128x128xf32, #tpu.memory_space<vmem>> -> memref<128x128xf32, #tpu.memory_space<vmem>>
          %dma_wait3A_384 = arith.constant 0 : i32
          %dma_wait3A_385 = tpu.memref_slice %arg6[%add3A_380, %dma_wait3A_384] : memref<61440x128xf32, #tpu.memory_space<hbm>> -> memref<128x128xf32, #tpu.memory_space<hbm>>
          %dma_wait3A_386 = arith.constant 0 : i32
          %dma_wait3A_387 = tpu.memref_slice %arg6[%add3A_380, %dma_wait3A_386] : memref<61440x128xf32, #tpu.memory_space<hbm>> -> memref<128x128xf32, #tpu.memory_space<hbm>>
          %dma_wait3A_388 = arith.constant 0 : i32
          %dma_wait3A_389 = arith.constant 0 : i32
          %dma_wait3A_390 = tpu.memref_slice %arg11[%dma_wait3A_388, %dma_wait3A_389] : memref<128x128xf32, #tpu.memory_space<vmem>> -> memref<128x128xf32, #tpu.memory_space<vmem>>
          tpu.wait_dma2 semaphore(%arg13 : memref<!tpu.dma_semaphore, #tpu.memory_space<semaphore_mem>>) src(%dma_wait3A_390 : memref<128x128xf32, #tpu.memory_space<vmem>>) dst(%dma_wait3A_387 : memref<128x128xf32, #tpu.memory_space<hbm>>)
        } else {
        }
        %add3A_363 = arith.constant 2 : i32
        %add3A_364 = arith.addi %add3A_292, %add3A_363 : i32
        %mul3A_365 = arith.constant 128 : i32
        %mul3A_366 = arith.muli %add3A_364, %mul3A_365 : i32
        %dma_start3A_367 = arith.constant 0 : i32
        %dma_start3A_368 = arith.constant 0 : i32
        %dma_start3A_369 = tpu.memref_slice %arg11[%dma_start3A_367, %dma_start3A_368] : memref<128x128xf32, #tpu.memory_space<vmem>> -> memref<128x128xf32, #tpu.memory_space<vmem>>
        %dma_start3A_370 = tpu.memref_slice %arg9[%mul3A_366] : memref<1920xi32, #tpu.memory_space<vmem>> -> memref<128xi32, #tpu.memory_space<vmem>>
        %dma_start3A_371 = arith.constant 0 : i32
        %dma_start3A_372 = arith.constant 0 : i32
        %dma_start3A_373 = tpu.memref_slice %arg8[%dma_start3A_371, %dma_start3A_372] : memref<3000x128xf32, #tpu.memory_space<vmem_shared>> -> memref<3000x128xf32, #tpu.memory_space<vmem_shared>>
        tpu.enqueue_indirect_dma source(%dma_start3A_373 : memref<3000x128xf32, #tpu.memory_space<vmem_shared>>) target(%dma_start3A_369 : memref<128x128xf32, #tpu.memory_space<vmem>>) offsets(%dma_start3A_370 : memref<128xi32, #tpu.memory_space<vmem>>) semaphore(%arg12 : memref<!tpu.dma_semaphore, #tpu.memory_space<semaphore_mem>>)
      } else {
      }
      %mul3A_324 = arith.constant 4 : i32
      %mul3A_325 = arith.muli %mul3A_324, %scan3A_219 : i32
      %add3A_326 = arith.constant 3 : i32
      %add3A_327 = arith.addi %mul3A_325, %add3A_326 : i32
      %mul3A_328 = arith.constant 128 : i32
      %mul3A_329 = arith.muli %add3A_327, %mul3A_328 : i32
      %dma_wait3A_330 = arith.constant 0 : i32
      %dma_wait3A_331 = arith.constant 0 : i32
      %dma_wait3A_332 = tpu.memref_slice %arg20[%dma_wait3A_330, %dma_wait3A_331] : memref<128x128xf32, #tpu.memory_space<vmem>> -> memref<128x128xf32, #tpu.memory_space<vmem>>
      %dma_wait3A_333 = tpu.memref_slice %arg9[%mul3A_329] : memref<1920xi32, #tpu.memory_space<vmem>> -> memref<128xi32, #tpu.memory_space<vmem>>
      %dma_wait3A_334 = arith.constant 0 : i32
      %dma_wait3A_335 = arith.constant 0 : i32
      %dma_wait3A_336 = tpu.memref_slice %arg8[%dma_wait3A_334, %dma_wait3A_335] : memref<3000x128xf32, #tpu.memory_space<vmem_shared>> -> memref<3000x128xf32, #tpu.memory_space<vmem_shared>>
      tpu.wait_indirect_dma semaphore(%arg21 : memref<!tpu.dma_semaphore, #tpu.memory_space<semaphore_mem>>) src(%dma_wait3A_336 : memref<3000x128xf32, #tpu.memory_space<vmem_shared>>) dst(%dma_wait3A_332 : memref<128x128xf32, #tpu.memory_space<vmem>>)
      %mul3A_337 = arith.constant 1920 : i32
      %mul3A_338 = arith.muli %add3A, %mul3A_337 : i32
      %mul3A_339 = arith.constant 128 : i32
      %mul3A_340 = arith.muli %add3A_327, %mul3A_339 : i32
      %add3A_341 = arith.addi %mul3A_338, %mul3A_340 : i32
      %dma_start3A_342 = arith.constant 0 : i32
      %dma_start3A_343 = arith.constant 0 : i32
      %dma_start3A_344 = tpu.memref_slice %arg20[%dma_start3A_342, %dma_start3A_343] : memref<128x128xf32, #tpu.memory_space<vmem>> -> memref<128x128xf32, #tpu.memory_space<vmem>>
      %dma_start3A_345 = arith.constant 0 : i32
      %dma_start3A_346 = tpu.memref_slice %arg6[%add3A_341, %dma_start3A_345] : memref<61440x128xf32, #tpu.memory_space<hbm>> -> memref<128x128xf32, #tpu.memory_space<hbm>>
      %dma_start3A_347 = arith.constant 0 : i32
      %dma_start3A_348 = tpu.memref_slice %arg6[%add3A_341, %dma_start3A_347] : memref<61440x128xf32, #tpu.memory_space<hbm>> -> memref<128x128xf32, #tpu.memory_space<hbm>>
      %dma_start3A_349 = arith.constant 0 : i32
      %dma_start3A_350 = arith.constant 0 : i32
      %dma_start3A_351 = tpu.memref_slice %arg20[%dma_start3A_349, %dma_start3A_350] : memref<128x128xf32, #tpu.memory_space<vmem>> -> memref<128x128xf32, #tpu.memory_space<vmem>>
      tpu.enqueue_dma source(%dma_start3A_351 : memref<128x128xf32, #tpu.memory_space<vmem>>) target(%dma_start3A_348 : memref<128x128xf32, #tpu.memory_space<hbm>>) target_semaphore(%arg22 : memref<!tpu.dma_semaphore, #tpu.memory_space<semaphore_mem>>)
      %add3A_352 = arith.constant 2 : i32
      %add3A_353 = arith.addi %add3A_327, %add3A_352 : i32
      %lt3A_354 = arith.constant 15 : i32
      %lt3A_355 = arith.cmpi slt, %add3A_353, %lt3A_354 : i32
      %convert_element_type3A_356 = arith.extui %lt3A_355 : i1 to i32
      %cond3A_357 = arith.constant 0 : i32
      %cond3A_358 = arith.cmpi ne, %convert_element_type3A_356, %cond3A_357 : i32
      scf.if %cond3A_358 {
        %ge3A = arith.constant 2 : i32
        %ge3A_359 = arith.cmpi sge, %add3A_327, %ge3A : i32
        %convert_element_type3A_360 = arith.extui %ge3A_359 : i1 to i32
        %cond3A_361 = arith.constant 0 : i32
        %cond3A_362 = arith.cmpi ne, %convert_element_type3A_360, %cond3A_361 : i32
        scf.if %cond3A_362 {
          %sub3A = arith.constant 2 : i32
          %sub3A_374 = arith.subi %add3A_327, %sub3A : i32
          %max3A = arith.constant 0 : i32
          %max3A_375 = arith.maxsi %sub3A_374, %max3A : i32
          %mul3A_376 = arith.constant 1920 : i32
          %mul3A_377 = arith.muli %add3A, %mul3A_376 : i32
          %mul3A_378 = arith.constant 128 : i32
          %mul3A_379 = arith.muli %max3A_375, %mul3A_378 : i32
          %add3A_380 = arith.addi %mul3A_377, %mul3A_379 : i32
          %dma_wait3A_381 = arith.constant 0 : i32
          %dma_wait3A_382 = arith.constant 0 : i32
          %dma_wait3A_383 = tpu.memref_slice %arg14[%dma_wait3A_381, %dma_wait3A_382] : memref<128x128xf32, #tpu.memory_space<vmem>> -> memref<128x128xf32, #tpu.memory_space<vmem>>
          %dma_wait3A_384 = arith.constant 0 : i32
          %dma_wait3A_385 = tpu.memref_slice %arg6[%add3A_380, %dma_wait3A_384] : memref<61440x128xf32, #tpu.memory_space<hbm>> -> memref<128x128xf32, #tpu.memory_space<hbm>>
          %dma_wait3A_386 = arith.constant 0 : i32
          %dma_wait3A_387 = tpu.memref_slice %arg6[%add3A_380, %dma_wait3A_386] : memref<61440x128xf32, #tpu.memory_space<hbm>> -> memref<128x128xf32, #tpu.memory_space<hbm>>
          %dma_wait3A_388 = arith.constant 0 : i32
          %dma_wait3A_389 = arith.constant 0 : i32
          %dma_wait3A_390 = tpu.memref_slice %arg14[%dma_wait3A_388, %dma_wait3A_389] : memref<128x128xf32, #tpu.memory_space<vmem>> -> memref<128x128xf32, #tpu.memory_space<vmem>>
          tpu.wait_dma2 semaphore(%arg16 : memref<!tpu.dma_semaphore, #tpu.memory_space<semaphore_mem>>) src(%dma_wait3A_390 : memref<128x128xf32, #tpu.memory_space<vmem>>) dst(%dma_wait3A_387 : memref<128x128xf32, #tpu.memory_space<hbm>>)
        } else {
        }
        %add3A_363 = arith.constant 2 : i32
        %add3A_364 = arith.addi %add3A_327, %add3A_363 : i32
        %mul3A_365 = arith.constant 128 : i32
        %mul3A_366 = arith.muli %add3A_364, %mul3A_365 : i32
        %dma_start3A_367 = arith.constant 0 : i32
        %dma_start3A_368 = arith.constant 0 : i32
        %dma_start3A_369 = tpu.memref_slice %arg14[%dma_start3A_367, %dma_start3A_368] : memref<128x128xf32, #tpu.memory_space<vmem>> -> memref<128x128xf32, #tpu.memory_space<vmem>>
        %dma_start3A_370 = tpu.memref_slice %arg9[%mul3A_366] : memref<1920xi32, #tpu.memory_space<vmem>> -> memref<128xi32, #tpu.memory_space<vmem>>
        %dma_start3A_371 = arith.constant 0 : i32
        %dma_start3A_372 = arith.constant 0 : i32
        %dma_start3A_373 = tpu.memref_slice %arg8[%dma_start3A_371, %dma_start3A_372] : memref<3000x128xf32, #tpu.memory_space<vmem_shared>> -> memref<3000x128xf32, #tpu.memory_space<vmem_shared>>
        tpu.enqueue_indirect_dma source(%dma_start3A_373 : memref<3000x128xf32, #tpu.memory_space<vmem_shared>>) target(%dma_start3A_369 : memref<128x128xf32, #tpu.memory_space<vmem>>) offsets(%dma_start3A_370 : memref<128xi32, #tpu.memory_space<vmem>>) semaphore(%arg15 : memref<!tpu.dma_semaphore, #tpu.memory_space<semaphore_mem>>)
      } else {
      }
    }
    %scan3A_26 = arith.constant 3 : i32
    %dma_wait3A = arith.constant 0 : i32
    %dma_wait3A_27 = arith.constant 0 : i32
    %dma_wait3A_28 = tpu.memref_slice %arg11[%dma_wait3A, %dma_wait3A_27] : memref<128x128xf32, #tpu.memory_space<vmem>> -> memref<128x128xf32, #tpu.memory_space<vmem>>
    %dma_wait3A_29 = arith.constant 1536 : i32
    %dma_wait3A_30 = tpu.memref_slice %arg9[%dma_wait3A_29] : memref<1920xi32, #tpu.memory_space<vmem>> -> memref<128xi32, #tpu.memory_space<vmem>>
    %dma_wait3A_31 = arith.constant 0 : i32
    %dma_wait3A_32 = arith.constant 0 : i32
    %dma_wait3A_33 = tpu.memref_slice %arg8[%dma_wait3A_31, %dma_wait3A_32] : memref<3000x128xf32, #tpu.memory_space<vmem_shared>> -> memref<3000x128xf32, #tpu.memory_space<vmem_shared>>
    tpu.wait_indirect_dma semaphore(%arg12 : memref<!tpu.dma_semaphore, #tpu.memory_space<semaphore_mem>>) src(%dma_wait3A_33 : memref<3000x128xf32, #tpu.memory_space<vmem_shared>>) dst(%dma_wait3A_28 : memref<128x128xf32, #tpu.memory_space<vmem>>)
    %mul3A_34 = arith.constant 1920 : i32
    %mul3A_35 = arith.muli %add3A, %mul3A_34 : i32
    %add3A_36 = arith.constant 1536 : i32
    %add3A_37 = arith.addi %mul3A_35, %add3A_36 : i32
    %dma_start3A_38 = arith.constant 0 : i32
    %dma_start3A_39 = arith.constant 0 : i32
    %dma_start3A_40 = tpu.memref_slice %arg11[%dma_start3A_38, %dma_start3A_39] : memref<128x128xf32, #tpu.memory_space<vmem>> -> memref<128x128xf32, #tpu.memory_space<vmem>>
    %dma_start3A_41 = arith.constant 0 : i32
    %dma_start3A_42 = tpu.memref_slice %arg6[%add3A_37, %dma_start3A_41] : memref<61440x128xf32, #tpu.memory_space<hbm>> -> memref<128x128xf32, #tpu.memory_space<hbm>>
    %dma_start3A_43 = arith.constant 0 : i32
    %dma_start3A_44 = tpu.memref_slice %arg6[%add3A_37, %dma_start3A_43] : memref<61440x128xf32, #tpu.memory_space<hbm>> -> memref<128x128xf32, #tpu.memory_space<hbm>>
    %dma_start3A_45 = arith.constant 0 : i32
    %dma_start3A_46 = arith.constant 0 : i32
    %dma_start3A_47 = tpu.memref_slice %arg11[%dma_start3A_45, %dma_start3A_46] : memref<128x128xf32, #tpu.memory_space<vmem>> -> memref<128x128xf32, #tpu.memory_space<vmem>>
    tpu.enqueue_dma source(%dma_start3A_47 : memref<128x128xf32, #tpu.memory_space<vmem>>) target(%dma_start3A_44 : memref<128x128xf32, #tpu.memory_space<hbm>>) target_semaphore(%arg13 : memref<!tpu.dma_semaphore, #tpu.memory_space<semaphore_mem>>)
    %mul3A_48 = arith.constant 1920 : i32
    %mul3A_49 = arith.muli %add3A, %mul3A_48 : i32
    %add3A_50 = arith.constant 1280 : i32
    %add3A_51 = arith.addi %mul3A_49, %add3A_50 : i32
    %dma_wait3A_52 = arith.constant 0 : i32
    %dma_wait3A_53 = arith.constant 0 : i32
    %dma_wait3A_54 = tpu.memref_slice %arg17[%dma_wait3A_52, %dma_wait3A_53] : memref<128x128xf32, #tpu.memory_space<vmem>> -> memref<128x128xf32, #tpu.memory_space<vmem>>
    %dma_wait3A_55 = arith.constant 0 : i32
    %dma_wait3A_56 = tpu.memref_slice %arg6[%add3A_51, %dma_wait3A_55] : memref<61440x128xf32, #tpu.memory_space<hbm>> -> memref<128x128xf32, #tpu.memory_space<hbm>>
    %dma_wait3A_57 = arith.constant 0 : i32
    %dma_wait3A_58 = tpu.memref_slice %arg6[%add3A_51, %dma_wait3A_57] : memref<61440x128xf32, #tpu.memory_space<hbm>> -> memref<128x128xf32, #tpu.memory_space<hbm>>
    %dma_wait3A_59 = arith.constant 0 : i32
    %dma_wait3A_60 = arith.constant 0 : i32
    %dma_wait3A_61 = tpu.memref_slice %arg17[%dma_wait3A_59, %dma_wait3A_60] : memref<128x128xf32, #tpu.memory_space<vmem>> -> memref<128x128xf32, #tpu.memory_space<vmem>>
    tpu.wait_dma2 semaphore(%arg19 : memref<!tpu.dma_semaphore, #tpu.memory_space<semaphore_mem>>) src(%dma_wait3A_61 : memref<128x128xf32, #tpu.memory_space<vmem>>) dst(%dma_wait3A_58 : memref<128x128xf32, #tpu.memory_space<hbm>>)
    %dma_start3A_62 = arith.constant 0 : i32
    %dma_start3A_63 = arith.constant 0 : i32
    %dma_start3A_64 = tpu.memref_slice %arg17[%dma_start3A_62, %dma_start3A_63] : memref<128x128xf32, #tpu.memory_space<vmem>> -> memref<128x128xf32, #tpu.memory_space<vmem>>
    %dma_start3A_65 = arith.constant 1792 : i32
    %dma_start3A_66 = tpu.memref_slice %arg9[%dma_start3A_65] : memref<1920xi32, #tpu.memory_space<vmem>> -> memref<128xi32, #tpu.memory_space<vmem>>
    %dma_start3A_67 = arith.constant 0 : i32
    %dma_start3A_68 = arith.constant 0 : i32
    %dma_start3A_69 = tpu.memref_slice %arg8[%dma_start3A_67, %dma_start3A_68] : memref<3000x128xf32, #tpu.memory_space<vmem_shared>> -> memref<3000x128xf32, #tpu.memory_space<vmem_shared>>
    tpu.enqueue_indirect_dma source(%dma_start3A_69 : memref<3000x128xf32, #tpu.memory_space<vmem_shared>>) target(%dma_start3A_64 : memref<128x128xf32, #tpu.memory_space<vmem>>) offsets(%dma_start3A_66 : memref<128xi32, #tpu.memory_space<vmem>>) semaphore(%arg18 : memref<!tpu.dma_semaphore, #tpu.memory_space<semaphore_mem>>)
    %dma_wait3A_70 = arith.constant 0 : i32
    %dma_wait3A_71 = arith.constant 0 : i32
    %dma_wait3A_72 = tpu.memref_slice %arg14[%dma_wait3A_70, %dma_wait3A_71] : memref<128x128xf32, #tpu.memory_space<vmem>> -> memref<128x128xf32, #tpu.memory_space<vmem>>
    %dma_wait3A_73 = arith.constant 1664 : i32
    %dma_wait3A_74 = tpu.memref_slice %arg9[%dma_wait3A_73] : memref<1920xi32, #tpu.memory_space<vmem>> -> memref<128xi32, #tpu.memory_space<vmem>>
    %dma_wait3A_75 = arith.constant 0 : i32
    %dma_wait3A_76 = arith.constant 0 : i32
    %dma_wait3A_77 = tpu.memref_slice %arg8[%dma_wait3A_75, %dma_wait3A_76] : memref<3000x128xf32, #tpu.memory_space<vmem_shared>> -> memref<3000x128xf32, #tpu.memory_space<vmem_shared>>
    tpu.wait_indirect_dma semaphore(%arg15 : memref<!tpu.dma_semaphore, #tpu.memory_space<semaphore_mem>>) src(%dma_wait3A_77 : memref<3000x128xf32, #tpu.memory_space<vmem_shared>>) dst(%dma_wait3A_72 : memref<128x128xf32, #tpu.memory_space<vmem>>)
    %mul3A_78 = arith.constant 1920 : i32
    %mul3A_79 = arith.muli %add3A, %mul3A_78 : i32
    %add3A_80 = arith.constant 1664 : i32
    %add3A_81 = arith.addi %mul3A_79, %add3A_80 : i32
    %dma_start3A_82 = arith.constant 0 : i32
    %dma_start3A_83 = arith.constant 0 : i32
    %dma_start3A_84 = tpu.memref_slice %arg14[%dma_start3A_82, %dma_start3A_83] : memref<128x128xf32, #tpu.memory_space<vmem>> -> memref<128x128xf32, #tpu.memory_space<vmem>>
    %dma_start3A_85 = arith.constant 0 : i32
    %dma_start3A_86 = tpu.memref_slice %arg6[%add3A_81, %dma_start3A_85] : memref<61440x128xf32, #tpu.memory_space<hbm>> -> memref<128x128xf32, #tpu.memory_space<hbm>>
    %dma_start3A_87 = arith.constant 0 : i32
    %dma_start3A_88 = tpu.memref_slice %arg6[%add3A_81, %dma_start3A_87] : memref<61440x128xf32, #tpu.memory_space<hbm>> -> memref<128x128xf32, #tpu.memory_space<hbm>>
    %dma_start3A_89 = arith.constant 0 : i32
    %dma_start3A_90 = arith.constant 0 : i32
    %dma_start3A_91 = tpu.memref_slice %arg14[%dma_start3A_89, %dma_start3A_90] : memref<128x128xf32, #tpu.memory_space<vmem>> -> memref<128x128xf32, #tpu.memory_space<vmem>>
    tpu.enqueue_dma source(%dma_start3A_91 : memref<128x128xf32, #tpu.memory_space<vmem>>) target(%dma_start3A_88 : memref<128x128xf32, #tpu.memory_space<hbm>>) target_semaphore(%arg16 : memref<!tpu.dma_semaphore, #tpu.memory_space<semaphore_mem>>)
    %dma_wait3A_92 = arith.constant 0 : i32
    %dma_wait3A_93 = arith.constant 0 : i32
    %dma_wait3A_94 = tpu.memref_slice %arg17[%dma_wait3A_92, %dma_wait3A_93] : memref<128x128xf32, #tpu.memory_space<vmem>> -> memref<128x128xf32, #tpu.memory_space<vmem>>
    %dma_wait3A_95 = arith.constant 1792 : i32
    %dma_wait3A_96 = tpu.memref_slice %arg9[%dma_wait3A_95] : memref<1920xi32, #tpu.memory_space<vmem>> -> memref<128xi32, #tpu.memory_space<vmem>>
    %dma_wait3A_97 = arith.constant 0 : i32
    %dma_wait3A_98 = arith.constant 0 : i32
    %dma_wait3A_99 = tpu.memref_slice %arg8[%dma_wait3A_97, %dma_wait3A_98] : memref<3000x128xf32, #tpu.memory_space<vmem_shared>> -> memref<3000x128xf32, #tpu.memory_space<vmem_shared>>
    tpu.wait_indirect_dma semaphore(%arg18 : memref<!tpu.dma_semaphore, #tpu.memory_space<semaphore_mem>>) src(%dma_wait3A_99 : memref<3000x128xf32, #tpu.memory_space<vmem_shared>>) dst(%dma_wait3A_94 : memref<128x128xf32, #tpu.memory_space<vmem>>)
    %mul3A_100 = arith.constant 1920 : i32
    %mul3A_101 = arith.muli %add3A, %mul3A_100 : i32
    %add3A_102 = arith.constant 1792 : i32
    %add3A_103 = arith.addi %mul3A_101, %add3A_102 : i32
    %dma_start3A_104 = arith.constant 0 : i32
    %dma_start3A_105 = arith.constant 0 : i32
    %dma_start3A_106 = tpu.memref_slice %arg17[%dma_start3A_104, %dma_start3A_105] : memref<128x128xf32, #tpu.memory_space<vmem>> -> memref<128x128xf32, #tpu.memory_space<vmem>>
    %dma_start3A_107 = arith.constant 0 : i32
    %dma_start3A_108 = tpu.memref_slice %arg6[%add3A_103, %dma_start3A_107] : memref<61440x128xf32, #tpu.memory_space<hbm>> -> memref<128x128xf32, #tpu.memory_space<hbm>>
    %dma_start3A_109 = arith.constant 0 : i32
    %dma_start3A_110 = tpu.memref_slice %arg6[%add3A_103, %dma_start3A_109] : memref<61440x128xf32, #tpu.memory_space<hbm>> -> memref<128x128xf32, #tpu.memory_space<hbm>>
    %dma_start3A_111 = arith.constant 0 : i32
    %dma_start3A_112 = arith.constant 0 : i32
    %dma_start3A_113 = tpu.memref_slice %arg17[%dma_start3A_111, %dma_start3A_112] : memref<128x128xf32, #tpu.memory_space<vmem>> -> memref<128x128xf32, #tpu.memory_space<vmem>>
    tpu.enqueue_dma source(%dma_start3A_113 : memref<128x128xf32, #tpu.memory_space<vmem>>) target(%dma_start3A_110 : memref<128x128xf32, #tpu.memory_space<hbm>>) target_semaphore(%arg19 : memref<!tpu.dma_semaphore, #tpu.memory_space<semaphore_mem>>)
    %mul3A_114 = arith.constant 1920 : i32
    %mul3A_115 = arith.muli %add3A, %mul3A_114 : i32
    %add3A_116 = arith.constant 1408 : i32
    %add3A_117 = arith.addi %mul3A_115, %add3A_116 : i32
    %dma_wait3A_118 = arith.constant 0 : i32
    %dma_wait3A_119 = arith.constant 0 : i32
    %dma_wait3A_120 = tpu.memref_slice %arg20[%dma_wait3A_118, %dma_wait3A_119] : memref<128x128xf32, #tpu.memory_space<vmem>> -> memref<128x128xf32, #tpu.memory_space<vmem>>
    %dma_wait3A_121 = arith.constant 0 : i32
    %dma_wait3A_122 = tpu.memref_slice %arg6[%add3A_117, %dma_wait3A_121] : memref<61440x128xf32, #tpu.memory_space<hbm>> -> memref<128x128xf32, #tpu.memory_space<hbm>>
    %dma_wait3A_123 = arith.constant 0 : i32
    %dma_wait3A_124 = tpu.memref_slice %arg6[%add3A_117, %dma_wait3A_123] : memref<61440x128xf32, #tpu.memory_space<hbm>> -> memref<128x128xf32, #tpu.memory_space<hbm>>
    %dma_wait3A_125 = arith.constant 0 : i32
    %dma_wait3A_126 = arith.constant 0 : i32
    %dma_wait3A_127 = tpu.memref_slice %arg20[%dma_wait3A_125, %dma_wait3A_126] : memref<128x128xf32, #tpu.memory_space<vmem>> -> memref<128x128xf32, #tpu.memory_space<vmem>>
    tpu.wait_dma2 semaphore(%arg22 : memref<!tpu.dma_semaphore, #tpu.memory_space<semaphore_mem>>) src(%dma_wait3A_127 : memref<128x128xf32, #tpu.memory_space<vmem>>) dst(%dma_wait3A_124 : memref<128x128xf32, #tpu.memory_space<hbm>>)
    %mul3A_128 = arith.constant 1920 : i32
    %mul3A_129 = arith.muli %add3A, %mul3A_128 : i32
    %add3A_130 = arith.constant 1536 : i32
    %add3A_131 = arith.addi %mul3A_129, %add3A_130 : i32
    %dma_wait3A_132 = arith.constant 0 : i32
    %dma_wait3A_133 = arith.constant 0 : i32
    %dma_wait3A_134 = tpu.memref_slice %arg11[%dma_wait3A_132, %dma_wait3A_133] : memref<128x128xf32, #tpu.memory_space<vmem>> -> memref<128x128xf32, #tpu.memory_space<vmem>>
    %dma_wait3A_135 = arith.constant 0 : i32
    %dma_wait3A_136 = tpu.memref_slice %arg6[%add3A_131, %dma_wait3A_135] : memref<61440x128xf32, #tpu.memory_space<hbm>> -> memref<128x128xf32, #tpu.memory_space<hbm>>
    %dma_wait3A_137 = arith.constant 0 : i32
    %dma_wait3A_138 = tpu.memref_slice %arg6[%add3A_131, %dma_wait3A_137] : memref<61440x128xf32, #tpu.memory_space<hbm>> -> memref<128x128xf32, #tpu.memory_space<hbm>>
    %dma_wait3A_139 = arith.constant 0 : i32
    %dma_wait3A_140 = arith.constant 0 : i32
    %dma_wait3A_141 = tpu.memref_slice %arg11[%dma_wait3A_139, %dma_wait3A_140] : memref<128x128xf32, #tpu.memory_space<vmem>> -> memref<128x128xf32, #tpu.memory_space<vmem>>
    tpu.wait_dma2 semaphore(%arg13 : memref<!tpu.dma_semaphore, #tpu.memory_space<semaphore_mem>>) src(%dma_wait3A_141 : memref<128x128xf32, #tpu.memory_space<vmem>>) dst(%dma_wait3A_138 : memref<128x128xf32, #tpu.memory_space<hbm>>)
    %mul3A_142 = arith.constant 1920 : i32
    %mul3A_143 = arith.muli %add3A, %mul3A_142 : i32
    %add3A_144 = arith.constant 1664 : i32
    %add3A_145 = arith.addi %mul3A_143, %add3A_144 : i32
    %dma_wait3A_146 = arith.constant 0 : i32
    %dma_wait3A_147 = arith.constant 0 : i32
    %dma_wait3A_148 = tpu.memref_slice %arg14[%dma_wait3A_146, %dma_wait3A_147] : memref<128x128xf32, #tpu.memory_space<vmem>> -> memref<128x128xf32, #tpu.memory_space<vmem>>
    %dma_wait3A_149 = arith.constant 0 : i32
    %dma_wait3A_150 = tpu.memref_slice %arg6[%add3A_145, %dma_wait3A_149] : memref<61440x128xf32, #tpu.memory_space<hbm>> -> memref<128x128xf32, #tpu.memory_space<hbm>>
    %dma_wait3A_151 = arith.constant 0 : i32
    %dma_wait3A_152 = tpu.memref_slice %arg6[%add3A_145, %dma_wait3A_151] : memref<61440x128xf32, #tpu.memory_space<hbm>> -> memref<128x128xf32, #tpu.memory_space<hbm>>
    %dma_wait3A_153 = arith.constant 0 : i32
    %dma_wait3A_154 = arith.constant 0 : i32
    %dma_wait3A_155 = tpu.memref_slice %arg14[%dma_wait3A_153, %dma_wait3A_154] : memref<128x128xf32, #tpu.memory_space<vmem>> -> memref<128x128xf32, #tpu.memory_space<vmem>>
    tpu.wait_dma2 semaphore(%arg16 : memref<!tpu.dma_semaphore, #tpu.memory_space<semaphore_mem>>) src(%dma_wait3A_155 : memref<128x128xf32, #tpu.memory_space<vmem>>) dst(%dma_wait3A_152 : memref<128x128xf32, #tpu.memory_space<hbm>>)
    %mul3A_156 = arith.constant 1920 : i32
    %mul3A_157 = arith.muli %add3A, %mul3A_156 : i32
    %add3A_158 = arith.constant 1792 : i32
    %add3A_159 = arith.addi %mul3A_157, %add3A_158 : i32
    %dma_wait3A_160 = arith.constant 0 : i32
    %dma_wait3A_161 = arith.constant 0 : i32
    %dma_wait3A_162 = tpu.memref_slice %arg17[%dma_wait3A_160, %dma_wait3A_161] : memref<128x128xf32, #tpu.memory_space<vmem>> -> memref<128x128xf32, #tpu.memory_space<vmem>>
    %dma_wait3A_163 = arith.constant 0 : i32
    %dma_wait3A_164 = tpu.memref_slice %arg6[%add3A_159, %dma_wait3A_163] : memref<61440x128xf32, #tpu.memory_space<hbm>> -> memref<128x128xf32, #tpu.memory_space<hbm>>
    %dma_wait3A_165 = arith.constant 0 : i32
    %dma_wait3A_166 = tpu.memref_slice %arg6[%add3A_159, %dma_wait3A_165] : memref<61440x128xf32, #tpu.memory_space<hbm>> -> memref<128x128xf32, #tpu.memory_space<hbm>>
    %dma_wait3A_167 = arith.constant 0 : i32
    %dma_wait3A_168 = arith.constant 0 : i32
    %dma_wait3A_169 = tpu.memref_slice %arg17[%dma_wait3A_167, %dma_wait3A_168] : memref<128x128xf32, #tpu.memory_space<vmem>> -> memref<128x128xf32, #tpu.memory_space<vmem>>
    tpu.wait_dma2 semaphore(%arg19 : memref<!tpu.dma_semaphore, #tpu.memory_space<semaphore_mem>>) src(%dma_wait3A_169 : memref<128x128xf32, #tpu.memory_space<vmem>>) dst(%dma_wait3A_166 : memref<128x128xf32, #tpu.memory_space<hbm>>)
    %dma_start3A_170 = arith.constant 0 : i32
    %dma_start3A_171 = arith.constant 0 : i32
    %dma_start3A_172 = tpu.memref_slice %arg11[%dma_start3A_170, %dma_start3A_171] : memref<128x128xf32, #tpu.memory_space<vmem>> -> memref<128x128xf32, #tpu.memory_space<vmem>>
    %dma_start3A_173 = arith.constant 0 : i32
    %dma_start3A_174 = tpu.memref_slice %arg10[%dma_start3A_173] : memref<128xi32, #tpu.memory_space<vmem>> -> memref<128xi32, #tpu.memory_space<vmem>>
    %dma_start3A_175 = arith.constant 0 : i32
    %dma_start3A_176 = arith.constant 0 : i32
    %dma_start3A_177 = tpu.memref_slice %arg4[%dma_start3A_175, %dma_start3A_176] : memref<40000x128xf32, #tpu.memory_space<hbm>> -> memref<40000x128xf32, #tpu.memory_space<hbm>>
    tpu.enqueue_indirect_dma source(%dma_start3A_177 : memref<40000x128xf32, #tpu.memory_space<hbm>>) target(%dma_start3A_172 : memref<128x128xf32, #tpu.memory_space<vmem>>) offsets(%dma_start3A_174 : memref<128xi32, #tpu.memory_space<vmem>>) semaphore(%arg12 : memref<!tpu.dma_semaphore, #tpu.memory_space<semaphore_mem>>)
    %scan3A_178 = arith.constant 0 : i32
    %scan3A_179 = arith.constant 0 : i32
    %scan3A_180 = arith.constant 0 : i32
    %scan3A_181 = arith.addi %scan3A_179, %scan3A_180 : i32
    %scan3A_182 = arith.constant 0 : i32
    %dma_wait3A_183 = arith.constant 0 : i32
    %dma_wait3A_184 = arith.constant 0 : i32
    %dma_wait3A_185 = tpu.memref_slice %arg11[%dma_wait3A_183, %dma_wait3A_184] : memref<128x128xf32, #tpu.memory_space<vmem>> -> memref<128x128xf32, #tpu.memory_space<vmem>>
    %dma_wait3A_186 = arith.constant 0 : i32
    %dma_wait3A_187 = tpu.memref_slice %arg10[%dma_wait3A_186] : memref<128xi32, #tpu.memory_space<vmem>> -> memref<128xi32, #tpu.memory_space<vmem>>
    %dma_wait3A_188 = arith.constant 0 : i32
    %dma_wait3A_189 = arith.constant 0 : i32
    %dma_wait3A_190 = tpu.memref_slice %arg4[%dma_wait3A_188, %dma_wait3A_189] : memref<40000x128xf32, #tpu.memory_space<hbm>> -> memref<40000x128xf32, #tpu.memory_space<hbm>>
    tpu.wait_indirect_dma semaphore(%arg12 : memref<!tpu.dma_semaphore, #tpu.memory_space<semaphore_mem>>) src(%dma_wait3A_190 : memref<40000x128xf32, #tpu.memory_space<hbm>>) dst(%dma_wait3A_185 : memref<128x128xf32, #tpu.memory_space<vmem>>)
    %mul3A_191 = arith.constant 128 : i32
    %mul3A_192 = arith.muli %add3A, %mul3A_191 : i32
    %add3A_193 = arith.constant 0 : i32
    %add3A_194 = arith.addi %mul3A_192, %add3A_193 : i32
    %dma_start3A_195 = arith.constant 0 : i32
    %dma_start3A_196 = arith.constant 0 : i32
    %dma_start3A_197 = tpu.memref_slice %arg11[%dma_start3A_195, %dma_start3A_196] : memref<128x128xf32, #tpu.memory_space<vmem>> -> memref<128x128xf32, #tpu.memory_space<vmem>>
    %dma_start3A_198 = arith.constant 0 : i32
    %dma_start3A_199 = tpu.memref_slice %arg7[%add3A_194, %dma_start3A_198] : memref<4096x128xf32, #tpu.memory_space<hbm>> -> memref<128x128xf32, #tpu.memory_space<hbm>>
    %dma_start3A_200 = arith.constant 0 : i32
    %dma_start3A_201 = tpu.memref_slice %arg7[%add3A_194, %dma_start3A_200] : memref<4096x128xf32, #tpu.memory_space<hbm>> -> memref<128x128xf32, #tpu.memory_space<hbm>>
    %dma_start3A_202 = arith.constant 0 : i32
    %dma_start3A_203 = arith.constant 0 : i32
    %dma_start3A_204 = tpu.memref_slice %arg11[%dma_start3A_202, %dma_start3A_203] : memref<128x128xf32, #tpu.memory_space<vmem>> -> memref<128x128xf32, #tpu.memory_space<vmem>>
    tpu.enqueue_dma source(%dma_start3A_204 : memref<128x128xf32, #tpu.memory_space<vmem>>) target(%dma_start3A_201 : memref<128x128xf32, #tpu.memory_space<hbm>>) target_semaphore(%arg13 : memref<!tpu.dma_semaphore, #tpu.memory_space<semaphore_mem>>)
    %mul3A_205 = arith.constant 128 : i32
    %mul3A_206 = arith.muli %add3A, %mul3A_205 : i32
    %add3A_207 = arith.constant 0 : i32
    %add3A_208 = arith.addi %mul3A_206, %add3A_207 : i32
    %dma_wait3A_209 = arith.constant 0 : i32
    %dma_wait3A_210 = arith.constant 0 : i32
    %dma_wait3A_211 = tpu.memref_slice %arg11[%dma_wait3A_209, %dma_wait3A_210] : memref<128x128xf32, #tpu.memory_space<vmem>> -> memref<128x128xf32, #tpu.memory_space<vmem>>
    %dma_wait3A_212 = arith.constant 0 : i32
    %dma_wait3A_213 = tpu.memref_slice %arg7[%add3A_208, %dma_wait3A_212] : memref<4096x128xf32, #tpu.memory_space<hbm>> -> memref<128x128xf32, #tpu.memory_space<hbm>>
    %dma_wait3A_214 = arith.constant 0 : i32
    %dma_wait3A_215 = tpu.memref_slice %arg7[%add3A_208, %dma_wait3A_214] : memref<4096x128xf32, #tpu.memory_space<hbm>> -> memref<128x128xf32, #tpu.memory_space<hbm>>
    %dma_wait3A_216 = arith.constant 0 : i32
    %dma_wait3A_217 = arith.constant 0 : i32
    %dma_wait3A_218 = tpu.memref_slice %arg11[%dma_wait3A_216, %dma_wait3A_217] : memref<128x128xf32, #tpu.memory_space<vmem>> -> memref<128x128xf32, #tpu.memory_space<vmem>>
    tpu.wait_dma2 semaphore(%arg13 : memref<!tpu.dma_semaphore, #tpu.memory_space<semaphore_mem>>) src(%dma_wait3A_218 : memref<128x128xf32, #tpu.memory_space<vmem>>) dst(%dma_wait3A_215 : memref<128x128xf32, #tpu.memory_space<hbm>>)
    return
  }
}

#map = affine_map<(d0, d1) -> (0, 0)>
#map1 = affine_map<(d0, d1) -> (0)>
module attributes {stable_mosaic.version = 14 : i64} {
  func.func @sc_kernel(%arg0: i32, %arg1: i32, %arg2: memref<51200x128xf32, #tpu.memory_space<hbm>>, %arg3: memref<4000x128xf32, #tpu.memory_space<hbm>>, %arg4: memref<204800xi32, #tpu.memory_space<hbm>>, %arg5: memref<256000x128xf32, #tpu.memory_space<hbm>>, %arg6: memref<4000x128xf32, #tpu.memory_space<vmem_shared>>, %arg7: memref<6400xi32, #tpu.memory_space<vmem>>, %arg8: memref<128x128xf32, #tpu.memory_space<vmem>>, %arg9: memref<!tpu.dma_semaphore, #tpu.memory_space<semaphore_mem>>, %arg10: memref<!tpu.dma_semaphore, #tpu.memory_space<semaphore_mem>>, %arg11: memref<128x128xf32, #tpu.memory_space<vmem>>, %arg12: memref<!tpu.dma_semaphore, #tpu.memory_space<semaphore_mem>>, %arg13: memref<!tpu.dma_semaphore, #tpu.memory_space<semaphore_mem>>, %arg14: memref<128x128xf32, #tpu.memory_space<vmem>>, %arg15: memref<!tpu.dma_semaphore, #tpu.memory_space<semaphore_mem>>, %arg16: memref<!tpu.dma_semaphore, #tpu.memory_space<semaphore_mem>>, %arg17: memref<128x128xf32, #tpu.memory_space<vmem>>, %arg18: memref<!tpu.dma_semaphore, #tpu.memory_space<semaphore_mem>>, %arg19: memref<!tpu.dma_semaphore, #tpu.memory_space<semaphore_mem>>) attributes {dimension_semantics = [#tpu.dimension_semantics<core_parallel>, #tpu.dimension_semantics<subcore_parallel>], iteration_bounds = array<i64: 2, 16>, scalar_prefetch = 0 : i64, scratch_operands = 14 : i64, tpu.core_type = #tpu.core_type<sc_vector_subcore>, window_params = [{transform_indices = #map}, {transform_indices = #map}, {transform_indices = #map1}, {transform_indices = #map}]} {
    %mul3A = arith.constant 2 : i32
    %mul3A_0 = arith.muli %arg1, %mul3A : i32
    %add3A = arith.addi %mul3A_0, %arg0 : i32
    %eq3A = arith.constant 0 : i32
    %eq3A_1 = arith.cmpi eq, %arg1, %eq3A : i32
    %convert_element_type3A = arith.extui %eq3A_1 : i1 to i32
    %cond3A = arith.constant 0 : i32
    %cond3A_2 = arith.cmpi ne, %convert_element_type3A, %cond3A : i32
    scf.if %cond3A_2 {
      "tpu.region"() ({
        %run_scoped3A = tpu.sem_alloc : memref<!tpu.dma_semaphore, #tpu.memory_space<semaphore_mem>>
        tpu.enqueue_dma source(%arg3 : memref<4000x128xf32, #tpu.memory_space<hbm>>) target(%arg6 : memref<4000x128xf32, #tpu.memory_space<vmem_shared>>) target_semaphore(%run_scoped3A : memref<!tpu.dma_semaphore, #tpu.memory_space<semaphore_mem>>)
        tpu.wait_dma2 semaphore(%run_scoped3A : memref<!tpu.dma_semaphore, #tpu.memory_space<semaphore_mem>>) src(%arg3 : memref<4000x128xf32, #tpu.memory_space<hbm>>) dst(%arg6 : memref<4000x128xf32, #tpu.memory_space<vmem_shared>>)
        tpu.yield
      }) : () -> ()
    } else {
    }
    %mul3A_3 = arith.constant 50 : i32
    %mul3A_4 = arith.muli %add3A, %mul3A_3 : i32
    %mul3A_5 = arith.constant 128 : i32
    %mul3A_6 = arith.muli %mul3A_4, %mul3A_5 : i32
    "tpu.region"() ({
      %run_scoped3A = tpu.sem_alloc : memref<!tpu.dma_semaphore, #tpu.memory_space<semaphore_mem>>
      %dma_start3A_1145 = tpu.memref_slice %arg4[%mul3A_6] : memref<204800xi32, #tpu.memory_space<hbm>> -> memref<6400xi32, #tpu.memory_space<hbm>>
      %dma_start3A_1146 = tpu.memref_slice %arg4[%mul3A_6] : memref<204800xi32, #tpu.memory_space<hbm>> -> memref<6400xi32, #tpu.memory_space<hbm>>
      tpu.enqueue_dma source(%dma_start3A_1146 : memref<6400xi32, #tpu.memory_space<hbm>>) target(%arg7 : memref<6400xi32, #tpu.memory_space<vmem>>) target_semaphore(%run_scoped3A : memref<!tpu.dma_semaphore, #tpu.memory_space<semaphore_mem>>)
      %dma_wait3A_1147 = tpu.memref_slice %arg4[%mul3A_6] : memref<204800xi32, #tpu.memory_space<hbm>> -> memref<6400xi32, #tpu.memory_space<hbm>>
      %dma_wait3A_1148 = tpu.memref_slice %arg4[%mul3A_6] : memref<204800xi32, #tpu.memory_space<hbm>> -> memref<6400xi32, #tpu.memory_space<hbm>>
      tpu.wait_dma2 semaphore(%run_scoped3A : memref<!tpu.dma_semaphore, #tpu.memory_space<semaphore_mem>>) src(%dma_wait3A_1148 : memref<6400xi32, #tpu.memory_space<hbm>>) dst(%arg7 : memref<6400xi32, #tpu.memory_space<vmem>>)
      tpu.yield
    }) : () -> ()
    %barrier3A = arith.constant 0 : index
    tpu.barrier barrier_id(%barrier3A)
    %dma_start3A = arith.constant 0 : i32
    %dma_start3A_7 = arith.constant 0 : i32
    %dma_start3A_8 = tpu.memref_slice %arg8[%dma_start3A, %dma_start3A_7] : memref<128x128xf32, #tpu.memory_space<vmem>> -> memref<128x128xf32, #tpu.memory_space<vmem>>
    %dma_start3A_9 = arith.constant 0 : i32
    %dma_start3A_10 = tpu.memref_slice %arg7[%dma_start3A_9] : memref<6400xi32, #tpu.memory_space<vmem>> -> memref<128xi32, #tpu.memory_space<vmem>>
    %dma_start3A_11 = arith.constant 0 : i32
    %dma_start3A_12 = arith.constant 0 : i32
    %dma_start3A_13 = tpu.memref_slice %arg6[%dma_start3A_11, %dma_start3A_12] : memref<4000x128xf32, #tpu.memory_space<vmem_shared>> -> memref<4000x128xf32, #tpu.memory_space<vmem_shared>>
    tpu.enqueue_indirect_dma source(%dma_start3A_13 : memref<4000x128xf32, #tpu.memory_space<vmem_shared>>) target(%dma_start3A_8 : memref<128x128xf32, #tpu.memory_space<vmem>>) offsets(%dma_start3A_10 : memref<128xi32, #tpu.memory_space<vmem>>) semaphore(%arg9 : memref<!tpu.dma_semaphore, #tpu.memory_space<semaphore_mem>>)
    %dma_start3A_14 = arith.constant 0 : i32
    %dma_start3A_15 = arith.constant 0 : i32
    %dma_start3A_16 = tpu.memref_slice %arg11[%dma_start3A_14, %dma_start3A_15] : memref<128x128xf32, #tpu.memory_space<vmem>> -> memref<128x128xf32, #tpu.memory_space<vmem>>
    %dma_start3A_17 = arith.constant 128 : i32
    %dma_start3A_18 = tpu.memref_slice %arg7[%dma_start3A_17] : memref<6400xi32, #tpu.memory_space<vmem>> -> memref<128xi32, #tpu.memory_space<vmem>>
    %dma_start3A_19 = arith.constant 0 : i32
    %dma_start3A_20 = arith.constant 0 : i32
    %dma_start3A_21 = tpu.memref_slice %arg6[%dma_start3A_19, %dma_start3A_20] : memref<4000x128xf32, #tpu.memory_space<vmem_shared>> -> memref<4000x128xf32, #tpu.memory_space<vmem_shared>>
    tpu.enqueue_indirect_dma source(%dma_start3A_21 : memref<4000x128xf32, #tpu.memory_space<vmem_shared>>) target(%dma_start3A_16 : memref<128x128xf32, #tpu.memory_space<vmem>>) offsets(%dma_start3A_18 : memref<128xi32, #tpu.memory_space<vmem>>) semaphore(%arg12 : memref<!tpu.dma_semaphore, #tpu.memory_space<semaphore_mem>>)
    %scan3A = arith.constant 0 : i32
    %scan3A_22 = arith.constant 0 : i32
    %scan3A_23 = arith.constant 12 : i32
    %scan3A_24 = arith.addi %scan3A_22, %scan3A_23 : i32
    %scan3A_25 = arith.constant 1 : i32
    scf.for %scan3A_1145 = %scan3A_22 to %scan3A_24 step %scan3A_25  : i32 {
      %mul3A_1146 = arith.constant 4 : i32
      %mul3A_1147 = arith.muli %mul3A_1146, %scan3A_1145 : i32
      %add3A_1148 = arith.constant 0 : i32
      %add3A_1149 = arith.addi %mul3A_1147, %add3A_1148 : i32
      %mul3A_1150 = arith.constant 128 : i32
      %mul3A_1151 = arith.muli %add3A_1149, %mul3A_1150 : i32
      %dma_wait3A_1152 = arith.constant 0 : i32
      %dma_wait3A_1153 = arith.constant 0 : i32
      %dma_wait3A_1154 = tpu.memref_slice %arg8[%dma_wait3A_1152, %dma_wait3A_1153] : memref<128x128xf32, #tpu.memory_space<vmem>> -> memref<128x128xf32, #tpu.memory_space<vmem>>
      %dma_wait3A_1155 = tpu.memref_slice %arg7[%mul3A_1151] : memref<6400xi32, #tpu.memory_space<vmem>> -> memref<128xi32, #tpu.memory_space<vmem>>
      %dma_wait3A_1156 = arith.constant 0 : i32
      %dma_wait3A_1157 = arith.constant 0 : i32
      %dma_wait3A_1158 = tpu.memref_slice %arg6[%dma_wait3A_1156, %dma_wait3A_1157] : memref<4000x128xf32, #tpu.memory_space<vmem_shared>> -> memref<4000x128xf32, #tpu.memory_space<vmem_shared>>
      tpu.wait_indirect_dma semaphore(%arg9 : memref<!tpu.dma_semaphore, #tpu.memory_space<semaphore_mem>>) src(%dma_wait3A_1158 : memref<4000x128xf32, #tpu.memory_space<vmem_shared>>) dst(%dma_wait3A_1154 : memref<128x128xf32, #tpu.memory_space<vmem>>)
      %mul3A_1159 = arith.constant 50 : i32
      %mul3A_1160 = arith.muli %add3A, %mul3A_1159 : i32
      %add3A_1161 = arith.addi %mul3A_1160, %add3A_1149 : i32
      %jit3A_1162 = arith.constant 8 : i32
      %div3A_1163 = arith.divsi %add3A_1161, %jit3A_1162 : i32
      %sign3A_1164 = arith.constant 0 : i32
      %sign3A_1165 = arith.cmpi sgt, %add3A_1161, %sign3A_1164 : i32
      %sign3A_1166 = arith.extui %sign3A_1165 : i1 to i32
      %sign3A_1167 = arith.constant 0 : i32
      %sign3A_1168 = arith.cmpi slt, %add3A_1161, %sign3A_1167 : i32
      %sign3A_1169 = arith.extui %sign3A_1168 : i1 to i32
      %sign3A_1170 = arith.subi %sign3A_1166, %sign3A_1169 : i32
      %sign3A_1171 = arith.constant 0 : i32
      %sign3A_1172 = arith.cmpi sgt, %jit3A_1162, %sign3A_1171 : i32
      %sign3A_1173 = arith.extui %sign3A_1172 : i1 to i32
      %sign3A_1174 = arith.constant 0 : i32
      %sign3A_1175 = arith.cmpi slt, %jit3A_1162, %sign3A_1174 : i32
      %sign3A_1176 = arith.extui %sign3A_1175 : i1 to i32
      %sign3A_1177 = arith.subi %sign3A_1173, %sign3A_1176 : i32
      %ne3A_1178 = arith.cmpi ne, %sign3A_1170, %sign3A_1177 : i32
      %rem3A_1179 = arith.remsi %add3A_1161, %jit3A_1162 : i32
      %ne3A_1180 = arith.constant 0 : i32
      %ne3A_1181 = arith.cmpi ne, %rem3A_1179, %ne3A_1180 : i32
      %and3A_1182 = arith.andi %ne3A_1178, %ne3A_1181 : i1
      %sub3A_1183 = arith.constant 1 : i32
      %sub3A_1184 = arith.subi %div3A_1163, %sub3A_1183 : i32
      %select_n3A_1185 = arith.select %and3A_1182, %sub3A_1184, %div3A_1163 : i32
      %jit3A_1186 = arith.constant 4 : i32
      %div3A_1187 = arith.divsi %select_n3A_1185, %jit3A_1186 : i32
      %sign3A_1188 = arith.constant 0 : i32
      %sign3A_1189 = arith.cmpi sgt, %select_n3A_1185, %sign3A_1188 : i32
      %sign3A_1190 = arith.extui %sign3A_1189 : i1 to i32
      %sign3A_1191 = arith.constant 0 : i32
      %sign3A_1192 = arith.cmpi slt, %select_n3A_1185, %sign3A_1191 : i32
      %sign3A_1193 = arith.extui %sign3A_1192 : i1 to i32
      %sign3A_1194 = arith.subi %sign3A_1190, %sign3A_1193 : i32
      %sign3A_1195 = arith.constant 0 : i32
      %sign3A_1196 = arith.cmpi sgt, %jit3A_1186, %sign3A_1195 : i32
      %sign3A_1197 = arith.extui %sign3A_1196 : i1 to i32
      %sign3A_1198 = arith.constant 0 : i32
      %sign3A_1199 = arith.cmpi slt, %jit3A_1186, %sign3A_1198 : i32
      %sign3A_1200 = arith.extui %sign3A_1199 : i1 to i32
      %sign3A_1201 = arith.subi %sign3A_1197, %sign3A_1200 : i32
      %ne3A_1202 = arith.cmpi ne, %sign3A_1194, %sign3A_1201 : i32
      %rem3A_1203 = arith.remsi %select_n3A_1185, %jit3A_1186 : i32
      %ne3A_1204 = arith.constant 0 : i32
      %ne3A_1205 = arith.cmpi ne, %rem3A_1203, %ne3A_1204 : i32
      %and3A_1206 = arith.andi %ne3A_1202, %ne3A_1205 : i1
      %sub3A_1207 = arith.constant 1 : i32
      %sub3A_1208 = arith.subi %div3A_1187, %sub3A_1207 : i32
      %select_n3A_1209 = arith.select %and3A_1206, %sub3A_1208, %div3A_1187 : i32
      %jit3A_1210 = arith.constant 4 : i32
      %eq3A_1211 = arith.constant 0 : i32
      %eq3A_1212 = arith.cmpi eq, %jit3A_1210, %eq3A_1211 : i32
      %jit3A_1213 = arith.constant 1 : i32
      %select_n3A_1214 = arith.select %eq3A_1212, %jit3A_1213, %jit3A_1210 : i32
      %rem3A_1215 = arith.remsi %select_n3A_1185, %select_n3A_1214 : i32
      %ne3A_1216 = arith.constant 0 : i32
      %ne3A_1217 = arith.cmpi ne, %rem3A_1215, %ne3A_1216 : i32
      %lt3A_1218 = arith.constant 0 : i32
      %lt3A_1219 = arith.cmpi slt, %rem3A_1215, %lt3A_1218 : i32
      %lt3A_1220 = arith.constant 0 : i32
      %lt3A_1221 = arith.cmpi slt, %select_n3A_1214, %lt3A_1220 : i32
      %ne3A_1222 = arith.xori %lt3A_1219, %lt3A_1221 : i1
      %and3A_1223 = arith.andi %ne3A_1222, %ne3A_1217 : i1
      %add3A_1224 = arith.addi %rem3A_1215, %select_n3A_1214 : i32
      %select_n3A_1225 = arith.select %and3A_1223, %add3A_1224, %rem3A_1215 : i32
      %mul3A_1226 = arith.constant 5 : i32
      %mul3A_1227 = arith.muli %select_n3A_1209, %mul3A_1226 : i32
      %add3A_1228 = arith.addi %mul3A_1227, %select_n3A_1225 : i32
      %add3A_1229 = arith.constant 1 : i32
      %add3A_1230 = arith.addi %add3A_1228, %add3A_1229 : i32
      %mul3A_1231 = arith.constant 1024 : i32
      %mul3A_1232 = arith.muli %add3A_1230, %mul3A_1231 : i32
      %jit3A_1233 = arith.constant 8 : i32
      %eq3A_1234 = arith.constant 0 : i32
      %eq3A_1235 = arith.cmpi eq, %jit3A_1233, %eq3A_1234 : i32
      %jit3A_1236 = arith.constant 1 : i32
      %select_n3A_1237 = arith.select %eq3A_1235, %jit3A_1236, %jit3A_1233 : i32
      %rem3A_1238 = arith.remsi %add3A_1161, %select_n3A_1237 : i32
      %ne3A_1239 = arith.constant 0 : i32
      %ne3A_1240 = arith.cmpi ne, %rem3A_1238, %ne3A_1239 : i32
      %lt3A_1241 = arith.constant 0 : i32
      %lt3A_1242 = arith.cmpi slt, %rem3A_1238, %lt3A_1241 : i32
      %lt3A_1243 = arith.constant 0 : i32
      %lt3A_1244 = arith.cmpi slt, %select_n3A_1237, %lt3A_1243 : i32
      %ne3A_1245 = arith.xori %lt3A_1242, %lt3A_1244 : i1
      %and3A_1246 = arith.andi %ne3A_1245, %ne3A_1240 : i1
      %add3A_1247 = arith.addi %rem3A_1238, %select_n3A_1237 : i32
      %select_n3A_1248 = arith.select %and3A_1246, %add3A_1247, %rem3A_1238 : i32
      %mul3A_1249 = arith.constant 128 : i32
      %mul3A_1250 = arith.muli %select_n3A_1248, %mul3A_1249 : i32
      %add3A_1251 = arith.addi %mul3A_1232, %mul3A_1250 : i32
      %dma_start3A_1252 = arith.constant 0 : i32
      %dma_start3A_1253 = arith.constant 0 : i32
      %dma_start3A_1254 = tpu.memref_slice %arg8[%dma_start3A_1252, %dma_start3A_1253] : memref<128x128xf32, #tpu.memory_space<vmem>> -> memref<128x128xf32, #tpu.memory_space<vmem>>
      %dma_start3A_1255 = arith.constant 0 : i32
      %dma_start3A_1256 = tpu.memref_slice %arg5[%add3A_1251, %dma_start3A_1255] : memref<256000x128xf32, #tpu.memory_space<hbm>> -> memref<128x128xf32, #tpu.memory_space<hbm>>
      %dma_start3A_1257 = arith.constant 0 : i32
      %dma_start3A_1258 = tpu.memref_slice %arg5[%add3A_1251, %dma_start3A_1257] : memref<256000x128xf32, #tpu.memory_space<hbm>> -> memref<128x128xf32, #tpu.memory_space<hbm>>
      %dma_start3A_1259 = arith.constant 0 : i32
      %dma_start3A_1260 = arith.constant 0 : i32
      %dma_start3A_1261 = tpu.memref_slice %arg8[%dma_start3A_1259, %dma_start3A_1260] : memref<128x128xf32, #tpu.memory_space<vmem>> -> memref<128x128xf32, #tpu.memory_space<vmem>>
      tpu.enqueue_dma source(%dma_start3A_1261 : memref<128x128xf32, #tpu.memory_space<vmem>>) target(%dma_start3A_1258 : memref<128x128xf32, #tpu.memory_space<hbm>>) target_semaphore(%arg10 : memref<!tpu.dma_semaphore, #tpu.memory_space<semaphore_mem>>)
      %add3A_1262 = arith.constant 2 : i32
      %add3A_1263 = arith.addi %add3A_1149, %add3A_1262 : i32
      %lt3A_1264 = arith.constant 50 : i32
      %lt3A_1265 = arith.cmpi slt, %add3A_1263, %lt3A_1264 : i32
      %convert_element_type3A_1266 = arith.extui %lt3A_1265 : i1 to i32
      %cond3A_1267 = arith.constant 0 : i32
      %cond3A_1268 = arith.cmpi ne, %convert_element_type3A_1266, %cond3A_1267 : i32
      scf.if %cond3A_1268 {
        %ge3A = arith.constant 2 : i32
        %ge3A_1638 = arith.cmpi sge, %add3A_1149, %ge3A : i32
        %convert_element_type3A_1639 = arith.extui %ge3A_1638 : i1 to i32
        %cond3A_1640 = arith.constant 0 : i32
        %cond3A_1641 = arith.cmpi ne, %convert_element_type3A_1639, %cond3A_1640 : i32
        scf.if %cond3A_1641 {
          %sub3A_1653 = arith.constant 2 : i32
          %sub3A_1654 = arith.subi %add3A_1149, %sub3A_1653 : i32
          %max3A = arith.constant 0 : i32
          %max3A_1655 = arith.maxsi %sub3A_1654, %max3A : i32
          %mul3A_1656 = arith.constant 50 : i32
          %mul3A_1657 = arith.muli %add3A, %mul3A_1656 : i32
          %add3A_1658 = arith.addi %mul3A_1657, %max3A_1655 : i32
          %jit3A_1659 = arith.constant 8 : i32
          %div3A_1660 = arith.divsi %add3A_1658, %jit3A_1659 : i32
          %sign3A_1661 = arith.constant 0 : i32
          %sign3A_1662 = arith.cmpi sgt, %add3A_1658, %sign3A_1661 : i32
          %sign3A_1663 = arith.extui %sign3A_1662 : i1 to i32
          %sign3A_1664 = arith.constant 0 : i32
          %sign3A_1665 = arith.cmpi slt, %add3A_1658, %sign3A_1664 : i32
          %sign3A_1666 = arith.extui %sign3A_1665 : i1 to i32
          %sign3A_1667 = arith.subi %sign3A_1663, %sign3A_1666 : i32
          %sign3A_1668 = arith.constant 0 : i32
          %sign3A_1669 = arith.cmpi sgt, %jit3A_1659, %sign3A_1668 : i32
          %sign3A_1670 = arith.extui %sign3A_1669 : i1 to i32
          %sign3A_1671 = arith.constant 0 : i32
          %sign3A_1672 = arith.cmpi slt, %jit3A_1659, %sign3A_1671 : i32
          %sign3A_1673 = arith.extui %sign3A_1672 : i1 to i32
          %sign3A_1674 = arith.subi %sign3A_1670, %sign3A_1673 : i32
          %ne3A_1675 = arith.cmpi ne, %sign3A_1667, %sign3A_1674 : i32
          %rem3A_1676 = arith.remsi %add3A_1658, %jit3A_1659 : i32
          %ne3A_1677 = arith.constant 0 : i32
          %ne3A_1678 = arith.cmpi ne, %rem3A_1676, %ne3A_1677 : i32
          %and3A_1679 = arith.andi %ne3A_1675, %ne3A_1678 : i1
          %sub3A_1680 = arith.constant 1 : i32
          %sub3A_1681 = arith.subi %div3A_1660, %sub3A_1680 : i32
          %select_n3A_1682 = arith.select %and3A_1679, %sub3A_1681, %div3A_1660 : i32
          %jit3A_1683 = arith.constant 4 : i32
          %div3A_1684 = arith.divsi %select_n3A_1682, %jit3A_1683 : i32
          %sign3A_1685 = arith.constant 0 : i32
          %sign3A_1686 = arith.cmpi sgt, %select_n3A_1682, %sign3A_1685 : i32
          %sign3A_1687 = arith.extui %sign3A_1686 : i1 to i32
          %sign3A_1688 = arith.constant 0 : i32
          %sign3A_1689 = arith.cmpi slt, %select_n3A_1682, %sign3A_1688 : i32
          %sign3A_1690 = arith.extui %sign3A_1689 : i1 to i32
          %sign3A_1691 = arith.subi %sign3A_1687, %sign3A_1690 : i32
          %sign3A_1692 = arith.constant 0 : i32
          %sign3A_1693 = arith.cmpi sgt, %jit3A_1683, %sign3A_1692 : i32
          %sign3A_1694 = arith.extui %sign3A_1693 : i1 to i32
          %sign3A_1695 = arith.constant 0 : i32
          %sign3A_1696 = arith.cmpi slt, %jit3A_1683, %sign3A_1695 : i32
          %sign3A_1697 = arith.extui %sign3A_1696 : i1 to i32
          %sign3A_1698 = arith.subi %sign3A_1694, %sign3A_1697 : i32
          %ne3A_1699 = arith.cmpi ne, %sign3A_1691, %sign3A_1698 : i32
          %rem3A_1700 = arith.remsi %select_n3A_1682, %jit3A_1683 : i32
          %ne3A_1701 = arith.constant 0 : i32
          %ne3A_1702 = arith.cmpi ne, %rem3A_1700, %ne3A_1701 : i32
          %and3A_1703 = arith.andi %ne3A_1699, %ne3A_1702 : i1
          %sub3A_1704 = arith.constant 1 : i32
          %sub3A_1705 = arith.subi %div3A_1684, %sub3A_1704 : i32
          %select_n3A_1706 = arith.select %and3A_1703, %sub3A_1705, %div3A_1684 : i32
          %jit3A_1707 = arith.constant 4 : i32
          %eq3A_1708 = arith.constant 0 : i32
          %eq3A_1709 = arith.cmpi eq, %jit3A_1707, %eq3A_1708 : i32
          %jit3A_1710 = arith.constant 1 : i32
          %select_n3A_1711 = arith.select %eq3A_1709, %jit3A_1710, %jit3A_1707 : i32
          %rem3A_1712 = arith.remsi %select_n3A_1682, %select_n3A_1711 : i32
          %ne3A_1713 = arith.constant 0 : i32
          %ne3A_1714 = arith.cmpi ne, %rem3A_1712, %ne3A_1713 : i32
          %lt3A_1715 = arith.constant 0 : i32
          %lt3A_1716 = arith.cmpi slt, %rem3A_1712, %lt3A_1715 : i32
          %lt3A_1717 = arith.constant 0 : i32
          %lt3A_1718 = arith.cmpi slt, %select_n3A_1711, %lt3A_1717 : i32
          %ne3A_1719 = arith.xori %lt3A_1716, %lt3A_1718 : i1
          %and3A_1720 = arith.andi %ne3A_1719, %ne3A_1714 : i1
          %add3A_1721 = arith.addi %rem3A_1712, %select_n3A_1711 : i32
          %select_n3A_1722 = arith.select %and3A_1720, %add3A_1721, %rem3A_1712 : i32
          %mul3A_1723 = arith.constant 5 : i32
          %mul3A_1724 = arith.muli %select_n3A_1706, %mul3A_1723 : i32
          %add3A_1725 = arith.addi %mul3A_1724, %select_n3A_1722 : i32
          %add3A_1726 = arith.constant 1 : i32
          %add3A_1727 = arith.addi %add3A_1725, %add3A_1726 : i32
          %mul3A_1728 = arith.constant 1024 : i32
          %mul3A_1729 = arith.muli %add3A_1727, %mul3A_1728 : i32
          %jit3A_1730 = arith.constant 8 : i32
          %eq3A_1731 = arith.constant 0 : i32
          %eq3A_1732 = arith.cmpi eq, %jit3A_1730, %eq3A_1731 : i32
          %jit3A_1733 = arith.constant 1 : i32
          %select_n3A_1734 = arith.select %eq3A_1732, %jit3A_1733, %jit3A_1730 : i32
          %rem3A_1735 = arith.remsi %add3A_1658, %select_n3A_1734 : i32
          %ne3A_1736 = arith.constant 0 : i32
          %ne3A_1737 = arith.cmpi ne, %rem3A_1735, %ne3A_1736 : i32
          %lt3A_1738 = arith.constant 0 : i32
          %lt3A_1739 = arith.cmpi slt, %rem3A_1735, %lt3A_1738 : i32
          %lt3A_1740 = arith.constant 0 : i32
          %lt3A_1741 = arith.cmpi slt, %select_n3A_1734, %lt3A_1740 : i32
          %ne3A_1742 = arith.xori %lt3A_1739, %lt3A_1741 : i1
          %and3A_1743 = arith.andi %ne3A_1742, %ne3A_1737 : i1
          %add3A_1744 = arith.addi %rem3A_1735, %select_n3A_1734 : i32
          %select_n3A_1745 = arith.select %and3A_1743, %add3A_1744, %rem3A_1735 : i32
          %mul3A_1746 = arith.constant 128 : i32
          %mul3A_1747 = arith.muli %select_n3A_1745, %mul3A_1746 : i32
          %add3A_1748 = arith.addi %mul3A_1729, %mul3A_1747 : i32
          %dma_wait3A_1749 = arith.constant 0 : i32
          %dma_wait3A_1750 = arith.constant 0 : i32
          %dma_wait3A_1751 = tpu.memref_slice %arg14[%dma_wait3A_1749, %dma_wait3A_1750] : memref<128x128xf32, #tpu.memory_space<vmem>> -> memref<128x128xf32, #tpu.memory_space<vmem>>
          %dma_wait3A_1752 = arith.constant 0 : i32
          %dma_wait3A_1753 = tpu.memref_slice %arg5[%add3A_1748, %dma_wait3A_1752] : memref<256000x128xf32, #tpu.memory_space<hbm>> -> memref<128x128xf32, #tpu.memory_space<hbm>>
          %dma_wait3A_1754 = arith.constant 0 : i32
          %dma_wait3A_1755 = tpu.memref_slice %arg5[%add3A_1748, %dma_wait3A_1754] : memref<256000x128xf32, #tpu.memory_space<hbm>> -> memref<128x128xf32, #tpu.memory_space<hbm>>
          %dma_wait3A_1756 = arith.constant 0 : i32
          %dma_wait3A_1757 = arith.constant 0 : i32
          %dma_wait3A_1758 = tpu.memref_slice %arg14[%dma_wait3A_1756, %dma_wait3A_1757] : memref<128x128xf32, #tpu.memory_space<vmem>> -> memref<128x128xf32, #tpu.memory_space<vmem>>
          tpu.wait_dma2 semaphore(%arg16 : memref<!tpu.dma_semaphore, #tpu.memory_space<semaphore_mem>>) src(%dma_wait3A_1758 : memref<128x128xf32, #tpu.memory_space<vmem>>) dst(%dma_wait3A_1755 : memref<128x128xf32, #tpu.memory_space<hbm>>)
        } else {
        }
        %add3A_1642 = arith.constant 2 : i32
        %add3A_1643 = arith.addi %add3A_1149, %add3A_1642 : i32
        %mul3A_1644 = arith.constant 128 : i32
        %mul3A_1645 = arith.muli %add3A_1643, %mul3A_1644 : i32
        %dma_start3A_1646 = arith.constant 0 : i32
        %dma_start3A_1647 = arith.constant 0 : i32
        %dma_start3A_1648 = tpu.memref_slice %arg14[%dma_start3A_1646, %dma_start3A_1647] : memref<128x128xf32, #tpu.memory_space<vmem>> -> memref<128x128xf32, #tpu.memory_space<vmem>>
        %dma_start3A_1649 = tpu.memref_slice %arg7[%mul3A_1645] : memref<6400xi32, #tpu.memory_space<vmem>> -> memref<128xi32, #tpu.memory_space<vmem>>
        %dma_start3A_1650 = arith.constant 0 : i32
        %dma_start3A_1651 = arith.constant 0 : i32
        %dma_start3A_1652 = tpu.memref_slice %arg6[%dma_start3A_1650, %dma_start3A_1651] : memref<4000x128xf32, #tpu.memory_space<vmem_shared>> -> memref<4000x128xf32, #tpu.memory_space<vmem_shared>>
        tpu.enqueue_indirect_dma source(%dma_start3A_1652 : memref<4000x128xf32, #tpu.memory_space<vmem_shared>>) target(%dma_start3A_1648 : memref<128x128xf32, #tpu.memory_space<vmem>>) offsets(%dma_start3A_1649 : memref<128xi32, #tpu.memory_space<vmem>>) semaphore(%arg15 : memref<!tpu.dma_semaphore, #tpu.memory_space<semaphore_mem>>)
      } else {
      }
      %mul3A_1269 = arith.constant 4 : i32
      %mul3A_1270 = arith.muli %mul3A_1269, %scan3A_1145 : i32
      %add3A_1271 = arith.constant 1 : i32
      %add3A_1272 = arith.addi %mul3A_1270, %add3A_1271 : i32
      %mul3A_1273 = arith.constant 128 : i32
      %mul3A_1274 = arith.muli %add3A_1272, %mul3A_1273 : i32
      %dma_wait3A_1275 = arith.constant 0 : i32
      %dma_wait3A_1276 = arith.constant 0 : i32
      %dma_wait3A_1277 = tpu.memref_slice %arg11[%dma_wait3A_1275, %dma_wait3A_1276] : memref<128x128xf32, #tpu.memory_space<vmem>> -> memref<128x128xf32, #tpu.memory_space<vmem>>
      %dma_wait3A_1278 = tpu.memref_slice %arg7[%mul3A_1274] : memref<6400xi32, #tpu.memory_space<vmem>> -> memref<128xi32, #tpu.memory_space<vmem>>
      %dma_wait3A_1279 = arith.constant 0 : i32
      %dma_wait3A_1280 = arith.constant 0 : i32
      %dma_wait3A_1281 = tpu.memref_slice %arg6[%dma_wait3A_1279, %dma_wait3A_1280] : memref<4000x128xf32, #tpu.memory_space<vmem_shared>> -> memref<4000x128xf32, #tpu.memory_space<vmem_shared>>
      tpu.wait_indirect_dma semaphore(%arg12 : memref<!tpu.dma_semaphore, #tpu.memory_space<semaphore_mem>>) src(%dma_wait3A_1281 : memref<4000x128xf32, #tpu.memory_space<vmem_shared>>) dst(%dma_wait3A_1277 : memref<128x128xf32, #tpu.memory_space<vmem>>)
      %mul3A_1282 = arith.constant 50 : i32
      %mul3A_1283 = arith.muli %add3A, %mul3A_1282 : i32
      %add3A_1284 = arith.addi %mul3A_1283, %add3A_1272 : i32
      %jit3A_1285 = arith.constant 8 : i32
      %div3A_1286 = arith.divsi %add3A_1284, %jit3A_1285 : i32
      %sign3A_1287 = arith.constant 0 : i32
      %sign3A_1288 = arith.cmpi sgt, %add3A_1284, %sign3A_1287 : i32
      %sign3A_1289 = arith.extui %sign3A_1288 : i1 to i32
      %sign3A_1290 = arith.constant 0 : i32
      %sign3A_1291 = arith.cmpi slt, %add3A_1284, %sign3A_1290 : i32
      %sign3A_1292 = arith.extui %sign3A_1291 : i1 to i32
      %sign3A_1293 = arith.subi %sign3A_1289, %sign3A_1292 : i32
      %sign3A_1294 = arith.constant 0 : i32
      %sign3A_1295 = arith.cmpi sgt, %jit3A_1285, %sign3A_1294 : i32
      %sign3A_1296 = arith.extui %sign3A_1295 : i1 to i32
      %sign3A_1297 = arith.constant 0 : i32
      %sign3A_1298 = arith.cmpi slt, %jit3A_1285, %sign3A_1297 : i32
      %sign3A_1299 = arith.extui %sign3A_1298 : i1 to i32
      %sign3A_1300 = arith.subi %sign3A_1296, %sign3A_1299 : i32
      %ne3A_1301 = arith.cmpi ne, %sign3A_1293, %sign3A_1300 : i32
      %rem3A_1302 = arith.remsi %add3A_1284, %jit3A_1285 : i32
      %ne3A_1303 = arith.constant 0 : i32
      %ne3A_1304 = arith.cmpi ne, %rem3A_1302, %ne3A_1303 : i32
      %and3A_1305 = arith.andi %ne3A_1301, %ne3A_1304 : i1
      %sub3A_1306 = arith.constant 1 : i32
      %sub3A_1307 = arith.subi %div3A_1286, %sub3A_1306 : i32
      %select_n3A_1308 = arith.select %and3A_1305, %sub3A_1307, %div3A_1286 : i32
      %jit3A_1309 = arith.constant 4 : i32
      %div3A_1310 = arith.divsi %select_n3A_1308, %jit3A_1309 : i32
      %sign3A_1311 = arith.constant 0 : i32
      %sign3A_1312 = arith.cmpi sgt, %select_n3A_1308, %sign3A_1311 : i32
      %sign3A_1313 = arith.extui %sign3A_1312 : i1 to i32
      %sign3A_1314 = arith.constant 0 : i32
      %sign3A_1315 = arith.cmpi slt, %select_n3A_1308, %sign3A_1314 : i32
      %sign3A_1316 = arith.extui %sign3A_1315 : i1 to i32
      %sign3A_1317 = arith.subi %sign3A_1313, %sign3A_1316 : i32
      %sign3A_1318 = arith.constant 0 : i32
      %sign3A_1319 = arith.cmpi sgt, %jit3A_1309, %sign3A_1318 : i32
      %sign3A_1320 = arith.extui %sign3A_1319 : i1 to i32
      %sign3A_1321 = arith.constant 0 : i32
      %sign3A_1322 = arith.cmpi slt, %jit3A_1309, %sign3A_1321 : i32
      %sign3A_1323 = arith.extui %sign3A_1322 : i1 to i32
      %sign3A_1324 = arith.subi %sign3A_1320, %sign3A_1323 : i32
      %ne3A_1325 = arith.cmpi ne, %sign3A_1317, %sign3A_1324 : i32
      %rem3A_1326 = arith.remsi %select_n3A_1308, %jit3A_1309 : i32
      %ne3A_1327 = arith.constant 0 : i32
      %ne3A_1328 = arith.cmpi ne, %rem3A_1326, %ne3A_1327 : i32
      %and3A_1329 = arith.andi %ne3A_1325, %ne3A_1328 : i1
      %sub3A_1330 = arith.constant 1 : i32
      %sub3A_1331 = arith.subi %div3A_1310, %sub3A_1330 : i32
      %select_n3A_1332 = arith.select %and3A_1329, %sub3A_1331, %div3A_1310 : i32
      %jit3A_1333 = arith.constant 4 : i32
      %eq3A_1334 = arith.constant 0 : i32
      %eq3A_1335 = arith.cmpi eq, %jit3A_1333, %eq3A_1334 : i32
      %jit3A_1336 = arith.constant 1 : i32
      %select_n3A_1337 = arith.select %eq3A_1335, %jit3A_1336, %jit3A_1333 : i32
      %rem3A_1338 = arith.remsi %select_n3A_1308, %select_n3A_1337 : i32
      %ne3A_1339 = arith.constant 0 : i32
      %ne3A_1340 = arith.cmpi ne, %rem3A_1338, %ne3A_1339 : i32
      %lt3A_1341 = arith.constant 0 : i32
      %lt3A_1342 = arith.cmpi slt, %rem3A_1338, %lt3A_1341 : i32
      %lt3A_1343 = arith.constant 0 : i32
      %lt3A_1344 = arith.cmpi slt, %select_n3A_1337, %lt3A_1343 : i32
      %ne3A_1345 = arith.xori %lt3A_1342, %lt3A_1344 : i1
      %and3A_1346 = arith.andi %ne3A_1345, %ne3A_1340 : i1
      %add3A_1347 = arith.addi %rem3A_1338, %select_n3A_1337 : i32
      %select_n3A_1348 = arith.select %and3A_1346, %add3A_1347, %rem3A_1338 : i32
      %mul3A_1349 = arith.constant 5 : i32
      %mul3A_1350 = arith.muli %select_n3A_1332, %mul3A_1349 : i32
      %add3A_1351 = arith.addi %mul3A_1350, %select_n3A_1348 : i32
      %add3A_1352 = arith.constant 1 : i32
      %add3A_1353 = arith.addi %add3A_1351, %add3A_1352 : i32
      %mul3A_1354 = arith.constant 1024 : i32
      %mul3A_1355 = arith.muli %add3A_1353, %mul3A_1354 : i32
      %jit3A_1356 = arith.constant 8 : i32
      %eq3A_1357 = arith.constant 0 : i32
      %eq3A_1358 = arith.cmpi eq, %jit3A_1356, %eq3A_1357 : i32
      %jit3A_1359 = arith.constant 1 : i32
      %select_n3A_1360 = arith.select %eq3A_1358, %jit3A_1359, %jit3A_1356 : i32
      %rem3A_1361 = arith.remsi %add3A_1284, %select_n3A_1360 : i32
      %ne3A_1362 = arith.constant 0 : i32
      %ne3A_1363 = arith.cmpi ne, %rem3A_1361, %ne3A_1362 : i32
      %lt3A_1364 = arith.constant 0 : i32
      %lt3A_1365 = arith.cmpi slt, %rem3A_1361, %lt3A_1364 : i32
      %lt3A_1366 = arith.constant 0 : i32
      %lt3A_1367 = arith.cmpi slt, %select_n3A_1360, %lt3A_1366 : i32
      %ne3A_1368 = arith.xori %lt3A_1365, %lt3A_1367 : i1
      %and3A_1369 = arith.andi %ne3A_1368, %ne3A_1363 : i1
      %add3A_1370 = arith.addi %rem3A_1361, %select_n3A_1360 : i32
      %select_n3A_1371 = arith.select %and3A_1369, %add3A_1370, %rem3A_1361 : i32
      %mul3A_1372 = arith.constant 128 : i32
      %mul3A_1373 = arith.muli %select_n3A_1371, %mul3A_1372 : i32
      %add3A_1374 = arith.addi %mul3A_1355, %mul3A_1373 : i32
      %dma_start3A_1375 = arith.constant 0 : i32
      %dma_start3A_1376 = arith.constant 0 : i32
      %dma_start3A_1377 = tpu.memref_slice %arg11[%dma_start3A_1375, %dma_start3A_1376] : memref<128x128xf32, #tpu.memory_space<vmem>> -> memref<128x128xf32, #tpu.memory_space<vmem>>
      %dma_start3A_1378 = arith.constant 0 : i32
      %dma_start3A_1379 = tpu.memref_slice %arg5[%add3A_1374, %dma_start3A_1378] : memref<256000x128xf32, #tpu.memory_space<hbm>> -> memref<128x128xf32, #tpu.memory_space<hbm>>
      %dma_start3A_1380 = arith.constant 0 : i32
      %dma_start3A_1381 = tpu.memref_slice %arg5[%add3A_1374, %dma_start3A_1380] : memref<256000x128xf32, #tpu.memory_space<hbm>> -> memref<128x128xf32, #tpu.memory_space<hbm>>
      %dma_start3A_1382 = arith.constant 0 : i32
      %dma_start3A_1383 = arith.constant 0 : i32
      %dma_start3A_1384 = tpu.memref_slice %arg11[%dma_start3A_1382, %dma_start3A_1383] : memref<128x128xf32, #tpu.memory_space<vmem>> -> memref<128x128xf32, #tpu.memory_space<vmem>>
      tpu.enqueue_dma source(%dma_start3A_1384 : memref<128x128xf32, #tpu.memory_space<vmem>>) target(%dma_start3A_1381 : memref<128x128xf32, #tpu.memory_space<hbm>>) target_semaphore(%arg13 : memref<!tpu.dma_semaphore, #tpu.memory_space<semaphore_mem>>)
      %add3A_1385 = arith.constant 2 : i32
      %add3A_1386 = arith.addi %add3A_1272, %add3A_1385 : i32
      %lt3A_1387 = arith.constant 50 : i32
      %lt3A_1388 = arith.cmpi slt, %add3A_1386, %lt3A_1387 : i32
      %convert_element_type3A_1389 = arith.extui %lt3A_1388 : i1 to i32
      %cond3A_1390 = arith.constant 0 : i32
      %cond3A_1391 = arith.cmpi ne, %convert_element_type3A_1389, %cond3A_1390 : i32
      scf.if %cond3A_1391 {
        %ge3A = arith.constant 2 : i32
        %ge3A_1638 = arith.cmpi sge, %add3A_1272, %ge3A : i32
        %convert_element_type3A_1639 = arith.extui %ge3A_1638 : i1 to i32
        %cond3A_1640 = arith.constant 0 : i32
        %cond3A_1641 = arith.cmpi ne, %convert_element_type3A_1639, %cond3A_1640 : i32
        scf.if %cond3A_1641 {
          %sub3A_1653 = arith.constant 2 : i32
          %sub3A_1654 = arith.subi %add3A_1272, %sub3A_1653 : i32
          %max3A = arith.constant 0 : i32
          %max3A_1655 = arith.maxsi %sub3A_1654, %max3A : i32
          %mul3A_1656 = arith.constant 50 : i32
          %mul3A_1657 = arith.muli %add3A, %mul3A_1656 : i32
          %add3A_1658 = arith.addi %mul3A_1657, %max3A_1655 : i32
          %jit3A_1659 = arith.constant 8 : i32
          %div3A_1660 = arith.divsi %add3A_1658, %jit3A_1659 : i32
          %sign3A_1661 = arith.constant 0 : i32
          %sign3A_1662 = arith.cmpi sgt, %add3A_1658, %sign3A_1661 : i32
          %sign3A_1663 = arith.extui %sign3A_1662 : i1 to i32
          %sign3A_1664 = arith.constant 0 : i32
          %sign3A_1665 = arith.cmpi slt, %add3A_1658, %sign3A_1664 : i32
          %sign3A_1666 = arith.extui %sign3A_1665 : i1 to i32
          %sign3A_1667 = arith.subi %sign3A_1663, %sign3A_1666 : i32
          %sign3A_1668 = arith.constant 0 : i32
          %sign3A_1669 = arith.cmpi sgt, %jit3A_1659, %sign3A_1668 : i32
          %sign3A_1670 = arith.extui %sign3A_1669 : i1 to i32
          %sign3A_1671 = arith.constant 0 : i32
          %sign3A_1672 = arith.cmpi slt, %jit3A_1659, %sign3A_1671 : i32
          %sign3A_1673 = arith.extui %sign3A_1672 : i1 to i32
          %sign3A_1674 = arith.subi %sign3A_1670, %sign3A_1673 : i32
          %ne3A_1675 = arith.cmpi ne, %sign3A_1667, %sign3A_1674 : i32
          %rem3A_1676 = arith.remsi %add3A_1658, %jit3A_1659 : i32
          %ne3A_1677 = arith.constant 0 : i32
          %ne3A_1678 = arith.cmpi ne, %rem3A_1676, %ne3A_1677 : i32
          %and3A_1679 = arith.andi %ne3A_1675, %ne3A_1678 : i1
          %sub3A_1680 = arith.constant 1 : i32
          %sub3A_1681 = arith.subi %div3A_1660, %sub3A_1680 : i32
          %select_n3A_1682 = arith.select %and3A_1679, %sub3A_1681, %div3A_1660 : i32
          %jit3A_1683 = arith.constant 4 : i32
          %div3A_1684 = arith.divsi %select_n3A_1682, %jit3A_1683 : i32
          %sign3A_1685 = arith.constant 0 : i32
          %sign3A_1686 = arith.cmpi sgt, %select_n3A_1682, %sign3A_1685 : i32
          %sign3A_1687 = arith.extui %sign3A_1686 : i1 to i32
          %sign3A_1688 = arith.constant 0 : i32
          %sign3A_1689 = arith.cmpi slt, %select_n3A_1682, %sign3A_1688 : i32
          %sign3A_1690 = arith.extui %sign3A_1689 : i1 to i32
          %sign3A_1691 = arith.subi %sign3A_1687, %sign3A_1690 : i32
          %sign3A_1692 = arith.constant 0 : i32
          %sign3A_1693 = arith.cmpi sgt, %jit3A_1683, %sign3A_1692 : i32
          %sign3A_1694 = arith.extui %sign3A_1693 : i1 to i32
          %sign3A_1695 = arith.constant 0 : i32
          %sign3A_1696 = arith.cmpi slt, %jit3A_1683, %sign3A_1695 : i32
          %sign3A_1697 = arith.extui %sign3A_1696 : i1 to i32
          %sign3A_1698 = arith.subi %sign3A_1694, %sign3A_1697 : i32
          %ne3A_1699 = arith.cmpi ne, %sign3A_1691, %sign3A_1698 : i32
          %rem3A_1700 = arith.remsi %select_n3A_1682, %jit3A_1683 : i32
          %ne3A_1701 = arith.constant 0 : i32
          %ne3A_1702 = arith.cmpi ne, %rem3A_1700, %ne3A_1701 : i32
          %and3A_1703 = arith.andi %ne3A_1699, %ne3A_1702 : i1
          %sub3A_1704 = arith.constant 1 : i32
          %sub3A_1705 = arith.subi %div3A_1684, %sub3A_1704 : i32
          %select_n3A_1706 = arith.select %and3A_1703, %sub3A_1705, %div3A_1684 : i32
          %jit3A_1707 = arith.constant 4 : i32
          %eq3A_1708 = arith.constant 0 : i32
          %eq3A_1709 = arith.cmpi eq, %jit3A_1707, %eq3A_1708 : i32
          %jit3A_1710 = arith.constant 1 : i32
          %select_n3A_1711 = arith.select %eq3A_1709, %jit3A_1710, %jit3A_1707 : i32
          %rem3A_1712 = arith.remsi %select_n3A_1682, %select_n3A_1711 : i32
          %ne3A_1713 = arith.constant 0 : i32
          %ne3A_1714 = arith.cmpi ne, %rem3A_1712, %ne3A_1713 : i32
          %lt3A_1715 = arith.constant 0 : i32
          %lt3A_1716 = arith.cmpi slt, %rem3A_1712, %lt3A_1715 : i32
          %lt3A_1717 = arith.constant 0 : i32
          %lt3A_1718 = arith.cmpi slt, %select_n3A_1711, %lt3A_1717 : i32
          %ne3A_1719 = arith.xori %lt3A_1716, %lt3A_1718 : i1
          %and3A_1720 = arith.andi %ne3A_1719, %ne3A_1714 : i1
          %add3A_1721 = arith.addi %rem3A_1712, %select_n3A_1711 : i32
          %select_n3A_1722 = arith.select %and3A_1720, %add3A_1721, %rem3A_1712 : i32
          %mul3A_1723 = arith.constant 5 : i32
          %mul3A_1724 = arith.muli %select_n3A_1706, %mul3A_1723 : i32
          %add3A_1725 = arith.addi %mul3A_1724, %select_n3A_1722 : i32
          %add3A_1726 = arith.constant 1 : i32
          %add3A_1727 = arith.addi %add3A_1725, %add3A_1726 : i32
          %mul3A_1728 = arith.constant 1024 : i32
          %mul3A_1729 = arith.muli %add3A_1727, %mul3A_1728 : i32
          %jit3A_1730 = arith.constant 8 : i32
          %eq3A_1731 = arith.constant 0 : i32
          %eq3A_1732 = arith.cmpi eq, %jit3A_1730, %eq3A_1731 : i32
          %jit3A_1733 = arith.constant 1 : i32
          %select_n3A_1734 = arith.select %eq3A_1732, %jit3A_1733, %jit3A_1730 : i32
          %rem3A_1735 = arith.remsi %add3A_1658, %select_n3A_1734 : i32
          %ne3A_1736 = arith.constant 0 : i32
          %ne3A_1737 = arith.cmpi ne, %rem3A_1735, %ne3A_1736 : i32
          %lt3A_1738 = arith.constant 0 : i32
          %lt3A_1739 = arith.cmpi slt, %rem3A_1735, %lt3A_1738 : i32
          %lt3A_1740 = arith.constant 0 : i32
          %lt3A_1741 = arith.cmpi slt, %select_n3A_1734, %lt3A_1740 : i32
          %ne3A_1742 = arith.xori %lt3A_1739, %lt3A_1741 : i1
          %and3A_1743 = arith.andi %ne3A_1742, %ne3A_1737 : i1
          %add3A_1744 = arith.addi %rem3A_1735, %select_n3A_1734 : i32
          %select_n3A_1745 = arith.select %and3A_1743, %add3A_1744, %rem3A_1735 : i32
          %mul3A_1746 = arith.constant 128 : i32
          %mul3A_1747 = arith.muli %select_n3A_1745, %mul3A_1746 : i32
          %add3A_1748 = arith.addi %mul3A_1729, %mul3A_1747 : i32
          %dma_wait3A_1749 = arith.constant 0 : i32
          %dma_wait3A_1750 = arith.constant 0 : i32
          %dma_wait3A_1751 = tpu.memref_slice %arg17[%dma_wait3A_1749, %dma_wait3A_1750] : memref<128x128xf32, #tpu.memory_space<vmem>> -> memref<128x128xf32, #tpu.memory_space<vmem>>
          %dma_wait3A_1752 = arith.constant 0 : i32
          %dma_wait3A_1753 = tpu.memref_slice %arg5[%add3A_1748, %dma_wait3A_1752] : memref<256000x128xf32, #tpu.memory_space<hbm>> -> memref<128x128xf32, #tpu.memory_space<hbm>>
          %dma_wait3A_1754 = arith.constant 0 : i32
          %dma_wait3A_1755 = tpu.memref_slice %arg5[%add3A_1748, %dma_wait3A_1754] : memref<256000x128xf32, #tpu.memory_space<hbm>> -> memref<128x128xf32, #tpu.memory_space<hbm>>
          %dma_wait3A_1756 = arith.constant 0 : i32
          %dma_wait3A_1757 = arith.constant 0 : i32
          %dma_wait3A_1758 = tpu.memref_slice %arg17[%dma_wait3A_1756, %dma_wait3A_1757] : memref<128x128xf32, #tpu.memory_space<vmem>> -> memref<128x128xf32, #tpu.memory_space<vmem>>
          tpu.wait_dma2 semaphore(%arg19 : memref<!tpu.dma_semaphore, #tpu.memory_space<semaphore_mem>>) src(%dma_wait3A_1758 : memref<128x128xf32, #tpu.memory_space<vmem>>) dst(%dma_wait3A_1755 : memref<128x128xf32, #tpu.memory_space<hbm>>)
        } else {
        }
        %add3A_1642 = arith.constant 2 : i32
        %add3A_1643 = arith.addi %add3A_1272, %add3A_1642 : i32
        %mul3A_1644 = arith.constant 128 : i32
        %mul3A_1645 = arith.muli %add3A_1643, %mul3A_1644 : i32
        %dma_start3A_1646 = arith.constant 0 : i32
        %dma_start3A_1647 = arith.constant 0 : i32
        %dma_start3A_1648 = tpu.memref_slice %arg17[%dma_start3A_1646, %dma_start3A_1647] : memref<128x128xf32, #tpu.memory_space<vmem>> -> memref<128x128xf32, #tpu.memory_space<vmem>>
        %dma_start3A_1649 = tpu.memref_slice %arg7[%mul3A_1645] : memref<6400xi32, #tpu.memory_space<vmem>> -> memref<128xi32, #tpu.memory_space<vmem>>
        %dma_start3A_1650 = arith.constant 0 : i32
        %dma_start3A_1651 = arith.constant 0 : i32
        %dma_start3A_1652 = tpu.memref_slice %arg6[%dma_start3A_1650, %dma_start3A_1651] : memref<4000x128xf32, #tpu.memory_space<vmem_shared>> -> memref<4000x128xf32, #tpu.memory_space<vmem_shared>>
        tpu.enqueue_indirect_dma source(%dma_start3A_1652 : memref<4000x128xf32, #tpu.memory_space<vmem_shared>>) target(%dma_start3A_1648 : memref<128x128xf32, #tpu.memory_space<vmem>>) offsets(%dma_start3A_1649 : memref<128xi32, #tpu.memory_space<vmem>>) semaphore(%arg18 : memref<!tpu.dma_semaphore, #tpu.memory_space<semaphore_mem>>)
      } else {
      }
      %mul3A_1392 = arith.constant 4 : i32
      %mul3A_1393 = arith.muli %mul3A_1392, %scan3A_1145 : i32
      %add3A_1394 = arith.constant 2 : i32
      %add3A_1395 = arith.addi %mul3A_1393, %add3A_1394 : i32
      %mul3A_1396 = arith.constant 128 : i32
      %mul3A_1397 = arith.muli %add3A_1395, %mul3A_1396 : i32
      %dma_wait3A_1398 = arith.constant 0 : i32
      %dma_wait3A_1399 = arith.constant 0 : i32
      %dma_wait3A_1400 = tpu.memref_slice %arg14[%dma_wait3A_1398, %dma_wait3A_1399] : memref<128x128xf32, #tpu.memory_space<vmem>> -> memref<128x128xf32, #tpu.memory_space<vmem>>
      %dma_wait3A_1401 = tpu.memref_slice %arg7[%mul3A_1397] : memref<6400xi32, #tpu.memory_space<vmem>> -> memref<128xi32, #tpu.memory_space<vmem>>
      %dma_wait3A_1402 = arith.constant 0 : i32
      %dma_wait3A_1403 = arith.constant 0 : i32
      %dma_wait3A_1404 = tpu.memref_slice %arg6[%dma_wait3A_1402, %dma_wait3A_1403] : memref<4000x128xf32, #tpu.memory_space<vmem_shared>> -> memref<4000x128xf32, #tpu.memory_space<vmem_shared>>
      tpu.wait_indirect_dma semaphore(%arg15 : memref<!tpu.dma_semaphore, #tpu.memory_space<semaphore_mem>>) src(%dma_wait3A_1404 : memref<4000x128xf32, #tpu.memory_space<vmem_shared>>) dst(%dma_wait3A_1400 : memref<128x128xf32, #tpu.memory_space<vmem>>)
      %mul3A_1405 = arith.constant 50 : i32
      %mul3A_1406 = arith.muli %add3A, %mul3A_1405 : i32
      %add3A_1407 = arith.addi %mul3A_1406, %add3A_1395 : i32
      %jit3A_1408 = arith.constant 8 : i32
      %div3A_1409 = arith.divsi %add3A_1407, %jit3A_1408 : i32
      %sign3A_1410 = arith.constant 0 : i32
      %sign3A_1411 = arith.cmpi sgt, %add3A_1407, %sign3A_1410 : i32
      %sign3A_1412 = arith.extui %sign3A_1411 : i1 to i32
      %sign3A_1413 = arith.constant 0 : i32
      %sign3A_1414 = arith.cmpi slt, %add3A_1407, %sign3A_1413 : i32
      %sign3A_1415 = arith.extui %sign3A_1414 : i1 to i32
      %sign3A_1416 = arith.subi %sign3A_1412, %sign3A_1415 : i32
      %sign3A_1417 = arith.constant 0 : i32
      %sign3A_1418 = arith.cmpi sgt, %jit3A_1408, %sign3A_1417 : i32
      %sign3A_1419 = arith.extui %sign3A_1418 : i1 to i32
      %sign3A_1420 = arith.constant 0 : i32
      %sign3A_1421 = arith.cmpi slt, %jit3A_1408, %sign3A_1420 : i32
      %sign3A_1422 = arith.extui %sign3A_1421 : i1 to i32
      %sign3A_1423 = arith.subi %sign3A_1419, %sign3A_1422 : i32
      %ne3A_1424 = arith.cmpi ne, %sign3A_1416, %sign3A_1423 : i32
      %rem3A_1425 = arith.remsi %add3A_1407, %jit3A_1408 : i32
      %ne3A_1426 = arith.constant 0 : i32
      %ne3A_1427 = arith.cmpi ne, %rem3A_1425, %ne3A_1426 : i32
      %and3A_1428 = arith.andi %ne3A_1424, %ne3A_1427 : i1
      %sub3A_1429 = arith.constant 1 : i32
      %sub3A_1430 = arith.subi %div3A_1409, %sub3A_1429 : i32
      %select_n3A_1431 = arith.select %and3A_1428, %sub3A_1430, %div3A_1409 : i32
      %jit3A_1432 = arith.constant 4 : i32
      %div3A_1433 = arith.divsi %select_n3A_1431, %jit3A_1432 : i32
      %sign3A_1434 = arith.constant 0 : i32
      %sign3A_1435 = arith.cmpi sgt, %select_n3A_1431, %sign3A_1434 : i32
      %sign3A_1436 = arith.extui %sign3A_1435 : i1 to i32
      %sign3A_1437 = arith.constant 0 : i32
      %sign3A_1438 = arith.cmpi slt, %select_n3A_1431, %sign3A_1437 : i32
      %sign3A_1439 = arith.extui %sign3A_1438 : i1 to i32
      %sign3A_1440 = arith.subi %sign3A_1436, %sign3A_1439 : i32
      %sign3A_1441 = arith.constant 0 : i32
      %sign3A_1442 = arith.cmpi sgt, %jit3A_1432, %sign3A_1441 : i32
      %sign3A_1443 = arith.extui %sign3A_1442 : i1 to i32
      %sign3A_1444 = arith.constant 0 : i32
      %sign3A_1445 = arith.cmpi slt, %jit3A_1432, %sign3A_1444 : i32
      %sign3A_1446 = arith.extui %sign3A_1445 : i1 to i32
      %sign3A_1447 = arith.subi %sign3A_1443, %sign3A_1446 : i32
      %ne3A_1448 = arith.cmpi ne, %sign3A_1440, %sign3A_1447 : i32
      %rem3A_1449 = arith.remsi %select_n3A_1431, %jit3A_1432 : i32
      %ne3A_1450 = arith.constant 0 : i32
      %ne3A_1451 = arith.cmpi ne, %rem3A_1449, %ne3A_1450 : i32
      %and3A_1452 = arith.andi %ne3A_1448, %ne3A_1451 : i1
      %sub3A_1453 = arith.constant 1 : i32
      %sub3A_1454 = arith.subi %div3A_1433, %sub3A_1453 : i32
      %select_n3A_1455 = arith.select %and3A_1452, %sub3A_1454, %div3A_1433 : i32
      %jit3A_1456 = arith.constant 4 : i32
      %eq3A_1457 = arith.constant 0 : i32
      %eq3A_1458 = arith.cmpi eq, %jit3A_1456, %eq3A_1457 : i32
      %jit3A_1459 = arith.constant 1 : i32
      %select_n3A_1460 = arith.select %eq3A_1458, %jit3A_1459, %jit3A_1456 : i32
      %rem3A_1461 = arith.remsi %select_n3A_1431, %select_n3A_1460 : i32
      %ne3A_1462 = arith.constant 0 : i32
      %ne3A_1463 = arith.cmpi ne, %rem3A_1461, %ne3A_1462 : i32
      %lt3A_1464 = arith.constant 0 : i32
      %lt3A_1465 = arith.cmpi slt, %rem3A_1461, %lt3A_1464 : i32
      %lt3A_1466 = arith.constant 0 : i32
      %lt3A_1467 = arith.cmpi slt, %select_n3A_1460, %lt3A_1466 : i32
      %ne3A_1468 = arith.xori %lt3A_1465, %lt3A_1467 : i1
      %and3A_1469 = arith.andi %ne3A_1468, %ne3A_1463 : i1
      %add3A_1470 = arith.addi %rem3A_1461, %select_n3A_1460 : i32
      %select_n3A_1471 = arith.select %and3A_1469, %add3A_1470, %rem3A_1461 : i32
      %mul3A_1472 = arith.constant 5 : i32
      %mul3A_1473 = arith.muli %select_n3A_1455, %mul3A_1472 : i32
      %add3A_1474 = arith.addi %mul3A_1473, %select_n3A_1471 : i32
      %add3A_1475 = arith.constant 1 : i32
      %add3A_1476 = arith.addi %add3A_1474, %add3A_1475 : i32
      %mul3A_1477 = arith.constant 1024 : i32
      %mul3A_1478 = arith.muli %add3A_1476, %mul3A_1477 : i32
      %jit3A_1479 = arith.constant 8 : i32
      %eq3A_1480 = arith.constant 0 : i32
      %eq3A_1481 = arith.cmpi eq, %jit3A_1479, %eq3A_1480 : i32
      %jit3A_1482 = arith.constant 1 : i32
      %select_n3A_1483 = arith.select %eq3A_1481, %jit3A_1482, %jit3A_1479 : i32
      %rem3A_1484 = arith.remsi %add3A_1407, %select_n3A_1483 : i32
      %ne3A_1485 = arith.constant 0 : i32
      %ne3A_1486 = arith.cmpi ne, %rem3A_1484, %ne3A_1485 : i32
      %lt3A_1487 = arith.constant 0 : i32
      %lt3A_1488 = arith.cmpi slt, %rem3A_1484, %lt3A_1487 : i32
      %lt3A_1489 = arith.constant 0 : i32
      %lt3A_1490 = arith.cmpi slt, %select_n3A_1483, %lt3A_1489 : i32
      %ne3A_1491 = arith.xori %lt3A_1488, %lt3A_1490 : i1
      %and3A_1492 = arith.andi %ne3A_1491, %ne3A_1486 : i1
      %add3A_1493 = arith.addi %rem3A_1484, %select_n3A_1483 : i32
      %select_n3A_1494 = arith.select %and3A_1492, %add3A_1493, %rem3A_1484 : i32
      %mul3A_1495 = arith.constant 128 : i32
      %mul3A_1496 = arith.muli %select_n3A_1494, %mul3A_1495 : i32
      %add3A_1497 = arith.addi %mul3A_1478, %mul3A_1496 : i32
      %dma_start3A_1498 = arith.constant 0 : i32
      %dma_start3A_1499 = arith.constant 0 : i32
      %dma_start3A_1500 = tpu.memref_slice %arg14[%dma_start3A_1498, %dma_start3A_1499] : memref<128x128xf32, #tpu.memory_space<vmem>> -> memref<128x128xf32, #tpu.memory_space<vmem>>
      %dma_start3A_1501 = arith.constant 0 : i32
      %dma_start3A_1502 = tpu.memref_slice %arg5[%add3A_1497, %dma_start3A_1501] : memref<256000x128xf32, #tpu.memory_space<hbm>> -> memref<128x128xf32, #tpu.memory_space<hbm>>
      %dma_start3A_1503 = arith.constant 0 : i32
      %dma_start3A_1504 = tpu.memref_slice %arg5[%add3A_1497, %dma_start3A_1503] : memref<256000x128xf32, #tpu.memory_space<hbm>> -> memref<128x128xf32, #tpu.memory_space<hbm>>
      %dma_start3A_1505 = arith.constant 0 : i32
      %dma_start3A_1506 = arith.constant 0 : i32
      %dma_start3A_1507 = tpu.memref_slice %arg14[%dma_start3A_1505, %dma_start3A_1506] : memref<128x128xf32, #tpu.memory_space<vmem>> -> memref<128x128xf32, #tpu.memory_space<vmem>>
      tpu.enqueue_dma source(%dma_start3A_1507 : memref<128x128xf32, #tpu.memory_space<vmem>>) target(%dma_start3A_1504 : memref<128x128xf32, #tpu.memory_space<hbm>>) target_semaphore(%arg16 : memref<!tpu.dma_semaphore, #tpu.memory_space<semaphore_mem>>)
      %add3A_1508 = arith.constant 2 : i32
      %add3A_1509 = arith.addi %add3A_1395, %add3A_1508 : i32
      %lt3A_1510 = arith.constant 50 : i32
      %lt3A_1511 = arith.cmpi slt, %add3A_1509, %lt3A_1510 : i32
      %convert_element_type3A_1512 = arith.extui %lt3A_1511 : i1 to i32
      %cond3A_1513 = arith.constant 0 : i32
      %cond3A_1514 = arith.cmpi ne, %convert_element_type3A_1512, %cond3A_1513 : i32
      scf.if %cond3A_1514 {
        %ge3A = arith.constant 2 : i32
        %ge3A_1638 = arith.cmpi sge, %add3A_1395, %ge3A : i32
        %convert_element_type3A_1639 = arith.extui %ge3A_1638 : i1 to i32
        %cond3A_1640 = arith.constant 0 : i32
        %cond3A_1641 = arith.cmpi ne, %convert_element_type3A_1639, %cond3A_1640 : i32
        scf.if %cond3A_1641 {
          %sub3A_1653 = arith.constant 2 : i32
          %sub3A_1654 = arith.subi %add3A_1395, %sub3A_1653 : i32
          %max3A = arith.constant 0 : i32
          %max3A_1655 = arith.maxsi %sub3A_1654, %max3A : i32
          %mul3A_1656 = arith.constant 50 : i32
          %mul3A_1657 = arith.muli %add3A, %mul3A_1656 : i32
          %add3A_1658 = arith.addi %mul3A_1657, %max3A_1655 : i32
          %jit3A_1659 = arith.constant 8 : i32
          %div3A_1660 = arith.divsi %add3A_1658, %jit3A_1659 : i32
          %sign3A_1661 = arith.constant 0 : i32
          %sign3A_1662 = arith.cmpi sgt, %add3A_1658, %sign3A_1661 : i32
          %sign3A_1663 = arith.extui %sign3A_1662 : i1 to i32
          %sign3A_1664 = arith.constant 0 : i32
          %sign3A_1665 = arith.cmpi slt, %add3A_1658, %sign3A_1664 : i32
          %sign3A_1666 = arith.extui %sign3A_1665 : i1 to i32
          %sign3A_1667 = arith.subi %sign3A_1663, %sign3A_1666 : i32
          %sign3A_1668 = arith.constant 0 : i32
          %sign3A_1669 = arith.cmpi sgt, %jit3A_1659, %sign3A_1668 : i32
          %sign3A_1670 = arith.extui %sign3A_1669 : i1 to i32
          %sign3A_1671 = arith.constant 0 : i32
          %sign3A_1672 = arith.cmpi slt, %jit3A_1659, %sign3A_1671 : i32
          %sign3A_1673 = arith.extui %sign3A_1672 : i1 to i32
          %sign3A_1674 = arith.subi %sign3A_1670, %sign3A_1673 : i32
          %ne3A_1675 = arith.cmpi ne, %sign3A_1667, %sign3A_1674 : i32
          %rem3A_1676 = arith.remsi %add3A_1658, %jit3A_1659 : i32
          %ne3A_1677 = arith.constant 0 : i32
          %ne3A_1678 = arith.cmpi ne, %rem3A_1676, %ne3A_1677 : i32
          %and3A_1679 = arith.andi %ne3A_1675, %ne3A_1678 : i1
          %sub3A_1680 = arith.constant 1 : i32
          %sub3A_1681 = arith.subi %div3A_1660, %sub3A_1680 : i32
          %select_n3A_1682 = arith.select %and3A_1679, %sub3A_1681, %div3A_1660 : i32
          %jit3A_1683 = arith.constant 4 : i32
          %div3A_1684 = arith.divsi %select_n3A_1682, %jit3A_1683 : i32
          %sign3A_1685 = arith.constant 0 : i32
          %sign3A_1686 = arith.cmpi sgt, %select_n3A_1682, %sign3A_1685 : i32
          %sign3A_1687 = arith.extui %sign3A_1686 : i1 to i32
          %sign3A_1688 = arith.constant 0 : i32
          %sign3A_1689 = arith.cmpi slt, %select_n3A_1682, %sign3A_1688 : i32
          %sign3A_1690 = arith.extui %sign3A_1689 : i1 to i32
          %sign3A_1691 = arith.subi %sign3A_1687, %sign3A_1690 : i32
          %sign3A_1692 = arith.constant 0 : i32
          %sign3A_1693 = arith.cmpi sgt, %jit3A_1683, %sign3A_1692 : i32
          %sign3A_1694 = arith.extui %sign3A_1693 : i1 to i32
          %sign3A_1695 = arith.constant 0 : i32
          %sign3A_1696 = arith.cmpi slt, %jit3A_1683, %sign3A_1695 : i32
          %sign3A_1697 = arith.extui %sign3A_1696 : i1 to i32
          %sign3A_1698 = arith.subi %sign3A_1694, %sign3A_1697 : i32
          %ne3A_1699 = arith.cmpi ne, %sign3A_1691, %sign3A_1698 : i32
          %rem3A_1700 = arith.remsi %select_n3A_1682, %jit3A_1683 : i32
          %ne3A_1701 = arith.constant 0 : i32
          %ne3A_1702 = arith.cmpi ne, %rem3A_1700, %ne3A_1701 : i32
          %and3A_1703 = arith.andi %ne3A_1699, %ne3A_1702 : i1
          %sub3A_1704 = arith.constant 1 : i32
          %sub3A_1705 = arith.subi %div3A_1684, %sub3A_1704 : i32
          %select_n3A_1706 = arith.select %and3A_1703, %sub3A_1705, %div3A_1684 : i32
          %jit3A_1707 = arith.constant 4 : i32
          %eq3A_1708 = arith.constant 0 : i32
          %eq3A_1709 = arith.cmpi eq, %jit3A_1707, %eq3A_1708 : i32
          %jit3A_1710 = arith.constant 1 : i32
          %select_n3A_1711 = arith.select %eq3A_1709, %jit3A_1710, %jit3A_1707 : i32
          %rem3A_1712 = arith.remsi %select_n3A_1682, %select_n3A_1711 : i32
          %ne3A_1713 = arith.constant 0 : i32
          %ne3A_1714 = arith.cmpi ne, %rem3A_1712, %ne3A_1713 : i32
          %lt3A_1715 = arith.constant 0 : i32
          %lt3A_1716 = arith.cmpi slt, %rem3A_1712, %lt3A_1715 : i32
          %lt3A_1717 = arith.constant 0 : i32
          %lt3A_1718 = arith.cmpi slt, %select_n3A_1711, %lt3A_1717 : i32
          %ne3A_1719 = arith.xori %lt3A_1716, %lt3A_1718 : i1
          %and3A_1720 = arith.andi %ne3A_1719, %ne3A_1714 : i1
          %add3A_1721 = arith.addi %rem3A_1712, %select_n3A_1711 : i32
          %select_n3A_1722 = arith.select %and3A_1720, %add3A_1721, %rem3A_1712 : i32
          %mul3A_1723 = arith.constant 5 : i32
          %mul3A_1724 = arith.muli %select_n3A_1706, %mul3A_1723 : i32
          %add3A_1725 = arith.addi %mul3A_1724, %select_n3A_1722 : i32
          %add3A_1726 = arith.constant 1 : i32
          %add3A_1727 = arith.addi %add3A_1725, %add3A_1726 : i32
          %mul3A_1728 = arith.constant 1024 : i32
          %mul3A_1729 = arith.muli %add3A_1727, %mul3A_1728 : i32
          %jit3A_1730 = arith.constant 8 : i32
          %eq3A_1731 = arith.constant 0 : i32
          %eq3A_1732 = arith.cmpi eq, %jit3A_1730, %eq3A_1731 : i32
          %jit3A_1733 = arith.constant 1 : i32
          %select_n3A_1734 = arith.select %eq3A_1732, %jit3A_1733, %jit3A_1730 : i32
          %rem3A_1735 = arith.remsi %add3A_1658, %select_n3A_1734 : i32
          %ne3A_1736 = arith.constant 0 : i32
          %ne3A_1737 = arith.cmpi ne, %rem3A_1735, %ne3A_1736 : i32
          %lt3A_1738 = arith.constant 0 : i32
          %lt3A_1739 = arith.cmpi slt, %rem3A_1735, %lt3A_1738 : i32
          %lt3A_1740 = arith.constant 0 : i32
          %lt3A_1741 = arith.cmpi slt, %select_n3A_1734, %lt3A_1740 : i32
          %ne3A_1742 = arith.xori %lt3A_1739, %lt3A_1741 : i1
          %and3A_1743 = arith.andi %ne3A_1742, %ne3A_1737 : i1
          %add3A_1744 = arith.addi %rem3A_1735, %select_n3A_1734 : i32
          %select_n3A_1745 = arith.select %and3A_1743, %add3A_1744, %rem3A_1735 : i32
          %mul3A_1746 = arith.constant 128 : i32
          %mul3A_1747 = arith.muli %select_n3A_1745, %mul3A_1746 : i32
          %add3A_1748 = arith.addi %mul3A_1729, %mul3A_1747 : i32
          %dma_wait3A_1749 = arith.constant 0 : i32
          %dma_wait3A_1750 = arith.constant 0 : i32
          %dma_wait3A_1751 = tpu.memref_slice %arg8[%dma_wait3A_1749, %dma_wait3A_1750] : memref<128x128xf32, #tpu.memory_space<vmem>> -> memref<128x128xf32, #tpu.memory_space<vmem>>
          %dma_wait3A_1752 = arith.constant 0 : i32
          %dma_wait3A_1753 = tpu.memref_slice %arg5[%add3A_1748, %dma_wait3A_1752] : memref<256000x128xf32, #tpu.memory_space<hbm>> -> memref<128x128xf32, #tpu.memory_space<hbm>>
          %dma_wait3A_1754 = arith.constant 0 : i32
          %dma_wait3A_1755 = tpu.memref_slice %arg5[%add3A_1748, %dma_wait3A_1754] : memref<256000x128xf32, #tpu.memory_space<hbm>> -> memref<128x128xf32, #tpu.memory_space<hbm>>
          %dma_wait3A_1756 = arith.constant 0 : i32
          %dma_wait3A_1757 = arith.constant 0 : i32
          %dma_wait3A_1758 = tpu.memref_slice %arg8[%dma_wait3A_1756, %dma_wait3A_1757] : memref<128x128xf32, #tpu.memory_space<vmem>> -> memref<128x128xf32, #tpu.memory_space<vmem>>
          tpu.wait_dma2 semaphore(%arg10 : memref<!tpu.dma_semaphore, #tpu.memory_space<semaphore_mem>>) src(%dma_wait3A_1758 : memref<128x128xf32, #tpu.memory_space<vmem>>) dst(%dma_wait3A_1755 : memref<128x128xf32, #tpu.memory_space<hbm>>)
        } else {
        }
        %add3A_1642 = arith.constant 2 : i32
        %add3A_1643 = arith.addi %add3A_1395, %add3A_1642 : i32
        %mul3A_1644 = arith.constant 128 : i32
        %mul3A_1645 = arith.muli %add3A_1643, %mul3A_1644 : i32
        %dma_start3A_1646 = arith.constant 0 : i32
        %dma_start3A_1647 = arith.constant 0 : i32
        %dma_start3A_1648 = tpu.memref_slice %arg8[%dma_start3A_1646, %dma_start3A_1647] : memref<128x128xf32, #tpu.memory_space<vmem>> -> memref<128x128xf32, #tpu.memory_space<vmem>>
        %dma_start3A_1649 = tpu.memref_slice %arg7[%mul3A_1645] : memref<6400xi32, #tpu.memory_space<vmem>> -> memref<128xi32, #tpu.memory_space<vmem>>
        %dma_start3A_1650 = arith.constant 0 : i32
        %dma_start3A_1651 = arith.constant 0 : i32
        %dma_start3A_1652 = tpu.memref_slice %arg6[%dma_start3A_1650, %dma_start3A_1651] : memref<4000x128xf32, #tpu.memory_space<vmem_shared>> -> memref<4000x128xf32, #tpu.memory_space<vmem_shared>>
        tpu.enqueue_indirect_dma source(%dma_start3A_1652 : memref<4000x128xf32, #tpu.memory_space<vmem_shared>>) target(%dma_start3A_1648 : memref<128x128xf32, #tpu.memory_space<vmem>>) offsets(%dma_start3A_1649 : memref<128xi32, #tpu.memory_space<vmem>>) semaphore(%arg9 : memref<!tpu.dma_semaphore, #tpu.memory_space<semaphore_mem>>)
      } else {
      }
      %mul3A_1515 = arith.constant 4 : i32
      %mul3A_1516 = arith.muli %mul3A_1515, %scan3A_1145 : i32
      %add3A_1517 = arith.constant 3 : i32
      %add3A_1518 = arith.addi %mul3A_1516, %add3A_1517 : i32
      %mul3A_1519 = arith.constant 128 : i32
      %mul3A_1520 = arith.muli %add3A_1518, %mul3A_1519 : i32
      %dma_wait3A_1521 = arith.constant 0 : i32
      %dma_wait3A_1522 = arith.constant 0 : i32
      %dma_wait3A_1523 = tpu.memref_slice %arg17[%dma_wait3A_1521, %dma_wait3A_1522] : memref<128x128xf32, #tpu.memory_space<vmem>> -> memref<128x128xf32, #tpu.memory_space<vmem>>
      %dma_wait3A_1524 = tpu.memref_slice %arg7[%mul3A_1520] : memref<6400xi32, #tpu.memory_space<vmem>> -> memref<128xi32, #tpu.memory_space<vmem>>
      %dma_wait3A_1525 = arith.constant 0 : i32
      %dma_wait3A_1526 = arith.constant 0 : i32
      %dma_wait3A_1527 = tpu.memref_slice %arg6[%dma_wait3A_1525, %dma_wait3A_1526] : memref<4000x128xf32, #tpu.memory_space<vmem_shared>> -> memref<4000x128xf32, #tpu.memory_space<vmem_shared>>
      tpu.wait_indirect_dma semaphore(%arg18 : memref<!tpu.dma_semaphore, #tpu.memory_space<semaphore_mem>>) src(%dma_wait3A_1527 : memref<4000x128xf32, #tpu.memory_space<vmem_shared>>) dst(%dma_wait3A_1523 : memref<128x128xf32, #tpu.memory_space<vmem>>)
      %mul3A_1528 = arith.constant 50 : i32
      %mul3A_1529 = arith.muli %add3A, %mul3A_1528 : i32
      %add3A_1530 = arith.addi %mul3A_1529, %add3A_1518 : i32
      %jit3A_1531 = arith.constant 8 : i32
      %div3A_1532 = arith.divsi %add3A_1530, %jit3A_1531 : i32
      %sign3A_1533 = arith.constant 0 : i32
      %sign3A_1534 = arith.cmpi sgt, %add3A_1530, %sign3A_1533 : i32
      %sign3A_1535 = arith.extui %sign3A_1534 : i1 to i32
      %sign3A_1536 = arith.constant 0 : i32
      %sign3A_1537 = arith.cmpi slt, %add3A_1530, %sign3A_1536 : i32
      %sign3A_1538 = arith.extui %sign3A_1537 : i1 to i32
      %sign3A_1539 = arith.subi %sign3A_1535, %sign3A_1538 : i32
      %sign3A_1540 = arith.constant 0 : i32
      %sign3A_1541 = arith.cmpi sgt, %jit3A_1531, %sign3A_1540 : i32
      %sign3A_1542 = arith.extui %sign3A_1541 : i1 to i32
      %sign3A_1543 = arith.constant 0 : i32
      %sign3A_1544 = arith.cmpi slt, %jit3A_1531, %sign3A_1543 : i32
      %sign3A_1545 = arith.extui %sign3A_1544 : i1 to i32
      %sign3A_1546 = arith.subi %sign3A_1542, %sign3A_1545 : i32
      %ne3A_1547 = arith.cmpi ne, %sign3A_1539, %sign3A_1546 : i32
      %rem3A_1548 = arith.remsi %add3A_1530, %jit3A_1531 : i32
      %ne3A_1549 = arith.constant 0 : i32
      %ne3A_1550 = arith.cmpi ne, %rem3A_1548, %ne3A_1549 : i32
      %and3A_1551 = arith.andi %ne3A_1547, %ne3A_1550 : i1
      %sub3A_1552 = arith.constant 1 : i32
      %sub3A_1553 = arith.subi %div3A_1532, %sub3A_1552 : i32
      %select_n3A_1554 = arith.select %and3A_1551, %sub3A_1553, %div3A_1532 : i32
      %jit3A_1555 = arith.constant 4 : i32
      %div3A_1556 = arith.divsi %select_n3A_1554, %jit3A_1555 : i32
      %sign3A_1557 = arith.constant 0 : i32
      %sign3A_1558 = arith.cmpi sgt, %select_n3A_1554, %sign3A_1557 : i32
      %sign3A_1559 = arith.extui %sign3A_1558 : i1 to i32
      %sign3A_1560 = arith.constant 0 : i32
      %sign3A_1561 = arith.cmpi slt, %select_n3A_1554, %sign3A_1560 : i32
      %sign3A_1562 = arith.extui %sign3A_1561 : i1 to i32
      %sign3A_1563 = arith.subi %sign3A_1559, %sign3A_1562 : i32
      %sign3A_1564 = arith.constant 0 : i32
      %sign3A_1565 = arith.cmpi sgt, %jit3A_1555, %sign3A_1564 : i32
      %sign3A_1566 = arith.extui %sign3A_1565 : i1 to i32
      %sign3A_1567 = arith.constant 0 : i32
      %sign3A_1568 = arith.cmpi slt, %jit3A_1555, %sign3A_1567 : i32
      %sign3A_1569 = arith.extui %sign3A_1568 : i1 to i32
      %sign3A_1570 = arith.subi %sign3A_1566, %sign3A_1569 : i32
      %ne3A_1571 = arith.cmpi ne, %sign3A_1563, %sign3A_1570 : i32
      %rem3A_1572 = arith.remsi %select_n3A_1554, %jit3A_1555 : i32
      %ne3A_1573 = arith.constant 0 : i32
      %ne3A_1574 = arith.cmpi ne, %rem3A_1572, %ne3A_1573 : i32
      %and3A_1575 = arith.andi %ne3A_1571, %ne3A_1574 : i1
      %sub3A_1576 = arith.constant 1 : i32
      %sub3A_1577 = arith.subi %div3A_1556, %sub3A_1576 : i32
      %select_n3A_1578 = arith.select %and3A_1575, %sub3A_1577, %div3A_1556 : i32
      %jit3A_1579 = arith.constant 4 : i32
      %eq3A_1580 = arith.constant 0 : i32
      %eq3A_1581 = arith.cmpi eq, %jit3A_1579, %eq3A_1580 : i32
      %jit3A_1582 = arith.constant 1 : i32
      %select_n3A_1583 = arith.select %eq3A_1581, %jit3A_1582, %jit3A_1579 : i32
      %rem3A_1584 = arith.remsi %select_n3A_1554, %select_n3A_1583 : i32
      %ne3A_1585 = arith.constant 0 : i32
      %ne3A_1586 = arith.cmpi ne, %rem3A_1584, %ne3A_1585 : i32
      %lt3A_1587 = arith.constant 0 : i32
      %lt3A_1588 = arith.cmpi slt, %rem3A_1584, %lt3A_1587 : i32
      %lt3A_1589 = arith.constant 0 : i32
      %lt3A_1590 = arith.cmpi slt, %select_n3A_1583, %lt3A_1589 : i32
      %ne3A_1591 = arith.xori %lt3A_1588, %lt3A_1590 : i1
      %and3A_1592 = arith.andi %ne3A_1591, %ne3A_1586 : i1
      %add3A_1593 = arith.addi %rem3A_1584, %select_n3A_1583 : i32
      %select_n3A_1594 = arith.select %and3A_1592, %add3A_1593, %rem3A_1584 : i32
      %mul3A_1595 = arith.constant 5 : i32
      %mul3A_1596 = arith.muli %select_n3A_1578, %mul3A_1595 : i32
      %add3A_1597 = arith.addi %mul3A_1596, %select_n3A_1594 : i32
      %add3A_1598 = arith.constant 1 : i32
      %add3A_1599 = arith.addi %add3A_1597, %add3A_1598 : i32
      %mul3A_1600 = arith.constant 1024 : i32
      %mul3A_1601 = arith.muli %add3A_1599, %mul3A_1600 : i32
      %jit3A_1602 = arith.constant 8 : i32
      %eq3A_1603 = arith.constant 0 : i32
      %eq3A_1604 = arith.cmpi eq, %jit3A_1602, %eq3A_1603 : i32
      %jit3A_1605 = arith.constant 1 : i32
      %select_n3A_1606 = arith.select %eq3A_1604, %jit3A_1605, %jit3A_1602 : i32
      %rem3A_1607 = arith.remsi %add3A_1530, %select_n3A_1606 : i32
      %ne3A_1608 = arith.constant 0 : i32
      %ne3A_1609 = arith.cmpi ne, %rem3A_1607, %ne3A_1608 : i32
      %lt3A_1610 = arith.constant 0 : i32
      %lt3A_1611 = arith.cmpi slt, %rem3A_1607, %lt3A_1610 : i32
      %lt3A_1612 = arith.constant 0 : i32
      %lt3A_1613 = arith.cmpi slt, %select_n3A_1606, %lt3A_1612 : i32
      %ne3A_1614 = arith.xori %lt3A_1611, %lt3A_1613 : i1
      %and3A_1615 = arith.andi %ne3A_1614, %ne3A_1609 : i1
      %add3A_1616 = arith.addi %rem3A_1607, %select_n3A_1606 : i32
      %select_n3A_1617 = arith.select %and3A_1615, %add3A_1616, %rem3A_1607 : i32
      %mul3A_1618 = arith.constant 128 : i32
      %mul3A_1619 = arith.muli %select_n3A_1617, %mul3A_1618 : i32
      %add3A_1620 = arith.addi %mul3A_1601, %mul3A_1619 : i32
      %dma_start3A_1621 = arith.constant 0 : i32
      %dma_start3A_1622 = arith.constant 0 : i32
      %dma_start3A_1623 = tpu.memref_slice %arg17[%dma_start3A_1621, %dma_start3A_1622] : memref<128x128xf32, #tpu.memory_space<vmem>> -> memref<128x128xf32, #tpu.memory_space<vmem>>
      %dma_start3A_1624 = arith.constant 0 : i32
      %dma_start3A_1625 = tpu.memref_slice %arg5[%add3A_1620, %dma_start3A_1624] : memref<256000x128xf32, #tpu.memory_space<hbm>> -> memref<128x128xf32, #tpu.memory_space<hbm>>
      %dma_start3A_1626 = arith.constant 0 : i32
      %dma_start3A_1627 = tpu.memref_slice %arg5[%add3A_1620, %dma_start3A_1626] : memref<256000x128xf32, #tpu.memory_space<hbm>> -> memref<128x128xf32, #tpu.memory_space<hbm>>
      %dma_start3A_1628 = arith.constant 0 : i32
      %dma_start3A_1629 = arith.constant 0 : i32
      %dma_start3A_1630 = tpu.memref_slice %arg17[%dma_start3A_1628, %dma_start3A_1629] : memref<128x128xf32, #tpu.memory_space<vmem>> -> memref<128x128xf32, #tpu.memory_space<vmem>>
      tpu.enqueue_dma source(%dma_start3A_1630 : memref<128x128xf32, #tpu.memory_space<vmem>>) target(%dma_start3A_1627 : memref<128x128xf32, #tpu.memory_space<hbm>>) target_semaphore(%arg19 : memref<!tpu.dma_semaphore, #tpu.memory_space<semaphore_mem>>)
      %add3A_1631 = arith.constant 2 : i32
      %add3A_1632 = arith.addi %add3A_1518, %add3A_1631 : i32
      %lt3A_1633 = arith.constant 50 : i32
      %lt3A_1634 = arith.cmpi slt, %add3A_1632, %lt3A_1633 : i32
      %convert_element_type3A_1635 = arith.extui %lt3A_1634 : i1 to i32
      %cond3A_1636 = arith.constant 0 : i32
      %cond3A_1637 = arith.cmpi ne, %convert_element_type3A_1635, %cond3A_1636 : i32
      scf.if %cond3A_1637 {
        %ge3A = arith.constant 2 : i32
        %ge3A_1638 = arith.cmpi sge, %add3A_1518, %ge3A : i32
        %convert_element_type3A_1639 = arith.extui %ge3A_1638 : i1 to i32
        %cond3A_1640 = arith.constant 0 : i32
        %cond3A_1641 = arith.cmpi ne, %convert_element_type3A_1639, %cond3A_1640 : i32
        scf.if %cond3A_1641 {
          %sub3A_1653 = arith.constant 2 : i32
          %sub3A_1654 = arith.subi %add3A_1518, %sub3A_1653 : i32
          %max3A = arith.constant 0 : i32
          %max3A_1655 = arith.maxsi %sub3A_1654, %max3A : i32
          %mul3A_1656 = arith.constant 50 : i32
          %mul3A_1657 = arith.muli %add3A, %mul3A_1656 : i32
          %add3A_1658 = arith.addi %mul3A_1657, %max3A_1655 : i32
          %jit3A_1659 = arith.constant 8 : i32
          %div3A_1660 = arith.divsi %add3A_1658, %jit3A_1659 : i32
          %sign3A_1661 = arith.constant 0 : i32
          %sign3A_1662 = arith.cmpi sgt, %add3A_1658, %sign3A_1661 : i32
          %sign3A_1663 = arith.extui %sign3A_1662 : i1 to i32
          %sign3A_1664 = arith.constant 0 : i32
          %sign3A_1665 = arith.cmpi slt, %add3A_1658, %sign3A_1664 : i32
          %sign3A_1666 = arith.extui %sign3A_1665 : i1 to i32
          %sign3A_1667 = arith.subi %sign3A_1663, %sign3A_1666 : i32
          %sign3A_1668 = arith.constant 0 : i32
          %sign3A_1669 = arith.cmpi sgt, %jit3A_1659, %sign3A_1668 : i32
          %sign3A_1670 = arith.extui %sign3A_1669 : i1 to i32
          %sign3A_1671 = arith.constant 0 : i32
          %sign3A_1672 = arith.cmpi slt, %jit3A_1659, %sign3A_1671 : i32
          %sign3A_1673 = arith.extui %sign3A_1672 : i1 to i32
          %sign3A_1674 = arith.subi %sign3A_1670, %sign3A_1673 : i32
          %ne3A_1675 = arith.cmpi ne, %sign3A_1667, %sign3A_1674 : i32
          %rem3A_1676 = arith.remsi %add3A_1658, %jit3A_1659 : i32
          %ne3A_1677 = arith.constant 0 : i32
          %ne3A_1678 = arith.cmpi ne, %rem3A_1676, %ne3A_1677 : i32
          %and3A_1679 = arith.andi %ne3A_1675, %ne3A_1678 : i1
          %sub3A_1680 = arith.constant 1 : i32
          %sub3A_1681 = arith.subi %div3A_1660, %sub3A_1680 : i32
          %select_n3A_1682 = arith.select %and3A_1679, %sub3A_1681, %div3A_1660 : i32
          %jit3A_1683 = arith.constant 4 : i32
          %div3A_1684 = arith.divsi %select_n3A_1682, %jit3A_1683 : i32
          %sign3A_1685 = arith.constant 0 : i32
          %sign3A_1686 = arith.cmpi sgt, %select_n3A_1682, %sign3A_1685 : i32
          %sign3A_1687 = arith.extui %sign3A_1686 : i1 to i32
          %sign3A_1688 = arith.constant 0 : i32
          %sign3A_1689 = arith.cmpi slt, %select_n3A_1682, %sign3A_1688 : i32
          %sign3A_1690 = arith.extui %sign3A_1689 : i1 to i32
          %sign3A_1691 = arith.subi %sign3A_1687, %sign3A_1690 : i32
          %sign3A_1692 = arith.constant 0 : i32
          %sign3A_1693 = arith.cmpi sgt, %jit3A_1683, %sign3A_1692 : i32
          %sign3A_1694 = arith.extui %sign3A_1693 : i1 to i32
          %sign3A_1695 = arith.constant 0 : i32
          %sign3A_1696 = arith.cmpi slt, %jit3A_1683, %sign3A_1695 : i32
          %sign3A_1697 = arith.extui %sign3A_1696 : i1 to i32
          %sign3A_1698 = arith.subi %sign3A_1694, %sign3A_1697 : i32
          %ne3A_1699 = arith.cmpi ne, %sign3A_1691, %sign3A_1698 : i32
          %rem3A_1700 = arith.remsi %select_n3A_1682, %jit3A_1683 : i32
          %ne3A_1701 = arith.constant 0 : i32
          %ne3A_1702 = arith.cmpi ne, %rem3A_1700, %ne3A_1701 : i32
          %and3A_1703 = arith.andi %ne3A_1699, %ne3A_1702 : i1
          %sub3A_1704 = arith.constant 1 : i32
          %sub3A_1705 = arith.subi %div3A_1684, %sub3A_1704 : i32
          %select_n3A_1706 = arith.select %and3A_1703, %sub3A_1705, %div3A_1684 : i32
          %jit3A_1707 = arith.constant 4 : i32
          %eq3A_1708 = arith.constant 0 : i32
          %eq3A_1709 = arith.cmpi eq, %jit3A_1707, %eq3A_1708 : i32
          %jit3A_1710 = arith.constant 1 : i32
          %select_n3A_1711 = arith.select %eq3A_1709, %jit3A_1710, %jit3A_1707 : i32
          %rem3A_1712 = arith.remsi %select_n3A_1682, %select_n3A_1711 : i32
          %ne3A_1713 = arith.constant 0 : i32
          %ne3A_1714 = arith.cmpi ne, %rem3A_1712, %ne3A_1713 : i32
          %lt3A_1715 = arith.constant 0 : i32
          %lt3A_1716 = arith.cmpi slt, %rem3A_1712, %lt3A_1715 : i32
          %lt3A_1717 = arith.constant 0 : i32
          %lt3A_1718 = arith.cmpi slt, %select_n3A_1711, %lt3A_1717 : i32
          %ne3A_1719 = arith.xori %lt3A_1716, %lt3A_1718 : i1
          %and3A_1720 = arith.andi %ne3A_1719, %ne3A_1714 : i1
          %add3A_1721 = arith.addi %rem3A_1712, %select_n3A_1711 : i32
          %select_n3A_1722 = arith.select %and3A_1720, %add3A_1721, %rem3A_1712 : i32
          %mul3A_1723 = arith.constant 5 : i32
          %mul3A_1724 = arith.muli %select_n3A_1706, %mul3A_1723 : i32
          %add3A_1725 = arith.addi %mul3A_1724, %select_n3A_1722 : i32
          %add3A_1726 = arith.constant 1 : i32
          %add3A_1727 = arith.addi %add3A_1725, %add3A_1726 : i32
          %mul3A_1728 = arith.constant 1024 : i32
          %mul3A_1729 = arith.muli %add3A_1727, %mul3A_1728 : i32
          %jit3A_1730 = arith.constant 8 : i32
          %eq3A_1731 = arith.constant 0 : i32
          %eq3A_1732 = arith.cmpi eq, %jit3A_1730, %eq3A_1731 : i32
          %jit3A_1733 = arith.constant 1 : i32
          %select_n3A_1734 = arith.select %eq3A_1732, %jit3A_1733, %jit3A_1730 : i32
          %rem3A_1735 = arith.remsi %add3A_1658, %select_n3A_1734 : i32
          %ne3A_1736 = arith.constant 0 : i32
          %ne3A_1737 = arith.cmpi ne, %rem3A_1735, %ne3A_1736 : i32
          %lt3A_1738 = arith.constant 0 : i32
          %lt3A_1739 = arith.cmpi slt, %rem3A_1735, %lt3A_1738 : i32
          %lt3A_1740 = arith.constant 0 : i32
          %lt3A_1741 = arith.cmpi slt, %select_n3A_1734, %lt3A_1740 : i32
          %ne3A_1742 = arith.xori %lt3A_1739, %lt3A_1741 : i1
          %and3A_1743 = arith.andi %ne3A_1742, %ne3A_1737 : i1
          %add3A_1744 = arith.addi %rem3A_1735, %select_n3A_1734 : i32
          %select_n3A_1745 = arith.select %and3A_1743, %add3A_1744, %rem3A_1735 : i32
          %mul3A_1746 = arith.constant 128 : i32
          %mul3A_1747 = arith.muli %select_n3A_1745, %mul3A_1746 : i32
          %add3A_1748 = arith.addi %mul3A_1729, %mul3A_1747 : i32
          %dma_wait3A_1749 = arith.constant 0 : i32
          %dma_wait3A_1750 = arith.constant 0 : i32
          %dma_wait3A_1751 = tpu.memref_slice %arg11[%dma_wait3A_1749, %dma_wait3A_1750] : memref<128x128xf32, #tpu.memory_space<vmem>> -> memref<128x128xf32, #tpu.memory_space<vmem>>
          %dma_wait3A_1752 = arith.constant 0 : i32
          %dma_wait3A_1753 = tpu.memref_slice %arg5[%add3A_1748, %dma_wait3A_1752] : memref<256000x128xf32, #tpu.memory_space<hbm>> -> memref<128x128xf32, #tpu.memory_space<hbm>>
          %dma_wait3A_1754 = arith.constant 0 : i32
          %dma_wait3A_1755 = tpu.memref_slice %arg5[%add3A_1748, %dma_wait3A_1754] : memref<256000x128xf32, #tpu.memory_space<hbm>> -> memref<128x128xf32, #tpu.memory_space<hbm>>
          %dma_wait3A_1756 = arith.constant 0 : i32
          %dma_wait3A_1757 = arith.constant 0 : i32
          %dma_wait3A_1758 = tpu.memref_slice %arg11[%dma_wait3A_1756, %dma_wait3A_1757] : memref<128x128xf32, #tpu.memory_space<vmem>> -> memref<128x128xf32, #tpu.memory_space<vmem>>
          tpu.wait_dma2 semaphore(%arg13 : memref<!tpu.dma_semaphore, #tpu.memory_space<semaphore_mem>>) src(%dma_wait3A_1758 : memref<128x128xf32, #tpu.memory_space<vmem>>) dst(%dma_wait3A_1755 : memref<128x128xf32, #tpu.memory_space<hbm>>)
        } else {
        }
        %add3A_1642 = arith.constant 2 : i32
        %add3A_1643 = arith.addi %add3A_1518, %add3A_1642 : i32
        %mul3A_1644 = arith.constant 128 : i32
        %mul3A_1645 = arith.muli %add3A_1643, %mul3A_1644 : i32
        %dma_start3A_1646 = arith.constant 0 : i32
        %dma_start3A_1647 = arith.constant 0 : i32
        %dma_start3A_1648 = tpu.memref_slice %arg11[%dma_start3A_1646, %dma_start3A_1647] : memref<128x128xf32, #tpu.memory_space<vmem>> -> memref<128x128xf32, #tpu.memory_space<vmem>>
        %dma_start3A_1649 = tpu.memref_slice %arg7[%mul3A_1645] : memref<6400xi32, #tpu.memory_space<vmem>> -> memref<128xi32, #tpu.memory_space<vmem>>
        %dma_start3A_1650 = arith.constant 0 : i32
        %dma_start3A_1651 = arith.constant 0 : i32
        %dma_start3A_1652 = tpu.memref_slice %arg6[%dma_start3A_1650, %dma_start3A_1651] : memref<4000x128xf32, #tpu.memory_space<vmem_shared>> -> memref<4000x128xf32, #tpu.memory_space<vmem_shared>>
        tpu.enqueue_indirect_dma source(%dma_start3A_1652 : memref<4000x128xf32, #tpu.memory_space<vmem_shared>>) target(%dma_start3A_1648 : memref<128x128xf32, #tpu.memory_space<vmem>>) offsets(%dma_start3A_1649 : memref<128xi32, #tpu.memory_space<vmem>>) semaphore(%arg12 : memref<!tpu.dma_semaphore, #tpu.memory_space<semaphore_mem>>)
      } else {
      }
    }
    %scan3A_26 = arith.constant 12 : i32
    %dma_wait3A = arith.constant 0 : i32
    %dma_wait3A_27 = arith.constant 0 : i32
    %dma_wait3A_28 = tpu.memref_slice %arg8[%dma_wait3A, %dma_wait3A_27] : memref<128x128xf32, #tpu.memory_space<vmem>> -> memref<128x128xf32, #tpu.memory_space<vmem>>
    %dma_wait3A_29 = arith.constant 6144 : i32
    %dma_wait3A_30 = tpu.memref_slice %arg7[%dma_wait3A_29] : memref<6400xi32, #tpu.memory_space<vmem>> -> memref<128xi32, #tpu.memory_space<vmem>>
    %dma_wait3A_31 = arith.constant 0 : i32
    %dma_wait3A_32 = arith.constant 0 : i32
    %dma_wait3A_33 = tpu.memref_slice %arg6[%dma_wait3A_31, %dma_wait3A_32] : memref<4000x128xf32, #tpu.memory_space<vmem_shared>> -> memref<4000x128xf32, #tpu.memory_space<vmem_shared>>
    tpu.wait_indirect_dma semaphore(%arg9 : memref<!tpu.dma_semaphore, #tpu.memory_space<semaphore_mem>>) src(%dma_wait3A_33 : memref<4000x128xf32, #tpu.memory_space<vmem_shared>>) dst(%dma_wait3A_28 : memref<128x128xf32, #tpu.memory_space<vmem>>)
    %mul3A_34 = arith.constant 50 : i32
    %mul3A_35 = arith.muli %add3A, %mul3A_34 : i32
    %add3A_36 = arith.constant 48 : i32
    %add3A_37 = arith.addi %mul3A_35, %add3A_36 : i32
    %jit3A = arith.constant 8 : i32
    %div3A = arith.divsi %add3A_37, %jit3A : i32
    %sign3A = arith.constant 0 : i32
    %sign3A_38 = arith.cmpi sgt, %add3A_37, %sign3A : i32
    %sign3A_39 = arith.extui %sign3A_38 : i1 to i32
    %sign3A_40 = arith.constant 0 : i32
    %sign3A_41 = arith.cmpi slt, %add3A_37, %sign3A_40 : i32
    %sign3A_42 = arith.extui %sign3A_41 : i1 to i32
    %sign3A_43 = arith.subi %sign3A_39, %sign3A_42 : i32
    %sign3A_44 = arith.constant 0 : i32
    %sign3A_45 = arith.cmpi sgt, %jit3A, %sign3A_44 : i32
    %sign3A_46 = arith.extui %sign3A_45 : i1 to i32
    %sign3A_47 = arith.constant 0 : i32
    %sign3A_48 = arith.cmpi slt, %jit3A, %sign3A_47 : i32
    %sign3A_49 = arith.extui %sign3A_48 : i1 to i32
    %sign3A_50 = arith.subi %sign3A_46, %sign3A_49 : i32
    %ne3A = arith.cmpi ne, %sign3A_43, %sign3A_50 : i32
    %rem3A = arith.remsi %add3A_37, %jit3A : i32
    %ne3A_51 = arith.constant 0 : i32
    %ne3A_52 = arith.cmpi ne, %rem3A, %ne3A_51 : i32
    %and3A = arith.andi %ne3A, %ne3A_52 : i1
    %sub3A = arith.constant 1 : i32
    %sub3A_53 = arith.subi %div3A, %sub3A : i32
    %select_n3A = arith.select %and3A, %sub3A_53, %div3A : i32
    %jit3A_54 = arith.constant 4 : i32
    %div3A_55 = arith.divsi %select_n3A, %jit3A_54 : i32
    %sign3A_56 = arith.constant 0 : i32
    %sign3A_57 = arith.cmpi sgt, %select_n3A, %sign3A_56 : i32
    %sign3A_58 = arith.extui %sign3A_57 : i1 to i32
    %sign3A_59 = arith.constant 0 : i32
    %sign3A_60 = arith.cmpi slt, %select_n3A, %sign3A_59 : i32
    %sign3A_61 = arith.extui %sign3A_60 : i1 to i32
    %sign3A_62 = arith.subi %sign3A_58, %sign3A_61 : i32
    %sign3A_63 = arith.constant 0 : i32
    %sign3A_64 = arith.cmpi sgt, %jit3A_54, %sign3A_63 : i32
    %sign3A_65 = arith.extui %sign3A_64 : i1 to i32
    %sign3A_66 = arith.constant 0 : i32
    %sign3A_67 = arith.cmpi slt, %jit3A_54, %sign3A_66 : i32
    %sign3A_68 = arith.extui %sign3A_67 : i1 to i32
    %sign3A_69 = arith.subi %sign3A_65, %sign3A_68 : i32
    %ne3A_70 = arith.cmpi ne, %sign3A_62, %sign3A_69 : i32
    %rem3A_71 = arith.remsi %select_n3A, %jit3A_54 : i32
    %ne3A_72 = arith.constant 0 : i32
    %ne3A_73 = arith.cmpi ne, %rem3A_71, %ne3A_72 : i32
    %and3A_74 = arith.andi %ne3A_70, %ne3A_73 : i1
    %sub3A_75 = arith.constant 1 : i32
    %sub3A_76 = arith.subi %div3A_55, %sub3A_75 : i32
    %select_n3A_77 = arith.select %and3A_74, %sub3A_76, %div3A_55 : i32
    %jit3A_78 = arith.constant 4 : i32
    %eq3A_79 = arith.constant 0 : i32
    %eq3A_80 = arith.cmpi eq, %jit3A_78, %eq3A_79 : i32
    %jit3A_81 = arith.constant 1 : i32
    %select_n3A_82 = arith.select %eq3A_80, %jit3A_81, %jit3A_78 : i32
    %rem3A_83 = arith.remsi %select_n3A, %select_n3A_82 : i32
    %ne3A_84 = arith.constant 0 : i32
    %ne3A_85 = arith.cmpi ne, %rem3A_83, %ne3A_84 : i32
    %lt3A = arith.constant 0 : i32
    %lt3A_86 = arith.cmpi slt, %rem3A_83, %lt3A : i32
    %lt3A_87 = arith.constant 0 : i32
    %lt3A_88 = arith.cmpi slt, %select_n3A_82, %lt3A_87 : i32
    %ne3A_89 = arith.xori %lt3A_86, %lt3A_88 : i1
    %and3A_90 = arith.andi %ne3A_89, %ne3A_85 : i1
    %add3A_91 = arith.addi %rem3A_83, %select_n3A_82 : i32
    %select_n3A_92 = arith.select %and3A_90, %add3A_91, %rem3A_83 : i32
    %mul3A_93 = arith.constant 5 : i32
    %mul3A_94 = arith.muli %select_n3A_77, %mul3A_93 : i32
    %add3A_95 = arith.addi %mul3A_94, %select_n3A_92 : i32
    %add3A_96 = arith.constant 1 : i32
    %add3A_97 = arith.addi %add3A_95, %add3A_96 : i32
    %mul3A_98 = arith.constant 1024 : i32
    %mul3A_99 = arith.muli %add3A_97, %mul3A_98 : i32
    %jit3A_100 = arith.constant 8 : i32
    %eq3A_101 = arith.constant 0 : i32
    %eq3A_102 = arith.cmpi eq, %jit3A_100, %eq3A_101 : i32
    %jit3A_103 = arith.constant 1 : i32
    %select_n3A_104 = arith.select %eq3A_102, %jit3A_103, %jit3A_100 : i32
    %rem3A_105 = arith.remsi %add3A_37, %select_n3A_104 : i32
    %ne3A_106 = arith.constant 0 : i32
    %ne3A_107 = arith.cmpi ne, %rem3A_105, %ne3A_106 : i32
    %lt3A_108 = arith.constant 0 : i32
    %lt3A_109 = arith.cmpi slt, %rem3A_105, %lt3A_108 : i32
    %lt3A_110 = arith.constant 0 : i32
    %lt3A_111 = arith.cmpi slt, %select_n3A_104, %lt3A_110 : i32
    %ne3A_112 = arith.xori %lt3A_109, %lt3A_111 : i1
    %and3A_113 = arith.andi %ne3A_112, %ne3A_107 : i1
    %add3A_114 = arith.addi %rem3A_105, %select_n3A_104 : i32
    %select_n3A_115 = arith.select %and3A_113, %add3A_114, %rem3A_105 : i32
    %mul3A_116 = arith.constant 128 : i32
    %mul3A_117 = arith.muli %select_n3A_115, %mul3A_116 : i32
    %add3A_118 = arith.addi %mul3A_99, %mul3A_117 : i32
    %dma_start3A_119 = arith.constant 0 : i32
    %dma_start3A_120 = arith.constant 0 : i32
    %dma_start3A_121 = tpu.memref_slice %arg8[%dma_start3A_119, %dma_start3A_120] : memref<128x128xf32, #tpu.memory_space<vmem>> -> memref<128x128xf32, #tpu.memory_space<vmem>>
    %dma_start3A_122 = arith.constant 0 : i32
    %dma_start3A_123 = tpu.memref_slice %arg5[%add3A_118, %dma_start3A_122] : memref<256000x128xf32, #tpu.memory_space<hbm>> -> memref<128x128xf32, #tpu.memory_space<hbm>>
    %dma_start3A_124 = arith.constant 0 : i32
    %dma_start3A_125 = tpu.memref_slice %arg5[%add3A_118, %dma_start3A_124] : memref<256000x128xf32, #tpu.memory_space<hbm>> -> memref<128x128xf32, #tpu.memory_space<hbm>>
    %dma_start3A_126 = arith.constant 0 : i32
    %dma_start3A_127 = arith.constant 0 : i32
    %dma_start3A_128 = tpu.memref_slice %arg8[%dma_start3A_126, %dma_start3A_127] : memref<128x128xf32, #tpu.memory_space<vmem>> -> memref<128x128xf32, #tpu.memory_space<vmem>>
    tpu.enqueue_dma source(%dma_start3A_128 : memref<128x128xf32, #tpu.memory_space<vmem>>) target(%dma_start3A_125 : memref<128x128xf32, #tpu.memory_space<hbm>>) target_semaphore(%arg10 : memref<!tpu.dma_semaphore, #tpu.memory_space<semaphore_mem>>)
    %dma_wait3A_129 = arith.constant 0 : i32
    %dma_wait3A_130 = arith.constant 0 : i32
    %dma_wait3A_131 = tpu.memref_slice %arg11[%dma_wait3A_129, %dma_wait3A_130] : memref<128x128xf32, #tpu.memory_space<vmem>> -> memref<128x128xf32, #tpu.memory_space<vmem>>
    %dma_wait3A_132 = arith.constant 6272 : i32
    %dma_wait3A_133 = tpu.memref_slice %arg7[%dma_wait3A_132] : memref<6400xi32, #tpu.memory_space<vmem>> -> memref<128xi32, #tpu.memory_space<vmem>>
    %dma_wait3A_134 = arith.constant 0 : i32
    %dma_wait3A_135 = arith.constant 0 : i32
    %dma_wait3A_136 = tpu.memref_slice %arg6[%dma_wait3A_134, %dma_wait3A_135] : memref<4000x128xf32, #tpu.memory_space<vmem_shared>> -> memref<4000x128xf32, #tpu.memory_space<vmem_shared>>
    tpu.wait_indirect_dma semaphore(%arg12 : memref<!tpu.dma_semaphore, #tpu.memory_space<semaphore_mem>>) src(%dma_wait3A_136 : memref<4000x128xf32, #tpu.memory_space<vmem_shared>>) dst(%dma_wait3A_131 : memref<128x128xf32, #tpu.memory_space<vmem>>)
    %mul3A_137 = arith.constant 50 : i32
    %mul3A_138 = arith.muli %add3A, %mul3A_137 : i32
    %add3A_139 = arith.constant 49 : i32
    %add3A_140 = arith.addi %mul3A_138, %add3A_139 : i32
    %jit3A_141 = arith.constant 8 : i32
    %div3A_142 = arith.divsi %add3A_140, %jit3A_141 : i32
    %sign3A_143 = arith.constant 0 : i32
    %sign3A_144 = arith.cmpi sgt, %add3A_140, %sign3A_143 : i32
    %sign3A_145 = arith.extui %sign3A_144 : i1 to i32
    %sign3A_146 = arith.constant 0 : i32
    %sign3A_147 = arith.cmpi slt, %add3A_140, %sign3A_146 : i32
    %sign3A_148 = arith.extui %sign3A_147 : i1 to i32
    %sign3A_149 = arith.subi %sign3A_145, %sign3A_148 : i32
    %sign3A_150 = arith.constant 0 : i32
    %sign3A_151 = arith.cmpi sgt, %jit3A_141, %sign3A_150 : i32
    %sign3A_152 = arith.extui %sign3A_151 : i1 to i32
    %sign3A_153 = arith.constant 0 : i32
    %sign3A_154 = arith.cmpi slt, %jit3A_141, %sign3A_153 : i32
    %sign3A_155 = arith.extui %sign3A_154 : i1 to i32
    %sign3A_156 = arith.subi %sign3A_152, %sign3A_155 : i32
    %ne3A_157 = arith.cmpi ne, %sign3A_149, %sign3A_156 : i32
    %rem3A_158 = arith.remsi %add3A_140, %jit3A_141 : i32
    %ne3A_159 = arith.constant 0 : i32
    %ne3A_160 = arith.cmpi ne, %rem3A_158, %ne3A_159 : i32
    %and3A_161 = arith.andi %ne3A_157, %ne3A_160 : i1
    %sub3A_162 = arith.constant 1 : i32
    %sub3A_163 = arith.subi %div3A_142, %sub3A_162 : i32
    %select_n3A_164 = arith.select %and3A_161, %sub3A_163, %div3A_142 : i32
    %jit3A_165 = arith.constant 4 : i32
    %div3A_166 = arith.divsi %select_n3A_164, %jit3A_165 : i32
    %sign3A_167 = arith.constant 0 : i32
    %sign3A_168 = arith.cmpi sgt, %select_n3A_164, %sign3A_167 : i32
    %sign3A_169 = arith.extui %sign3A_168 : i1 to i32
    %sign3A_170 = arith.constant 0 : i32
    %sign3A_171 = arith.cmpi slt, %select_n3A_164, %sign3A_170 : i32
    %sign3A_172 = arith.extui %sign3A_171 : i1 to i32
    %sign3A_173 = arith.subi %sign3A_169, %sign3A_172 : i32
    %sign3A_174 = arith.constant 0 : i32
    %sign3A_175 = arith.cmpi sgt, %jit3A_165, %sign3A_174 : i32
    %sign3A_176 = arith.extui %sign3A_175 : i1 to i32
    %sign3A_177 = arith.constant 0 : i32
    %sign3A_178 = arith.cmpi slt, %jit3A_165, %sign3A_177 : i32
    %sign3A_179 = arith.extui %sign3A_178 : i1 to i32
    %sign3A_180 = arith.subi %sign3A_176, %sign3A_179 : i32
    %ne3A_181 = arith.cmpi ne, %sign3A_173, %sign3A_180 : i32
    %rem3A_182 = arith.remsi %select_n3A_164, %jit3A_165 : i32
    %ne3A_183 = arith.constant 0 : i32
    %ne3A_184 = arith.cmpi ne, %rem3A_182, %ne3A_183 : i32
    %and3A_185 = arith.andi %ne3A_181, %ne3A_184 : i1
    %sub3A_186 = arith.constant 1 : i32
    %sub3A_187 = arith.subi %div3A_166, %sub3A_186 : i32
    %select_n3A_188 = arith.select %and3A_185, %sub3A_187, %div3A_166 : i32
    %jit3A_189 = arith.constant 4 : i32
    %eq3A_190 = arith.constant 0 : i32
    %eq3A_191 = arith.cmpi eq, %jit3A_189, %eq3A_190 : i32
    %jit3A_192 = arith.constant 1 : i32
    %select_n3A_193 = arith.select %eq3A_191, %jit3A_192, %jit3A_189 : i32
    %rem3A_194 = arith.remsi %select_n3A_164, %select_n3A_193 : i32
    %ne3A_195 = arith.constant 0 : i32
    %ne3A_196 = arith.cmpi ne, %rem3A_194, %ne3A_195 : i32
    %lt3A_197 = arith.constant 0 : i32
    %lt3A_198 = arith.cmpi slt, %rem3A_194, %lt3A_197 : i32
    %lt3A_199 = arith.constant 0 : i32
    %lt3A_200 = arith.cmpi slt, %select_n3A_193, %lt3A_199 : i32
    %ne3A_201 = arith.xori %lt3A_198, %lt3A_200 : i1
    %and3A_202 = arith.andi %ne3A_201, %ne3A_196 : i1
    %add3A_203 = arith.addi %rem3A_194, %select_n3A_193 : i32
    %select_n3A_204 = arith.select %and3A_202, %add3A_203, %rem3A_194 : i32
    %mul3A_205 = arith.constant 5 : i32
    %mul3A_206 = arith.muli %select_n3A_188, %mul3A_205 : i32
    %add3A_207 = arith.addi %mul3A_206, %select_n3A_204 : i32
    %add3A_208 = arith.constant 1 : i32
    %add3A_209 = arith.addi %add3A_207, %add3A_208 : i32
    %mul3A_210 = arith.constant 1024 : i32
    %mul3A_211 = arith.muli %add3A_209, %mul3A_210 : i32
    %jit3A_212 = arith.constant 8 : i32
    %eq3A_213 = arith.constant 0 : i32
    %eq3A_214 = arith.cmpi eq, %jit3A_212, %eq3A_213 : i32
    %jit3A_215 = arith.constant 1 : i32
    %select_n3A_216 = arith.select %eq3A_214, %jit3A_215, %jit3A_212 : i32
    %rem3A_217 = arith.remsi %add3A_140, %select_n3A_216 : i32
    %ne3A_218 = arith.constant 0 : i32
    %ne3A_219 = arith.cmpi ne, %rem3A_217, %ne3A_218 : i32
    %lt3A_220 = arith.constant 0 : i32
    %lt3A_221 = arith.cmpi slt, %rem3A_217, %lt3A_220 : i32
    %lt3A_222 = arith.constant 0 : i32
    %lt3A_223 = arith.cmpi slt, %select_n3A_216, %lt3A_222 : i32
    %ne3A_224 = arith.xori %lt3A_221, %lt3A_223 : i1
    %and3A_225 = arith.andi %ne3A_224, %ne3A_219 : i1
    %add3A_226 = arith.addi %rem3A_217, %select_n3A_216 : i32
    %select_n3A_227 = arith.select %and3A_225, %add3A_226, %rem3A_217 : i32
    %mul3A_228 = arith.constant 128 : i32
    %mul3A_229 = arith.muli %select_n3A_227, %mul3A_228 : i32
    %add3A_230 = arith.addi %mul3A_211, %mul3A_229 : i32
    %dma_start3A_231 = arith.constant 0 : i32
    %dma_start3A_232 = arith.constant 0 : i32
    %dma_start3A_233 = tpu.memref_slice %arg11[%dma_start3A_231, %dma_start3A_232] : memref<128x128xf32, #tpu.memory_space<vmem>> -> memref<128x128xf32, #tpu.memory_space<vmem>>
    %dma_start3A_234 = arith.constant 0 : i32
    %dma_start3A_235 = tpu.memref_slice %arg5[%add3A_230, %dma_start3A_234] : memref<256000x128xf32, #tpu.memory_space<hbm>> -> memref<128x128xf32, #tpu.memory_space<hbm>>
    %dma_start3A_236 = arith.constant 0 : i32
    %dma_start3A_237 = tpu.memref_slice %arg5[%add3A_230, %dma_start3A_236] : memref<256000x128xf32, #tpu.memory_space<hbm>> -> memref<128x128xf32, #tpu.memory_space<hbm>>
    %dma_start3A_238 = arith.constant 0 : i32
    %dma_start3A_239 = arith.constant 0 : i32
    %dma_start3A_240 = tpu.memref_slice %arg11[%dma_start3A_238, %dma_start3A_239] : memref<128x128xf32, #tpu.memory_space<vmem>> -> memref<128x128xf32, #tpu.memory_space<vmem>>
    tpu.enqueue_dma source(%dma_start3A_240 : memref<128x128xf32, #tpu.memory_space<vmem>>) target(%dma_start3A_237 : memref<128x128xf32, #tpu.memory_space<hbm>>) target_semaphore(%arg13 : memref<!tpu.dma_semaphore, #tpu.memory_space<semaphore_mem>>)
    %mul3A_241 = arith.constant 50 : i32
    %mul3A_242 = arith.muli %add3A, %mul3A_241 : i32
    %add3A_243 = arith.constant 46 : i32
    %add3A_244 = arith.addi %mul3A_242, %add3A_243 : i32
    %jit3A_245 = arith.constant 8 : i32
    %div3A_246 = arith.divsi %add3A_244, %jit3A_245 : i32
    %sign3A_247 = arith.constant 0 : i32
    %sign3A_248 = arith.cmpi sgt, %add3A_244, %sign3A_247 : i32
    %sign3A_249 = arith.extui %sign3A_248 : i1 to i32
    %sign3A_250 = arith.constant 0 : i32
    %sign3A_251 = arith.cmpi slt, %add3A_244, %sign3A_250 : i32
    %sign3A_252 = arith.extui %sign3A_251 : i1 to i32
    %sign3A_253 = arith.subi %sign3A_249, %sign3A_252 : i32
    %sign3A_254 = arith.constant 0 : i32
    %sign3A_255 = arith.cmpi sgt, %jit3A_245, %sign3A_254 : i32
    %sign3A_256 = arith.extui %sign3A_255 : i1 to i32
    %sign3A_257 = arith.constant 0 : i32
    %sign3A_258 = arith.cmpi slt, %jit3A_245, %sign3A_257 : i32
    %sign3A_259 = arith.extui %sign3A_258 : i1 to i32
    %sign3A_260 = arith.subi %sign3A_256, %sign3A_259 : i32
    %ne3A_261 = arith.cmpi ne, %sign3A_253, %sign3A_260 : i32
    %rem3A_262 = arith.remsi %add3A_244, %jit3A_245 : i32
    %ne3A_263 = arith.constant 0 : i32
    %ne3A_264 = arith.cmpi ne, %rem3A_262, %ne3A_263 : i32
    %and3A_265 = arith.andi %ne3A_261, %ne3A_264 : i1
    %sub3A_266 = arith.constant 1 : i32
    %sub3A_267 = arith.subi %div3A_246, %sub3A_266 : i32
    %select_n3A_268 = arith.select %and3A_265, %sub3A_267, %div3A_246 : i32
    %jit3A_269 = arith.constant 4 : i32
    %div3A_270 = arith.divsi %select_n3A_268, %jit3A_269 : i32
    %sign3A_271 = arith.constant 0 : i32
    %sign3A_272 = arith.cmpi sgt, %select_n3A_268, %sign3A_271 : i32
    %sign3A_273 = arith.extui %sign3A_272 : i1 to i32
    %sign3A_274 = arith.constant 0 : i32
    %sign3A_275 = arith.cmpi slt, %select_n3A_268, %sign3A_274 : i32
    %sign3A_276 = arith.extui %sign3A_275 : i1 to i32
    %sign3A_277 = arith.subi %sign3A_273, %sign3A_276 : i32
    %sign3A_278 = arith.constant 0 : i32
    %sign3A_279 = arith.cmpi sgt, %jit3A_269, %sign3A_278 : i32
    %sign3A_280 = arith.extui %sign3A_279 : i1 to i32
    %sign3A_281 = arith.constant 0 : i32
    %sign3A_282 = arith.cmpi slt, %jit3A_269, %sign3A_281 : i32
    %sign3A_283 = arith.extui %sign3A_282 : i1 to i32
    %sign3A_284 = arith.subi %sign3A_280, %sign3A_283 : i32
    %ne3A_285 = arith.cmpi ne, %sign3A_277, %sign3A_284 : i32
    %rem3A_286 = arith.remsi %select_n3A_268, %jit3A_269 : i32
    %ne3A_287 = arith.constant 0 : i32
    %ne3A_288 = arith.cmpi ne, %rem3A_286, %ne3A_287 : i32
    %and3A_289 = arith.andi %ne3A_285, %ne3A_288 : i1
    %sub3A_290 = arith.constant 1 : i32
    %sub3A_291 = arith.subi %div3A_270, %sub3A_290 : i32
    %select_n3A_292 = arith.select %and3A_289, %sub3A_291, %div3A_270 : i32
    %jit3A_293 = arith.constant 4 : i32
    %eq3A_294 = arith.constant 0 : i32
    %eq3A_295 = arith.cmpi eq, %jit3A_293, %eq3A_294 : i32
    %jit3A_296 = arith.constant 1 : i32
    %select_n3A_297 = arith.select %eq3A_295, %jit3A_296, %jit3A_293 : i32
    %rem3A_298 = arith.remsi %select_n3A_268, %select_n3A_297 : i32
    %ne3A_299 = arith.constant 0 : i32
    %ne3A_300 = arith.cmpi ne, %rem3A_298, %ne3A_299 : i32
    %lt3A_301 = arith.constant 0 : i32
    %lt3A_302 = arith.cmpi slt, %rem3A_298, %lt3A_301 : i32
    %lt3A_303 = arith.constant 0 : i32
    %lt3A_304 = arith.cmpi slt, %select_n3A_297, %lt3A_303 : i32
    %ne3A_305 = arith.xori %lt3A_302, %lt3A_304 : i1
    %and3A_306 = arith.andi %ne3A_305, %ne3A_300 : i1
    %add3A_307 = arith.addi %rem3A_298, %select_n3A_297 : i32
    %select_n3A_308 = arith.select %and3A_306, %add3A_307, %rem3A_298 : i32
    %mul3A_309 = arith.constant 5 : i32
    %mul3A_310 = arith.muli %select_n3A_292, %mul3A_309 : i32
    %add3A_311 = arith.addi %mul3A_310, %select_n3A_308 : i32
    %add3A_312 = arith.constant 1 : i32
    %add3A_313 = arith.addi %add3A_311, %add3A_312 : i32
    %mul3A_314 = arith.constant 1024 : i32
    %mul3A_315 = arith.muli %add3A_313, %mul3A_314 : i32
    %jit3A_316 = arith.constant 8 : i32
    %eq3A_317 = arith.constant 0 : i32
    %eq3A_318 = arith.cmpi eq, %jit3A_316, %eq3A_317 : i32
    %jit3A_319 = arith.constant 1 : i32
    %select_n3A_320 = arith.select %eq3A_318, %jit3A_319, %jit3A_316 : i32
    %rem3A_321 = arith.remsi %add3A_244, %select_n3A_320 : i32
    %ne3A_322 = arith.constant 0 : i32
    %ne3A_323 = arith.cmpi ne, %rem3A_321, %ne3A_322 : i32
    %lt3A_324 = arith.constant 0 : i32
    %lt3A_325 = arith.cmpi slt, %rem3A_321, %lt3A_324 : i32
    %lt3A_326 = arith.constant 0 : i32
    %lt3A_327 = arith.cmpi slt, %select_n3A_320, %lt3A_326 : i32
    %ne3A_328 = arith.xori %lt3A_325, %lt3A_327 : i1
    %and3A_329 = arith.andi %ne3A_328, %ne3A_323 : i1
    %add3A_330 = arith.addi %rem3A_321, %select_n3A_320 : i32
    %select_n3A_331 = arith.select %and3A_329, %add3A_330, %rem3A_321 : i32
    %mul3A_332 = arith.constant 128 : i32
    %mul3A_333 = arith.muli %select_n3A_331, %mul3A_332 : i32
    %add3A_334 = arith.addi %mul3A_315, %mul3A_333 : i32
    %dma_wait3A_335 = arith.constant 0 : i32
    %dma_wait3A_336 = arith.constant 0 : i32
    %dma_wait3A_337 = tpu.memref_slice %arg14[%dma_wait3A_335, %dma_wait3A_336] : memref<128x128xf32, #tpu.memory_space<vmem>> -> memref<128x128xf32, #tpu.memory_space<vmem>>
    %dma_wait3A_338 = arith.constant 0 : i32
    %dma_wait3A_339 = tpu.memref_slice %arg5[%add3A_334, %dma_wait3A_338] : memref<256000x128xf32, #tpu.memory_space<hbm>> -> memref<128x128xf32, #tpu.memory_space<hbm>>
    %dma_wait3A_340 = arith.constant 0 : i32
    %dma_wait3A_341 = tpu.memref_slice %arg5[%add3A_334, %dma_wait3A_340] : memref<256000x128xf32, #tpu.memory_space<hbm>> -> memref<128x128xf32, #tpu.memory_space<hbm>>
    %dma_wait3A_342 = arith.constant 0 : i32
    %dma_wait3A_343 = arith.constant 0 : i32
    %dma_wait3A_344 = tpu.memref_slice %arg14[%dma_wait3A_342, %dma_wait3A_343] : memref<128x128xf32, #tpu.memory_space<vmem>> -> memref<128x128xf32, #tpu.memory_space<vmem>>
    tpu.wait_dma2 semaphore(%arg16 : memref<!tpu.dma_semaphore, #tpu.memory_space<semaphore_mem>>) src(%dma_wait3A_344 : memref<128x128xf32, #tpu.memory_space<vmem>>) dst(%dma_wait3A_341 : memref<128x128xf32, #tpu.memory_space<hbm>>)
    %mul3A_345 = arith.constant 50 : i32
    %mul3A_346 = arith.muli %add3A, %mul3A_345 : i32
    %add3A_347 = arith.constant 47 : i32
    %add3A_348 = arith.addi %mul3A_346, %add3A_347 : i32
    %jit3A_349 = arith.constant 8 : i32
    %div3A_350 = arith.divsi %add3A_348, %jit3A_349 : i32
    %sign3A_351 = arith.constant 0 : i32
    %sign3A_352 = arith.cmpi sgt, %add3A_348, %sign3A_351 : i32
    %sign3A_353 = arith.extui %sign3A_352 : i1 to i32
    %sign3A_354 = arith.constant 0 : i32
    %sign3A_355 = arith.cmpi slt, %add3A_348, %sign3A_354 : i32
    %sign3A_356 = arith.extui %sign3A_355 : i1 to i32
    %sign3A_357 = arith.subi %sign3A_353, %sign3A_356 : i32
    %sign3A_358 = arith.constant 0 : i32
    %sign3A_359 = arith.cmpi sgt, %jit3A_349, %sign3A_358 : i32
    %sign3A_360 = arith.extui %sign3A_359 : i1 to i32
    %sign3A_361 = arith.constant 0 : i32
    %sign3A_362 = arith.cmpi slt, %jit3A_349, %sign3A_361 : i32
    %sign3A_363 = arith.extui %sign3A_362 : i1 to i32
    %sign3A_364 = arith.subi %sign3A_360, %sign3A_363 : i32
    %ne3A_365 = arith.cmpi ne, %sign3A_357, %sign3A_364 : i32
    %rem3A_366 = arith.remsi %add3A_348, %jit3A_349 : i32
    %ne3A_367 = arith.constant 0 : i32
    %ne3A_368 = arith.cmpi ne, %rem3A_366, %ne3A_367 : i32
    %and3A_369 = arith.andi %ne3A_365, %ne3A_368 : i1
    %sub3A_370 = arith.constant 1 : i32
    %sub3A_371 = arith.subi %div3A_350, %sub3A_370 : i32
    %select_n3A_372 = arith.select %and3A_369, %sub3A_371, %div3A_350 : i32
    %jit3A_373 = arith.constant 4 : i32
    %div3A_374 = arith.divsi %select_n3A_372, %jit3A_373 : i32
    %sign3A_375 = arith.constant 0 : i32
    %sign3A_376 = arith.cmpi sgt, %select_n3A_372, %sign3A_375 : i32
    %sign3A_377 = arith.extui %sign3A_376 : i1 to i32
    %sign3A_378 = arith.constant 0 : i32
    %sign3A_379 = arith.cmpi slt, %select_n3A_372, %sign3A_378 : i32
    %sign3A_380 = arith.extui %sign3A_379 : i1 to i32
    %sign3A_381 = arith.subi %sign3A_377, %sign3A_380 : i32
    %sign3A_382 = arith.constant 0 : i32
    %sign3A_383 = arith.cmpi sgt, %jit3A_373, %sign3A_382 : i32
    %sign3A_384 = arith.extui %sign3A_383 : i1 to i32
    %sign3A_385 = arith.constant 0 : i32
    %sign3A_386 = arith.cmpi slt, %jit3A_373, %sign3A_385 : i32
    %sign3A_387 = arith.extui %sign3A_386 : i1 to i32
    %sign3A_388 = arith.subi %sign3A_384, %sign3A_387 : i32
    %ne3A_389 = arith.cmpi ne, %sign3A_381, %sign3A_388 : i32
    %rem3A_390 = arith.remsi %select_n3A_372, %jit3A_373 : i32
    %ne3A_391 = arith.constant 0 : i32
    %ne3A_392 = arith.cmpi ne, %rem3A_390, %ne3A_391 : i32
    %and3A_393 = arith.andi %ne3A_389, %ne3A_392 : i1
    %sub3A_394 = arith.constant 1 : i32
    %sub3A_395 = arith.subi %div3A_374, %sub3A_394 : i32
    %select_n3A_396 = arith.select %and3A_393, %sub3A_395, %div3A_374 : i32
    %jit3A_397 = arith.constant 4 : i32
    %eq3A_398 = arith.constant 0 : i32
    %eq3A_399 = arith.cmpi eq, %jit3A_397, %eq3A_398 : i32
    %jit3A_400 = arith.constant 1 : i32
    %select_n3A_401 = arith.select %eq3A_399, %jit3A_400, %jit3A_397 : i32
    %rem3A_402 = arith.remsi %select_n3A_372, %select_n3A_401 : i32
    %ne3A_403 = arith.constant 0 : i32
    %ne3A_404 = arith.cmpi ne, %rem3A_402, %ne3A_403 : i32
    %lt3A_405 = arith.constant 0 : i32
    %lt3A_406 = arith.cmpi slt, %rem3A_402, %lt3A_405 : i32
    %lt3A_407 = arith.constant 0 : i32
    %lt3A_408 = arith.cmpi slt, %select_n3A_401, %lt3A_407 : i32
    %ne3A_409 = arith.xori %lt3A_406, %lt3A_408 : i1
    %and3A_410 = arith.andi %ne3A_409, %ne3A_404 : i1
    %add3A_411 = arith.addi %rem3A_402, %select_n3A_401 : i32
    %select_n3A_412 = arith.select %and3A_410, %add3A_411, %rem3A_402 : i32
    %mul3A_413 = arith.constant 5 : i32
    %mul3A_414 = arith.muli %select_n3A_396, %mul3A_413 : i32
    %add3A_415 = arith.addi %mul3A_414, %select_n3A_412 : i32
    %add3A_416 = arith.constant 1 : i32
    %add3A_417 = arith.addi %add3A_415, %add3A_416 : i32
    %mul3A_418 = arith.constant 1024 : i32
    %mul3A_419 = arith.muli %add3A_417, %mul3A_418 : i32
    %jit3A_420 = arith.constant 8 : i32
    %eq3A_421 = arith.constant 0 : i32
    %eq3A_422 = arith.cmpi eq, %jit3A_420, %eq3A_421 : i32
    %jit3A_423 = arith.constant 1 : i32
    %select_n3A_424 = arith.select %eq3A_422, %jit3A_423, %jit3A_420 : i32
    %rem3A_425 = arith.remsi %add3A_348, %select_n3A_424 : i32
    %ne3A_426 = arith.constant 0 : i32
    %ne3A_427 = arith.cmpi ne, %rem3A_425, %ne3A_426 : i32
    %lt3A_428 = arith.constant 0 : i32
    %lt3A_429 = arith.cmpi slt, %rem3A_425, %lt3A_428 : i32
    %lt3A_430 = arith.constant 0 : i32
    %lt3A_431 = arith.cmpi slt, %select_n3A_424, %lt3A_430 : i32
    %ne3A_432 = arith.xori %lt3A_429, %lt3A_431 : i1
    %and3A_433 = arith.andi %ne3A_432, %ne3A_427 : i1
    %add3A_434 = arith.addi %rem3A_425, %select_n3A_424 : i32
    %select_n3A_435 = arith.select %and3A_433, %add3A_434, %rem3A_425 : i32
    %mul3A_436 = arith.constant 128 : i32
    %mul3A_437 = arith.muli %select_n3A_435, %mul3A_436 : i32
    %add3A_438 = arith.addi %mul3A_419, %mul3A_437 : i32
    %dma_wait3A_439 = arith.constant 0 : i32
    %dma_wait3A_440 = arith.constant 0 : i32
    %dma_wait3A_441 = tpu.memref_slice %arg17[%dma_wait3A_439, %dma_wait3A_440] : memref<128x128xf32, #tpu.memory_space<vmem>> -> memref<128x128xf32, #tpu.memory_space<vmem>>
    %dma_wait3A_442 = arith.constant 0 : i32
    %dma_wait3A_443 = tpu.memref_slice %arg5[%add3A_438, %dma_wait3A_442] : memref<256000x128xf32, #tpu.memory_space<hbm>> -> memref<128x128xf32, #tpu.memory_space<hbm>>
    %dma_wait3A_444 = arith.constant 0 : i32
    %dma_wait3A_445 = tpu.memref_slice %arg5[%add3A_438, %dma_wait3A_444] : memref<256000x128xf32, #tpu.memory_space<hbm>> -> memref<128x128xf32, #tpu.memory_space<hbm>>
    %dma_wait3A_446 = arith.constant 0 : i32
    %dma_wait3A_447 = arith.constant 0 : i32
    %dma_wait3A_448 = tpu.memref_slice %arg17[%dma_wait3A_446, %dma_wait3A_447] : memref<128x128xf32, #tpu.memory_space<vmem>> -> memref<128x128xf32, #tpu.memory_space<vmem>>
    tpu.wait_dma2 semaphore(%arg19 : memref<!tpu.dma_semaphore, #tpu.memory_space<semaphore_mem>>) src(%dma_wait3A_448 : memref<128x128xf32, #tpu.memory_space<vmem>>) dst(%dma_wait3A_445 : memref<128x128xf32, #tpu.memory_space<hbm>>)
    %mul3A_449 = arith.constant 50 : i32
    %mul3A_450 = arith.muli %add3A, %mul3A_449 : i32
    %add3A_451 = arith.constant 48 : i32
    %add3A_452 = arith.addi %mul3A_450, %add3A_451 : i32
    %jit3A_453 = arith.constant 8 : i32
    %div3A_454 = arith.divsi %add3A_452, %jit3A_453 : i32
    %sign3A_455 = arith.constant 0 : i32
    %sign3A_456 = arith.cmpi sgt, %add3A_452, %sign3A_455 : i32
    %sign3A_457 = arith.extui %sign3A_456 : i1 to i32
    %sign3A_458 = arith.constant 0 : i32
    %sign3A_459 = arith.cmpi slt, %add3A_452, %sign3A_458 : i32
    %sign3A_460 = arith.extui %sign3A_459 : i1 to i32
    %sign3A_461 = arith.subi %sign3A_457, %sign3A_460 : i32
    %sign3A_462 = arith.constant 0 : i32
    %sign3A_463 = arith.cmpi sgt, %jit3A_453, %sign3A_462 : i32
    %sign3A_464 = arith.extui %sign3A_463 : i1 to i32
    %sign3A_465 = arith.constant 0 : i32
    %sign3A_466 = arith.cmpi slt, %jit3A_453, %sign3A_465 : i32
    %sign3A_467 = arith.extui %sign3A_466 : i1 to i32
    %sign3A_468 = arith.subi %sign3A_464, %sign3A_467 : i32
    %ne3A_469 = arith.cmpi ne, %sign3A_461, %sign3A_468 : i32
    %rem3A_470 = arith.remsi %add3A_452, %jit3A_453 : i32
    %ne3A_471 = arith.constant 0 : i32
    %ne3A_472 = arith.cmpi ne, %rem3A_470, %ne3A_471 : i32
    %and3A_473 = arith.andi %ne3A_469, %ne3A_472 : i1
    %sub3A_474 = arith.constant 1 : i32
    %sub3A_475 = arith.subi %div3A_454, %sub3A_474 : i32
    %select_n3A_476 = arith.select %and3A_473, %sub3A_475, %div3A_454 : i32
    %jit3A_477 = arith.constant 4 : i32
    %div3A_478 = arith.divsi %select_n3A_476, %jit3A_477 : i32
    %sign3A_479 = arith.constant 0 : i32
    %sign3A_480 = arith.cmpi sgt, %select_n3A_476, %sign3A_479 : i32
    %sign3A_481 = arith.extui %sign3A_480 : i1 to i32
    %sign3A_482 = arith.constant 0 : i32
    %sign3A_483 = arith.cmpi slt, %select_n3A_476, %sign3A_482 : i32
    %sign3A_484 = arith.extui %sign3A_483 : i1 to i32
    %sign3A_485 = arith.subi %sign3A_481, %sign3A_484 : i32
    %sign3A_486 = arith.constant 0 : i32
    %sign3A_487 = arith.cmpi sgt, %jit3A_477, %sign3A_486 : i32
    %sign3A_488 = arith.extui %sign3A_487 : i1 to i32
    %sign3A_489 = arith.constant 0 : i32
    %sign3A_490 = arith.cmpi slt, %jit3A_477, %sign3A_489 : i32
    %sign3A_491 = arith.extui %sign3A_490 : i1 to i32
    %sign3A_492 = arith.subi %sign3A_488, %sign3A_491 : i32
    %ne3A_493 = arith.cmpi ne, %sign3A_485, %sign3A_492 : i32
    %rem3A_494 = arith.remsi %select_n3A_476, %jit3A_477 : i32
    %ne3A_495 = arith.constant 0 : i32
    %ne3A_496 = arith.cmpi ne, %rem3A_494, %ne3A_495 : i32
    %and3A_497 = arith.andi %ne3A_493, %ne3A_496 : i1
    %sub3A_498 = arith.constant 1 : i32
    %sub3A_499 = arith.subi %div3A_478, %sub3A_498 : i32
    %select_n3A_500 = arith.select %and3A_497, %sub3A_499, %div3A_478 : i32
    %jit3A_501 = arith.constant 4 : i32
    %eq3A_502 = arith.constant 0 : i32
    %eq3A_503 = arith.cmpi eq, %jit3A_501, %eq3A_502 : i32
    %jit3A_504 = arith.constant 1 : i32
    %select_n3A_505 = arith.select %eq3A_503, %jit3A_504, %jit3A_501 : i32
    %rem3A_506 = arith.remsi %select_n3A_476, %select_n3A_505 : i32
    %ne3A_507 = arith.constant 0 : i32
    %ne3A_508 = arith.cmpi ne, %rem3A_506, %ne3A_507 : i32
    %lt3A_509 = arith.constant 0 : i32
    %lt3A_510 = arith.cmpi slt, %rem3A_506, %lt3A_509 : i32
    %lt3A_511 = arith.constant 0 : i32
    %lt3A_512 = arith.cmpi slt, %select_n3A_505, %lt3A_511 : i32
    %ne3A_513 = arith.xori %lt3A_510, %lt3A_512 : i1
    %and3A_514 = arith.andi %ne3A_513, %ne3A_508 : i1
    %add3A_515 = arith.addi %rem3A_506, %select_n3A_505 : i32
    %select_n3A_516 = arith.select %and3A_514, %add3A_515, %rem3A_506 : i32
    %mul3A_517 = arith.constant 5 : i32
    %mul3A_518 = arith.muli %select_n3A_500, %mul3A_517 : i32
    %add3A_519 = arith.addi %mul3A_518, %select_n3A_516 : i32
    %add3A_520 = arith.constant 1 : i32
    %add3A_521 = arith.addi %add3A_519, %add3A_520 : i32
    %mul3A_522 = arith.constant 1024 : i32
    %mul3A_523 = arith.muli %add3A_521, %mul3A_522 : i32
    %jit3A_524 = arith.constant 8 : i32
    %eq3A_525 = arith.constant 0 : i32
    %eq3A_526 = arith.cmpi eq, %jit3A_524, %eq3A_525 : i32
    %jit3A_527 = arith.constant 1 : i32
    %select_n3A_528 = arith.select %eq3A_526, %jit3A_527, %jit3A_524 : i32
    %rem3A_529 = arith.remsi %add3A_452, %select_n3A_528 : i32
    %ne3A_530 = arith.constant 0 : i32
    %ne3A_531 = arith.cmpi ne, %rem3A_529, %ne3A_530 : i32
    %lt3A_532 = arith.constant 0 : i32
    %lt3A_533 = arith.cmpi slt, %rem3A_529, %lt3A_532 : i32
    %lt3A_534 = arith.constant 0 : i32
    %lt3A_535 = arith.cmpi slt, %select_n3A_528, %lt3A_534 : i32
    %ne3A_536 = arith.xori %lt3A_533, %lt3A_535 : i1
    %and3A_537 = arith.andi %ne3A_536, %ne3A_531 : i1
    %add3A_538 = arith.addi %rem3A_529, %select_n3A_528 : i32
    %select_n3A_539 = arith.select %and3A_537, %add3A_538, %rem3A_529 : i32
    %mul3A_540 = arith.constant 128 : i32
    %mul3A_541 = arith.muli %select_n3A_539, %mul3A_540 : i32
    %add3A_542 = arith.addi %mul3A_523, %mul3A_541 : i32
    %dma_wait3A_543 = arith.constant 0 : i32
    %dma_wait3A_544 = arith.constant 0 : i32
    %dma_wait3A_545 = tpu.memref_slice %arg8[%dma_wait3A_543, %dma_wait3A_544] : memref<128x128xf32, #tpu.memory_space<vmem>> -> memref<128x128xf32, #tpu.memory_space<vmem>>
    %dma_wait3A_546 = arith.constant 0 : i32
    %dma_wait3A_547 = tpu.memref_slice %arg5[%add3A_542, %dma_wait3A_546] : memref<256000x128xf32, #tpu.memory_space<hbm>> -> memref<128x128xf32, #tpu.memory_space<hbm>>
    %dma_wait3A_548 = arith.constant 0 : i32
    %dma_wait3A_549 = tpu.memref_slice %arg5[%add3A_542, %dma_wait3A_548] : memref<256000x128xf32, #tpu.memory_space<hbm>> -> memref<128x128xf32, #tpu.memory_space<hbm>>
    %dma_wait3A_550 = arith.constant 0 : i32
    %dma_wait3A_551 = arith.constant 0 : i32
    %dma_wait3A_552 = tpu.memref_slice %arg8[%dma_wait3A_550, %dma_wait3A_551] : memref<128x128xf32, #tpu.memory_space<vmem>> -> memref<128x128xf32, #tpu.memory_space<vmem>>
    tpu.wait_dma2 semaphore(%arg10 : memref<!tpu.dma_semaphore, #tpu.memory_space<semaphore_mem>>) src(%dma_wait3A_552 : memref<128x128xf32, #tpu.memory_space<vmem>>) dst(%dma_wait3A_549 : memref<128x128xf32, #tpu.memory_space<hbm>>)
    %mul3A_553 = arith.constant 50 : i32
    %mul3A_554 = arith.muli %add3A, %mul3A_553 : i32
    %add3A_555 = arith.constant 49 : i32
    %add3A_556 = arith.addi %mul3A_554, %add3A_555 : i32
    %jit3A_557 = arith.constant 8 : i32
    %div3A_558 = arith.divsi %add3A_556, %jit3A_557 : i32
    %sign3A_559 = arith.constant 0 : i32
    %sign3A_560 = arith.cmpi sgt, %add3A_556, %sign3A_559 : i32
    %sign3A_561 = arith.extui %sign3A_560 : i1 to i32
    %sign3A_562 = arith.constant 0 : i32
    %sign3A_563 = arith.cmpi slt, %add3A_556, %sign3A_562 : i32
    %sign3A_564 = arith.extui %sign3A_563 : i1 to i32
    %sign3A_565 = arith.subi %sign3A_561, %sign3A_564 : i32
    %sign3A_566 = arith.constant 0 : i32
    %sign3A_567 = arith.cmpi sgt, %jit3A_557, %sign3A_566 : i32
    %sign3A_568 = arith.extui %sign3A_567 : i1 to i32
    %sign3A_569 = arith.constant 0 : i32
    %sign3A_570 = arith.cmpi slt, %jit3A_557, %sign3A_569 : i32
    %sign3A_571 = arith.extui %sign3A_570 : i1 to i32
    %sign3A_572 = arith.subi %sign3A_568, %sign3A_571 : i32
    %ne3A_573 = arith.cmpi ne, %sign3A_565, %sign3A_572 : i32
    %rem3A_574 = arith.remsi %add3A_556, %jit3A_557 : i32
    %ne3A_575 = arith.constant 0 : i32
    %ne3A_576 = arith.cmpi ne, %rem3A_574, %ne3A_575 : i32
    %and3A_577 = arith.andi %ne3A_573, %ne3A_576 : i1
    %sub3A_578 = arith.constant 1 : i32
    %sub3A_579 = arith.subi %div3A_558, %sub3A_578 : i32
    %select_n3A_580 = arith.select %and3A_577, %sub3A_579, %div3A_558 : i32
    %jit3A_581 = arith.constant 4 : i32
    %div3A_582 = arith.divsi %select_n3A_580, %jit3A_581 : i32
    %sign3A_583 = arith.constant 0 : i32
    %sign3A_584 = arith.cmpi sgt, %select_n3A_580, %sign3A_583 : i32
    %sign3A_585 = arith.extui %sign3A_584 : i1 to i32
    %sign3A_586 = arith.constant 0 : i32
    %sign3A_587 = arith.cmpi slt, %select_n3A_580, %sign3A_586 : i32
    %sign3A_588 = arith.extui %sign3A_587 : i1 to i32
    %sign3A_589 = arith.subi %sign3A_585, %sign3A_588 : i32
    %sign3A_590 = arith.constant 0 : i32
    %sign3A_591 = arith.cmpi sgt, %jit3A_581, %sign3A_590 : i32
    %sign3A_592 = arith.extui %sign3A_591 : i1 to i32
    %sign3A_593 = arith.constant 0 : i32
    %sign3A_594 = arith.cmpi slt, %jit3A_581, %sign3A_593 : i32
    %sign3A_595 = arith.extui %sign3A_594 : i1 to i32
    %sign3A_596 = arith.subi %sign3A_592, %sign3A_595 : i32
    %ne3A_597 = arith.cmpi ne, %sign3A_589, %sign3A_596 : i32
    %rem3A_598 = arith.remsi %select_n3A_580, %jit3A_581 : i32
    %ne3A_599 = arith.constant 0 : i32
    %ne3A_600 = arith.cmpi ne, %rem3A_598, %ne3A_599 : i32
    %and3A_601 = arith.andi %ne3A_597, %ne3A_600 : i1
    %sub3A_602 = arith.constant 1 : i32
    %sub3A_603 = arith.subi %div3A_582, %sub3A_602 : i32
    %select_n3A_604 = arith.select %and3A_601, %sub3A_603, %div3A_582 : i32
    %jit3A_605 = arith.constant 4 : i32
    %eq3A_606 = arith.constant 0 : i32
    %eq3A_607 = arith.cmpi eq, %jit3A_605, %eq3A_606 : i32
    %jit3A_608 = arith.constant 1 : i32
    %select_n3A_609 = arith.select %eq3A_607, %jit3A_608, %jit3A_605 : i32
    %rem3A_610 = arith.remsi %select_n3A_580, %select_n3A_609 : i32
    %ne3A_611 = arith.constant 0 : i32
    %ne3A_612 = arith.cmpi ne, %rem3A_610, %ne3A_611 : i32
    %lt3A_613 = arith.constant 0 : i32
    %lt3A_614 = arith.cmpi slt, %rem3A_610, %lt3A_613 : i32
    %lt3A_615 = arith.constant 0 : i32
    %lt3A_616 = arith.cmpi slt, %select_n3A_609, %lt3A_615 : i32
    %ne3A_617 = arith.xori %lt3A_614, %lt3A_616 : i1
    %and3A_618 = arith.andi %ne3A_617, %ne3A_612 : i1
    %add3A_619 = arith.addi %rem3A_610, %select_n3A_609 : i32
    %select_n3A_620 = arith.select %and3A_618, %add3A_619, %rem3A_610 : i32
    %mul3A_621 = arith.constant 5 : i32
    %mul3A_622 = arith.muli %select_n3A_604, %mul3A_621 : i32
    %add3A_623 = arith.addi %mul3A_622, %select_n3A_620 : i32
    %add3A_624 = arith.constant 1 : i32
    %add3A_625 = arith.addi %add3A_623, %add3A_624 : i32
    %mul3A_626 = arith.constant 1024 : i32
    %mul3A_627 = arith.muli %add3A_625, %mul3A_626 : i32
    %jit3A_628 = arith.constant 8 : i32
    %eq3A_629 = arith.constant 0 : i32
    %eq3A_630 = arith.cmpi eq, %jit3A_628, %eq3A_629 : i32
    %jit3A_631 = arith.constant 1 : i32
    %select_n3A_632 = arith.select %eq3A_630, %jit3A_631, %jit3A_628 : i32
    %rem3A_633 = arith.remsi %add3A_556, %select_n3A_632 : i32
    %ne3A_634 = arith.constant 0 : i32
    %ne3A_635 = arith.cmpi ne, %rem3A_633, %ne3A_634 : i32
    %lt3A_636 = arith.constant 0 : i32
    %lt3A_637 = arith.cmpi slt, %rem3A_633, %lt3A_636 : i32
    %lt3A_638 = arith.constant 0 : i32
    %lt3A_639 = arith.cmpi slt, %select_n3A_632, %lt3A_638 : i32
    %ne3A_640 = arith.xori %lt3A_637, %lt3A_639 : i1
    %and3A_641 = arith.andi %ne3A_640, %ne3A_635 : i1
    %add3A_642 = arith.addi %rem3A_633, %select_n3A_632 : i32
    %select_n3A_643 = arith.select %and3A_641, %add3A_642, %rem3A_633 : i32
    %mul3A_644 = arith.constant 128 : i32
    %mul3A_645 = arith.muli %select_n3A_643, %mul3A_644 : i32
    %add3A_646 = arith.addi %mul3A_627, %mul3A_645 : i32
    %dma_wait3A_647 = arith.constant 0 : i32
    %dma_wait3A_648 = arith.constant 0 : i32
    %dma_wait3A_649 = tpu.memref_slice %arg11[%dma_wait3A_647, %dma_wait3A_648] : memref<128x128xf32, #tpu.memory_space<vmem>> -> memref<128x128xf32, #tpu.memory_space<vmem>>
    %dma_wait3A_650 = arith.constant 0 : i32
    %dma_wait3A_651 = tpu.memref_slice %arg5[%add3A_646, %dma_wait3A_650] : memref<256000x128xf32, #tpu.memory_space<hbm>> -> memref<128x128xf32, #tpu.memory_space<hbm>>
    %dma_wait3A_652 = arith.constant 0 : i32
    %dma_wait3A_653 = tpu.memref_slice %arg5[%add3A_646, %dma_wait3A_652] : memref<256000x128xf32, #tpu.memory_space<hbm>> -> memref<128x128xf32, #tpu.memory_space<hbm>>
    %dma_wait3A_654 = arith.constant 0 : i32
    %dma_wait3A_655 = arith.constant 0 : i32
    %dma_wait3A_656 = tpu.memref_slice %arg11[%dma_wait3A_654, %dma_wait3A_655] : memref<128x128xf32, #tpu.memory_space<vmem>> -> memref<128x128xf32, #tpu.memory_space<vmem>>
    tpu.wait_dma2 semaphore(%arg13 : memref<!tpu.dma_semaphore, #tpu.memory_space<semaphore_mem>>) src(%dma_wait3A_656 : memref<128x128xf32, #tpu.memory_space<vmem>>) dst(%dma_wait3A_653 : memref<128x128xf32, #tpu.memory_space<hbm>>)
    %mul3A_657 = arith.constant 25 : i32
    %mul3A_658 = arith.muli %add3A, %mul3A_657 : i32
    %add3A_659 = arith.constant 0 : i32
    %add3A_660 = arith.addi %mul3A_658, %add3A_659 : i32
    %jit3A_661 = arith.constant 16 : i32
    %div3A_662 = arith.divsi %add3A_660, %jit3A_661 : i32
    %sign3A_663 = arith.constant 0 : i32
    %sign3A_664 = arith.cmpi sgt, %add3A_660, %sign3A_663 : i32
    %sign3A_665 = arith.extui %sign3A_664 : i1 to i32
    %sign3A_666 = arith.constant 0 : i32
    %sign3A_667 = arith.cmpi slt, %add3A_660, %sign3A_666 : i32
    %sign3A_668 = arith.extui %sign3A_667 : i1 to i32
    %sign3A_669 = arith.subi %sign3A_665, %sign3A_668 : i32
    %sign3A_670 = arith.constant 0 : i32
    %sign3A_671 = arith.cmpi sgt, %jit3A_661, %sign3A_670 : i32
    %sign3A_672 = arith.extui %sign3A_671 : i1 to i32
    %sign3A_673 = arith.constant 0 : i32
    %sign3A_674 = arith.cmpi slt, %jit3A_661, %sign3A_673 : i32
    %sign3A_675 = arith.extui %sign3A_674 : i1 to i32
    %sign3A_676 = arith.subi %sign3A_672, %sign3A_675 : i32
    %ne3A_677 = arith.cmpi ne, %sign3A_669, %sign3A_676 : i32
    %rem3A_678 = arith.remsi %add3A_660, %jit3A_661 : i32
    %ne3A_679 = arith.constant 0 : i32
    %ne3A_680 = arith.cmpi ne, %rem3A_678, %ne3A_679 : i32
    %and3A_681 = arith.andi %ne3A_677, %ne3A_680 : i1
    %sub3A_682 = arith.constant 1 : i32
    %sub3A_683 = arith.subi %div3A_662, %sub3A_682 : i32
    %select_n3A_684 = arith.select %and3A_681, %sub3A_683, %div3A_662 : i32
    %mul3A_685 = arith.constant 1024 : i32
    %mul3A_686 = arith.muli %select_n3A_684, %mul3A_685 : i32
    %jit3A_687 = arith.constant 16 : i32
    %eq3A_688 = arith.constant 0 : i32
    %eq3A_689 = arith.cmpi eq, %jit3A_687, %eq3A_688 : i32
    %jit3A_690 = arith.constant 1 : i32
    %select_n3A_691 = arith.select %eq3A_689, %jit3A_690, %jit3A_687 : i32
    %rem3A_692 = arith.remsi %add3A_660, %select_n3A_691 : i32
    %ne3A_693 = arith.constant 0 : i32
    %ne3A_694 = arith.cmpi ne, %rem3A_692, %ne3A_693 : i32
    %lt3A_695 = arith.constant 0 : i32
    %lt3A_696 = arith.cmpi slt, %rem3A_692, %lt3A_695 : i32
    %lt3A_697 = arith.constant 0 : i32
    %lt3A_698 = arith.cmpi slt, %select_n3A_691, %lt3A_697 : i32
    %ne3A_699 = arith.xori %lt3A_696, %lt3A_698 : i1
    %and3A_700 = arith.andi %ne3A_699, %ne3A_694 : i1
    %add3A_701 = arith.addi %rem3A_692, %select_n3A_691 : i32
    %select_n3A_702 = arith.select %and3A_700, %add3A_701, %rem3A_692 : i32
    %mul3A_703 = arith.constant 64 : i32
    %mul3A_704 = arith.muli %select_n3A_702, %mul3A_703 : i32
    %add3A_705 = arith.addi %mul3A_686, %mul3A_704 : i32
    %dma_start3A_706 = arith.constant 0 : i32
    %dma_start3A_707 = arith.constant 0 : i32
    %dma_start3A_708 = tpu.memref_slice %arg8[%dma_start3A_706, %dma_start3A_707] : memref<128x128xf32, #tpu.memory_space<vmem>> -> memref<64x128xf32, #tpu.memory_space<vmem>>
    %dma_start3A_709 = arith.constant 0 : i32
    %dma_start3A_710 = tpu.memref_slice %arg2[%add3A_705, %dma_start3A_709] : memref<51200x128xf32, #tpu.memory_space<hbm>> -> memref<64x128xf32, #tpu.memory_space<hbm>>
    %dma_start3A_711 = arith.constant 0 : i32
    %dma_start3A_712 = arith.constant 0 : i32
    %dma_start3A_713 = tpu.memref_slice %arg8[%dma_start3A_711, %dma_start3A_712] : memref<128x128xf32, #tpu.memory_space<vmem>> -> memref<64x128xf32, #tpu.memory_space<vmem>>
    %dma_start3A_714 = arith.constant 0 : i32
    %dma_start3A_715 = tpu.memref_slice %arg2[%add3A_705, %dma_start3A_714] : memref<51200x128xf32, #tpu.memory_space<hbm>> -> memref<64x128xf32, #tpu.memory_space<hbm>>
    tpu.enqueue_dma source(%dma_start3A_715 : memref<64x128xf32, #tpu.memory_space<hbm>>) target(%dma_start3A_713 : memref<64x128xf32, #tpu.memory_space<vmem>>) target_semaphore(%arg9 : memref<!tpu.dma_semaphore, #tpu.memory_space<semaphore_mem>>)
    %mul3A_716 = arith.constant 25 : i32
    %mul3A_717 = arith.muli %add3A, %mul3A_716 : i32
    %add3A_718 = arith.constant 1 : i32
    %add3A_719 = arith.addi %mul3A_717, %add3A_718 : i32
    %jit3A_720 = arith.constant 16 : i32
    %div3A_721 = arith.divsi %add3A_719, %jit3A_720 : i32
    %sign3A_722 = arith.constant 0 : i32
    %sign3A_723 = arith.cmpi sgt, %add3A_719, %sign3A_722 : i32
    %sign3A_724 = arith.extui %sign3A_723 : i1 to i32
    %sign3A_725 = arith.constant 0 : i32
    %sign3A_726 = arith.cmpi slt, %add3A_719, %sign3A_725 : i32
    %sign3A_727 = arith.extui %sign3A_726 : i1 to i32
    %sign3A_728 = arith.subi %sign3A_724, %sign3A_727 : i32
    %sign3A_729 = arith.constant 0 : i32
    %sign3A_730 = arith.cmpi sgt, %jit3A_720, %sign3A_729 : i32
    %sign3A_731 = arith.extui %sign3A_730 : i1 to i32
    %sign3A_732 = arith.constant 0 : i32
    %sign3A_733 = arith.cmpi slt, %jit3A_720, %sign3A_732 : i32
    %sign3A_734 = arith.extui %sign3A_733 : i1 to i32
    %sign3A_735 = arith.subi %sign3A_731, %sign3A_734 : i32
    %ne3A_736 = arith.cmpi ne, %sign3A_728, %sign3A_735 : i32
    %rem3A_737 = arith.remsi %add3A_719, %jit3A_720 : i32
    %ne3A_738 = arith.constant 0 : i32
    %ne3A_739 = arith.cmpi ne, %rem3A_737, %ne3A_738 : i32
    %and3A_740 = arith.andi %ne3A_736, %ne3A_739 : i1
    %sub3A_741 = arith.constant 1 : i32
    %sub3A_742 = arith.subi %div3A_721, %sub3A_741 : i32
    %select_n3A_743 = arith.select %and3A_740, %sub3A_742, %div3A_721 : i32
    %mul3A_744 = arith.constant 1024 : i32
    %mul3A_745 = arith.muli %select_n3A_743, %mul3A_744 : i32
    %jit3A_746 = arith.constant 16 : i32
    %eq3A_747 = arith.constant 0 : i32
    %eq3A_748 = arith.cmpi eq, %jit3A_746, %eq3A_747 : i32
    %jit3A_749 = arith.constant 1 : i32
    %select_n3A_750 = arith.select %eq3A_748, %jit3A_749, %jit3A_746 : i32
    %rem3A_751 = arith.remsi %add3A_719, %select_n3A_750 : i32
    %ne3A_752 = arith.constant 0 : i32
    %ne3A_753 = arith.cmpi ne, %rem3A_751, %ne3A_752 : i32
    %lt3A_754 = arith.constant 0 : i32
    %lt3A_755 = arith.cmpi slt, %rem3A_751, %lt3A_754 : i32
    %lt3A_756 = arith.constant 0 : i32
    %lt3A_757 = arith.cmpi slt, %select_n3A_750, %lt3A_756 : i32
    %ne3A_758 = arith.xori %lt3A_755, %lt3A_757 : i1
    %and3A_759 = arith.andi %ne3A_758, %ne3A_753 : i1
    %add3A_760 = arith.addi %rem3A_751, %select_n3A_750 : i32
    %select_n3A_761 = arith.select %and3A_759, %add3A_760, %rem3A_751 : i32
    %mul3A_762 = arith.constant 64 : i32
    %mul3A_763 = arith.muli %select_n3A_761, %mul3A_762 : i32
    %add3A_764 = arith.addi %mul3A_745, %mul3A_763 : i32
    %dma_start3A_765 = arith.constant 0 : i32
    %dma_start3A_766 = arith.constant 0 : i32
    %dma_start3A_767 = tpu.memref_slice %arg11[%dma_start3A_765, %dma_start3A_766] : memref<128x128xf32, #tpu.memory_space<vmem>> -> memref<64x128xf32, #tpu.memory_space<vmem>>
    %dma_start3A_768 = arith.constant 0 : i32
    %dma_start3A_769 = tpu.memref_slice %arg2[%add3A_764, %dma_start3A_768] : memref<51200x128xf32, #tpu.memory_space<hbm>> -> memref<64x128xf32, #tpu.memory_space<hbm>>
    %dma_start3A_770 = arith.constant 0 : i32
    %dma_start3A_771 = arith.constant 0 : i32
    %dma_start3A_772 = tpu.memref_slice %arg11[%dma_start3A_770, %dma_start3A_771] : memref<128x128xf32, #tpu.memory_space<vmem>> -> memref<64x128xf32, #tpu.memory_space<vmem>>
    %dma_start3A_773 = arith.constant 0 : i32
    %dma_start3A_774 = tpu.memref_slice %arg2[%add3A_764, %dma_start3A_773] : memref<51200x128xf32, #tpu.memory_space<hbm>> -> memref<64x128xf32, #tpu.memory_space<hbm>>
    tpu.enqueue_dma source(%dma_start3A_774 : memref<64x128xf32, #tpu.memory_space<hbm>>) target(%dma_start3A_772 : memref<64x128xf32, #tpu.memory_space<vmem>>) target_semaphore(%arg12 : memref<!tpu.dma_semaphore, #tpu.memory_space<semaphore_mem>>)
    %scan3A_775 = arith.constant 0 : i32
    %scan3A_776 = arith.constant 0 : i32
    %scan3A_777 = arith.constant 6 : i32
    %scan3A_778 = arith.addi %scan3A_776, %scan3A_777 : i32
    %scan3A_779 = arith.constant 1 : i32
    scf.for %scan3A_1145 = %scan3A_776 to %scan3A_778 step %scan3A_779  : i32 {
      %mul3A_1146 = arith.constant 4 : i32
      %mul3A_1147 = arith.muli %mul3A_1146, %scan3A_1145 : i32
      %add3A_1148 = arith.constant 0 : i32
      %add3A_1149 = arith.addi %mul3A_1147, %add3A_1148 : i32
      %mul3A_1150 = arith.constant 25 : i32
      %mul3A_1151 = arith.muli %add3A, %mul3A_1150 : i32
      %add3A_1152 = arith.addi %mul3A_1151, %add3A_1149 : i32
      %jit3A_1153 = arith.constant 16 : i32
      %div3A_1154 = arith.divsi %add3A_1152, %jit3A_1153 : i32
      %sign3A_1155 = arith.constant 0 : i32
      %sign3A_1156 = arith.cmpi sgt, %add3A_1152, %sign3A_1155 : i32
      %sign3A_1157 = arith.extui %sign3A_1156 : i1 to i32
      %sign3A_1158 = arith.constant 0 : i32
      %sign3A_1159 = arith.cmpi slt, %add3A_1152, %sign3A_1158 : i32
      %sign3A_1160 = arith.extui %sign3A_1159 : i1 to i32
      %sign3A_1161 = arith.subi %sign3A_1157, %sign3A_1160 : i32
      %sign3A_1162 = arith.constant 0 : i32
      %sign3A_1163 = arith.cmpi sgt, %jit3A_1153, %sign3A_1162 : i32
      %sign3A_1164 = arith.extui %sign3A_1163 : i1 to i32
      %sign3A_1165 = arith.constant 0 : i32
      %sign3A_1166 = arith.cmpi slt, %jit3A_1153, %sign3A_1165 : i32
      %sign3A_1167 = arith.extui %sign3A_1166 : i1 to i32
      %sign3A_1168 = arith.subi %sign3A_1164, %sign3A_1167 : i32
      %ne3A_1169 = arith.cmpi ne, %sign3A_1161, %sign3A_1168 : i32
      %rem3A_1170 = arith.remsi %add3A_1152, %jit3A_1153 : i32
      %ne3A_1171 = arith.constant 0 : i32
      %ne3A_1172 = arith.cmpi ne, %rem3A_1170, %ne3A_1171 : i32
      %and3A_1173 = arith.andi %ne3A_1169, %ne3A_1172 : i1
      %sub3A_1174 = arith.constant 1 : i32
      %sub3A_1175 = arith.subi %div3A_1154, %sub3A_1174 : i32
      %select_n3A_1176 = arith.select %and3A_1173, %sub3A_1175, %div3A_1154 : i32
      %mul3A_1177 = arith.constant 1024 : i32
      %mul3A_1178 = arith.muli %select_n3A_1176, %mul3A_1177 : i32
      %jit3A_1179 = arith.constant 16 : i32
      %eq3A_1180 = arith.constant 0 : i32
      %eq3A_1181 = arith.cmpi eq, %jit3A_1179, %eq3A_1180 : i32
      %jit3A_1182 = arith.constant 1 : i32
      %select_n3A_1183 = arith.select %eq3A_1181, %jit3A_1182, %jit3A_1179 : i32
      %rem3A_1184 = arith.remsi %add3A_1152, %select_n3A_1183 : i32
      %ne3A_1185 = arith.constant 0 : i32
      %ne3A_1186 = arith.cmpi ne, %rem3A_1184, %ne3A_1185 : i32
      %lt3A_1187 = arith.constant 0 : i32
      %lt3A_1188 = arith.cmpi slt, %rem3A_1184, %lt3A_1187 : i32
      %lt3A_1189 = arith.constant 0 : i32
      %lt3A_1190 = arith.cmpi slt, %select_n3A_1183, %lt3A_1189 : i32
      %ne3A_1191 = arith.xori %lt3A_1188, %lt3A_1190 : i1
      %and3A_1192 = arith.andi %ne3A_1191, %ne3A_1186 : i1
      %add3A_1193 = arith.addi %rem3A_1184, %select_n3A_1183 : i32
      %select_n3A_1194 = arith.select %and3A_1192, %add3A_1193, %rem3A_1184 : i32
      %mul3A_1195 = arith.constant 64 : i32
      %mul3A_1196 = arith.muli %select_n3A_1194, %mul3A_1195 : i32
      %add3A_1197 = arith.addi %mul3A_1178, %mul3A_1196 : i32
      %dma_wait3A_1198 = arith.constant 0 : i32
      %dma_wait3A_1199 = arith.constant 0 : i32
      %dma_wait3A_1200 = tpu.memref_slice %arg8[%dma_wait3A_1198, %dma_wait3A_1199] : memref<128x128xf32, #tpu.memory_space<vmem>> -> memref<64x128xf32, #tpu.memory_space<vmem>>
      %dma_wait3A_1201 = arith.constant 0 : i32
      %dma_wait3A_1202 = tpu.memref_slice %arg2[%add3A_1197, %dma_wait3A_1201] : memref<51200x128xf32, #tpu.memory_space<hbm>> -> memref<64x128xf32, #tpu.memory_space<hbm>>
      %dma_wait3A_1203 = arith.constant 0 : i32
      %dma_wait3A_1204 = arith.constant 0 : i32
      %dma_wait3A_1205 = tpu.memref_slice %arg8[%dma_wait3A_1203, %dma_wait3A_1204] : memref<128x128xf32, #tpu.memory_space<vmem>> -> memref<64x128xf32, #tpu.memory_space<vmem>>
      %dma_wait3A_1206 = arith.constant 0 : i32
      %dma_wait3A_1207 = tpu.memref_slice %arg2[%add3A_1197, %dma_wait3A_1206] : memref<51200x128xf32, #tpu.memory_space<hbm>> -> memref<64x128xf32, #tpu.memory_space<hbm>>
      tpu.wait_dma2 semaphore(%arg9 : memref<!tpu.dma_semaphore, #tpu.memory_space<semaphore_mem>>) src(%dma_wait3A_1207 : memref<64x128xf32, #tpu.memory_space<hbm>>) dst(%dma_wait3A_1205 : memref<64x128xf32, #tpu.memory_space<vmem>>)
      %mul3A_1208 = arith.constant 25 : i32
      %mul3A_1209 = arith.muli %add3A, %mul3A_1208 : i32
      %add3A_1210 = arith.addi %mul3A_1209, %add3A_1149 : i32
      %jit3A_1211 = arith.constant 16 : i32
      %div3A_1212 = arith.divsi %add3A_1210, %jit3A_1211 : i32
      %sign3A_1213 = arith.constant 0 : i32
      %sign3A_1214 = arith.cmpi sgt, %add3A_1210, %sign3A_1213 : i32
      %sign3A_1215 = arith.extui %sign3A_1214 : i1 to i32
      %sign3A_1216 = arith.constant 0 : i32
      %sign3A_1217 = arith.cmpi slt, %add3A_1210, %sign3A_1216 : i32
      %sign3A_1218 = arith.extui %sign3A_1217 : i1 to i32
      %sign3A_1219 = arith.subi %sign3A_1215, %sign3A_1218 : i32
      %sign3A_1220 = arith.constant 0 : i32
      %sign3A_1221 = arith.cmpi sgt, %jit3A_1211, %sign3A_1220 : i32
      %sign3A_1222 = arith.extui %sign3A_1221 : i1 to i32
      %sign3A_1223 = arith.constant 0 : i32
      %sign3A_1224 = arith.cmpi slt, %jit3A_1211, %sign3A_1223 : i32
      %sign3A_1225 = arith.extui %sign3A_1224 : i1 to i32
      %sign3A_1226 = arith.subi %sign3A_1222, %sign3A_1225 : i32
      %ne3A_1227 = arith.cmpi ne, %sign3A_1219, %sign3A_1226 : i32
      %rem3A_1228 = arith.remsi %add3A_1210, %jit3A_1211 : i32
      %ne3A_1229 = arith.constant 0 : i32
      %ne3A_1230 = arith.cmpi ne, %rem3A_1228, %ne3A_1229 : i32
      %and3A_1231 = arith.andi %ne3A_1227, %ne3A_1230 : i1
      %sub3A_1232 = arith.constant 1 : i32
      %sub3A_1233 = arith.subi %div3A_1212, %sub3A_1232 : i32
      %select_n3A_1234 = arith.select %and3A_1231, %sub3A_1233, %div3A_1212 : i32
      %mul3A_1235 = arith.constant 5 : i32
      %mul3A_1236 = arith.muli %select_n3A_1234, %mul3A_1235 : i32
      %mul3A_1237 = arith.constant 1024 : i32
      %mul3A_1238 = arith.muli %mul3A_1236, %mul3A_1237 : i32
      %jit3A_1239 = arith.constant 16 : i32
      %eq3A_1240 = arith.constant 0 : i32
      %eq3A_1241 = arith.cmpi eq, %jit3A_1239, %eq3A_1240 : i32
      %jit3A_1242 = arith.constant 1 : i32
      %select_n3A_1243 = arith.select %eq3A_1241, %jit3A_1242, %jit3A_1239 : i32
      %rem3A_1244 = arith.remsi %add3A_1210, %select_n3A_1243 : i32
      %ne3A_1245 = arith.constant 0 : i32
      %ne3A_1246 = arith.cmpi ne, %rem3A_1244, %ne3A_1245 : i32
      %lt3A_1247 = arith.constant 0 : i32
      %lt3A_1248 = arith.cmpi slt, %rem3A_1244, %lt3A_1247 : i32
      %lt3A_1249 = arith.constant 0 : i32
      %lt3A_1250 = arith.cmpi slt, %select_n3A_1243, %lt3A_1249 : i32
      %ne3A_1251 = arith.xori %lt3A_1248, %lt3A_1250 : i1
      %and3A_1252 = arith.andi %ne3A_1251, %ne3A_1246 : i1
      %add3A_1253 = arith.addi %rem3A_1244, %select_n3A_1243 : i32
      %select_n3A_1254 = arith.select %and3A_1252, %add3A_1253, %rem3A_1244 : i32
      %mul3A_1255 = arith.constant 64 : i32
      %mul3A_1256 = arith.muli %select_n3A_1254, %mul3A_1255 : i32
      %add3A_1257 = arith.addi %mul3A_1238, %mul3A_1256 : i32
      %dma_start3A_1258 = arith.constant 0 : i32
      %dma_start3A_1259 = arith.constant 0 : i32
      %dma_start3A_1260 = tpu.memref_slice %arg8[%dma_start3A_1258, %dma_start3A_1259] : memref<128x128xf32, #tpu.memory_space<vmem>> -> memref<64x128xf32, #tpu.memory_space<vmem>>
      %dma_start3A_1261 = arith.constant 0 : i32
      %dma_start3A_1262 = tpu.memref_slice %arg5[%add3A_1257, %dma_start3A_1261] : memref<256000x128xf32, #tpu.memory_space<hbm>> -> memref<64x128xf32, #tpu.memory_space<hbm>>
      %dma_start3A_1263 = arith.constant 0 : i32
      %dma_start3A_1264 = tpu.memref_slice %arg5[%add3A_1257, %dma_start3A_1263] : memref<256000x128xf32, #tpu.memory_space<hbm>> -> memref<64x128xf32, #tpu.memory_space<hbm>>
      %dma_start3A_1265 = arith.constant 0 : i32
      %dma_start3A_1266 = arith.constant 0 : i32
      %dma_start3A_1267 = tpu.memref_slice %arg8[%dma_start3A_1265, %dma_start3A_1266] : memref<128x128xf32, #tpu.memory_space<vmem>> -> memref<64x128xf32, #tpu.memory_space<vmem>>
      tpu.enqueue_dma source(%dma_start3A_1267 : memref<64x128xf32, #tpu.memory_space<vmem>>) target(%dma_start3A_1264 : memref<64x128xf32, #tpu.memory_space<hbm>>) target_semaphore(%arg10 : memref<!tpu.dma_semaphore, #tpu.memory_space<semaphore_mem>>)
      %add3A_1268 = arith.constant 2 : i32
      %add3A_1269 = arith.addi %add3A_1149, %add3A_1268 : i32
      %lt3A_1270 = arith.constant 25 : i32
      %lt3A_1271 = arith.cmpi slt, %add3A_1269, %lt3A_1270 : i32
      %convert_element_type3A_1272 = arith.extui %lt3A_1271 : i1 to i32
      %cond3A_1273 = arith.constant 0 : i32
      %cond3A_1274 = arith.cmpi ne, %convert_element_type3A_1272, %cond3A_1273 : i32
      scf.if %cond3A_1274 {
        %ge3A = arith.constant 2 : i32
        %ge3A_1662 = arith.cmpi sge, %add3A_1149, %ge3A : i32
        %convert_element_type3A_1663 = arith.extui %ge3A_1662 : i1 to i32
        %cond3A_1664 = arith.constant 0 : i32
        %cond3A_1665 = arith.cmpi ne, %convert_element_type3A_1663, %cond3A_1664 : i32
        scf.if %cond3A_1665 {
          %sub3A_1726 = arith.constant 2 : i32
          %sub3A_1727 = arith.subi %add3A_1149, %sub3A_1726 : i32
          %max3A = arith.constant 0 : i32
          %max3A_1728 = arith.maxsi %sub3A_1727, %max3A : i32
          %mul3A_1729 = arith.constant 25 : i32
          %mul3A_1730 = arith.muli %add3A, %mul3A_1729 : i32
          %add3A_1731 = arith.addi %mul3A_1730, %max3A_1728 : i32
          %jit3A_1732 = arith.constant 16 : i32
          %div3A_1733 = arith.divsi %add3A_1731, %jit3A_1732 : i32
          %sign3A_1734 = arith.constant 0 : i32
          %sign3A_1735 = arith.cmpi sgt, %add3A_1731, %sign3A_1734 : i32
          %sign3A_1736 = arith.extui %sign3A_1735 : i1 to i32
          %sign3A_1737 = arith.constant 0 : i32
          %sign3A_1738 = arith.cmpi slt, %add3A_1731, %sign3A_1737 : i32
          %sign3A_1739 = arith.extui %sign3A_1738 : i1 to i32
          %sign3A_1740 = arith.subi %sign3A_1736, %sign3A_1739 : i32
          %sign3A_1741 = arith.constant 0 : i32
          %sign3A_1742 = arith.cmpi sgt, %jit3A_1732, %sign3A_1741 : i32
          %sign3A_1743 = arith.extui %sign3A_1742 : i1 to i32
          %sign3A_1744 = arith.constant 0 : i32
          %sign3A_1745 = arith.cmpi slt, %jit3A_1732, %sign3A_1744 : i32
          %sign3A_1746 = arith.extui %sign3A_1745 : i1 to i32
          %sign3A_1747 = arith.subi %sign3A_1743, %sign3A_1746 : i32
          %ne3A_1748 = arith.cmpi ne, %sign3A_1740, %sign3A_1747 : i32
          %rem3A_1749 = arith.remsi %add3A_1731, %jit3A_1732 : i32
          %ne3A_1750 = arith.constant 0 : i32
          %ne3A_1751 = arith.cmpi ne, %rem3A_1749, %ne3A_1750 : i32
          %and3A_1752 = arith.andi %ne3A_1748, %ne3A_1751 : i1
          %sub3A_1753 = arith.constant 1 : i32
          %sub3A_1754 = arith.subi %div3A_1733, %sub3A_1753 : i32
          %select_n3A_1755 = arith.select %and3A_1752, %sub3A_1754, %div3A_1733 : i32
          %mul3A_1756 = arith.constant 5 : i32
          %mul3A_1757 = arith.muli %select_n3A_1755, %mul3A_1756 : i32
          %mul3A_1758 = arith.constant 1024 : i32
          %mul3A_1759 = arith.muli %mul3A_1757, %mul3A_1758 : i32
          %jit3A_1760 = arith.constant 16 : i32
          %eq3A_1761 = arith.constant 0 : i32
          %eq3A_1762 = arith.cmpi eq, %jit3A_1760, %eq3A_1761 : i32
          %jit3A_1763 = arith.constant 1 : i32
          %select_n3A_1764 = arith.select %eq3A_1762, %jit3A_1763, %jit3A_1760 : i32
          %rem3A_1765 = arith.remsi %add3A_1731, %select_n3A_1764 : i32
          %ne3A_1766 = arith.constant 0 : i32
          %ne3A_1767 = arith.cmpi ne, %rem3A_1765, %ne3A_1766 : i32
          %lt3A_1768 = arith.constant 0 : i32
          %lt3A_1769 = arith.cmpi slt, %rem3A_1765, %lt3A_1768 : i32
          %lt3A_1770 = arith.constant 0 : i32
          %lt3A_1771 = arith.cmpi slt, %select_n3A_1764, %lt3A_1770 : i32
          %ne3A_1772 = arith.xori %lt3A_1769, %lt3A_1771 : i1
          %and3A_1773 = arith.andi %ne3A_1772, %ne3A_1767 : i1
          %add3A_1774 = arith.addi %rem3A_1765, %select_n3A_1764 : i32
          %select_n3A_1775 = arith.select %and3A_1773, %add3A_1774, %rem3A_1765 : i32
          %mul3A_1776 = arith.constant 64 : i32
          %mul3A_1777 = arith.muli %select_n3A_1775, %mul3A_1776 : i32
          %add3A_1778 = arith.addi %mul3A_1759, %mul3A_1777 : i32
          %dma_wait3A_1779 = arith.constant 0 : i32
          %dma_wait3A_1780 = arith.constant 0 : i32
          %dma_wait3A_1781 = tpu.memref_slice %arg14[%dma_wait3A_1779, %dma_wait3A_1780] : memref<128x128xf32, #tpu.memory_space<vmem>> -> memref<64x128xf32, #tpu.memory_space<vmem>>
          %dma_wait3A_1782 = arith.constant 0 : i32
          %dma_wait3A_1783 = tpu.memref_slice %arg5[%add3A_1778, %dma_wait3A_1782] : memref<256000x128xf32, #tpu.memory_space<hbm>> -> memref<64x128xf32, #tpu.memory_space<hbm>>
          %dma_wait3A_1784 = arith.constant 0 : i32
          %dma_wait3A_1785 = tpu.memref_slice %arg5[%add3A_1778, %dma_wait3A_1784] : memref<256000x128xf32, #tpu.memory_space<hbm>> -> memref<64x128xf32, #tpu.memory_space<hbm>>
          %dma_wait3A_1786 = arith.constant 0 : i32
          %dma_wait3A_1787 = arith.constant 0 : i32
          %dma_wait3A_1788 = tpu.memref_slice %arg14[%dma_wait3A_1786, %dma_wait3A_1787] : memref<128x128xf32, #tpu.memory_space<vmem>> -> memref<64x128xf32, #tpu.memory_space<vmem>>
          tpu.wait_dma2 semaphore(%arg16 : memref<!tpu.dma_semaphore, #tpu.memory_space<semaphore_mem>>) src(%dma_wait3A_1788 : memref<64x128xf32, #tpu.memory_space<vmem>>) dst(%dma_wait3A_1785 : memref<64x128xf32, #tpu.memory_space<hbm>>)
        } else {
        }
        %add3A_1666 = arith.constant 2 : i32
        %add3A_1667 = arith.addi %add3A_1149, %add3A_1666 : i32
        %mul3A_1668 = arith.constant 25 : i32
        %mul3A_1669 = arith.muli %add3A, %mul3A_1668 : i32
        %add3A_1670 = arith.addi %mul3A_1669, %add3A_1667 : i32
        %jit3A_1671 = arith.constant 16 : i32
        %div3A_1672 = arith.divsi %add3A_1670, %jit3A_1671 : i32
        %sign3A_1673 = arith.constant 0 : i32
        %sign3A_1674 = arith.cmpi sgt, %add3A_1670, %sign3A_1673 : i32
        %sign3A_1675 = arith.extui %sign3A_1674 : i1 to i32
        %sign3A_1676 = arith.constant 0 : i32
        %sign3A_1677 = arith.cmpi slt, %add3A_1670, %sign3A_1676 : i32
        %sign3A_1678 = arith.extui %sign3A_1677 : i1 to i32
        %sign3A_1679 = arith.subi %sign3A_1675, %sign3A_1678 : i32
        %sign3A_1680 = arith.constant 0 : i32
        %sign3A_1681 = arith.cmpi sgt, %jit3A_1671, %sign3A_1680 : i32
        %sign3A_1682 = arith.extui %sign3A_1681 : i1 to i32
        %sign3A_1683 = arith.constant 0 : i32
        %sign3A_1684 = arith.cmpi slt, %jit3A_1671, %sign3A_1683 : i32
        %sign3A_1685 = arith.extui %sign3A_1684 : i1 to i32
        %sign3A_1686 = arith.subi %sign3A_1682, %sign3A_1685 : i32
        %ne3A_1687 = arith.cmpi ne, %sign3A_1679, %sign3A_1686 : i32
        %rem3A_1688 = arith.remsi %add3A_1670, %jit3A_1671 : i32
        %ne3A_1689 = arith.constant 0 : i32
        %ne3A_1690 = arith.cmpi ne, %rem3A_1688, %ne3A_1689 : i32
        %and3A_1691 = arith.andi %ne3A_1687, %ne3A_1690 : i1
        %sub3A_1692 = arith.constant 1 : i32
        %sub3A_1693 = arith.subi %div3A_1672, %sub3A_1692 : i32
        %select_n3A_1694 = arith.select %and3A_1691, %sub3A_1693, %div3A_1672 : i32
        %mul3A_1695 = arith.constant 1024 : i32
        %mul3A_1696 = arith.muli %select_n3A_1694, %mul3A_1695 : i32
        %jit3A_1697 = arith.constant 16 : i32
        %eq3A_1698 = arith.constant 0 : i32
        %eq3A_1699 = arith.cmpi eq, %jit3A_1697, %eq3A_1698 : i32
        %jit3A_1700 = arith.constant 1 : i32
        %select_n3A_1701 = arith.select %eq3A_1699, %jit3A_1700, %jit3A_1697 : i32
        %rem3A_1702 = arith.remsi %add3A_1670, %select_n3A_1701 : i32
        %ne3A_1703 = arith.constant 0 : i32
        %ne3A_1704 = arith.cmpi ne, %rem3A_1702, %ne3A_1703 : i32
        %lt3A_1705 = arith.constant 0 : i32
        %lt3A_1706 = arith.cmpi slt, %rem3A_1702, %lt3A_1705 : i32
        %lt3A_1707 = arith.constant 0 : i32
        %lt3A_1708 = arith.cmpi slt, %select_n3A_1701, %lt3A_1707 : i32
        %ne3A_1709 = arith.xori %lt3A_1706, %lt3A_1708 : i1
        %and3A_1710 = arith.andi %ne3A_1709, %ne3A_1704 : i1
        %add3A_1711 = arith.addi %rem3A_1702, %select_n3A_1701 : i32
        %select_n3A_1712 = arith.select %and3A_1710, %add3A_1711, %rem3A_1702 : i32
        %mul3A_1713 = arith.constant 64 : i32
        %mul3A_1714 = arith.muli %select_n3A_1712, %mul3A_1713 : i32
        %add3A_1715 = arith.addi %mul3A_1696, %mul3A_1714 : i32
        %dma_start3A_1716 = arith.constant 0 : i32
        %dma_start3A_1717 = arith.constant 0 : i32
        %dma_start3A_1718 = tpu.memref_slice %arg14[%dma_start3A_1716, %dma_start3A_1717] : memref<128x128xf32, #tpu.memory_space<vmem>> -> memref<64x128xf32, #tpu.memory_space<vmem>>
        %dma_start3A_1719 = arith.constant 0 : i32
        %dma_start3A_1720 = tpu.memref_slice %arg2[%add3A_1715, %dma_start3A_1719] : memref<51200x128xf32, #tpu.memory_space<hbm>> -> memref<64x128xf32, #tpu.memory_space<hbm>>
        %dma_start3A_1721 = arith.constant 0 : i32
        %dma_start3A_1722 = arith.constant 0 : i32
        %dma_start3A_1723 = tpu.memref_slice %arg14[%dma_start3A_1721, %dma_start3A_1722] : memref<128x128xf32, #tpu.memory_space<vmem>> -> memref<64x128xf32, #tpu.memory_space<vmem>>
        %dma_start3A_1724 = arith.constant 0 : i32
        %dma_start3A_1725 = tpu.memref_slice %arg2[%add3A_1715, %dma_start3A_1724] : memref<51200x128xf32, #tpu.memory_space<hbm>> -> memref<64x128xf32, #tpu.memory_space<hbm>>
        tpu.enqueue_dma source(%dma_start3A_1725 : memref<64x128xf32, #tpu.memory_space<hbm>>) target(%dma_start3A_1723 : memref<64x128xf32, #tpu.memory_space<vmem>>) target_semaphore(%arg15 : memref<!tpu.dma_semaphore, #tpu.memory_space<semaphore_mem>>)
      } else {
      }
      %mul3A_1275 = arith.constant 4 : i32
      %mul3A_1276 = arith.muli %mul3A_1275, %scan3A_1145 : i32
      %add3A_1277 = arith.constant 1 : i32
      %add3A_1278 = arith.addi %mul3A_1276, %add3A_1277 : i32
      %mul3A_1279 = arith.constant 25 : i32
      %mul3A_1280 = arith.muli %add3A, %mul3A_1279 : i32
      %add3A_1281 = arith.addi %mul3A_1280, %add3A_1278 : i32
      %jit3A_1282 = arith.constant 16 : i32
      %div3A_1283 = arith.divsi %add3A_1281, %jit3A_1282 : i32
      %sign3A_1284 = arith.constant 0 : i32
      %sign3A_1285 = arith.cmpi sgt, %add3A_1281, %sign3A_1284 : i32
      %sign3A_1286 = arith.extui %sign3A_1285 : i1 to i32
      %sign3A_1287 = arith.constant 0 : i32
      %sign3A_1288 = arith.cmpi slt, %add3A_1281, %sign3A_1287 : i32
      %sign3A_1289 = arith.extui %sign3A_1288 : i1 to i32
      %sign3A_1290 = arith.subi %sign3A_1286, %sign3A_1289 : i32
      %sign3A_1291 = arith.constant 0 : i32
      %sign3A_1292 = arith.cmpi sgt, %jit3A_1282, %sign3A_1291 : i32
      %sign3A_1293 = arith.extui %sign3A_1292 : i1 to i32
      %sign3A_1294 = arith.constant 0 : i32
      %sign3A_1295 = arith.cmpi slt, %jit3A_1282, %sign3A_1294 : i32
      %sign3A_1296 = arith.extui %sign3A_1295 : i1 to i32
      %sign3A_1297 = arith.subi %sign3A_1293, %sign3A_1296 : i32
      %ne3A_1298 = arith.cmpi ne, %sign3A_1290, %sign3A_1297 : i32
      %rem3A_1299 = arith.remsi %add3A_1281, %jit3A_1282 : i32
      %ne3A_1300 = arith.constant 0 : i32
      %ne3A_1301 = arith.cmpi ne, %rem3A_1299, %ne3A_1300 : i32
      %and3A_1302 = arith.andi %ne3A_1298, %ne3A_1301 : i1
      %sub3A_1303 = arith.constant 1 : i32
      %sub3A_1304 = arith.subi %div3A_1283, %sub3A_1303 : i32
      %select_n3A_1305 = arith.select %and3A_1302, %sub3A_1304, %div3A_1283 : i32
      %mul3A_1306 = arith.constant 1024 : i32
      %mul3A_1307 = arith.muli %select_n3A_1305, %mul3A_1306 : i32
      %jit3A_1308 = arith.constant 16 : i32
      %eq3A_1309 = arith.constant 0 : i32
      %eq3A_1310 = arith.cmpi eq, %jit3A_1308, %eq3A_1309 : i32
      %jit3A_1311 = arith.constant 1 : i32
      %select_n3A_1312 = arith.select %eq3A_1310, %jit3A_1311, %jit3A_1308 : i32
      %rem3A_1313 = arith.remsi %add3A_1281, %select_n3A_1312 : i32
      %ne3A_1314 = arith.constant 0 : i32
      %ne3A_1315 = arith.cmpi ne, %rem3A_1313, %ne3A_1314 : i32
      %lt3A_1316 = arith.constant 0 : i32
      %lt3A_1317 = arith.cmpi slt, %rem3A_1313, %lt3A_1316 : i32
      %lt3A_1318 = arith.constant 0 : i32
      %lt3A_1319 = arith.cmpi slt, %select_n3A_1312, %lt3A_1318 : i32
      %ne3A_1320 = arith.xori %lt3A_1317, %lt3A_1319 : i1
      %and3A_1321 = arith.andi %ne3A_1320, %ne3A_1315 : i1
      %add3A_1322 = arith.addi %rem3A_1313, %select_n3A_1312 : i32
      %select_n3A_1323 = arith.select %and3A_1321, %add3A_1322, %rem3A_1313 : i32
      %mul3A_1324 = arith.constant 64 : i32
      %mul3A_1325 = arith.muli %select_n3A_1323, %mul3A_1324 : i32
      %add3A_1326 = arith.addi %mul3A_1307, %mul3A_1325 : i32
      %dma_wait3A_1327 = arith.constant 0 : i32
      %dma_wait3A_1328 = arith.constant 0 : i32
      %dma_wait3A_1329 = tpu.memref_slice %arg11[%dma_wait3A_1327, %dma_wait3A_1328] : memref<128x128xf32, #tpu.memory_space<vmem>> -> memref<64x128xf32, #tpu.memory_space<vmem>>
      %dma_wait3A_1330 = arith.constant 0 : i32
      %dma_wait3A_1331 = tpu.memref_slice %arg2[%add3A_1326, %dma_wait3A_1330] : memref<51200x128xf32, #tpu.memory_space<hbm>> -> memref<64x128xf32, #tpu.memory_space<hbm>>
      %dma_wait3A_1332 = arith.constant 0 : i32
      %dma_wait3A_1333 = arith.constant 0 : i32
      %dma_wait3A_1334 = tpu.memref_slice %arg11[%dma_wait3A_1332, %dma_wait3A_1333] : memref<128x128xf32, #tpu.memory_space<vmem>> -> memref<64x128xf32, #tpu.memory_space<vmem>>
      %dma_wait3A_1335 = arith.constant 0 : i32
      %dma_wait3A_1336 = tpu.memref_slice %arg2[%add3A_1326, %dma_wait3A_1335] : memref<51200x128xf32, #tpu.memory_space<hbm>> -> memref<64x128xf32, #tpu.memory_space<hbm>>
      tpu.wait_dma2 semaphore(%arg12 : memref<!tpu.dma_semaphore, #tpu.memory_space<semaphore_mem>>) src(%dma_wait3A_1336 : memref<64x128xf32, #tpu.memory_space<hbm>>) dst(%dma_wait3A_1334 : memref<64x128xf32, #tpu.memory_space<vmem>>)
      %mul3A_1337 = arith.constant 25 : i32
      %mul3A_1338 = arith.muli %add3A, %mul3A_1337 : i32
      %add3A_1339 = arith.addi %mul3A_1338, %add3A_1278 : i32
      %jit3A_1340 = arith.constant 16 : i32
      %div3A_1341 = arith.divsi %add3A_1339, %jit3A_1340 : i32
      %sign3A_1342 = arith.constant 0 : i32
      %sign3A_1343 = arith.cmpi sgt, %add3A_1339, %sign3A_1342 : i32
      %sign3A_1344 = arith.extui %sign3A_1343 : i1 to i32
      %sign3A_1345 = arith.constant 0 : i32
      %sign3A_1346 = arith.cmpi slt, %add3A_1339, %sign3A_1345 : i32
      %sign3A_1347 = arith.extui %sign3A_1346 : i1 to i32
      %sign3A_1348 = arith.subi %sign3A_1344, %sign3A_1347 : i32
      %sign3A_1349 = arith.constant 0 : i32
      %sign3A_1350 = arith.cmpi sgt, %jit3A_1340, %sign3A_1349 : i32
      %sign3A_1351 = arith.extui %sign3A_1350 : i1 to i32
      %sign3A_1352 = arith.constant 0 : i32
      %sign3A_1353 = arith.cmpi slt, %jit3A_1340, %sign3A_1352 : i32
      %sign3A_1354 = arith.extui %sign3A_1353 : i1 to i32
      %sign3A_1355 = arith.subi %sign3A_1351, %sign3A_1354 : i32
      %ne3A_1356 = arith.cmpi ne, %sign3A_1348, %sign3A_1355 : i32
      %rem3A_1357 = arith.remsi %add3A_1339, %jit3A_1340 : i32
      %ne3A_1358 = arith.constant 0 : i32
      %ne3A_1359 = arith.cmpi ne, %rem3A_1357, %ne3A_1358 : i32
      %and3A_1360 = arith.andi %ne3A_1356, %ne3A_1359 : i1
      %sub3A_1361 = arith.constant 1 : i32
      %sub3A_1362 = arith.subi %div3A_1341, %sub3A_1361 : i32
      %select_n3A_1363 = arith.select %and3A_1360, %sub3A_1362, %div3A_1341 : i32
      %mul3A_1364 = arith.constant 5 : i32
      %mul3A_1365 = arith.muli %select_n3A_1363, %mul3A_1364 : i32
      %mul3A_1366 = arith.constant 1024 : i32
      %mul3A_1367 = arith.muli %mul3A_1365, %mul3A_1366 : i32
      %jit3A_1368 = arith.constant 16 : i32
      %eq3A_1369 = arith.constant 0 : i32
      %eq3A_1370 = arith.cmpi eq, %jit3A_1368, %eq3A_1369 : i32
      %jit3A_1371 = arith.constant 1 : i32
      %select_n3A_1372 = arith.select %eq3A_1370, %jit3A_1371, %jit3A_1368 : i32
      %rem3A_1373 = arith.remsi %add3A_1339, %select_n3A_1372 : i32
      %ne3A_1374 = arith.constant 0 : i32
      %ne3A_1375 = arith.cmpi ne, %rem3A_1373, %ne3A_1374 : i32
      %lt3A_1376 = arith.constant 0 : i32
      %lt3A_1377 = arith.cmpi slt, %rem3A_1373, %lt3A_1376 : i32
      %lt3A_1378 = arith.constant 0 : i32
      %lt3A_1379 = arith.cmpi slt, %select_n3A_1372, %lt3A_1378 : i32
      %ne3A_1380 = arith.xori %lt3A_1377, %lt3A_1379 : i1
      %and3A_1381 = arith.andi %ne3A_1380, %ne3A_1375 : i1
      %add3A_1382 = arith.addi %rem3A_1373, %select_n3A_1372 : i32
      %select_n3A_1383 = arith.select %and3A_1381, %add3A_1382, %rem3A_1373 : i32
      %mul3A_1384 = arith.constant 64 : i32
      %mul3A_1385 = arith.muli %select_n3A_1383, %mul3A_1384 : i32
      %add3A_1386 = arith.addi %mul3A_1367, %mul3A_1385 : i32
      %dma_start3A_1387 = arith.constant 0 : i32
      %dma_start3A_1388 = arith.constant 0 : i32
      %dma_start3A_1389 = tpu.memref_slice %arg11[%dma_start3A_1387, %dma_start3A_1388] : memref<128x128xf32, #tpu.memory_space<vmem>> -> memref<64x128xf32, #tpu.memory_space<vmem>>
      %dma_start3A_1390 = arith.constant 0 : i32
      %dma_start3A_1391 = tpu.memref_slice %arg5[%add3A_1386, %dma_start3A_1390] : memref<256000x128xf32, #tpu.memory_space<hbm>> -> memref<64x128xf32, #tpu.memory_space<hbm>>
      %dma_start3A_1392 = arith.constant 0 : i32
      %dma_start3A_1393 = tpu.memref_slice %arg5[%add3A_1386, %dma_start3A_1392] : memref<256000x128xf32, #tpu.memory_space<hbm>> -> memref<64x128xf32, #tpu.memory_space<hbm>>
      %dma_start3A_1394 = arith.constant 0 : i32
      %dma_start3A_1395 = arith.constant 0 : i32
      %dma_start3A_1396 = tpu.memref_slice %arg11[%dma_start3A_1394, %dma_start3A_1395] : memref<128x128xf32, #tpu.memory_space<vmem>> -> memref<64x128xf32, #tpu.memory_space<vmem>>
      tpu.enqueue_dma source(%dma_start3A_1396 : memref<64x128xf32, #tpu.memory_space<vmem>>) target(%dma_start3A_1393 : memref<64x128xf32, #tpu.memory_space<hbm>>) target_semaphore(%arg13 : memref<!tpu.dma_semaphore, #tpu.memory_space<semaphore_mem>>)
      %add3A_1397 = arith.constant 2 : i32
      %add3A_1398 = arith.addi %add3A_1278, %add3A_1397 : i32
      %lt3A_1399 = arith.constant 25 : i32
      %lt3A_1400 = arith.cmpi slt, %add3A_1398, %lt3A_1399 : i32
      %convert_element_type3A_1401 = arith.extui %lt3A_1400 : i1 to i32
      %cond3A_1402 = arith.constant 0 : i32
      %cond3A_1403 = arith.cmpi ne, %convert_element_type3A_1401, %cond3A_1402 : i32
      scf.if %cond3A_1403 {
        %ge3A = arith.constant 2 : i32
        %ge3A_1662 = arith.cmpi sge, %add3A_1278, %ge3A : i32
        %convert_element_type3A_1663 = arith.extui %ge3A_1662 : i1 to i32
        %cond3A_1664 = arith.constant 0 : i32
        %cond3A_1665 = arith.cmpi ne, %convert_element_type3A_1663, %cond3A_1664 : i32
        scf.if %cond3A_1665 {
          %sub3A_1726 = arith.constant 2 : i32
          %sub3A_1727 = arith.subi %add3A_1278, %sub3A_1726 : i32
          %max3A = arith.constant 0 : i32
          %max3A_1728 = arith.maxsi %sub3A_1727, %max3A : i32
          %mul3A_1729 = arith.constant 25 : i32
          %mul3A_1730 = arith.muli %add3A, %mul3A_1729 : i32
          %add3A_1731 = arith.addi %mul3A_1730, %max3A_1728 : i32
          %jit3A_1732 = arith.constant 16 : i32
          %div3A_1733 = arith.divsi %add3A_1731, %jit3A_1732 : i32
          %sign3A_1734 = arith.constant 0 : i32
          %sign3A_1735 = arith.cmpi sgt, %add3A_1731, %sign3A_1734 : i32
          %sign3A_1736 = arith.extui %sign3A_1735 : i1 to i32
          %sign3A_1737 = arith.constant 0 : i32
          %sign3A_1738 = arith.cmpi slt, %add3A_1731, %sign3A_1737 : i32
          %sign3A_1739 = arith.extui %sign3A_1738 : i1 to i32
          %sign3A_1740 = arith.subi %sign3A_1736, %sign3A_1739 : i32
          %sign3A_1741 = arith.constant 0 : i32
          %sign3A_1742 = arith.cmpi sgt, %jit3A_1732, %sign3A_1741 : i32
          %sign3A_1743 = arith.extui %sign3A_1742 : i1 to i32
          %sign3A_1744 = arith.constant 0 : i32
          %sign3A_1745 = arith.cmpi slt, %jit3A_1732, %sign3A_1744 : i32
          %sign3A_1746 = arith.extui %sign3A_1745 : i1 to i32
          %sign3A_1747 = arith.subi %sign3A_1743, %sign3A_1746 : i32
          %ne3A_1748 = arith.cmpi ne, %sign3A_1740, %sign3A_1747 : i32
          %rem3A_1749 = arith.remsi %add3A_1731, %jit3A_1732 : i32
          %ne3A_1750 = arith.constant 0 : i32
          %ne3A_1751 = arith.cmpi ne, %rem3A_1749, %ne3A_1750 : i32
          %and3A_1752 = arith.andi %ne3A_1748, %ne3A_1751 : i1
          %sub3A_1753 = arith.constant 1 : i32
          %sub3A_1754 = arith.subi %div3A_1733, %sub3A_1753 : i32
          %select_n3A_1755 = arith.select %and3A_1752, %sub3A_1754, %div3A_1733 : i32
          %mul3A_1756 = arith.constant 5 : i32
          %mul3A_1757 = arith.muli %select_n3A_1755, %mul3A_1756 : i32
          %mul3A_1758 = arith.constant 1024 : i32
          %mul3A_1759 = arith.muli %mul3A_1757, %mul3A_1758 : i32
          %jit3A_1760 = arith.constant 16 : i32
          %eq3A_1761 = arith.constant 0 : i32
          %eq3A_1762 = arith.cmpi eq, %jit3A_1760, %eq3A_1761 : i32
          %jit3A_1763 = arith.constant 1 : i32
          %select_n3A_1764 = arith.select %eq3A_1762, %jit3A_1763, %jit3A_1760 : i32
          %rem3A_1765 = arith.remsi %add3A_1731, %select_n3A_1764 : i32
          %ne3A_1766 = arith.constant 0 : i32
          %ne3A_1767 = arith.cmpi ne, %rem3A_1765, %ne3A_1766 : i32
          %lt3A_1768 = arith.constant 0 : i32
          %lt3A_1769 = arith.cmpi slt, %rem3A_1765, %lt3A_1768 : i32
          %lt3A_1770 = arith.constant 0 : i32
          %lt3A_1771 = arith.cmpi slt, %select_n3A_1764, %lt3A_1770 : i32
          %ne3A_1772 = arith.xori %lt3A_1769, %lt3A_1771 : i1
          %and3A_1773 = arith.andi %ne3A_1772, %ne3A_1767 : i1
          %add3A_1774 = arith.addi %rem3A_1765, %select_n3A_1764 : i32
          %select_n3A_1775 = arith.select %and3A_1773, %add3A_1774, %rem3A_1765 : i32
          %mul3A_1776 = arith.constant 64 : i32
          %mul3A_1777 = arith.muli %select_n3A_1775, %mul3A_1776 : i32
          %add3A_1778 = arith.addi %mul3A_1759, %mul3A_1777 : i32
          %dma_wait3A_1779 = arith.constant 0 : i32
          %dma_wait3A_1780 = arith.constant 0 : i32
          %dma_wait3A_1781 = tpu.memref_slice %arg17[%dma_wait3A_1779, %dma_wait3A_1780] : memref<128x128xf32, #tpu.memory_space<vmem>> -> memref<64x128xf32, #tpu.memory_space<vmem>>
          %dma_wait3A_1782 = arith.constant 0 : i32
          %dma_wait3A_1783 = tpu.memref_slice %arg5[%add3A_1778, %dma_wait3A_1782] : memref<256000x128xf32, #tpu.memory_space<hbm>> -> memref<64x128xf32, #tpu.memory_space<hbm>>
          %dma_wait3A_1784 = arith.constant 0 : i32
          %dma_wait3A_1785 = tpu.memref_slice %arg5[%add3A_1778, %dma_wait3A_1784] : memref<256000x128xf32, #tpu.memory_space<hbm>> -> memref<64x128xf32, #tpu.memory_space<hbm>>
          %dma_wait3A_1786 = arith.constant 0 : i32
          %dma_wait3A_1787 = arith.constant 0 : i32
          %dma_wait3A_1788 = tpu.memref_slice %arg17[%dma_wait3A_1786, %dma_wait3A_1787] : memref<128x128xf32, #tpu.memory_space<vmem>> -> memref<64x128xf32, #tpu.memory_space<vmem>>
          tpu.wait_dma2 semaphore(%arg19 : memref<!tpu.dma_semaphore, #tpu.memory_space<semaphore_mem>>) src(%dma_wait3A_1788 : memref<64x128xf32, #tpu.memory_space<vmem>>) dst(%dma_wait3A_1785 : memref<64x128xf32, #tpu.memory_space<hbm>>)
        } else {
        }
        %add3A_1666 = arith.constant 2 : i32
        %add3A_1667 = arith.addi %add3A_1278, %add3A_1666 : i32
        %mul3A_1668 = arith.constant 25 : i32
        %mul3A_1669 = arith.muli %add3A, %mul3A_1668 : i32
        %add3A_1670 = arith.addi %mul3A_1669, %add3A_1667 : i32
        %jit3A_1671 = arith.constant 16 : i32
        %div3A_1672 = arith.divsi %add3A_1670, %jit3A_1671 : i32
        %sign3A_1673 = arith.constant 0 : i32
        %sign3A_1674 = arith.cmpi sgt, %add3A_1670, %sign3A_1673 : i32
        %sign3A_1675 = arith.extui %sign3A_1674 : i1 to i32
        %sign3A_1676 = arith.constant 0 : i32
        %sign3A_1677 = arith.cmpi slt, %add3A_1670, %sign3A_1676 : i32
        %sign3A_1678 = arith.extui %sign3A_1677 : i1 to i32
        %sign3A_1679 = arith.subi %sign3A_1675, %sign3A_1678 : i32
        %sign3A_1680 = arith.constant 0 : i32
        %sign3A_1681 = arith.cmpi sgt, %jit3A_1671, %sign3A_1680 : i32
        %sign3A_1682 = arith.extui %sign3A_1681 : i1 to i32
        %sign3A_1683 = arith.constant 0 : i32
        %sign3A_1684 = arith.cmpi slt, %jit3A_1671, %sign3A_1683 : i32
        %sign3A_1685 = arith.extui %sign3A_1684 : i1 to i32
        %sign3A_1686 = arith.subi %sign3A_1682, %sign3A_1685 : i32
        %ne3A_1687 = arith.cmpi ne, %sign3A_1679, %sign3A_1686 : i32
        %rem3A_1688 = arith.remsi %add3A_1670, %jit3A_1671 : i32
        %ne3A_1689 = arith.constant 0 : i32
        %ne3A_1690 = arith.cmpi ne, %rem3A_1688, %ne3A_1689 : i32
        %and3A_1691 = arith.andi %ne3A_1687, %ne3A_1690 : i1
        %sub3A_1692 = arith.constant 1 : i32
        %sub3A_1693 = arith.subi %div3A_1672, %sub3A_1692 : i32
        %select_n3A_1694 = arith.select %and3A_1691, %sub3A_1693, %div3A_1672 : i32
        %mul3A_1695 = arith.constant 1024 : i32
        %mul3A_1696 = arith.muli %select_n3A_1694, %mul3A_1695 : i32
        %jit3A_1697 = arith.constant 16 : i32
        %eq3A_1698 = arith.constant 0 : i32
        %eq3A_1699 = arith.cmpi eq, %jit3A_1697, %eq3A_1698 : i32
        %jit3A_1700 = arith.constant 1 : i32
        %select_n3A_1701 = arith.select %eq3A_1699, %jit3A_1700, %jit3A_1697 : i32
        %rem3A_1702 = arith.remsi %add3A_1670, %select_n3A_1701 : i32
        %ne3A_1703 = arith.constant 0 : i32
        %ne3A_1704 = arith.cmpi ne, %rem3A_1702, %ne3A_1703 : i32
        %lt3A_1705 = arith.constant 0 : i32
        %lt3A_1706 = arith.cmpi slt, %rem3A_1702, %lt3A_1705 : i32
        %lt3A_1707 = arith.constant 0 : i32
        %lt3A_1708 = arith.cmpi slt, %select_n3A_1701, %lt3A_1707 : i32
        %ne3A_1709 = arith.xori %lt3A_1706, %lt3A_1708 : i1
        %and3A_1710 = arith.andi %ne3A_1709, %ne3A_1704 : i1
        %add3A_1711 = arith.addi %rem3A_1702, %select_n3A_1701 : i32
        %select_n3A_1712 = arith.select %and3A_1710, %add3A_1711, %rem3A_1702 : i32
        %mul3A_1713 = arith.constant 64 : i32
        %mul3A_1714 = arith.muli %select_n3A_1712, %mul3A_1713 : i32
        %add3A_1715 = arith.addi %mul3A_1696, %mul3A_1714 : i32
        %dma_start3A_1716 = arith.constant 0 : i32
        %dma_start3A_1717 = arith.constant 0 : i32
        %dma_start3A_1718 = tpu.memref_slice %arg17[%dma_start3A_1716, %dma_start3A_1717] : memref<128x128xf32, #tpu.memory_space<vmem>> -> memref<64x128xf32, #tpu.memory_space<vmem>>
        %dma_start3A_1719 = arith.constant 0 : i32
        %dma_start3A_1720 = tpu.memref_slice %arg2[%add3A_1715, %dma_start3A_1719] : memref<51200x128xf32, #tpu.memory_space<hbm>> -> memref<64x128xf32, #tpu.memory_space<hbm>>
        %dma_start3A_1721 = arith.constant 0 : i32
        %dma_start3A_1722 = arith.constant 0 : i32
        %dma_start3A_1723 = tpu.memref_slice %arg17[%dma_start3A_1721, %dma_start3A_1722] : memref<128x128xf32, #tpu.memory_space<vmem>> -> memref<64x128xf32, #tpu.memory_space<vmem>>
        %dma_start3A_1724 = arith.constant 0 : i32
        %dma_start3A_1725 = tpu.memref_slice %arg2[%add3A_1715, %dma_start3A_1724] : memref<51200x128xf32, #tpu.memory_space<hbm>> -> memref<64x128xf32, #tpu.memory_space<hbm>>
        tpu.enqueue_dma source(%dma_start3A_1725 : memref<64x128xf32, #tpu.memory_space<hbm>>) target(%dma_start3A_1723 : memref<64x128xf32, #tpu.memory_space<vmem>>) target_semaphore(%arg18 : memref<!tpu.dma_semaphore, #tpu.memory_space<semaphore_mem>>)
      } else {
      }
      %mul3A_1404 = arith.constant 4 : i32
      %mul3A_1405 = arith.muli %mul3A_1404, %scan3A_1145 : i32
      %add3A_1406 = arith.constant 2 : i32
      %add3A_1407 = arith.addi %mul3A_1405, %add3A_1406 : i32
      %mul3A_1408 = arith.constant 25 : i32
      %mul3A_1409 = arith.muli %add3A, %mul3A_1408 : i32
      %add3A_1410 = arith.addi %mul3A_1409, %add3A_1407 : i32
      %jit3A_1411 = arith.constant 16 : i32
      %div3A_1412 = arith.divsi %add3A_1410, %jit3A_1411 : i32
      %sign3A_1413 = arith.constant 0 : i32
      %sign3A_1414 = arith.cmpi sgt, %add3A_1410, %sign3A_1413 : i32
      %sign3A_1415 = arith.extui %sign3A_1414 : i1 to i32
      %sign3A_1416 = arith.constant 0 : i32
      %sign3A_1417 = arith.cmpi slt, %add3A_1410, %sign3A_1416 : i32
      %sign3A_1418 = arith.extui %sign3A_1417 : i1 to i32
      %sign3A_1419 = arith.subi %sign3A_1415, %sign3A_1418 : i32
      %sign3A_1420 = arith.constant 0 : i32
      %sign3A_1421 = arith.cmpi sgt, %jit3A_1411, %sign3A_1420 : i32
      %sign3A_1422 = arith.extui %sign3A_1421 : i1 to i32
      %sign3A_1423 = arith.constant 0 : i32
      %sign3A_1424 = arith.cmpi slt, %jit3A_1411, %sign3A_1423 : i32
      %sign3A_1425 = arith.extui %sign3A_1424 : i1 to i32
      %sign3A_1426 = arith.subi %sign3A_1422, %sign3A_1425 : i32
      %ne3A_1427 = arith.cmpi ne, %sign3A_1419, %sign3A_1426 : i32
      %rem3A_1428 = arith.remsi %add3A_1410, %jit3A_1411 : i32
      %ne3A_1429 = arith.constant 0 : i32
      %ne3A_1430 = arith.cmpi ne, %rem3A_1428, %ne3A_1429 : i32
      %and3A_1431 = arith.andi %ne3A_1427, %ne3A_1430 : i1
      %sub3A_1432 = arith.constant 1 : i32
      %sub3A_1433 = arith.subi %div3A_1412, %sub3A_1432 : i32
      %select_n3A_1434 = arith.select %and3A_1431, %sub3A_1433, %div3A_1412 : i32
      %mul3A_1435 = arith.constant 1024 : i32
      %mul3A_1436 = arith.muli %select_n3A_1434, %mul3A_1435 : i32
      %jit3A_1437 = arith.constant 16 : i32
      %eq3A_1438 = arith.constant 0 : i32
      %eq3A_1439 = arith.cmpi eq, %jit3A_1437, %eq3A_1438 : i32
      %jit3A_1440 = arith.constant 1 : i32
      %select_n3A_1441 = arith.select %eq3A_1439, %jit3A_1440, %jit3A_1437 : i32
      %rem3A_1442 = arith.remsi %add3A_1410, %select_n3A_1441 : i32
      %ne3A_1443 = arith.constant 0 : i32
      %ne3A_1444 = arith.cmpi ne, %rem3A_1442, %ne3A_1443 : i32
      %lt3A_1445 = arith.constant 0 : i32
      %lt3A_1446 = arith.cmpi slt, %rem3A_1442, %lt3A_1445 : i32
      %lt3A_1447 = arith.constant 0 : i32
      %lt3A_1448 = arith.cmpi slt, %select_n3A_1441, %lt3A_1447 : i32
      %ne3A_1449 = arith.xori %lt3A_1446, %lt3A_1448 : i1
      %and3A_1450 = arith.andi %ne3A_1449, %ne3A_1444 : i1
      %add3A_1451 = arith.addi %rem3A_1442, %select_n3A_1441 : i32
      %select_n3A_1452 = arith.select %and3A_1450, %add3A_1451, %rem3A_1442 : i32
      %mul3A_1453 = arith.constant 64 : i32
      %mul3A_1454 = arith.muli %select_n3A_1452, %mul3A_1453 : i32
      %add3A_1455 = arith.addi %mul3A_1436, %mul3A_1454 : i32
      %dma_wait3A_1456 = arith.constant 0 : i32
      %dma_wait3A_1457 = arith.constant 0 : i32
      %dma_wait3A_1458 = tpu.memref_slice %arg14[%dma_wait3A_1456, %dma_wait3A_1457] : memref<128x128xf32, #tpu.memory_space<vmem>> -> memref<64x128xf32, #tpu.memory_space<vmem>>
      %dma_wait3A_1459 = arith.constant 0 : i32
      %dma_wait3A_1460 = tpu.memref_slice %arg2[%add3A_1455, %dma_wait3A_1459] : memref<51200x128xf32, #tpu.memory_space<hbm>> -> memref<64x128xf32, #tpu.memory_space<hbm>>
      %dma_wait3A_1461 = arith.constant 0 : i32
      %dma_wait3A_1462 = arith.constant 0 : i32
      %dma_wait3A_1463 = tpu.memref_slice %arg14[%dma_wait3A_1461, %dma_wait3A_1462] : memref<128x128xf32, #tpu.memory_space<vmem>> -> memref<64x128xf32, #tpu.memory_space<vmem>>
      %dma_wait3A_1464 = arith.constant 0 : i32
      %dma_wait3A_1465 = tpu.memref_slice %arg2[%add3A_1455, %dma_wait3A_1464] : memref<51200x128xf32, #tpu.memory_space<hbm>> -> memref<64x128xf32, #tpu.memory_space<hbm>>
      tpu.wait_dma2 semaphore(%arg15 : memref<!tpu.dma_semaphore, #tpu.memory_space<semaphore_mem>>) src(%dma_wait3A_1465 : memref<64x128xf32, #tpu.memory_space<hbm>>) dst(%dma_wait3A_1463 : memref<64x128xf32, #tpu.memory_space<vmem>>)
      %mul3A_1466 = arith.constant 25 : i32
      %mul3A_1467 = arith.muli %add3A, %mul3A_1466 : i32
      %add3A_1468 = arith.addi %mul3A_1467, %add3A_1407 : i32
      %jit3A_1469 = arith.constant 16 : i32
      %div3A_1470 = arith.divsi %add3A_1468, %jit3A_1469 : i32
      %sign3A_1471 = arith.constant 0 : i32
      %sign3A_1472 = arith.cmpi sgt, %add3A_1468, %sign3A_1471 : i32
      %sign3A_1473 = arith.extui %sign3A_1472 : i1 to i32
      %sign3A_1474 = arith.constant 0 : i32
      %sign3A_1475 = arith.cmpi slt, %add3A_1468, %sign3A_1474 : i32
      %sign3A_1476 = arith.extui %sign3A_1475 : i1 to i32
      %sign3A_1477 = arith.subi %sign3A_1473, %sign3A_1476 : i32
      %sign3A_1478 = arith.constant 0 : i32
      %sign3A_1479 = arith.cmpi sgt, %jit3A_1469, %sign3A_1478 : i32
      %sign3A_1480 = arith.extui %sign3A_1479 : i1 to i32
      %sign3A_1481 = arith.constant 0 : i32
      %sign3A_1482 = arith.cmpi slt, %jit3A_1469, %sign3A_1481 : i32
      %sign3A_1483 = arith.extui %sign3A_1482 : i1 to i32
      %sign3A_1484 = arith.subi %sign3A_1480, %sign3A_1483 : i32
      %ne3A_1485 = arith.cmpi ne, %sign3A_1477, %sign3A_1484 : i32
      %rem3A_1486 = arith.remsi %add3A_1468, %jit3A_1469 : i32
      %ne3A_1487 = arith.constant 0 : i32
      %ne3A_1488 = arith.cmpi ne, %rem3A_1486, %ne3A_1487 : i32
      %and3A_1489 = arith.andi %ne3A_1485, %ne3A_1488 : i1
      %sub3A_1490 = arith.constant 1 : i32
      %sub3A_1491 = arith.subi %div3A_1470, %sub3A_1490 : i32
      %select_n3A_1492 = arith.select %and3A_1489, %sub3A_1491, %div3A_1470 : i32
      %mul3A_1493 = arith.constant 5 : i32
      %mul3A_1494 = arith.muli %select_n3A_1492, %mul3A_1493 : i32
      %mul3A_1495 = arith.constant 1024 : i32
      %mul3A_1496 = arith.muli %mul3A_1494, %mul3A_1495 : i32
      %jit3A_1497 = arith.constant 16 : i32
      %eq3A_1498 = arith.constant 0 : i32
      %eq3A_1499 = arith.cmpi eq, %jit3A_1497, %eq3A_1498 : i32
      %jit3A_1500 = arith.constant 1 : i32
      %select_n3A_1501 = arith.select %eq3A_1499, %jit3A_1500, %jit3A_1497 : i32
      %rem3A_1502 = arith.remsi %add3A_1468, %select_n3A_1501 : i32
      %ne3A_1503 = arith.constant 0 : i32
      %ne3A_1504 = arith.cmpi ne, %rem3A_1502, %ne3A_1503 : i32
      %lt3A_1505 = arith.constant 0 : i32
      %lt3A_1506 = arith.cmpi slt, %rem3A_1502, %lt3A_1505 : i32
      %lt3A_1507 = arith.constant 0 : i32
      %lt3A_1508 = arith.cmpi slt, %select_n3A_1501, %lt3A_1507 : i32
      %ne3A_1509 = arith.xori %lt3A_1506, %lt3A_1508 : i1
      %and3A_1510 = arith.andi %ne3A_1509, %ne3A_1504 : i1
      %add3A_1511 = arith.addi %rem3A_1502, %select_n3A_1501 : i32
      %select_n3A_1512 = arith.select %and3A_1510, %add3A_1511, %rem3A_1502 : i32
      %mul3A_1513 = arith.constant 64 : i32
      %mul3A_1514 = arith.muli %select_n3A_1512, %mul3A_1513 : i32
      %add3A_1515 = arith.addi %mul3A_1496, %mul3A_1514 : i32
      %dma_start3A_1516 = arith.constant 0 : i32
      %dma_start3A_1517 = arith.constant 0 : i32
      %dma_start3A_1518 = tpu.memref_slice %arg14[%dma_start3A_1516, %dma_start3A_1517] : memref<128x128xf32, #tpu.memory_space<vmem>> -> memref<64x128xf32, #tpu.memory_space<vmem>>
      %dma_start3A_1519 = arith.constant 0 : i32
      %dma_start3A_1520 = tpu.memref_slice %arg5[%add3A_1515, %dma_start3A_1519] : memref<256000x128xf32, #tpu.memory_space<hbm>> -> memref<64x128xf32, #tpu.memory_space<hbm>>
      %dma_start3A_1521 = arith.constant 0 : i32
      %dma_start3A_1522 = tpu.memref_slice %arg5[%add3A_1515, %dma_start3A_1521] : memref<256000x128xf32, #tpu.memory_space<hbm>> -> memref<64x128xf32, #tpu.memory_space<hbm>>
      %dma_start3A_1523 = arith.constant 0 : i32
      %dma_start3A_1524 = arith.constant 0 : i32
      %dma_start3A_1525 = tpu.memref_slice %arg14[%dma_start3A_1523, %dma_start3A_1524] : memref<128x128xf32, #tpu.memory_space<vmem>> -> memref<64x128xf32, #tpu.memory_space<vmem>>
      tpu.enqueue_dma source(%dma_start3A_1525 : memref<64x128xf32, #tpu.memory_space<vmem>>) target(%dma_start3A_1522 : memref<64x128xf32, #tpu.memory_space<hbm>>) target_semaphore(%arg16 : memref<!tpu.dma_semaphore, #tpu.memory_space<semaphore_mem>>)
      %add3A_1526 = arith.constant 2 : i32
      %add3A_1527 = arith.addi %add3A_1407, %add3A_1526 : i32
      %lt3A_1528 = arith.constant 25 : i32
      %lt3A_1529 = arith.cmpi slt, %add3A_1527, %lt3A_1528 : i32
      %convert_element_type3A_1530 = arith.extui %lt3A_1529 : i1 to i32
      %cond3A_1531 = arith.constant 0 : i32
      %cond3A_1532 = arith.cmpi ne, %convert_element_type3A_1530, %cond3A_1531 : i32
      scf.if %cond3A_1532 {
        %ge3A = arith.constant 2 : i32
        %ge3A_1662 = arith.cmpi sge, %add3A_1407, %ge3A : i32
        %convert_element_type3A_1663 = arith.extui %ge3A_1662 : i1 to i32
        %cond3A_1664 = arith.constant 0 : i32
        %cond3A_1665 = arith.cmpi ne, %convert_element_type3A_1663, %cond3A_1664 : i32
        scf.if %cond3A_1665 {
          %sub3A_1726 = arith.constant 2 : i32
          %sub3A_1727 = arith.subi %add3A_1407, %sub3A_1726 : i32
          %max3A = arith.constant 0 : i32
          %max3A_1728 = arith.maxsi %sub3A_1727, %max3A : i32
          %mul3A_1729 = arith.constant 25 : i32
          %mul3A_1730 = arith.muli %add3A, %mul3A_1729 : i32
          %add3A_1731 = arith.addi %mul3A_1730, %max3A_1728 : i32
          %jit3A_1732 = arith.constant 16 : i32
          %div3A_1733 = arith.divsi %add3A_1731, %jit3A_1732 : i32
          %sign3A_1734 = arith.constant 0 : i32
          %sign3A_1735 = arith.cmpi sgt, %add3A_1731, %sign3A_1734 : i32
          %sign3A_1736 = arith.extui %sign3A_1735 : i1 to i32
          %sign3A_1737 = arith.constant 0 : i32
          %sign3A_1738 = arith.cmpi slt, %add3A_1731, %sign3A_1737 : i32
          %sign3A_1739 = arith.extui %sign3A_1738 : i1 to i32
          %sign3A_1740 = arith.subi %sign3A_1736, %sign3A_1739 : i32
          %sign3A_1741 = arith.constant 0 : i32
          %sign3A_1742 = arith.cmpi sgt, %jit3A_1732, %sign3A_1741 : i32
          %sign3A_1743 = arith.extui %sign3A_1742 : i1 to i32
          %sign3A_1744 = arith.constant 0 : i32
          %sign3A_1745 = arith.cmpi slt, %jit3A_1732, %sign3A_1744 : i32
          %sign3A_1746 = arith.extui %sign3A_1745 : i1 to i32
          %sign3A_1747 = arith.subi %sign3A_1743, %sign3A_1746 : i32
          %ne3A_1748 = arith.cmpi ne, %sign3A_1740, %sign3A_1747 : i32
          %rem3A_1749 = arith.remsi %add3A_1731, %jit3A_1732 : i32
          %ne3A_1750 = arith.constant 0 : i32
          %ne3A_1751 = arith.cmpi ne, %rem3A_1749, %ne3A_1750 : i32
          %and3A_1752 = arith.andi %ne3A_1748, %ne3A_1751 : i1
          %sub3A_1753 = arith.constant 1 : i32
          %sub3A_1754 = arith.subi %div3A_1733, %sub3A_1753 : i32
          %select_n3A_1755 = arith.select %and3A_1752, %sub3A_1754, %div3A_1733 : i32
          %mul3A_1756 = arith.constant 5 : i32
          %mul3A_1757 = arith.muli %select_n3A_1755, %mul3A_1756 : i32
          %mul3A_1758 = arith.constant 1024 : i32
          %mul3A_1759 = arith.muli %mul3A_1757, %mul3A_1758 : i32
          %jit3A_1760 = arith.constant 16 : i32
          %eq3A_1761 = arith.constant 0 : i32
          %eq3A_1762 = arith.cmpi eq, %jit3A_1760, %eq3A_1761 : i32
          %jit3A_1763 = arith.constant 1 : i32
          %select_n3A_1764 = arith.select %eq3A_1762, %jit3A_1763, %jit3A_1760 : i32
          %rem3A_1765 = arith.remsi %add3A_1731, %select_n3A_1764 : i32
          %ne3A_1766 = arith.constant 0 : i32
          %ne3A_1767 = arith.cmpi ne, %rem3A_1765, %ne3A_1766 : i32
          %lt3A_1768 = arith.constant 0 : i32
          %lt3A_1769 = arith.cmpi slt, %rem3A_1765, %lt3A_1768 : i32
          %lt3A_1770 = arith.constant 0 : i32
          %lt3A_1771 = arith.cmpi slt, %select_n3A_1764, %lt3A_1770 : i32
          %ne3A_1772 = arith.xori %lt3A_1769, %lt3A_1771 : i1
          %and3A_1773 = arith.andi %ne3A_1772, %ne3A_1767 : i1
          %add3A_1774 = arith.addi %rem3A_1765, %select_n3A_1764 : i32
          %select_n3A_1775 = arith.select %and3A_1773, %add3A_1774, %rem3A_1765 : i32
          %mul3A_1776 = arith.constant 64 : i32
          %mul3A_1777 = arith.muli %select_n3A_1775, %mul3A_1776 : i32
          %add3A_1778 = arith.addi %mul3A_1759, %mul3A_1777 : i32
          %dma_wait3A_1779 = arith.constant 0 : i32
          %dma_wait3A_1780 = arith.constant 0 : i32
          %dma_wait3A_1781 = tpu.memref_slice %arg8[%dma_wait3A_1779, %dma_wait3A_1780] : memref<128x128xf32, #tpu.memory_space<vmem>> -> memref<64x128xf32, #tpu.memory_space<vmem>>
          %dma_wait3A_1782 = arith.constant 0 : i32
          %dma_wait3A_1783 = tpu.memref_slice %arg5[%add3A_1778, %dma_wait3A_1782] : memref<256000x128xf32, #tpu.memory_space<hbm>> -> memref<64x128xf32, #tpu.memory_space<hbm>>
          %dma_wait3A_1784 = arith.constant 0 : i32
          %dma_wait3A_1785 = tpu.memref_slice %arg5[%add3A_1778, %dma_wait3A_1784] : memref<256000x128xf32, #tpu.memory_space<hbm>> -> memref<64x128xf32, #tpu.memory_space<hbm>>
          %dma_wait3A_1786 = arith.constant 0 : i32
          %dma_wait3A_1787 = arith.constant 0 : i32
          %dma_wait3A_1788 = tpu.memref_slice %arg8[%dma_wait3A_1786, %dma_wait3A_1787] : memref<128x128xf32, #tpu.memory_space<vmem>> -> memref<64x128xf32, #tpu.memory_space<vmem>>
          tpu.wait_dma2 semaphore(%arg10 : memref<!tpu.dma_semaphore, #tpu.memory_space<semaphore_mem>>) src(%dma_wait3A_1788 : memref<64x128xf32, #tpu.memory_space<vmem>>) dst(%dma_wait3A_1785 : memref<64x128xf32, #tpu.memory_space<hbm>>)
        } else {
        }
        %add3A_1666 = arith.constant 2 : i32
        %add3A_1667 = arith.addi %add3A_1407, %add3A_1666 : i32
        %mul3A_1668 = arith.constant 25 : i32
        %mul3A_1669 = arith.muli %add3A, %mul3A_1668 : i32
        %add3A_1670 = arith.addi %mul3A_1669, %add3A_1667 : i32
        %jit3A_1671 = arith.constant 16 : i32
        %div3A_1672 = arith.divsi %add3A_1670, %jit3A_1671 : i32
        %sign3A_1673 = arith.constant 0 : i32
        %sign3A_1674 = arith.cmpi sgt, %add3A_1670, %sign3A_1673 : i32
        %sign3A_1675 = arith.extui %sign3A_1674 : i1 to i32
        %sign3A_1676 = arith.constant 0 : i32
        %sign3A_1677 = arith.cmpi slt, %add3A_1670, %sign3A_1676 : i32
        %sign3A_1678 = arith.extui %sign3A_1677 : i1 to i32
        %sign3A_1679 = arith.subi %sign3A_1675, %sign3A_1678 : i32
        %sign3A_1680 = arith.constant 0 : i32
        %sign3A_1681 = arith.cmpi sgt, %jit3A_1671, %sign3A_1680 : i32
        %sign3A_1682 = arith.extui %sign3A_1681 : i1 to i32
        %sign3A_1683 = arith.constant 0 : i32
        %sign3A_1684 = arith.cmpi slt, %jit3A_1671, %sign3A_1683 : i32
        %sign3A_1685 = arith.extui %sign3A_1684 : i1 to i32
        %sign3A_1686 = arith.subi %sign3A_1682, %sign3A_1685 : i32
        %ne3A_1687 = arith.cmpi ne, %sign3A_1679, %sign3A_1686 : i32
        %rem3A_1688 = arith.remsi %add3A_1670, %jit3A_1671 : i32
        %ne3A_1689 = arith.constant 0 : i32
        %ne3A_1690 = arith.cmpi ne, %rem3A_1688, %ne3A_1689 : i32
        %and3A_1691 = arith.andi %ne3A_1687, %ne3A_1690 : i1
        %sub3A_1692 = arith.constant 1 : i32
        %sub3A_1693 = arith.subi %div3A_1672, %sub3A_1692 : i32
        %select_n3A_1694 = arith.select %and3A_1691, %sub3A_1693, %div3A_1672 : i32
        %mul3A_1695 = arith.constant 1024 : i32
        %mul3A_1696 = arith.muli %select_n3A_1694, %mul3A_1695 : i32
        %jit3A_1697 = arith.constant 16 : i32
        %eq3A_1698 = arith.constant 0 : i32
        %eq3A_1699 = arith.cmpi eq, %jit3A_1697, %eq3A_1698 : i32
        %jit3A_1700 = arith.constant 1 : i32
        %select_n3A_1701 = arith.select %eq3A_1699, %jit3A_1700, %jit3A_1697 : i32
        %rem3A_1702 = arith.remsi %add3A_1670, %select_n3A_1701 : i32
        %ne3A_1703 = arith.constant 0 : i32
        %ne3A_1704 = arith.cmpi ne, %rem3A_1702, %ne3A_1703 : i32
        %lt3A_1705 = arith.constant 0 : i32
        %lt3A_1706 = arith.cmpi slt, %rem3A_1702, %lt3A_1705 : i32
        %lt3A_1707 = arith.constant 0 : i32
        %lt3A_1708 = arith.cmpi slt, %select_n3A_1701, %lt3A_1707 : i32
        %ne3A_1709 = arith.xori %lt3A_1706, %lt3A_1708 : i1
        %and3A_1710 = arith.andi %ne3A_1709, %ne3A_1704 : i1
        %add3A_1711 = arith.addi %rem3A_1702, %select_n3A_1701 : i32
        %select_n3A_1712 = arith.select %and3A_1710, %add3A_1711, %rem3A_1702 : i32
        %mul3A_1713 = arith.constant 64 : i32
        %mul3A_1714 = arith.muli %select_n3A_1712, %mul3A_1713 : i32
        %add3A_1715 = arith.addi %mul3A_1696, %mul3A_1714 : i32
        %dma_start3A_1716 = arith.constant 0 : i32
        %dma_start3A_1717 = arith.constant 0 : i32
        %dma_start3A_1718 = tpu.memref_slice %arg8[%dma_start3A_1716, %dma_start3A_1717] : memref<128x128xf32, #tpu.memory_space<vmem>> -> memref<64x128xf32, #tpu.memory_space<vmem>>
        %dma_start3A_1719 = arith.constant 0 : i32
        %dma_start3A_1720 = tpu.memref_slice %arg2[%add3A_1715, %dma_start3A_1719] : memref<51200x128xf32, #tpu.memory_space<hbm>> -> memref<64x128xf32, #tpu.memory_space<hbm>>
        %dma_start3A_1721 = arith.constant 0 : i32
        %dma_start3A_1722 = arith.constant 0 : i32
        %dma_start3A_1723 = tpu.memref_slice %arg8[%dma_start3A_1721, %dma_start3A_1722] : memref<128x128xf32, #tpu.memory_space<vmem>> -> memref<64x128xf32, #tpu.memory_space<vmem>>
        %dma_start3A_1724 = arith.constant 0 : i32
        %dma_start3A_1725 = tpu.memref_slice %arg2[%add3A_1715, %dma_start3A_1724] : memref<51200x128xf32, #tpu.memory_space<hbm>> -> memref<64x128xf32, #tpu.memory_space<hbm>>
        tpu.enqueue_dma source(%dma_start3A_1725 : memref<64x128xf32, #tpu.memory_space<hbm>>) target(%dma_start3A_1723 : memref<64x128xf32, #tpu.memory_space<vmem>>) target_semaphore(%arg9 : memref<!tpu.dma_semaphore, #tpu.memory_space<semaphore_mem>>)
      } else {
      }
      %mul3A_1533 = arith.constant 4 : i32
      %mul3A_1534 = arith.muli %mul3A_1533, %scan3A_1145 : i32
      %add3A_1535 = arith.constant 3 : i32
      %add3A_1536 = arith.addi %mul3A_1534, %add3A_1535 : i32
      %mul3A_1537 = arith.constant 25 : i32
      %mul3A_1538 = arith.muli %add3A, %mul3A_1537 : i32
      %add3A_1539 = arith.addi %mul3A_1538, %add3A_1536 : i32
      %jit3A_1540 = arith.constant 16 : i32
      %div3A_1541 = arith.divsi %add3A_1539, %jit3A_1540 : i32
      %sign3A_1542 = arith.constant 0 : i32
      %sign3A_1543 = arith.cmpi sgt, %add3A_1539, %sign3A_1542 : i32
      %sign3A_1544 = arith.extui %sign3A_1543 : i1 to i32
      %sign3A_1545 = arith.constant 0 : i32
      %sign3A_1546 = arith.cmpi slt, %add3A_1539, %sign3A_1545 : i32
      %sign3A_1547 = arith.extui %sign3A_1546 : i1 to i32
      %sign3A_1548 = arith.subi %sign3A_1544, %sign3A_1547 : i32
      %sign3A_1549 = arith.constant 0 : i32
      %sign3A_1550 = arith.cmpi sgt, %jit3A_1540, %sign3A_1549 : i32
      %sign3A_1551 = arith.extui %sign3A_1550 : i1 to i32
      %sign3A_1552 = arith.constant 0 : i32
      %sign3A_1553 = arith.cmpi slt, %jit3A_1540, %sign3A_1552 : i32
      %sign3A_1554 = arith.extui %sign3A_1553 : i1 to i32
      %sign3A_1555 = arith.subi %sign3A_1551, %sign3A_1554 : i32
      %ne3A_1556 = arith.cmpi ne, %sign3A_1548, %sign3A_1555 : i32
      %rem3A_1557 = arith.remsi %add3A_1539, %jit3A_1540 : i32
      %ne3A_1558 = arith.constant 0 : i32
      %ne3A_1559 = arith.cmpi ne, %rem3A_1557, %ne3A_1558 : i32
      %and3A_1560 = arith.andi %ne3A_1556, %ne3A_1559 : i1
      %sub3A_1561 = arith.constant 1 : i32
      %sub3A_1562 = arith.subi %div3A_1541, %sub3A_1561 : i32
      %select_n3A_1563 = arith.select %and3A_1560, %sub3A_1562, %div3A_1541 : i32
      %mul3A_1564 = arith.constant 1024 : i32
      %mul3A_1565 = arith.muli %select_n3A_1563, %mul3A_1564 : i32
      %jit3A_1566 = arith.constant 16 : i32
      %eq3A_1567 = arith.constant 0 : i32
      %eq3A_1568 = arith.cmpi eq, %jit3A_1566, %eq3A_1567 : i32
      %jit3A_1569 = arith.constant 1 : i32
      %select_n3A_1570 = arith.select %eq3A_1568, %jit3A_1569, %jit3A_1566 : i32
      %rem3A_1571 = arith.remsi %add3A_1539, %select_n3A_1570 : i32
      %ne3A_1572 = arith.constant 0 : i32
      %ne3A_1573 = arith.cmpi ne, %rem3A_1571, %ne3A_1572 : i32
      %lt3A_1574 = arith.constant 0 : i32
      %lt3A_1575 = arith.cmpi slt, %rem3A_1571, %lt3A_1574 : i32
      %lt3A_1576 = arith.constant 0 : i32
      %lt3A_1577 = arith.cmpi slt, %select_n3A_1570, %lt3A_1576 : i32
      %ne3A_1578 = arith.xori %lt3A_1575, %lt3A_1577 : i1
      %and3A_1579 = arith.andi %ne3A_1578, %ne3A_1573 : i1
      %add3A_1580 = arith.addi %rem3A_1571, %select_n3A_1570 : i32
      %select_n3A_1581 = arith.select %and3A_1579, %add3A_1580, %rem3A_1571 : i32
      %mul3A_1582 = arith.constant 64 : i32
      %mul3A_1583 = arith.muli %select_n3A_1581, %mul3A_1582 : i32
      %add3A_1584 = arith.addi %mul3A_1565, %mul3A_1583 : i32
      %dma_wait3A_1585 = arith.constant 0 : i32
      %dma_wait3A_1586 = arith.constant 0 : i32
      %dma_wait3A_1587 = tpu.memref_slice %arg17[%dma_wait3A_1585, %dma_wait3A_1586] : memref<128x128xf32, #tpu.memory_space<vmem>> -> memref<64x128xf32, #tpu.memory_space<vmem>>
      %dma_wait3A_1588 = arith.constant 0 : i32
      %dma_wait3A_1589 = tpu.memref_slice %arg2[%add3A_1584, %dma_wait3A_1588] : memref<51200x128xf32, #tpu.memory_space<hbm>> -> memref<64x128xf32, #tpu.memory_space<hbm>>
      %dma_wait3A_1590 = arith.constant 0 : i32
      %dma_wait3A_1591 = arith.constant 0 : i32
      %dma_wait3A_1592 = tpu.memref_slice %arg17[%dma_wait3A_1590, %dma_wait3A_1591] : memref<128x128xf32, #tpu.memory_space<vmem>> -> memref<64x128xf32, #tpu.memory_space<vmem>>
      %dma_wait3A_1593 = arith.constant 0 : i32
      %dma_wait3A_1594 = tpu.memref_slice %arg2[%add3A_1584, %dma_wait3A_1593] : memref<51200x128xf32, #tpu.memory_space<hbm>> -> memref<64x128xf32, #tpu.memory_space<hbm>>
      tpu.wait_dma2 semaphore(%arg18 : memref<!tpu.dma_semaphore, #tpu.memory_space<semaphore_mem>>) src(%dma_wait3A_1594 : memref<64x128xf32, #tpu.memory_space<hbm>>) dst(%dma_wait3A_1592 : memref<64x128xf32, #tpu.memory_space<vmem>>)
      %mul3A_1595 = arith.constant 25 : i32
      %mul3A_1596 = arith.muli %add3A, %mul3A_1595 : i32
      %add3A_1597 = arith.addi %mul3A_1596, %add3A_1536 : i32
      %jit3A_1598 = arith.constant 16 : i32
      %div3A_1599 = arith.divsi %add3A_1597, %jit3A_1598 : i32
      %sign3A_1600 = arith.constant 0 : i32
      %sign3A_1601 = arith.cmpi sgt, %add3A_1597, %sign3A_1600 : i32
      %sign3A_1602 = arith.extui %sign3A_1601 : i1 to i32
      %sign3A_1603 = arith.constant 0 : i32
      %sign3A_1604 = arith.cmpi slt, %add3A_1597, %sign3A_1603 : i32
      %sign3A_1605 = arith.extui %sign3A_1604 : i1 to i32
      %sign3A_1606 = arith.subi %sign3A_1602, %sign3A_1605 : i32
      %sign3A_1607 = arith.constant 0 : i32
      %sign3A_1608 = arith.cmpi sgt, %jit3A_1598, %sign3A_1607 : i32
      %sign3A_1609 = arith.extui %sign3A_1608 : i1 to i32
      %sign3A_1610 = arith.constant 0 : i32
      %sign3A_1611 = arith.cmpi slt, %jit3A_1598, %sign3A_1610 : i32
      %sign3A_1612 = arith.extui %sign3A_1611 : i1 to i32
      %sign3A_1613 = arith.subi %sign3A_1609, %sign3A_1612 : i32
      %ne3A_1614 = arith.cmpi ne, %sign3A_1606, %sign3A_1613 : i32
      %rem3A_1615 = arith.remsi %add3A_1597, %jit3A_1598 : i32
      %ne3A_1616 = arith.constant 0 : i32
      %ne3A_1617 = arith.cmpi ne, %rem3A_1615, %ne3A_1616 : i32
      %and3A_1618 = arith.andi %ne3A_1614, %ne3A_1617 : i1
      %sub3A_1619 = arith.constant 1 : i32
      %sub3A_1620 = arith.subi %div3A_1599, %sub3A_1619 : i32
      %select_n3A_1621 = arith.select %and3A_1618, %sub3A_1620, %div3A_1599 : i32
      %mul3A_1622 = arith.constant 5 : i32
      %mul3A_1623 = arith.muli %select_n3A_1621, %mul3A_1622 : i32
      %mul3A_1624 = arith.constant 1024 : i32
      %mul3A_1625 = arith.muli %mul3A_1623, %mul3A_1624 : i32
      %jit3A_1626 = arith.constant 16 : i32
      %eq3A_1627 = arith.constant 0 : i32
      %eq3A_1628 = arith.cmpi eq, %jit3A_1626, %eq3A_1627 : i32
      %jit3A_1629 = arith.constant 1 : i32
      %select_n3A_1630 = arith.select %eq3A_1628, %jit3A_1629, %jit3A_1626 : i32
      %rem3A_1631 = arith.remsi %add3A_1597, %select_n3A_1630 : i32
      %ne3A_1632 = arith.constant 0 : i32
      %ne3A_1633 = arith.cmpi ne, %rem3A_1631, %ne3A_1632 : i32
      %lt3A_1634 = arith.constant 0 : i32
      %lt3A_1635 = arith.cmpi slt, %rem3A_1631, %lt3A_1634 : i32
      %lt3A_1636 = arith.constant 0 : i32
      %lt3A_1637 = arith.cmpi slt, %select_n3A_1630, %lt3A_1636 : i32
      %ne3A_1638 = arith.xori %lt3A_1635, %lt3A_1637 : i1
      %and3A_1639 = arith.andi %ne3A_1638, %ne3A_1633 : i1
      %add3A_1640 = arith.addi %rem3A_1631, %select_n3A_1630 : i32
      %select_n3A_1641 = arith.select %and3A_1639, %add3A_1640, %rem3A_1631 : i32
      %mul3A_1642 = arith.constant 64 : i32
      %mul3A_1643 = arith.muli %select_n3A_1641, %mul3A_1642 : i32
      %add3A_1644 = arith.addi %mul3A_1625, %mul3A_1643 : i32
      %dma_start3A_1645 = arith.constant 0 : i32
      %dma_start3A_1646 = arith.constant 0 : i32
      %dma_start3A_1647 = tpu.memref_slice %arg17[%dma_start3A_1645, %dma_start3A_1646] : memref<128x128xf32, #tpu.memory_space<vmem>> -> memref<64x128xf32, #tpu.memory_space<vmem>>
      %dma_start3A_1648 = arith.constant 0 : i32
      %dma_start3A_1649 = tpu.memref_slice %arg5[%add3A_1644, %dma_start3A_1648] : memref<256000x128xf32, #tpu.memory_space<hbm>> -> memref<64x128xf32, #tpu.memory_space<hbm>>
      %dma_start3A_1650 = arith.constant 0 : i32
      %dma_start3A_1651 = tpu.memref_slice %arg5[%add3A_1644, %dma_start3A_1650] : memref<256000x128xf32, #tpu.memory_space<hbm>> -> memref<64x128xf32, #tpu.memory_space<hbm>>
      %dma_start3A_1652 = arith.constant 0 : i32
      %dma_start3A_1653 = arith.constant 0 : i32
      %dma_start3A_1654 = tpu.memref_slice %arg17[%dma_start3A_1652, %dma_start3A_1653] : memref<128x128xf32, #tpu.memory_space<vmem>> -> memref<64x128xf32, #tpu.memory_space<vmem>>
      tpu.enqueue_dma source(%dma_start3A_1654 : memref<64x128xf32, #tpu.memory_space<vmem>>) target(%dma_start3A_1651 : memref<64x128xf32, #tpu.memory_space<hbm>>) target_semaphore(%arg19 : memref<!tpu.dma_semaphore, #tpu.memory_space<semaphore_mem>>)
      %add3A_1655 = arith.constant 2 : i32
      %add3A_1656 = arith.addi %add3A_1536, %add3A_1655 : i32
      %lt3A_1657 = arith.constant 25 : i32
      %lt3A_1658 = arith.cmpi slt, %add3A_1656, %lt3A_1657 : i32
      %convert_element_type3A_1659 = arith.extui %lt3A_1658 : i1 to i32
      %cond3A_1660 = arith.constant 0 : i32
      %cond3A_1661 = arith.cmpi ne, %convert_element_type3A_1659, %cond3A_1660 : i32
      scf.if %cond3A_1661 {
        %ge3A = arith.constant 2 : i32
        %ge3A_1662 = arith.cmpi sge, %add3A_1536, %ge3A : i32
        %convert_element_type3A_1663 = arith.extui %ge3A_1662 : i1 to i32
        %cond3A_1664 = arith.constant 0 : i32
        %cond3A_1665 = arith.cmpi ne, %convert_element_type3A_1663, %cond3A_1664 : i32
        scf.if %cond3A_1665 {
          %sub3A_1726 = arith.constant 2 : i32
          %sub3A_1727 = arith.subi %add3A_1536, %sub3A_1726 : i32
          %max3A = arith.constant 0 : i32
          %max3A_1728 = arith.maxsi %sub3A_1727, %max3A : i32
          %mul3A_1729 = arith.constant 25 : i32
          %mul3A_1730 = arith.muli %add3A, %mul3A_1729 : i32
          %add3A_1731 = arith.addi %mul3A_1730, %max3A_1728 : i32
          %jit3A_1732 = arith.constant 16 : i32
          %div3A_1733 = arith.divsi %add3A_1731, %jit3A_1732 : i32
          %sign3A_1734 = arith.constant 0 : i32
          %sign3A_1735 = arith.cmpi sgt, %add3A_1731, %sign3A_1734 : i32
          %sign3A_1736 = arith.extui %sign3A_1735 : i1 to i32
          %sign3A_1737 = arith.constant 0 : i32
          %sign3A_1738 = arith.cmpi slt, %add3A_1731, %sign3A_1737 : i32
          %sign3A_1739 = arith.extui %sign3A_1738 : i1 to i32
          %sign3A_1740 = arith.subi %sign3A_1736, %sign3A_1739 : i32
          %sign3A_1741 = arith.constant 0 : i32
          %sign3A_1742 = arith.cmpi sgt, %jit3A_1732, %sign3A_1741 : i32
          %sign3A_1743 = arith.extui %sign3A_1742 : i1 to i32
          %sign3A_1744 = arith.constant 0 : i32
          %sign3A_1745 = arith.cmpi slt, %jit3A_1732, %sign3A_1744 : i32
          %sign3A_1746 = arith.extui %sign3A_1745 : i1 to i32
          %sign3A_1747 = arith.subi %sign3A_1743, %sign3A_1746 : i32
          %ne3A_1748 = arith.cmpi ne, %sign3A_1740, %sign3A_1747 : i32
          %rem3A_1749 = arith.remsi %add3A_1731, %jit3A_1732 : i32
          %ne3A_1750 = arith.constant 0 : i32
          %ne3A_1751 = arith.cmpi ne, %rem3A_1749, %ne3A_1750 : i32
          %and3A_1752 = arith.andi %ne3A_1748, %ne3A_1751 : i1
          %sub3A_1753 = arith.constant 1 : i32
          %sub3A_1754 = arith.subi %div3A_1733, %sub3A_1753 : i32
          %select_n3A_1755 = arith.select %and3A_1752, %sub3A_1754, %div3A_1733 : i32
          %mul3A_1756 = arith.constant 5 : i32
          %mul3A_1757 = arith.muli %select_n3A_1755, %mul3A_1756 : i32
          %mul3A_1758 = arith.constant 1024 : i32
          %mul3A_1759 = arith.muli %mul3A_1757, %mul3A_1758 : i32
          %jit3A_1760 = arith.constant 16 : i32
          %eq3A_1761 = arith.constant 0 : i32
          %eq3A_1762 = arith.cmpi eq, %jit3A_1760, %eq3A_1761 : i32
          %jit3A_1763 = arith.constant 1 : i32
          %select_n3A_1764 = arith.select %eq3A_1762, %jit3A_1763, %jit3A_1760 : i32
          %rem3A_1765 = arith.remsi %add3A_1731, %select_n3A_1764 : i32
          %ne3A_1766 = arith.constant 0 : i32
          %ne3A_1767 = arith.cmpi ne, %rem3A_1765, %ne3A_1766 : i32
          %lt3A_1768 = arith.constant 0 : i32
          %lt3A_1769 = arith.cmpi slt, %rem3A_1765, %lt3A_1768 : i32
          %lt3A_1770 = arith.constant 0 : i32
          %lt3A_1771 = arith.cmpi slt, %select_n3A_1764, %lt3A_1770 : i32
          %ne3A_1772 = arith.xori %lt3A_1769, %lt3A_1771 : i1
          %and3A_1773 = arith.andi %ne3A_1772, %ne3A_1767 : i1
          %add3A_1774 = arith.addi %rem3A_1765, %select_n3A_1764 : i32
          %select_n3A_1775 = arith.select %and3A_1773, %add3A_1774, %rem3A_1765 : i32
          %mul3A_1776 = arith.constant 64 : i32
          %mul3A_1777 = arith.muli %select_n3A_1775, %mul3A_1776 : i32
          %add3A_1778 = arith.addi %mul3A_1759, %mul3A_1777 : i32
          %dma_wait3A_1779 = arith.constant 0 : i32
          %dma_wait3A_1780 = arith.constant 0 : i32
          %dma_wait3A_1781 = tpu.memref_slice %arg11[%dma_wait3A_1779, %dma_wait3A_1780] : memref<128x128xf32, #tpu.memory_space<vmem>> -> memref<64x128xf32, #tpu.memory_space<vmem>>
          %dma_wait3A_1782 = arith.constant 0 : i32
          %dma_wait3A_1783 = tpu.memref_slice %arg5[%add3A_1778, %dma_wait3A_1782] : memref<256000x128xf32, #tpu.memory_space<hbm>> -> memref<64x128xf32, #tpu.memory_space<hbm>>
          %dma_wait3A_1784 = arith.constant 0 : i32
          %dma_wait3A_1785 = tpu.memref_slice %arg5[%add3A_1778, %dma_wait3A_1784] : memref<256000x128xf32, #tpu.memory_space<hbm>> -> memref<64x128xf32, #tpu.memory_space<hbm>>
          %dma_wait3A_1786 = arith.constant 0 : i32
          %dma_wait3A_1787 = arith.constant 0 : i32
          %dma_wait3A_1788 = tpu.memref_slice %arg11[%dma_wait3A_1786, %dma_wait3A_1787] : memref<128x128xf32, #tpu.memory_space<vmem>> -> memref<64x128xf32, #tpu.memory_space<vmem>>
          tpu.wait_dma2 semaphore(%arg13 : memref<!tpu.dma_semaphore, #tpu.memory_space<semaphore_mem>>) src(%dma_wait3A_1788 : memref<64x128xf32, #tpu.memory_space<vmem>>) dst(%dma_wait3A_1785 : memref<64x128xf32, #tpu.memory_space<hbm>>)
        } else {
        }
        %add3A_1666 = arith.constant 2 : i32
        %add3A_1667 = arith.addi %add3A_1536, %add3A_1666 : i32
        %mul3A_1668 = arith.constant 25 : i32
        %mul3A_1669 = arith.muli %add3A, %mul3A_1668 : i32
        %add3A_1670 = arith.addi %mul3A_1669, %add3A_1667 : i32
        %jit3A_1671 = arith.constant 16 : i32
        %div3A_1672 = arith.divsi %add3A_1670, %jit3A_1671 : i32
        %sign3A_1673 = arith.constant 0 : i32
        %sign3A_1674 = arith.cmpi sgt, %add3A_1670, %sign3A_1673 : i32
        %sign3A_1675 = arith.extui %sign3A_1674 : i1 to i32
        %sign3A_1676 = arith.constant 0 : i32
        %sign3A_1677 = arith.cmpi slt, %add3A_1670, %sign3A_1676 : i32
        %sign3A_1678 = arith.extui %sign3A_1677 : i1 to i32
        %sign3A_1679 = arith.subi %sign3A_1675, %sign3A_1678 : i32
        %sign3A_1680 = arith.constant 0 : i32
        %sign3A_1681 = arith.cmpi sgt, %jit3A_1671, %sign3A_1680 : i32
        %sign3A_1682 = arith.extui %sign3A_1681 : i1 to i32
        %sign3A_1683 = arith.constant 0 : i32
        %sign3A_1684 = arith.cmpi slt, %jit3A_1671, %sign3A_1683 : i32
        %sign3A_1685 = arith.extui %sign3A_1684 : i1 to i32
        %sign3A_1686 = arith.subi %sign3A_1682, %sign3A_1685 : i32
        %ne3A_1687 = arith.cmpi ne, %sign3A_1679, %sign3A_1686 : i32
        %rem3A_1688 = arith.remsi %add3A_1670, %jit3A_1671 : i32
        %ne3A_1689 = arith.constant 0 : i32
        %ne3A_1690 = arith.cmpi ne, %rem3A_1688, %ne3A_1689 : i32
        %and3A_1691 = arith.andi %ne3A_1687, %ne3A_1690 : i1
        %sub3A_1692 = arith.constant 1 : i32
        %sub3A_1693 = arith.subi %div3A_1672, %sub3A_1692 : i32
        %select_n3A_1694 = arith.select %and3A_1691, %sub3A_1693, %div3A_1672 : i32
        %mul3A_1695 = arith.constant 1024 : i32
        %mul3A_1696 = arith.muli %select_n3A_1694, %mul3A_1695 : i32
        %jit3A_1697 = arith.constant 16 : i32
        %eq3A_1698 = arith.constant 0 : i32
        %eq3A_1699 = arith.cmpi eq, %jit3A_1697, %eq3A_1698 : i32
        %jit3A_1700 = arith.constant 1 : i32
        %select_n3A_1701 = arith.select %eq3A_1699, %jit3A_1700, %jit3A_1697 : i32
        %rem3A_1702 = arith.remsi %add3A_1670, %select_n3A_1701 : i32
        %ne3A_1703 = arith.constant 0 : i32
        %ne3A_1704 = arith.cmpi ne, %rem3A_1702, %ne3A_1703 : i32
        %lt3A_1705 = arith.constant 0 : i32
        %lt3A_1706 = arith.cmpi slt, %rem3A_1702, %lt3A_1705 : i32
        %lt3A_1707 = arith.constant 0 : i32
        %lt3A_1708 = arith.cmpi slt, %select_n3A_1701, %lt3A_1707 : i32
        %ne3A_1709 = arith.xori %lt3A_1706, %lt3A_1708 : i1
        %and3A_1710 = arith.andi %ne3A_1709, %ne3A_1704 : i1
        %add3A_1711 = arith.addi %rem3A_1702, %select_n3A_1701 : i32
        %select_n3A_1712 = arith.select %and3A_1710, %add3A_1711, %rem3A_1702 : i32
        %mul3A_1713 = arith.constant 64 : i32
        %mul3A_1714 = arith.muli %select_n3A_1712, %mul3A_1713 : i32
        %add3A_1715 = arith.addi %mul3A_1696, %mul3A_1714 : i32
        %dma_start3A_1716 = arith.constant 0 : i32
        %dma_start3A_1717 = arith.constant 0 : i32
        %dma_start3A_1718 = tpu.memref_slice %arg11[%dma_start3A_1716, %dma_start3A_1717] : memref<128x128xf32, #tpu.memory_space<vmem>> -> memref<64x128xf32, #tpu.memory_space<vmem>>
        %dma_start3A_1719 = arith.constant 0 : i32
        %dma_start3A_1720 = tpu.memref_slice %arg2[%add3A_1715, %dma_start3A_1719] : memref<51200x128xf32, #tpu.memory_space<hbm>> -> memref<64x128xf32, #tpu.memory_space<hbm>>
        %dma_start3A_1721 = arith.constant 0 : i32
        %dma_start3A_1722 = arith.constant 0 : i32
        %dma_start3A_1723 = tpu.memref_slice %arg11[%dma_start3A_1721, %dma_start3A_1722] : memref<128x128xf32, #tpu.memory_space<vmem>> -> memref<64x128xf32, #tpu.memory_space<vmem>>
        %dma_start3A_1724 = arith.constant 0 : i32
        %dma_start3A_1725 = tpu.memref_slice %arg2[%add3A_1715, %dma_start3A_1724] : memref<51200x128xf32, #tpu.memory_space<hbm>> -> memref<64x128xf32, #tpu.memory_space<hbm>>
        tpu.enqueue_dma source(%dma_start3A_1725 : memref<64x128xf32, #tpu.memory_space<hbm>>) target(%dma_start3A_1723 : memref<64x128xf32, #tpu.memory_space<vmem>>) target_semaphore(%arg12 : memref<!tpu.dma_semaphore, #tpu.memory_space<semaphore_mem>>)
      } else {
      }
    }
    %scan3A_780 = arith.constant 6 : i32
    %mul3A_781 = arith.constant 25 : i32
    %mul3A_782 = arith.muli %add3A, %mul3A_781 : i32
    %add3A_783 = arith.constant 24 : i32
    %add3A_784 = arith.addi %mul3A_782, %add3A_783 : i32
    %jit3A_785 = arith.constant 16 : i32
    %div3A_786 = arith.divsi %add3A_784, %jit3A_785 : i32
    %sign3A_787 = arith.constant 0 : i32
    %sign3A_788 = arith.cmpi sgt, %add3A_784, %sign3A_787 : i32
    %sign3A_789 = arith.extui %sign3A_788 : i1 to i32
    %sign3A_790 = arith.constant 0 : i32
    %sign3A_791 = arith.cmpi slt, %add3A_784, %sign3A_790 : i32
    %sign3A_792 = arith.extui %sign3A_791 : i1 to i32
    %sign3A_793 = arith.subi %sign3A_789, %sign3A_792 : i32
    %sign3A_794 = arith.constant 0 : i32
    %sign3A_795 = arith.cmpi sgt, %jit3A_785, %sign3A_794 : i32
    %sign3A_796 = arith.extui %sign3A_795 : i1 to i32
    %sign3A_797 = arith.constant 0 : i32
    %sign3A_798 = arith.cmpi slt, %jit3A_785, %sign3A_797 : i32
    %sign3A_799 = arith.extui %sign3A_798 : i1 to i32
    %sign3A_800 = arith.subi %sign3A_796, %sign3A_799 : i32
    %ne3A_801 = arith.cmpi ne, %sign3A_793, %sign3A_800 : i32
    %rem3A_802 = arith.remsi %add3A_784, %jit3A_785 : i32
    %ne3A_803 = arith.constant 0 : i32
    %ne3A_804 = arith.cmpi ne, %rem3A_802, %ne3A_803 : i32
    %and3A_805 = arith.andi %ne3A_801, %ne3A_804 : i1
    %sub3A_806 = arith.constant 1 : i32
    %sub3A_807 = arith.subi %div3A_786, %sub3A_806 : i32
    %select_n3A_808 = arith.select %and3A_805, %sub3A_807, %div3A_786 : i32
    %mul3A_809 = arith.constant 1024 : i32
    %mul3A_810 = arith.muli %select_n3A_808, %mul3A_809 : i32
    %jit3A_811 = arith.constant 16 : i32
    %eq3A_812 = arith.constant 0 : i32
    %eq3A_813 = arith.cmpi eq, %jit3A_811, %eq3A_812 : i32
    %jit3A_814 = arith.constant 1 : i32
    %select_n3A_815 = arith.select %eq3A_813, %jit3A_814, %jit3A_811 : i32
    %rem3A_816 = arith.remsi %add3A_784, %select_n3A_815 : i32
    %ne3A_817 = arith.constant 0 : i32
    %ne3A_818 = arith.cmpi ne, %rem3A_816, %ne3A_817 : i32
    %lt3A_819 = arith.constant 0 : i32
    %lt3A_820 = arith.cmpi slt, %rem3A_816, %lt3A_819 : i32
    %lt3A_821 = arith.constant 0 : i32
    %lt3A_822 = arith.cmpi slt, %select_n3A_815, %lt3A_821 : i32
    %ne3A_823 = arith.xori %lt3A_820, %lt3A_822 : i1
    %and3A_824 = arith.andi %ne3A_823, %ne3A_818 : i1
    %add3A_825 = arith.addi %rem3A_816, %select_n3A_815 : i32
    %select_n3A_826 = arith.select %and3A_824, %add3A_825, %rem3A_816 : i32
    %mul3A_827 = arith.constant 64 : i32
    %mul3A_828 = arith.muli %select_n3A_826, %mul3A_827 : i32
    %add3A_829 = arith.addi %mul3A_810, %mul3A_828 : i32
    %dma_wait3A_830 = arith.constant 0 : i32
    %dma_wait3A_831 = arith.constant 0 : i32
    %dma_wait3A_832 = tpu.memref_slice %arg8[%dma_wait3A_830, %dma_wait3A_831] : memref<128x128xf32, #tpu.memory_space<vmem>> -> memref<64x128xf32, #tpu.memory_space<vmem>>
    %dma_wait3A_833 = arith.constant 0 : i32
    %dma_wait3A_834 = tpu.memref_slice %arg2[%add3A_829, %dma_wait3A_833] : memref<51200x128xf32, #tpu.memory_space<hbm>> -> memref<64x128xf32, #tpu.memory_space<hbm>>
    %dma_wait3A_835 = arith.constant 0 : i32
    %dma_wait3A_836 = arith.constant 0 : i32
    %dma_wait3A_837 = tpu.memref_slice %arg8[%dma_wait3A_835, %dma_wait3A_836] : memref<128x128xf32, #tpu.memory_space<vmem>> -> memref<64x128xf32, #tpu.memory_space<vmem>>
    %dma_wait3A_838 = arith.constant 0 : i32
    %dma_wait3A_839 = tpu.memref_slice %arg2[%add3A_829, %dma_wait3A_838] : memref<51200x128xf32, #tpu.memory_space<hbm>> -> memref<64x128xf32, #tpu.memory_space<hbm>>
    tpu.wait_dma2 semaphore(%arg9 : memref<!tpu.dma_semaphore, #tpu.memory_space<semaphore_mem>>) src(%dma_wait3A_839 : memref<64x128xf32, #tpu.memory_space<hbm>>) dst(%dma_wait3A_837 : memref<64x128xf32, #tpu.memory_space<vmem>>)
    %mul3A_840 = arith.constant 25 : i32
    %mul3A_841 = arith.muli %add3A, %mul3A_840 : i32
    %add3A_842 = arith.constant 24 : i32
    %add3A_843 = arith.addi %mul3A_841, %add3A_842 : i32
    %jit3A_844 = arith.constant 16 : i32
    %div3A_845 = arith.divsi %add3A_843, %jit3A_844 : i32
    %sign3A_846 = arith.constant 0 : i32
    %sign3A_847 = arith.cmpi sgt, %add3A_843, %sign3A_846 : i32
    %sign3A_848 = arith.extui %sign3A_847 : i1 to i32
    %sign3A_849 = arith.constant 0 : i32
    %sign3A_850 = arith.cmpi slt, %add3A_843, %sign3A_849 : i32
    %sign3A_851 = arith.extui %sign3A_850 : i1 to i32
    %sign3A_852 = arith.subi %sign3A_848, %sign3A_851 : i32
    %sign3A_853 = arith.constant 0 : i32
    %sign3A_854 = arith.cmpi sgt, %jit3A_844, %sign3A_853 : i32
    %sign3A_855 = arith.extui %sign3A_854 : i1 to i32
    %sign3A_856 = arith.constant 0 : i32
    %sign3A_857 = arith.cmpi slt, %jit3A_844, %sign3A_856 : i32
    %sign3A_858 = arith.extui %sign3A_857 : i1 to i32
    %sign3A_859 = arith.subi %sign3A_855, %sign3A_858 : i32
    %ne3A_860 = arith.cmpi ne, %sign3A_852, %sign3A_859 : i32
    %rem3A_861 = arith.remsi %add3A_843, %jit3A_844 : i32
    %ne3A_862 = arith.constant 0 : i32
    %ne3A_863 = arith.cmpi ne, %rem3A_861, %ne3A_862 : i32
    %and3A_864 = arith.andi %ne3A_860, %ne3A_863 : i1
    %sub3A_865 = arith.constant 1 : i32
    %sub3A_866 = arith.subi %div3A_845, %sub3A_865 : i32
    %select_n3A_867 = arith.select %and3A_864, %sub3A_866, %div3A_845 : i32
    %mul3A_868 = arith.constant 5 : i32
    %mul3A_869 = arith.muli %select_n3A_867, %mul3A_868 : i32
    %mul3A_870 = arith.constant 1024 : i32
    %mul3A_871 = arith.muli %mul3A_869, %mul3A_870 : i32
    %jit3A_872 = arith.constant 16 : i32
    %eq3A_873 = arith.constant 0 : i32
    %eq3A_874 = arith.cmpi eq, %jit3A_872, %eq3A_873 : i32
    %jit3A_875 = arith.constant 1 : i32
    %select_n3A_876 = arith.select %eq3A_874, %jit3A_875, %jit3A_872 : i32
    %rem3A_877 = arith.remsi %add3A_843, %select_n3A_876 : i32
    %ne3A_878 = arith.constant 0 : i32
    %ne3A_879 = arith.cmpi ne, %rem3A_877, %ne3A_878 : i32
    %lt3A_880 = arith.constant 0 : i32
    %lt3A_881 = arith.cmpi slt, %rem3A_877, %lt3A_880 : i32
    %lt3A_882 = arith.constant 0 : i32
    %lt3A_883 = arith.cmpi slt, %select_n3A_876, %lt3A_882 : i32
    %ne3A_884 = arith.xori %lt3A_881, %lt3A_883 : i1
    %and3A_885 = arith.andi %ne3A_884, %ne3A_879 : i1
    %add3A_886 = arith.addi %rem3A_877, %select_n3A_876 : i32
    %select_n3A_887 = arith.select %and3A_885, %add3A_886, %rem3A_877 : i32
    %mul3A_888 = arith.constant 64 : i32
    %mul3A_889 = arith.muli %select_n3A_887, %mul3A_888 : i32
    %add3A_890 = arith.addi %mul3A_871, %mul3A_889 : i32
    %dma_start3A_891 = arith.constant 0 : i32
    %dma_start3A_892 = arith.constant 0 : i32
    %dma_start3A_893 = tpu.memref_slice %arg8[%dma_start3A_891, %dma_start3A_892] : memref<128x128xf32, #tpu.memory_space<vmem>> -> memref<64x128xf32, #tpu.memory_space<vmem>>
    %dma_start3A_894 = arith.constant 0 : i32
    %dma_start3A_895 = tpu.memref_slice %arg5[%add3A_890, %dma_start3A_894] : memref<256000x128xf32, #tpu.memory_space<hbm>> -> memref<64x128xf32, #tpu.memory_space<hbm>>
    %dma_start3A_896 = arith.constant 0 : i32
    %dma_start3A_897 = tpu.memref_slice %arg5[%add3A_890, %dma_start3A_896] : memref<256000x128xf32, #tpu.memory_space<hbm>> -> memref<64x128xf32, #tpu.memory_space<hbm>>
    %dma_start3A_898 = arith.constant 0 : i32
    %dma_start3A_899 = arith.constant 0 : i32
    %dma_start3A_900 = tpu.memref_slice %arg8[%dma_start3A_898, %dma_start3A_899] : memref<128x128xf32, #tpu.memory_space<vmem>> -> memref<64x128xf32, #tpu.memory_space<vmem>>
    tpu.enqueue_dma source(%dma_start3A_900 : memref<64x128xf32, #tpu.memory_space<vmem>>) target(%dma_start3A_897 : memref<64x128xf32, #tpu.memory_space<hbm>>) target_semaphore(%arg10 : memref<!tpu.dma_semaphore, #tpu.memory_space<semaphore_mem>>)
    %mul3A_901 = arith.constant 25 : i32
    %mul3A_902 = arith.muli %add3A, %mul3A_901 : i32
    %add3A_903 = arith.constant 21 : i32
    %add3A_904 = arith.addi %mul3A_902, %add3A_903 : i32
    %jit3A_905 = arith.constant 16 : i32
    %div3A_906 = arith.divsi %add3A_904, %jit3A_905 : i32
    %sign3A_907 = arith.constant 0 : i32
    %sign3A_908 = arith.cmpi sgt, %add3A_904, %sign3A_907 : i32
    %sign3A_909 = arith.extui %sign3A_908 : i1 to i32
    %sign3A_910 = arith.constant 0 : i32
    %sign3A_911 = arith.cmpi slt, %add3A_904, %sign3A_910 : i32
    %sign3A_912 = arith.extui %sign3A_911 : i1 to i32
    %sign3A_913 = arith.subi %sign3A_909, %sign3A_912 : i32
    %sign3A_914 = arith.constant 0 : i32
    %sign3A_915 = arith.cmpi sgt, %jit3A_905, %sign3A_914 : i32
    %sign3A_916 = arith.extui %sign3A_915 : i1 to i32
    %sign3A_917 = arith.constant 0 : i32
    %sign3A_918 = arith.cmpi slt, %jit3A_905, %sign3A_917 : i32
    %sign3A_919 = arith.extui %sign3A_918 : i1 to i32
    %sign3A_920 = arith.subi %sign3A_916, %sign3A_919 : i32
    %ne3A_921 = arith.cmpi ne, %sign3A_913, %sign3A_920 : i32
    %rem3A_922 = arith.remsi %add3A_904, %jit3A_905 : i32
    %ne3A_923 = arith.constant 0 : i32
    %ne3A_924 = arith.cmpi ne, %rem3A_922, %ne3A_923 : i32
    %and3A_925 = arith.andi %ne3A_921, %ne3A_924 : i1
    %sub3A_926 = arith.constant 1 : i32
    %sub3A_927 = arith.subi %div3A_906, %sub3A_926 : i32
    %select_n3A_928 = arith.select %and3A_925, %sub3A_927, %div3A_906 : i32
    %mul3A_929 = arith.constant 5 : i32
    %mul3A_930 = arith.muli %select_n3A_928, %mul3A_929 : i32
    %mul3A_931 = arith.constant 1024 : i32
    %mul3A_932 = arith.muli %mul3A_930, %mul3A_931 : i32
    %jit3A_933 = arith.constant 16 : i32
    %eq3A_934 = arith.constant 0 : i32
    %eq3A_935 = arith.cmpi eq, %jit3A_933, %eq3A_934 : i32
    %jit3A_936 = arith.constant 1 : i32
    %select_n3A_937 = arith.select %eq3A_935, %jit3A_936, %jit3A_933 : i32
    %rem3A_938 = arith.remsi %add3A_904, %select_n3A_937 : i32
    %ne3A_939 = arith.constant 0 : i32
    %ne3A_940 = arith.cmpi ne, %rem3A_938, %ne3A_939 : i32
    %lt3A_941 = arith.constant 0 : i32
    %lt3A_942 = arith.cmpi slt, %rem3A_938, %lt3A_941 : i32
    %lt3A_943 = arith.constant 0 : i32
    %lt3A_944 = arith.cmpi slt, %select_n3A_937, %lt3A_943 : i32
    %ne3A_945 = arith.xori %lt3A_942, %lt3A_944 : i1
    %and3A_946 = arith.andi %ne3A_945, %ne3A_940 : i1
    %add3A_947 = arith.addi %rem3A_938, %select_n3A_937 : i32
    %select_n3A_948 = arith.select %and3A_946, %add3A_947, %rem3A_938 : i32
    %mul3A_949 = arith.constant 64 : i32
    %mul3A_950 = arith.muli %select_n3A_948, %mul3A_949 : i32
    %add3A_951 = arith.addi %mul3A_932, %mul3A_950 : i32
    %dma_wait3A_952 = arith.constant 0 : i32
    %dma_wait3A_953 = arith.constant 0 : i32
    %dma_wait3A_954 = tpu.memref_slice %arg11[%dma_wait3A_952, %dma_wait3A_953] : memref<128x128xf32, #tpu.memory_space<vmem>> -> memref<64x128xf32, #tpu.memory_space<vmem>>
    %dma_wait3A_955 = arith.constant 0 : i32
    %dma_wait3A_956 = tpu.memref_slice %arg5[%add3A_951, %dma_wait3A_955] : memref<256000x128xf32, #tpu.memory_space<hbm>> -> memref<64x128xf32, #tpu.memory_space<hbm>>
    %dma_wait3A_957 = arith.constant 0 : i32
    %dma_wait3A_958 = tpu.memref_slice %arg5[%add3A_951, %dma_wait3A_957] : memref<256000x128xf32, #tpu.memory_space<hbm>> -> memref<64x128xf32, #tpu.memory_space<hbm>>
    %dma_wait3A_959 = arith.constant 0 : i32
    %dma_wait3A_960 = arith.constant 0 : i32
    %dma_wait3A_961 = tpu.memref_slice %arg11[%dma_wait3A_959, %dma_wait3A_960] : memref<128x128xf32, #tpu.memory_space<vmem>> -> memref<64x128xf32, #tpu.memory_space<vmem>>
    tpu.wait_dma2 semaphore(%arg13 : memref<!tpu.dma_semaphore, #tpu.memory_space<semaphore_mem>>) src(%dma_wait3A_961 : memref<64x128xf32, #tpu.memory_space<vmem>>) dst(%dma_wait3A_958 : memref<64x128xf32, #tpu.memory_space<hbm>>)
    %mul3A_962 = arith.constant 25 : i32
    %mul3A_963 = arith.muli %add3A, %mul3A_962 : i32
    %add3A_964 = arith.constant 22 : i32
    %add3A_965 = arith.addi %mul3A_963, %add3A_964 : i32
    %jit3A_966 = arith.constant 16 : i32
    %div3A_967 = arith.divsi %add3A_965, %jit3A_966 : i32
    %sign3A_968 = arith.constant 0 : i32
    %sign3A_969 = arith.cmpi sgt, %add3A_965, %sign3A_968 : i32
    %sign3A_970 = arith.extui %sign3A_969 : i1 to i32
    %sign3A_971 = arith.constant 0 : i32
    %sign3A_972 = arith.cmpi slt, %add3A_965, %sign3A_971 : i32
    %sign3A_973 = arith.extui %sign3A_972 : i1 to i32
    %sign3A_974 = arith.subi %sign3A_970, %sign3A_973 : i32
    %sign3A_975 = arith.constant 0 : i32
    %sign3A_976 = arith.cmpi sgt, %jit3A_966, %sign3A_975 : i32
    %sign3A_977 = arith.extui %sign3A_976 : i1 to i32
    %sign3A_978 = arith.constant 0 : i32
    %sign3A_979 = arith.cmpi slt, %jit3A_966, %sign3A_978 : i32
    %sign3A_980 = arith.extui %sign3A_979 : i1 to i32
    %sign3A_981 = arith.subi %sign3A_977, %sign3A_980 : i32
    %ne3A_982 = arith.cmpi ne, %sign3A_974, %sign3A_981 : i32
    %rem3A_983 = arith.remsi %add3A_965, %jit3A_966 : i32
    %ne3A_984 = arith.constant 0 : i32
    %ne3A_985 = arith.cmpi ne, %rem3A_983, %ne3A_984 : i32
    %and3A_986 = arith.andi %ne3A_982, %ne3A_985 : i1
    %sub3A_987 = arith.constant 1 : i32
    %sub3A_988 = arith.subi %div3A_967, %sub3A_987 : i32
    %select_n3A_989 = arith.select %and3A_986, %sub3A_988, %div3A_967 : i32
    %mul3A_990 = arith.constant 5 : i32
    %mul3A_991 = arith.muli %select_n3A_989, %mul3A_990 : i32
    %mul3A_992 = arith.constant 1024 : i32
    %mul3A_993 = arith.muli %mul3A_991, %mul3A_992 : i32
    %jit3A_994 = arith.constant 16 : i32
    %eq3A_995 = arith.constant 0 : i32
    %eq3A_996 = arith.cmpi eq, %jit3A_994, %eq3A_995 : i32
    %jit3A_997 = arith.constant 1 : i32
    %select_n3A_998 = arith.select %eq3A_996, %jit3A_997, %jit3A_994 : i32
    %rem3A_999 = arith.remsi %add3A_965, %select_n3A_998 : i32
    %ne3A_1000 = arith.constant 0 : i32
    %ne3A_1001 = arith.cmpi ne, %rem3A_999, %ne3A_1000 : i32
    %lt3A_1002 = arith.constant 0 : i32
    %lt3A_1003 = arith.cmpi slt, %rem3A_999, %lt3A_1002 : i32
    %lt3A_1004 = arith.constant 0 : i32
    %lt3A_1005 = arith.cmpi slt, %select_n3A_998, %lt3A_1004 : i32
    %ne3A_1006 = arith.xori %lt3A_1003, %lt3A_1005 : i1
    %and3A_1007 = arith.andi %ne3A_1006, %ne3A_1001 : i1
    %add3A_1008 = arith.addi %rem3A_999, %select_n3A_998 : i32
    %select_n3A_1009 = arith.select %and3A_1007, %add3A_1008, %rem3A_999 : i32
    %mul3A_1010 = arith.constant 64 : i32
    %mul3A_1011 = arith.muli %select_n3A_1009, %mul3A_1010 : i32
    %add3A_1012 = arith.addi %mul3A_993, %mul3A_1011 : i32
    %dma_wait3A_1013 = arith.constant 0 : i32
    %dma_wait3A_1014 = arith.constant 0 : i32
    %dma_wait3A_1015 = tpu.memref_slice %arg14[%dma_wait3A_1013, %dma_wait3A_1014] : memref<128x128xf32, #tpu.memory_space<vmem>> -> memref<64x128xf32, #tpu.memory_space<vmem>>
    %dma_wait3A_1016 = arith.constant 0 : i32
    %dma_wait3A_1017 = tpu.memref_slice %arg5[%add3A_1012, %dma_wait3A_1016] : memref<256000x128xf32, #tpu.memory_space<hbm>> -> memref<64x128xf32, #tpu.memory_space<hbm>>
    %dma_wait3A_1018 = arith.constant 0 : i32
    %dma_wait3A_1019 = tpu.memref_slice %arg5[%add3A_1012, %dma_wait3A_1018] : memref<256000x128xf32, #tpu.memory_space<hbm>> -> memref<64x128xf32, #tpu.memory_space<hbm>>
    %dma_wait3A_1020 = arith.constant 0 : i32
    %dma_wait3A_1021 = arith.constant 0 : i32
    %dma_wait3A_1022 = tpu.memref_slice %arg14[%dma_wait3A_1020, %dma_wait3A_1021] : memref<128x128xf32, #tpu.memory_space<vmem>> -> memref<64x128xf32, #tpu.memory_space<vmem>>
    tpu.wait_dma2 semaphore(%arg16 : memref<!tpu.dma_semaphore, #tpu.memory_space<semaphore_mem>>) src(%dma_wait3A_1022 : memref<64x128xf32, #tpu.memory_space<vmem>>) dst(%dma_wait3A_1019 : memref<64x128xf32, #tpu.memory_space<hbm>>)
    %mul3A_1023 = arith.constant 25 : i32
    %mul3A_1024 = arith.muli %add3A, %mul3A_1023 : i32
    %add3A_1025 = arith.constant 23 : i32
    %add3A_1026 = arith.addi %mul3A_1024, %add3A_1025 : i32
    %jit3A_1027 = arith.constant 16 : i32
    %div3A_1028 = arith.divsi %add3A_1026, %jit3A_1027 : i32
    %sign3A_1029 = arith.constant 0 : i32
    %sign3A_1030 = arith.cmpi sgt, %add3A_1026, %sign3A_1029 : i32
    %sign3A_1031 = arith.extui %sign3A_1030 : i1 to i32
    %sign3A_1032 = arith.constant 0 : i32
    %sign3A_1033 = arith.cmpi slt, %add3A_1026, %sign3A_1032 : i32
    %sign3A_1034 = arith.extui %sign3A_1033 : i1 to i32
    %sign3A_1035 = arith.subi %sign3A_1031, %sign3A_1034 : i32
    %sign3A_1036 = arith.constant 0 : i32
    %sign3A_1037 = arith.cmpi sgt, %jit3A_1027, %sign3A_1036 : i32
    %sign3A_1038 = arith.extui %sign3A_1037 : i1 to i32
    %sign3A_1039 = arith.constant 0 : i32
    %sign3A_1040 = arith.cmpi slt, %jit3A_1027, %sign3A_1039 : i32
    %sign3A_1041 = arith.extui %sign3A_1040 : i1 to i32
    %sign3A_1042 = arith.subi %sign3A_1038, %sign3A_1041 : i32
    %ne3A_1043 = arith.cmpi ne, %sign3A_1035, %sign3A_1042 : i32
    %rem3A_1044 = arith.remsi %add3A_1026, %jit3A_1027 : i32
    %ne3A_1045 = arith.constant 0 : i32
    %ne3A_1046 = arith.cmpi ne, %rem3A_1044, %ne3A_1045 : i32
    %and3A_1047 = arith.andi %ne3A_1043, %ne3A_1046 : i1
    %sub3A_1048 = arith.constant 1 : i32
    %sub3A_1049 = arith.subi %div3A_1028, %sub3A_1048 : i32
    %select_n3A_1050 = arith.select %and3A_1047, %sub3A_1049, %div3A_1028 : i32
    %mul3A_1051 = arith.constant 5 : i32
    %mul3A_1052 = arith.muli %select_n3A_1050, %mul3A_1051 : i32
    %mul3A_1053 = arith.constant 1024 : i32
    %mul3A_1054 = arith.muli %mul3A_1052, %mul3A_1053 : i32
    %jit3A_1055 = arith.constant 16 : i32
    %eq3A_1056 = arith.constant 0 : i32
    %eq3A_1057 = arith.cmpi eq, %jit3A_1055, %eq3A_1056 : i32
    %jit3A_1058 = arith.constant 1 : i32
    %select_n3A_1059 = arith.select %eq3A_1057, %jit3A_1058, %jit3A_1055 : i32
    %rem3A_1060 = arith.remsi %add3A_1026, %select_n3A_1059 : i32
    %ne3A_1061 = arith.constant 0 : i32
    %ne3A_1062 = arith.cmpi ne, %rem3A_1060, %ne3A_1061 : i32
    %lt3A_1063 = arith.constant 0 : i32
    %lt3A_1064 = arith.cmpi slt, %rem3A_1060, %lt3A_1063 : i32
    %lt3A_1065 = arith.constant 0 : i32
    %lt3A_1066 = arith.cmpi slt, %select_n3A_1059, %lt3A_1065 : i32
    %ne3A_1067 = arith.xori %lt3A_1064, %lt3A_1066 : i1
    %and3A_1068 = arith.andi %ne3A_1067, %ne3A_1062 : i1
    %add3A_1069 = arith.addi %rem3A_1060, %select_n3A_1059 : i32
    %select_n3A_1070 = arith.select %and3A_1068, %add3A_1069, %rem3A_1060 : i32
    %mul3A_1071 = arith.constant 64 : i32
    %mul3A_1072 = arith.muli %select_n3A_1070, %mul3A_1071 : i32
    %add3A_1073 = arith.addi %mul3A_1054, %mul3A_1072 : i32
    %dma_wait3A_1074 = arith.constant 0 : i32
    %dma_wait3A_1075 = arith.constant 0 : i32
    %dma_wait3A_1076 = tpu.memref_slice %arg17[%dma_wait3A_1074, %dma_wait3A_1075] : memref<128x128xf32, #tpu.memory_space<vmem>> -> memref<64x128xf32, #tpu.memory_space<vmem>>
    %dma_wait3A_1077 = arith.constant 0 : i32
    %dma_wait3A_1078 = tpu.memref_slice %arg5[%add3A_1073, %dma_wait3A_1077] : memref<256000x128xf32, #tpu.memory_space<hbm>> -> memref<64x128xf32, #tpu.memory_space<hbm>>
    %dma_wait3A_1079 = arith.constant 0 : i32
    %dma_wait3A_1080 = tpu.memref_slice %arg5[%add3A_1073, %dma_wait3A_1079] : memref<256000x128xf32, #tpu.memory_space<hbm>> -> memref<64x128xf32, #tpu.memory_space<hbm>>
    %dma_wait3A_1081 = arith.constant 0 : i32
    %dma_wait3A_1082 = arith.constant 0 : i32
    %dma_wait3A_1083 = tpu.memref_slice %arg17[%dma_wait3A_1081, %dma_wait3A_1082] : memref<128x128xf32, #tpu.memory_space<vmem>> -> memref<64x128xf32, #tpu.memory_space<vmem>>
    tpu.wait_dma2 semaphore(%arg19 : memref<!tpu.dma_semaphore, #tpu.memory_space<semaphore_mem>>) src(%dma_wait3A_1083 : memref<64x128xf32, #tpu.memory_space<vmem>>) dst(%dma_wait3A_1080 : memref<64x128xf32, #tpu.memory_space<hbm>>)
    %mul3A_1084 = arith.constant 25 : i32
    %mul3A_1085 = arith.muli %add3A, %mul3A_1084 : i32
    %add3A_1086 = arith.constant 24 : i32
    %add3A_1087 = arith.addi %mul3A_1085, %add3A_1086 : i32
    %jit3A_1088 = arith.constant 16 : i32
    %div3A_1089 = arith.divsi %add3A_1087, %jit3A_1088 : i32
    %sign3A_1090 = arith.constant 0 : i32
    %sign3A_1091 = arith.cmpi sgt, %add3A_1087, %sign3A_1090 : i32
    %sign3A_1092 = arith.extui %sign3A_1091 : i1 to i32
    %sign3A_1093 = arith.constant 0 : i32
    %sign3A_1094 = arith.cmpi slt, %add3A_1087, %sign3A_1093 : i32
    %sign3A_1095 = arith.extui %sign3A_1094 : i1 to i32
    %sign3A_1096 = arith.subi %sign3A_1092, %sign3A_1095 : i32
    %sign3A_1097 = arith.constant 0 : i32
    %sign3A_1098 = arith.cmpi sgt, %jit3A_1088, %sign3A_1097 : i32
    %sign3A_1099 = arith.extui %sign3A_1098 : i1 to i32
    %sign3A_1100 = arith.constant 0 : i32
    %sign3A_1101 = arith.cmpi slt, %jit3A_1088, %sign3A_1100 : i32
    %sign3A_1102 = arith.extui %sign3A_1101 : i1 to i32
    %sign3A_1103 = arith.subi %sign3A_1099, %sign3A_1102 : i32
    %ne3A_1104 = arith.cmpi ne, %sign3A_1096, %sign3A_1103 : i32
    %rem3A_1105 = arith.remsi %add3A_1087, %jit3A_1088 : i32
    %ne3A_1106 = arith.constant 0 : i32
    %ne3A_1107 = arith.cmpi ne, %rem3A_1105, %ne3A_1106 : i32
    %and3A_1108 = arith.andi %ne3A_1104, %ne3A_1107 : i1
    %sub3A_1109 = arith.constant 1 : i32
    %sub3A_1110 = arith.subi %div3A_1089, %sub3A_1109 : i32
    %select_n3A_1111 = arith.select %and3A_1108, %sub3A_1110, %div3A_1089 : i32
    %mul3A_1112 = arith.constant 5 : i32
    %mul3A_1113 = arith.muli %select_n3A_1111, %mul3A_1112 : i32
    %mul3A_1114 = arith.constant 1024 : i32
    %mul3A_1115 = arith.muli %mul3A_1113, %mul3A_1114 : i32
    %jit3A_1116 = arith.constant 16 : i32
    %eq3A_1117 = arith.constant 0 : i32
    %eq3A_1118 = arith.cmpi eq, %jit3A_1116, %eq3A_1117 : i32
    %jit3A_1119 = arith.constant 1 : i32
    %select_n3A_1120 = arith.select %eq3A_1118, %jit3A_1119, %jit3A_1116 : i32
    %rem3A_1121 = arith.remsi %add3A_1087, %select_n3A_1120 : i32
    %ne3A_1122 = arith.constant 0 : i32
    %ne3A_1123 = arith.cmpi ne, %rem3A_1121, %ne3A_1122 : i32
    %lt3A_1124 = arith.constant 0 : i32
    %lt3A_1125 = arith.cmpi slt, %rem3A_1121, %lt3A_1124 : i32
    %lt3A_1126 = arith.constant 0 : i32
    %lt3A_1127 = arith.cmpi slt, %select_n3A_1120, %lt3A_1126 : i32
    %ne3A_1128 = arith.xori %lt3A_1125, %lt3A_1127 : i1
    %and3A_1129 = arith.andi %ne3A_1128, %ne3A_1123 : i1
    %add3A_1130 = arith.addi %rem3A_1121, %select_n3A_1120 : i32
    %select_n3A_1131 = arith.select %and3A_1129, %add3A_1130, %rem3A_1121 : i32
    %mul3A_1132 = arith.constant 64 : i32
    %mul3A_1133 = arith.muli %select_n3A_1131, %mul3A_1132 : i32
    %add3A_1134 = arith.addi %mul3A_1115, %mul3A_1133 : i32
    %dma_wait3A_1135 = arith.constant 0 : i32
    %dma_wait3A_1136 = arith.constant 0 : i32
    %dma_wait3A_1137 = tpu.memref_slice %arg8[%dma_wait3A_1135, %dma_wait3A_1136] : memref<128x128xf32, #tpu.memory_space<vmem>> -> memref<64x128xf32, #tpu.memory_space<vmem>>
    %dma_wait3A_1138 = arith.constant 0 : i32
    %dma_wait3A_1139 = tpu.memref_slice %arg5[%add3A_1134, %dma_wait3A_1138] : memref<256000x128xf32, #tpu.memory_space<hbm>> -> memref<64x128xf32, #tpu.memory_space<hbm>>
    %dma_wait3A_1140 = arith.constant 0 : i32
    %dma_wait3A_1141 = tpu.memref_slice %arg5[%add3A_1134, %dma_wait3A_1140] : memref<256000x128xf32, #tpu.memory_space<hbm>> -> memref<64x128xf32, #tpu.memory_space<hbm>>
    %dma_wait3A_1142 = arith.constant 0 : i32
    %dma_wait3A_1143 = arith.constant 0 : i32
    %dma_wait3A_1144 = tpu.memref_slice %arg8[%dma_wait3A_1142, %dma_wait3A_1143] : memref<128x128xf32, #tpu.memory_space<vmem>> -> memref<64x128xf32, #tpu.memory_space<vmem>>
    tpu.wait_dma2 semaphore(%arg10 : memref<!tpu.dma_semaphore, #tpu.memory_space<semaphore_mem>>) src(%dma_wait3A_1144 : memref<64x128xf32, #tpu.memory_space<vmem>>) dst(%dma_wait3A_1141 : memref<64x128xf32, #tpu.memory_space<hbm>>)
    return
  }
}

module attributes {stable_mosaic.version = 14 : i64} {
  func.func @_matmul_t_body(%arg0: i32, %arg1: memref<5x16x1024xf32, #tpu.memory_space<vmem>>, %arg2: memref<16x128xf32, #tpu.memory_space<vmem>>, %arg3: memref<1x128xf32, #tpu.memory_space<vmem>>, %arg4: memref<5x1024x128xf32, #tpu.memory_space<vmem>>) attributes {dimension_semantics = [#tpu.dimension_semantics<arbitrary>], iteration_bounds = array<i64: 10>, scalar_prefetch = 0 : i64, scratch_operands = 0 : i64, tpu.core_type = #tpu.core_type<tc>, window_params = [{transform_indices = @transform_0, window_bounds = array<i64: 5, 16, 1024>}, {pipeline_mode = #tpu.pipeline_mode<synchronous>, transform_indices = @transform_1, window_bounds = array<i64: 16, 128>}, {pipeline_mode = #tpu.pipeline_mode<synchronous>, transform_indices = @transform_2, window_bounds = array<i64: 1, 128>}, {transform_indices = @transform_3, window_bounds = array<i64: 5, 1024, 128>}]} {
    %get3A = arith.constant 0 : index
    %get3A_0 = arith.constant 0 : index
    %get3A_1 = arith.constant 0 : index
    %get3A_2 = vector.load %arg1[%get3A, %get3A_0, %get3A_1] : memref<5x16x1024xf32, #tpu.memory_space<vmem>>, vector<1x16x1024xf32>
    %get3A_3 = vector.shape_cast %get3A_2 : vector<1x16x1024xf32> to vector<16x1024xf32>
    %get3A_4 = arith.constant 0 : index
    %get3A_5 = arith.constant 0 : index
    %get3A_6 = vector.load %arg2[%get3A_4, %get3A_5] : memref<16x128xf32, #tpu.memory_space<vmem>>, vector<16x128xf32>
    %dot_general3A = arith.constant dense<0.000000e+00> : vector<1024x128xf32>
    %dot_general3A_7 = tpu.matmul %get3A_3, %get3A_6, %dot_general3A {dimension_numbers = #tpu.dot_dimension_numbers<[0], [0], [1], [1], [0, 1, 1, 1], [], []>, transpose_lhs_hint = false} : vector<16x1024xf32>, vector<16x128xf32>, vector<1024x128xf32> -> vector<1024x128xf32>
    %get3A_8 = arith.constant 0 : index
    %get3A_9 = arith.constant 0 : index
    %get3A_10 = vector.load %arg3[%get3A_8, %get3A_9] : memref<1x128xf32, #tpu.memory_space<vmem>>, vector<1x128xf32>
    %add3A = vector.broadcast %get3A_10 : vector<1x128xf32> to vector<1024x128xf32>
    %add3A_11 = arith.addf %dot_general3A_7, %add3A : vector<1024x128xf32>
    %swap3A = arith.constant 0 : index
    %swap3A_12 = arith.constant 0 : index
    %swap3A_13 = arith.constant 0 : index
    %swap3A_14 = vector.load %arg4[%swap3A, %swap3A_12, %swap3A_13] : memref<5x1024x128xf32, #tpu.memory_space<vmem>>, vector<1x1024x128xf32>
    %swap3A_15 = vector.shape_cast %swap3A_14 : vector<1x1024x128xf32> to vector<1024x128xf32>
    %swap3A_16 = vector.shape_cast %add3A_11 : vector<1024x128xf32> to vector<1x1024x128xf32>
    tpu.vector_store %arg4[%swap3A, %swap3A_12, %swap3A_13], %swap3A_16 {strides = array<i32>} : memref<5x1024x128xf32, #tpu.memory_space<vmem>>, vector<1x1024x128xf32>,
    %get3A_17 = arith.constant 1 : index
    %get3A_18 = arith.constant 0 : index
    %get3A_19 = arith.constant 0 : index
    %get3A_20 = vector.load %arg1[%get3A_17, %get3A_18, %get3A_19] : memref<5x16x1024xf32, #tpu.memory_space<vmem>>, vector<1x16x1024xf32>
    %get3A_21 = vector.shape_cast %get3A_20 : vector<1x16x1024xf32> to vector<16x1024xf32>
    %get3A_22 = arith.constant 0 : index
    %get3A_23 = arith.constant 0 : index
    %get3A_24 = vector.load %arg2[%get3A_22, %get3A_23] : memref<16x128xf32, #tpu.memory_space<vmem>>, vector<16x128xf32>
    %dot_general3A_25 = arith.constant dense<0.000000e+00> : vector<1024x128xf32>
    %dot_general3A_26 = tpu.matmul %get3A_21, %get3A_24, %dot_general3A_25 {dimension_numbers = #tpu.dot_dimension_numbers<[0], [0], [1], [1], [0, 1, 1, 1], [], []>, transpose_lhs_hint = false} : vector<16x1024xf32>, vector<16x128xf32>, vector<1024x128xf32> -> vector<1024x128xf32>
    %get3A_27 = arith.constant 0 : index
    %get3A_28 = arith.constant 0 : index
    %get3A_29 = vector.load %arg3[%get3A_27, %get3A_28] : memref<1x128xf32, #tpu.memory_space<vmem>>, vector<1x128xf32>
    %add3A_30 = vector.broadcast %get3A_29 : vector<1x128xf32> to vector<1024x128xf32>
    %add3A_31 = arith.addf %dot_general3A_26, %add3A_30 : vector<1024x128xf32>
    %swap3A_32 = arith.constant 1 : index
    %swap3A_33 = arith.constant 0 : index
    %swap3A_34 = arith.constant 0 : index
    %swap3A_35 = vector.load %arg4[%swap3A_32, %swap3A_33, %swap3A_34] : memref<5x1024x128xf32, #tpu.memory_space<vmem>>, vector<1x1024x128xf32>
    %swap3A_36 = vector.shape_cast %swap3A_35 : vector<1x1024x128xf32> to vector<1024x128xf32>
    %swap3A_37 = vector.shape_cast %add3A_31 : vector<1024x128xf32> to vector<1x1024x128xf32>
    tpu.vector_store %arg4[%swap3A_32, %swap3A_33, %swap3A_34], %swap3A_37 {strides = array<i32>} : memref<5x1024x128xf32, #tpu.memory_space<vmem>>, vector<1x1024x128xf32>,
    %get3A_38 = arith.constant 2 : index
    %get3A_39 = arith.constant 0 : index
    %get3A_40 = arith.constant 0 : index
    %get3A_41 = vector.load %arg1[%get3A_38, %get3A_39, %get3A_40] : memref<5x16x1024xf32, #tpu.memory_space<vmem>>, vector<1x16x1024xf32>
    %get3A_42 = vector.shape_cast %get3A_41 : vector<1x16x1024xf32> to vector<16x1024xf32>
    %get3A_43 = arith.constant 0 : index
    %get3A_44 = arith.constant 0 : index
    %get3A_45 = vector.load %arg2[%get3A_43, %get3A_44] : memref<16x128xf32, #tpu.memory_space<vmem>>, vector<16x128xf32>
    %dot_general3A_46 = arith.constant dense<0.000000e+00> : vector<1024x128xf32>
    %dot_general3A_47 = tpu.matmul %get3A_42, %get3A_45, %dot_general3A_46 {dimension_numbers = #tpu.dot_dimension_numbers<[0], [0], [1], [1], [0, 1, 1, 1], [], []>, transpose_lhs_hint = false} : vector<16x1024xf32>, vector<16x128xf32>, vector<1024x128xf32> -> vector<1024x128xf32>
    %get3A_48 = arith.constant 0 : index
    %get3A_49 = arith.constant 0 : index
    %get3A_50 = vector.load %arg3[%get3A_48, %get3A_49] : memref<1x128xf32, #tpu.memory_space<vmem>>, vector<1x128xf32>
    %add3A_51 = vector.broadcast %get3A_50 : vector<1x128xf32> to vector<1024x128xf32>
    %add3A_52 = arith.addf %dot_general3A_47, %add3A_51 : vector<1024x128xf32>
    %swap3A_53 = arith.constant 2 : index
    %swap3A_54 = arith.constant 0 : index
    %swap3A_55 = arith.constant 0 : index
    %swap3A_56 = vector.load %arg4[%swap3A_53, %swap3A_54, %swap3A_55] : memref<5x1024x128xf32, #tpu.memory_space<vmem>>, vector<1x1024x128xf32>
    %swap3A_57 = vector.shape_cast %swap3A_56 : vector<1x1024x128xf32> to vector<1024x128xf32>
    %swap3A_58 = vector.shape_cast %add3A_52 : vector<1024x128xf32> to vector<1x1024x128xf32>
    tpu.vector_store %arg4[%swap3A_53, %swap3A_54, %swap3A_55], %swap3A_58 {strides = array<i32>} : memref<5x1024x128xf32, #tpu.memory_space<vmem>>, vector<1x1024x128xf32>,
    %get3A_59 = arith.constant 3 : index
    %get3A_60 = arith.constant 0 : index
    %get3A_61 = arith.constant 0 : index
    %get3A_62 = vector.load %arg1[%get3A_59, %get3A_60, %get3A_61] : memref<5x16x1024xf32, #tpu.memory_space<vmem>>, vector<1x16x1024xf32>
    %get3A_63 = vector.shape_cast %get3A_62 : vector<1x16x1024xf32> to vector<16x1024xf32>
    %get3A_64 = arith.constant 0 : index
    %get3A_65 = arith.constant 0 : index
    %get3A_66 = vector.load %arg2[%get3A_64, %get3A_65] : memref<16x128xf32, #tpu.memory_space<vmem>>, vector<16x128xf32>
    %dot_general3A_67 = arith.constant dense<0.000000e+00> : vector<1024x128xf32>
    %dot_general3A_68 = tpu.matmul %get3A_63, %get3A_66, %dot_general3A_67 {dimension_numbers = #tpu.dot_dimension_numbers<[0], [0], [1], [1], [0, 1, 1, 1], [], []>, transpose_lhs_hint = false} : vector<16x1024xf32>, vector<16x128xf32>, vector<1024x128xf32> -> vector<1024x128xf32>
    %get3A_69 = arith.constant 0 : index
    %get3A_70 = arith.constant 0 : index
    %get3A_71 = vector.load %arg3[%get3A_69, %get3A_70] : memref<1x128xf32, #tpu.memory_space<vmem>>, vector<1x128xf32>
    %add3A_72 = vector.broadcast %get3A_71 : vector<1x128xf32> to vector<1024x128xf32>
    %add3A_73 = arith.addf %dot_general3A_68, %add3A_72 : vector<1024x128xf32>
    %swap3A_74 = arith.constant 3 : index
    %swap3A_75 = arith.constant 0 : index
    %swap3A_76 = arith.constant 0 : index
    %swap3A_77 = vector.load %arg4[%swap3A_74, %swap3A_75, %swap3A_76] : memref<5x1024x128xf32, #tpu.memory_space<vmem>>, vector<1x1024x128xf32>
    %swap3A_78 = vector.shape_cast %swap3A_77 : vector<1x1024x128xf32> to vector<1024x128xf32>
    %swap3A_79 = vector.shape_cast %add3A_73 : vector<1024x128xf32> to vector<1x1024x128xf32>
    tpu.vector_store %arg4[%swap3A_74, %swap3A_75, %swap3A_76], %swap3A_79 {strides = array<i32>} : memref<5x1024x128xf32, #tpu.memory_space<vmem>>, vector<1x1024x128xf32>,
    %get3A_80 = arith.constant 4 : index
    %get3A_81 = arith.constant 0 : index
    %get3A_82 = arith.constant 0 : index
    %get3A_83 = vector.load %arg1[%get3A_80, %get3A_81, %get3A_82] : memref<5x16x1024xf32, #tpu.memory_space<vmem>>, vector<1x16x1024xf32>
    %get3A_84 = vector.shape_cast %get3A_83 : vector<1x16x1024xf32> to vector<16x1024xf32>
    %get3A_85 = arith.constant 0 : index
    %get3A_86 = arith.constant 0 : index
    %get3A_87 = vector.load %arg2[%get3A_85, %get3A_86] : memref<16x128xf32, #tpu.memory_space<vmem>>, vector<16x128xf32>
    %dot_general3A_88 = arith.constant dense<0.000000e+00> : vector<1024x128xf32>
    %dot_general3A_89 = tpu.matmul %get3A_84, %get3A_87, %dot_general3A_88 {dimension_numbers = #tpu.dot_dimension_numbers<[0], [0], [1], [1], [0, 1, 1, 1], [], []>, transpose_lhs_hint = false} : vector<16x1024xf32>, vector<16x128xf32>, vector<1024x128xf32> -> vector<1024x128xf32>
    %get3A_90 = arith.constant 0 : index
    %get3A_91 = arith.constant 0 : index
    %get3A_92 = vector.load %arg3[%get3A_90, %get3A_91] : memref<1x128xf32, #tpu.memory_space<vmem>>, vector<1x128xf32>
    %add3A_93 = vector.broadcast %get3A_92 : vector<1x128xf32> to vector<1024x128xf32>
    %add3A_94 = arith.addf %dot_general3A_89, %add3A_93 : vector<1024x128xf32>
    %swap3A_95 = arith.constant 4 : index
    %swap3A_96 = arith.constant 0 : index
    %swap3A_97 = arith.constant 0 : index
    %swap3A_98 = vector.load %arg4[%swap3A_95, %swap3A_96, %swap3A_97] : memref<5x1024x128xf32, #tpu.memory_space<vmem>>, vector<1x1024x128xf32>
    %swap3A_99 = vector.shape_cast %swap3A_98 : vector<1x1024x128xf32> to vector<1024x128xf32>
    %swap3A_100 = vector.shape_cast %add3A_94 : vector<1024x128xf32> to vector<1x1024x128xf32>
    tpu.vector_store %arg4[%swap3A_95, %swap3A_96, %swap3A_97], %swap3A_100 {strides = array<i32>} : memref<5x1024x128xf32, #tpu.memory_space<vmem>>, vector<1x1024x128xf32>,
    return
  }
  func.func @transform_0(%arg0: i32) -> (i32, i32, i32) {
    %c0_i32 = arith.constant 0 : i32
    %c0_i32_0 = arith.constant 0 : i32
    %c0_i32_1 = arith.constant 0 : i32
    return %arg0, %c0_i32, %c0_i32_0 : i32, i32, i32
  }
  func.func @transform_1(%arg0: i32) -> (i32, i32) {
    %c0_i32 = arith.constant 0 : i32
    %c0_i32_0 = arith.constant 0 : i32
    %c0_i32_1 = arith.constant 0 : i32
    return %c0_i32, %c0_i32_0 : i32, i32
  }
  func.func @transform_2(%arg0: i32) -> (i32, i32) {
    %c0_i32 = arith.constant 0 : i32
    %c0_i32_0 = arith.constant 0 : i32
    %c0_i32_1 = arith.constant 0 : i32
    return %c0_i32, %c0_i32_0 : i32, i32
  }
  func.func @transform_3(%arg0: i32) -> (i32, i32, i32) {
    %c0_i32 = arith.constant 0 : i32
    %c0_i32_0 = arith.constant 0 : i32
    %c0_i32_1 = arith.constant 0 : i32
    return %arg0, %c0_i32, %c0_i32_0 : i32, i32, i32
  }
}

module attributes {stable_mosaic.version = 14 : i64} {
  func.func @_matmul_body(%arg0: i32, %arg1: memref<1024x16xf32, #tpu.memory_space<vmem>>, %arg2: memref<16x128xf32, #tpu.memory_space<vmem>>, %arg3: memref<1x128xf32, #tpu.memory_space<vmem>>, %arg4: memref<1024x128xf32, #tpu.memory_space<vmem>>) attributes {dimension_semantics = [#tpu.dimension_semantics<arbitrary>], iteration_bounds = array<i64: 1>, scalar_prefetch = 0 : i64, scratch_operands = 0 : i64, tpu.core_type = #tpu.core_type<tc>, window_params = [{transform_indices = @transform_0, window_bounds = array<i64: 1024, 16>}, {pipeline_mode = #tpu.pipeline_mode<synchronous>, transform_indices = @transform_1, window_bounds = array<i64: 16, 128>}, {pipeline_mode = #tpu.pipeline_mode<synchronous>, transform_indices = @transform_2, window_bounds = array<i64: 1, 128>}, {transform_indices = @transform_3, window_bounds = array<i64: 1024, 128>}]} {
    %get3A = arith.constant 0 : index
    %get3A_0 = arith.constant 0 : index
    %get3A_1 = vector.load %arg1[%get3A, %get3A_0] : memref<1024x16xf32, #tpu.memory_space<vmem>>, vector<1024x16xf32>
    %get3A_2 = arith.constant 0 : index
    %get3A_3 = arith.constant 0 : index
    %get3A_4 = vector.load %arg2[%get3A_2, %get3A_3] : memref<16x128xf32, #tpu.memory_space<vmem>>, vector<16x128xf32>
    %dot_general3A = arith.constant dense<0.000000e+00> : vector<1024x128xf32>
    %dot_general3A_5 = tpu.matmul %get3A_1, %get3A_4, %dot_general3A {dimension_numbers = #tpu.dot_dimension_numbers<[1], [0], [0], [1], [0, 0, 1, 1], [], []>, transpose_lhs_hint = false} : vector<1024x16xf32>, vector<16x128xf32>, vector<1024x128xf32> -> vector<1024x128xf32>
    %get3A_6 = arith.constant 0 : index
    %get3A_7 = arith.constant 0 : index
    %get3A_8 = vector.load %arg3[%get3A_6, %get3A_7] : memref<1x128xf32, #tpu.memory_space<vmem>>, vector<1x128xf32>
    %add3A = vector.broadcast %get3A_8 : vector<1x128xf32> to vector<1024x128xf32>
    %add3A_9 = arith.addf %dot_general3A_5, %add3A : vector<1024x128xf32>
    %swap3A = arith.constant 0 : index
    %swap3A_10 = arith.constant 0 : index
    %swap3A_11 = vector.load %arg4[%swap3A, %swap3A_10] : memref<1024x128xf32, #tpu.memory_space<vmem>>, vector<1024x128xf32>
    tpu.vector_store %arg4[%swap3A, %swap3A_10], %add3A_9 {strides = array<i32>} : memref<1024x128xf32, #tpu.memory_space<vmem>>, vector<1024x128xf32>,
    return
  }
  func.func @transform_0(%arg0: i32) -> (i32, i32) {
    %c0_i32 = arith.constant 0 : i32
    %c0_i32_0 = arith.constant 0 : i32
    return %arg0, %c0_i32 : i32, i32
  }
  func.func @transform_1(%arg0: i32) -> (i32, i32) {
    %c0_i32 = arith.constant 0 : i32
    %c0_i32_0 = arith.constant 0 : i32
    %c0_i32_1 = arith.constant 0 : i32
    return %c0_i32, %c0_i32_0 : i32, i32
  }
  func.func @transform_2(%arg0: i32) -> (i32, i32) {
    %c0_i32 = arith.constant 0 : i32
    %c0_i32_0 = arith.constant 0 : i32
    %c0_i32_1 = arith.constant 0 : i32
    return %c0_i32, %c0_i32_0 : i32, i32
  }
  func.func @transform_3(%arg0: i32) -> (i32, i32) {
    %c0_i32 = arith.constant 0 : i32
    %c0_i32_0 = arith.constant 0 : i32
    return %arg0, %c0_i32 : i32, i32
  }
}

</mosaic_0001>

<sc_bundles>
// kernel: kernel.6.cloned.1.call-start
scs
__scs_entry_jumppad:
0x0: {  	(pc) =	sbr.rel $0x88, $3  }
0x1: {  	(tag) =	ssettag $0x0;
	lr =	simm.s32 $0x1  }
0x2: {  	[smem:$0x3F95] =	sst lr;
	_ =	strace $0xD0000000  }
0x3: {  	_ = 	snop  }
0x4: {  	_ = 	snop  }
0x5: {  	_ = 	snop  }
0x6: {  	_ = 	snop  }
0x7: {  	_ = 	snop  }
__scs_overlays_trampoline_lowered:
0x8: {  	[smem:$0x3FA4] =	sst s0  }
0x9: {  	[smem:$0x3FA5] =	sst s1  }
0xa: {  	[smem:$0x3FA6] =	sst s2  }
0xb: {  	[smem:$0x3FA7] =	sst s3  }
0xc: {  	[smem:$0x3FA8] =	sst s4  }
0xd: {  	[smem:$0x3FA9] =	sst s5  }
0xe: {  	[smem:$0x3FAA] =	sst s6  }
0xf: {  	[smem:$0x3FAB] =	sst s7  }
0x10: {  	[smem:$0x3FAC] =	sst s8  }
0x11: {  	[smem:$0x3FAD] =	sst s9;
	s0 =	simm.s32 @!p0 $0x0  }
0x12: {  	s1 =	sld [smem:$0x3F93];
	s0 =	simm.s32 @p0 $0x1  }
0x13: {  	[smem:$0x3FAE] =	sst s0;
	s0 =	simm.s32 @!p1 $0x0  }
0x14: {  	s2 =	sld [smem:$0x3F92];
	s0 =	simm.s32 @p1 $0x1  }
0x15: {  	[smem:$0x3FAF] =	sst s0;
	s0 =	simm.s32 @!p2 $0x0  }
0x16: {  	s3 =	sld [smem:$0x3FDB];
	s0 =	simm.s32 @p2 $0x1  }
0x17: {  	s4 =	simm.s32 $0x1BF5;
	[smem:$0x3FB1] =	sst s0  }
0x18: {  	s0 =	sld [smem:$0x3F94];
	_ =	swait.ge [sflag:s4], $0x0  }
0x19: {  	s7 =	sld [smem:$0x3F95]  }
0x1a: {  	s8 =	sadd.s32 $0xFFFFE003, lr  }
0x1b: {  	s9 =	sadd.s32 $0xFFFFFEF7, lr;
	s5 =	simm.s32 $0xFFFFFFFF;
	p2 =	slt.u32 s8, $0xFFFFF086  }
0x1c: {  	p1 =	slt.u32 s9, $0xF7A;
	s5 =	simm.s32 @!p2 $0x0  }
0x1d: {  	s5 =	simm.s32 @p1 $0x1;
	p0 =	seq.s32 s7, s2  }
0x1e: {  	s7 =	smul.u32 @!p0 $0xF7A, s2;
	p2 =	seq.s32 @!p0 s5, $0x0  }
0x1f: {  	s9 =	smul.u32 $0xF7A, s1;
	s8 =	simm.s32 @!p0 $0x1BF5;
	p2 =	por !p2, p0  }
0x20: {  	[sflag:s8] =	ssyncset.s32 @!p0 $0xFFFFF086;
	s6 =	sadd.s32 @!p0 s3, s7;
	s7 =	simm.s32 @!p0 $0x108  }
0x21: {  	s3 =	sadd.s32 s3, s9;
	s6 =	sadd.s32 @!p0 $0x88, s6;
	s7 =	simm.s32 @p2 $0x1082  }
0x22: {  	[simem:s7], [sflag:s8] =	dma.local @!p0 [hbm:s6], $0xF7A  }
0x23: {  	s9 =	sor.u32 $0xD0000000, s2;
	s6 =	simm.s32 $0x108;
	_ =	swait.ge @!p0 [sflag:s8], $0x0  }
0x24: {  	s3 =	sadd.s32 $0x88, s3;
	s6 =	simm.s32 @!p1 $0x1082;
	[sflag:s4] =	ssyncset.s32 $0xFFFFF086  }
0x25: {  	[simem:s6], [sflag:s4] =	dma.local [hbm:s3], $0xF7A  }
0x26: {  	[smem:$0x3F95] =	sst s1;
	(tag) =	ssettag s2;
	_ =	strace s9  }
0x27: {  	s1 =	sld [smem:$0x3FA5]  }
0x28: {  	s2 =	sld [smem:$0x3FA6]  }
0x29: {  	s4 =	sld [smem:$0x3FA8]  }
0x2a: {  	p0 =	seq.s32 s5, $0x0;
	s5 =	sld [smem:$0x3FA9]  }
0x2b: {  	s6 =	sld [smem:$0x3FAA]  }
0x2c: {  	s7 =	sld [smem:$0x3FAB]  }
0x2d: {  	s3 =	simm.s32 $0x108;
	s8 =	sld [smem:$0x3FAC]  }
0x2e: {  	s3 =	simm.s32 @!p0 $0x1082;
	s9 =	sld [smem:$0x3FAD]  }
0x2f: {  	lr =	sadd.s32 s0, s3;
	s0 =	sld [smem:$0x3FA4]  }
0x30: {  	s3 =	sld [smem:$0x3FA7]  }
0x31: {  	[smem:$0x3FB0] =	sst s10  }
0x32: {  	s10 =	sld [smem:$0x3FAE];
	_ =	sdelay $0x3  }
0x33: {  	p0 =	seq.s32 s10, $0x1;
	s10 =	sld [smem:$0x3FB0];
	_ =	sdelay $0x3  }
0x34: {  	[smem:$0x3FB0] =	sst s10  }
0x35: {  	s10 =	sld [smem:$0x3FAF];
	_ =	sdelay $0x3  }
0x36: {  	p1 =	seq.s32 s10, $0x1;
	s10 =	sld [smem:$0x3FB0];
	_ =	sdelay $0x3  }
0x37: {  	[smem:$0x3FB0] =	sst s10  }
0x38: {  	s10 =	sld [smem:$0x3FB1]  }
0x39: {  	_ = 	snop;
	(pc) =	sbr.ind lr, $3  }
0x3a: {  	_ = 	snop  }
0x3b: {  	_ = 	snop  }
0x3c: {  	p2 =	seq.s32 s10, $0x1;
	s10 =	sld [smem:$0x3FB0]  }
0x3d: {  	_ =	shalt  }
0x3e: {  	_ =	shalt  }
0x3f: {  	_ =	shalt  }
0x40: {  	_ =	shalt  }
0x41: {  	_ =	shalt  }
0x42: {  	_ =	shalt  }
0x43: {  	_ =	shalt  }
0x44: {  	_ =	shalt  }
0x45: {  	_ =	shalt  }
0x46: {  	_ =	shalt  }
0x47: {  	_ =	shalt  }
0x48: {  	_ =	shalt  }
0x49: {  	_ =	shalt  }
0x4a: {  	_ =	shalt  }
0x4b: {  	_ =	shalt  }
0x4c: {  	_ =	shalt  }
0x4d: {  	_ =	shalt  }
0x4e: {  	_ =	shalt  }
0x4f: {  	_ =	shalt  }
0x50: {  	_ =	shalt  }
0x51: {  	_ =	shalt  }
0x52: {  	_ =	shalt  }
0x53: {  	_ =	shalt  }
0x54: {  	_ =	shalt  }
0x55: {  	_ =	shalt  }
0x56: {  	_ =	shalt  }
0x57: {  	_ =	shalt  }
0x58: {  	_ =	shalt  }
0x59: {  	_ =	shalt  }
0x5a: {  	_ =	shalt  }
0x5b: {  	_ =	shalt  }
0x5c: {  	_ =	shalt  }
0x5d: {  	_ =	shalt  }
0x5e: {  	_ =	shalt  }
0x5f: {  	_ =	shalt  }
0x60: {  	_ =	shalt  }
0x61: {  	_ =	shalt  }
0x62: {  	_ =	shalt  }
0x63: {  	_ =	shalt  }
0x64: {  	_ =	shalt  }
0x65: {  	_ =	shalt  }
0x66: {  	_ =	shalt  }
0x67: {  	_ =	shalt  }
0x68: {  	_ =	shalt  }
0x69: {  	_ =	shalt  }
0x6a: {  	_ =	shalt  }
0x6b: {  	_ =	shalt  }
0x6c: {  	_ =	shalt  }
0x6d: {  	_ =	shalt  }
0x6e: {  	_ =	shalt  }
0x6f: {  	_ =	shalt  }
0x70: {  	_ =	shalt  }
0x71: {  	_ =	shalt  }
0x72: {  	_ =	shalt  }
0x73: {  	_ =	shalt  }
0x74: {  	_ =	shalt  }
0x75: {  	_ =	shalt  }
0x76: {  	_ =	shalt  }
0x77: {  	_ =	shalt  }
0x78: {  	_ =	shalt  }
0x79: {  	_ =	shalt  }
0x7a: {  	_ =	shalt  }
0x7b: {  	_ =	shalt  }
0x7c: {  	_ =	shalt  }
0x7d: {  	_ =	shalt  }
0x7e: {  	_ =	shalt  }
0x7f: {  	_ =	shalt  }
0x80: {  	_ =	shalt  }
0x81: {  	_ =	shalt  }
0x82: {  	_ =	shalt  }
0x83: {  	_ =	shalt  }
0x84: {  	_ =	shalt  }
0x85: {  	_ =	shalt  }
0x86: {  	_ =	shalt  }
0x87: {  	_ =	shalt  }
.Lfunc_end0:
.L_simem_size_0:
called_computation_lowered:
.L_overlay_start_0:
0x88: {  	s2 =	sld [smem:$0x3FD9]  }
0x89: {  	s3 =	sld [smem:$0x3FFE];
	_ =	sdelay $0x1  }
0x8a: {  	s1 =	srdreg.scid  }
0x8b: {  	s0 =	sand.u32 $0x1, s1  }
0x8c: {  	s14 =	sshll.u32 s0, $0xA;
	s2 =	sadd.s32 s3, s2  }
0x8d: {  	s2 =	sadd.s32 s2, s14  }
0x8e: {  	[smem:$0x3FBC] =	sst s2  }
0x8f: {  	_ = 	snop  }
0x90: {  	s2 =	sld [smem:$0x3FD0];
	_ =	sdelay $0x1  }
0x91: {  	s15 =	sld [smem:$0x3FC0]  }
0x92: {  	s5 =	simm.s32 $0xB;
	s6 =	simm.s32 $0x10;
	s4 =	sld [smem:$0x3FBE]  }
0x93: {  	[smem:s6], [sflag:s5] =	dma.local [hbm:s2], $0x1  }
0x94: {  	_ =	swait.eq [sflag:s5], $0x1  }
0x95: {  	[sflag:s5] =	ssyncset.done $0x0  }
0x96: {  	s16 =	sld [smem:$0x10];
	[sflag:s5] =	ssyncadd.s32 $0xFFFFFFFF  }
0x97: {  	s17 =	sld [smem:$0x12];
	(tm) =	ssettm $0x1  }
0x98: {  	s18 =	sld [smem:$0x3FFB];
	_ =	sdelay $0x3  }
0x99: {  	_ =	strace s18  }
0x9a: {  	s6 =	sld [smem:$0x3FFC];
	_ =	sdelay $0x3  }
0x9b: {  	_ =	strace s6  }
0x9c: {  	s6 =	sld [smem:$0x3FFD];
	_ =	sdelay $0x3  }
0x9d: {  	_ =	strace s6  }
0x9e: {  	_ =	strace $0x8FFFFFFF  }
0x9f: {  	s19 =	sld [smem:$0x3FDB];
	_ =	sdelay $0x1  }
0xa0: {  	s7 =	simm.s32 $_scs_section_size  }
0xa1: {  	s8 =	simm.s32 $_size__tile_overlayer_lowered;
	s9 =	simm.s32 $_tile_overlayer_lowered  }
0xa2: {  	s22 =	simm.s32 $0x1BFF;
	s21 =	sshll.u32 s9, $0x1;
	s6 =	sadd.s32 s7, s19  }
0xa3: {  	s10 =	simm.s32 $0x0;
	s20 =	sshll.u32 s8, $0x1;
	s8 =	sadd.s32 s21, s6  }
0xa4: {  	[timem:s10], [sflag:s22] =	dma.local [hbm:s8], s20  }
0xa5: {  	_ =	swait.ge [sflag:s22], s20  }
0xa6: {  	s7 =	ssub.s32 $0x0, s20;
	[sflag:s22] =	ssyncset.done $0x0  }
0xa7: {  	[sflag:s22] =	ssyncadd.s32 s7;
	_ =	sdelay $0x1  }
0xa8: {  	s23 =	simm.s32 $0x1B8B  }
0xa9: {  	_ =	swait.ge [sflag:s23], $0x1  }
0xaa: {  	[sflag:s23] =	ssyncset.done $0x0  }
0xab: {  	s25 =	simm.s32 $0x1B8E;
	s24 =	sld [smem:$0x3FFE];
	[sflag:s23] =	ssyncadd.s32 $0xFFFFFFFF  }
0xac: {  	s26 =	simm.s32 $execute0_lowered;
	[smem:$0x3FD2] =	sst s25  }
0xad: {  	s8 =	sshll.u32 s26, $0x1;
	_ =	strace $0x80000046;
	[dreg:$0x1] =	wrdreg $0xFFFFFFFF  }
0xae: {  	s28 =	simm.s32 $_size_execute0_lowered;
	s6 =	sadd.s32 s6, s8;
	[dreg:$0x0] =	wrdreg $0x0  }
0xaf: {  	s8 =	sshll.u32 s28, $0x1;
	[dreg:$0x2] =	wrdreg s6  }
0xb0: {  	[dreg:$0x3] =	wrdreg s8  }
0xb1: {  	[dreg:$0x4] =	wrdreg $0xC0  }
0xb2: {  	_ =	task [dreg:s10], $0x5FFFF  }
0xb3: {  	[dreg:$0x1] =	wrdreg $0xFFFFFFFF  }
0xb4: {  	[dreg:$0x0] =	wrdreg $0x60  }
0xb5: {  	[dreg:$0x2] =	wrdreg s4  }
0xb6: {  	[dreg:$0x3] =	wrdreg s16  }
0xb7: {  	[dreg:$0x4] =	wrdreg s15  }
0xb8: {  	[dreg:$0x5] =	wrdreg s24  }
0xb9: {  	[dreg:$0x6] =	wrdreg s17  }
0xba: {  	[dreg:$0x7] =	wrdreg $0x0  }
0xbb: {  	[dreg:$0x8] =	wrdreg $0x9  }
0xbc: {  	_ =	task.clear_ibuf [dreg:s10], $0x9FFFF;
	_ =	strace $0x90000046  }
0xbd: {  	s29 =	simm.s32 $0x9;
	_ =	strace $0x80000048  }
0xbe: {  	_ =	swait.ge [sflag:s29], $0x1  }
0xbf: {  	[sflag:s29] =	ssyncadd.s32 $0xFFFFFFFF  }
0xc0: {  	_ =	strace $0x90000048  }
0xc1: {  	_ =	sfence  }
0xc2: {  	s30 =	sld [smem:$0x0];
	_ =	sdelay $0x2  }
0xc3: {  	s31 =	sshll.u32 s1, $0xD;
	s1 =	sshrl.u32 s1, $0x2  }
0xc4: {  	s3 =	sand.u32 $0x4000, s31;
	s1 =	sadd.s32 s1, s30  }
0xc5: {  	s0 =	sor.u32 s3, s0;
	s1 =	sshll.u32 s1, $0x11  }
0xc6: {  	s0 =	sor.u32 s1, s0  }
0xc7: {  	s0 =	sadd.s32 $0x8F2B, s0  }
0xc8: {  	[sflag:s0] =	ssyncadd.remote.s32 $0x1  }
0xc9: {  	_ =	sfence.sel $0xFFFF  }
0xca: {  	[dreg:$0x0] =	wrdreg $0xFFFFFFFF;
	(pc) =	sbr.abs _section_cstart, $3  }
0xcb: {  	[dreg:$0x1] =	wrdreg $0xFFFFFFFF  }
0xcc: {  	_ =	task.clear_ibuf [dreg:s10], $0x2FFFF;
	_ =	strace $0x9FFFFFFF  }
0xcd: {  	(tm) =	ssettm $0x7FFFFFFF  }
tec
execute0_lowered:
.L_overlay_start_1:
0x0: {  	(tag) =	ssettag $0x1  }
0x1: {  	s0 =	rddreg [dreg:$0x0]  }
0x2: {  	s21 =	rddreg [dreg:$0x1]  }
0x3: {  	s1 =	rddreg [dreg:$0x2]  }
0x4: {  	s3 =	rddreg [dreg:$0x3]  }
0x5: {  	s5 =	rddreg [dreg:$0x4]  }
0x6: {  	s2 =	rddreg [dreg:$0x5]  }
0x7: {  	s30 =	rddreg [dreg:$0x6]  }
0x8: {  	s22 =	srdreg.scid;
	[dreg:$0x7] =	wrdreg s0  }
0x9: {  	s4 =	stileid.u32;
	[dreg:$0x8] =	wrdreg s1  }
0xa: {  	s6 =	sand.u32 $0x1, s22;
	s23 =	sshll.u32 s4, $0x1;
	s1 =	simm.s32 $0x0  }
0xb: {  	s7 =	sor.u32 s6, s23;
	[smem:$0x7FF] =	sst s1  }
0xc: {  	s23 =	simm.s32 $0x5EC0;
	s8 =	smul.u32 $0xF0, s7;
	_ =	strace $0x80000047  }
0xd: {  	s10 =	sshll.u32 s7, $0x4;
	s29 =	sshll.u32 s7, $0xB;
	[dreg:$0x1c] =	wrdreg s23  }
0xe: {  	s10 =	sadd.s32 s10, s3;
	s3 =	sadd.s32 s29, s3;
	s29 =	simm.s32 $0x6040  }
0xf: {  	s0 =	sadd.s32 s21, s8;
	[dreg:$0x1f] =	wrdreg s29  }
0x10: {  	s25 =	sadd.s32 $0x1A00, s10;
	[dreg:$0x9] =	wrdreg s0  }
0x11: {  	s9 =	smul.u32 $0x3C000, s7;
	s7 =	sadd.s32 $0x1C00, s3;
	[dreg:$0xa] =	wrdreg s25  }
0x12: {  	p0 =	sne.s32 s4, $0x0;
	s21 =	simm.s32 $0x5E40;
	[dreg:$0xe] =	wrdreg s7  }
0x13: {  	s24 =	sshrl.u32 s9, $0x3;
	s0 =	sshrl.u32 @!p0 s2, $0x3;
	[dreg:$0x1b] =	wrdreg s21  }
0x14: {  	s22 =	sadd.s32 s5, s24;
	s24 =	simm.s32 $0x5F40;
	[dreg:$0x1a] =	wrdreg s0  }
0x15: {  	s25 =	simm.s32 $0x5FC0;
	[dreg:$0x1d] =	wrdreg s24  }
0x16: {  	s28 =	simm.s32 $0x9;
	s26 =	sadd.s32 $0x6000, s22;
	[dreg:$0x1e] =	wrdreg s25  }
0x17: {  	p1 =	por $0x0, $0x0;
	s31 =	sadd.s32 $0x6800, s22;
	[dreg:$0xb] =	wrdreg s26  }
0x18: {  	s4 =	simm.s32 $0x6540;
	s5 =	sadd.s32 $0x7000, s22;
	[dreg:$0xc] =	wrdreg s31  }
0x19: {  	s16 =	ssub.s32 $0x2, s6;
	s8 =	sadd.s32 $0x800, s22;
	[dreg:$0xd] =	wrdreg s5  }
0x1a: {  	s6 =	simm.s32 $0x1;
	s9 =	sadd.s32 $0x1000, s22;
	[dreg:$0xf] =	wrdreg s8  }
0x1b: {  	s18 =	sshrl.u32 s16, $0x1;
	s10 =	sadd.s32 $0x1800, s22;
	[dreg:$0x10] =	wrdreg s9  }
0x1c: {  	s23 =	simm.s32 $0x6240;
	s11 =	sadd.s32 $0x2000, s22;
	[dreg:$0x11] =	wrdreg s10  }
0x1d: {  	s3 =	ssub.s32 s16, s18;
	s12 =	sadd.s32 $0x2800, s22;
	[dreg:$0x12] =	wrdreg s11  }
0x1e: {  	s16 =	simm.s32 $0x7;
	s13 =	sadd.s32 $0x3000, s22;
	[dreg:$0x13] =	wrdreg s12  }
0x1f: {  	s18 =	simm.s32 $0x6440;
	s14 =	sadd.s32 $0x3800, s22;
	[dreg:$0x14] =	wrdreg s13  }
0x20: {  	s7 =	simm.s32 $0x2;
	s15 =	sadd.s32 $0x4000, s22;
	[dreg:$0x15] =	wrdreg s14  }
0x21: {  	s21 =	simm.s32 $0x62C0;
	s17 =	sadd.s32 $0x4800, s22;
	[dreg:$0x16] =	wrdreg s15  }
0x22: {  	s19 =	sadd.s32 $0x5000, s22;
	s20 =	sadd.s32 $0x5800, s22;
	[dreg:$0x17] =	wrdreg s17  }
0x23: {  	s25 =	simm.s32 $0x6140;
	[dreg:$0x18] =	wrdreg s19;
	s17 =	smax.u32 s3, $0x1  }
0x24: {  	s24 =	simm.s32 $0x61C0;
	[dreg:$0x19] =	wrdreg s20;
	s17 =	sadd.s32 $0xFFFFFFFF, s17  }
0x25: {  	s26 =	simm.s32 $0x5DC0;
	s5 =	simm.s32 $0x80;
	p2 =	sne.s32 s17, $0x0  }
.Ltmp0:
0x26: {  	s3 =	simm.s32 $0x65C0;
	s9 =	simm.s32 $0xA5C0;
	(pc) =	sbr.rel @!p2 .LBB2_1-.Ltmp0, $4  }
0x27: {  	s8 =	simm.s32 $0xE5C0;
	s13 =	simm.s32 $0x3;
	s15 =	simm.s32 $0x125C0  }
0x28: {  	s12 =	simm.s32 $0x5;
	s11 =	simm.s32 $0x4;
	s31 =	simm.s32 $0x60C0  }
0x29: {  	s10 =	simm.s32 $0x6;
	s14 =	simm.s32 $0x8;
	s0 =	rddreg [dreg:$0x1a]  }
0x2a: {  	s20 =	simm.s32 $0x6340;
	s19 =	simm.s32 $0x63C0;
	[smem:$0x7FD] =	sst s31  }
0x2b: {  	s31 =	rddreg [dreg:$0x7];
	s29 =	simm.s32 @!p0 $0x1C09;
	s30 =	simm.s32 @!p0 $0x9  }
0x2c: {  	[spmem:s0], [sflag:s29] =	dma.local @!p0 [hbm:s31], $0xBB80  }
0x2d: {  	_ =	swait.ge @!p0 [sflag:s30], $0xBB80  }
0x2e: {  	[sflag:s30] =	ssyncset.done @!p0 $0x0  }
0x2f: {  	s0 =	rddreg [dreg:$0x9];
	[sflag:s30] =	ssyncadd.s32 @!p0 $0xFFFF4480  }
0x30: {  	[tilespmem:s26], [sflag:$0x9] =	stream.linear.gather [hbm4b:s0+s1], $0x780, $0x38;
	[tilespmem:$0x165C0] =	vst v63  }
0x31: {  	_ =	swait.ge [sflag:s28], $0x780  }
0x32: {  	[sflag:s28] =	ssyncset.done $0x0  }
0x33: {  	s0 =	rddreg [dreg:$0xa];
	[sflag:s28] =	ssyncadd.s32 $0xFFFFF880  }
0x34: {  	[tilespmem:s4], [sflag:$0x9] =	stream.linear.gather [hbm4b:s0+s1], $0x80, $0x38;
	[tilespmem:$0x165C0] =	vst v63  }
0x35: {  	_ =	swait.ge [sflag:s28], $0x80  }
0x36: {  	[sflag:s28] =	ssyncset.done $0x0  }
0x37: {  	[sflag:s28] =	ssyncadd.s32 $0xFFFFFF80  }
0x38: {  	[bflag:$0x0] =	sbarrier.arrive $0xFFFF  }
0x39: {  	[tilespmem:s3], [sflag:$0x1] =	stream.indirect.gather [spmem:s2], $0x80, s26, s5, $0xb8;
	[tilespmem:$0x165C0] =	vst v63  }
0x3a: {  	s0 =	rddreg [dreg:$0x1b]  }
0x3b: {  	[tilespmem:s9], [sflag:$0x3] =	stream.indirect.gather [spmem:s2], $0x80, s0, s5, $0xb8;
	[tilespmem:$0x165C0] =	vst v63  }
0x3c: {  	_ =	swait.ge [sflag:s6], $0x4000  }
0x3d: {  	[sflag:s6] =	ssyncset.done $0x0  }
0x3e: {  	[sflag:s6] =	ssyncadd.s32 $0xFFFFC000  }
0x3f: {  	[hbm4b:s22+s1] =	stream.linear.scatter [tilespmem:s3], [sflag:$0x2], $0x4000, $0x38;
	[tilespmem:$0x165C0] =	vst v63  }
0x40: {  	s0 =	rddreg [dreg:$0x1c]  }
0x41: {  	[tilespmem:s8], [sflag:$0x5] =	stream.indirect.gather [spmem:s2], $0x80, s0, s5, $0xb8;
	[tilespmem:$0x165C0] =	vst v63  }
0x42: {  	_ =	swait.ge [sflag:s13], $0x4000  }
0x43: {  	[sflag:s13] =	ssyncset.done $0x0  }
0x44: {  	s0 =	rddreg [dreg:$0xf];
	[sflag:s13] =	ssyncadd.s32 $0xFFFFC000  }
0x45: {  	[hbm4b:s0+s1] =	stream.linear.scatter [tilespmem:s9], [sflag:$0x4], $0x4000, $0x38;
	[tilespmem:$0x165C0] =	vst v63  }
0x46: {  	s31 =	rddreg [dreg:$0x1d]  }
0x47: {  	[tilespmem:s15], [sflag:$0x7] =	stream.indirect.gather [spmem:s2], $0x80, s31, s5, $0xb8;
	[tilespmem:$0x165C0] =	vst v63  }
0x48: {  	_ =	swait.ge [sflag:s12], $0x4000  }
0x49: {  	[sflag:s12] =	ssyncset.done $0x0  }
0x4a: {  	s0 =	rddreg [dreg:$0x10];
	[sflag:s12] =	ssyncadd.s32 $0xFFFFC000  }
0x4b: {  	[hbm4b:s0+s1] =	stream.linear.scatter [tilespmem:s8], [sflag:$0x6], $0x4000, $0x38;
	[tilespmem:$0x165C0] =	vst v63  }
0x4c: {  	_ =	swait.ge [sflag:s7], $0x4000  }
0x4d: {  	[sflag:s7] =	ssyncset.done $0x0  }
0x4e: {  	s0 =	rddreg [dreg:$0x1e];
	[sflag:s7] =	ssyncadd.s32 $0xFFFFC000  }
0x4f: {  	[tilespmem:s3], [sflag:$0x1] =	stream.indirect.gather [spmem:s2], $0x80, s0, s5, $0xb8;
	[tilespmem:$0x165C0] =	vst v63  }
0x50: {  	_ =	swait.ge [sflag:s16], $0x4000  }
0x51: {  	[sflag:s16] =	ssyncset.done $0x0  }
0x52: {  	s0 =	rddreg [dreg:$0x11];
	[sflag:s16] =	ssyncadd.s32 $0xFFFFC000  }
0x53: {  	[hbm4b:s0+s1] =	stream.linear.scatter [tilespmem:s15], [sflag:$0x8], $0x4000, $0x38;
	[tilespmem:$0x165C0] =	vst v63  }
0x54: {  	_ =	swait.ge [sflag:s11], $0x4000  }
0x55: {  	[sflag:s11] =	ssyncset.done $0x0  }
0x56: {  	s0 =	rddreg [dreg:$0x1f];
	[sflag:s11] =	ssyncadd.s32 $0xFFFFC000  }
0x57: {  	[tilespmem:s9], [sflag:$0x3] =	stream.indirect.gather [spmem:s2], $0x80, s0, s5, $0xb8;
	[tilespmem:$0x165C0] =	vst v63  }
0x58: {  	_ =	swait.ge [sflag:s6], $0x4000  }
0x59: {  	[sflag:s6] =	ssyncset.done $0x0  }
0x5a: {  	s0 =	rddreg [dreg:$0x12];
	[sflag:s6] =	ssyncadd.s32 $0xFFFFC000  }
0x5b: {  	[hbm4b:s0+s1] =	stream.linear.scatter [tilespmem:s3], [sflag:$0x2], $0x4000, $0x38;
	[tilespmem:$0x165C0] =	vst v63  }
0x5c: {  	_ =	swait.ge [sflag:s10], $0x4000  }
0x5d: {  	s0 =	sld [smem:$0x7FD]  }
0x5e: {  	[sflag:s10] =	ssyncset.done $0x0  }
0x5f: {  	[sflag:s10] =	ssyncadd.s32 $0xFFFFC000  }
0x60: {  	[tilespmem:s8], [sflag:$0x5] =	stream.indirect.gather [spmem:s2], $0x80, s0, s5, $0xb8;
	[tilespmem:$0x165C0] =	vst v63  }
0x61: {  	_ =	swait.ge [sflag:s13], $0x4000  }
0x62: {  	[sflag:s13] =	ssyncset.done $0x0  }
0x63: {  	s0 =	rddreg [dreg:$0x13];
	[sflag:s13] =	ssyncadd.s32 $0xFFFFC000  }
0x64: {  	[hbm4b:s0+s1] =	stream.linear.scatter [tilespmem:s9], [sflag:$0x4], $0x4000, $0x38;
	[tilespmem:$0x165C0] =	vst v63  }
0x65: {  	_ =	swait.ge [sflag:s14], $0x4000  }
0x66: {  	[sflag:s14] =	ssyncset.done $0x0  }
0x67: {  	[sflag:s14] =	ssyncadd.s32 $0xFFFFC000  }
0x68: {  	[tilespmem:s15], [sflag:$0x7] =	stream.indirect.gather [spmem:s2], $0x80, s25, s5, $0xb8;
	[tilespmem:$0x165C0] =	vst v63  }
0x69: {  	_ =	swait.ge [sflag:s12], $0x4000  }
0x6a: {  	[sflag:s12] =	ssyncset.done $0x0  }
0x6b: {  	s0 =	rddreg [dreg:$0x14];
	[sflag:s12] =	ssyncadd.s32 $0xFFFFC000  }
0x6c: {  	[hbm4b:s0+s1] =	stream.linear.scatter [tilespmem:s8], [sflag:$0x6], $0x4000, $0x38;
	[tilespmem:$0x165C0] =	vst v63  }
0x6d: {  	_ =	swait.ge [sflag:s7], $0x4000  }
0x6e: {  	[sflag:s7] =	ssyncset.done $0x0  }
0x6f: {  	[sflag:s7] =	ssyncadd.s32 $0xFFFFC000  }
0x70: {  	[tilespmem:s3], [sflag:$0x1] =	stream.indirect.gather [spmem:s2], $0x80, s24, s5, $0xb8;
	[tilespmem:$0x165C0] =	vst v63  }
0x71: {  	_ =	swait.ge [sflag:s16], $0x4000  }
0x72: {  	[sflag:s16] =	ssyncset.done $0x0  }
0x73: {  	s0 =	rddreg [dreg:$0x15];
	[sflag:s16] =	ssyncadd.s32 $0xFFFFC000  }
0x74: {  	[hbm4b:s0+s1] =	stream.linear.scatter [tilespmem:s15], [sflag:$0x8], $0x4000, $0x38;
	[tilespmem:$0x165C0] =	vst v63  }
0x75: {  	_ =	swait.ge [sflag:s11], $0x4000  }
0x76: {  	[sflag:s11] =	ssyncset.done $0x0  }
0x77: {  	[sflag:s11] =	ssyncadd.s32 $0xFFFFC000  }
0x78: {  	[tilespmem:s9], [sflag:$0x3] =	stream.indirect.gather [spmem:s2], $0x80, s23, s5, $0xb8;
	[tilespmem:$0x165C0] =	vst v63  }
0x79: {  	_ =	swait.ge [sflag:s6], $0x4000  }
0x7a: {  	[sflag:s6] =	ssyncset.done $0x0  }
0x7b: {  	s0 =	rddreg [dreg:$0x16];
	[sflag:s6] =	ssyncadd.s32 $0xFFFFC000  }
0x7c: {  	[hbm4b:s0+s1] =	stream.linear.scatter [tilespmem:s3], [sflag:$0x2], $0x4000, $0x38;
	[tilespmem:$0x165C0] =	vst v63  }
0x7d: {  	_ =	swait.ge [sflag:s10], $0x4000  }
0x7e: {  	[sflag:s10] =	ssyncset.done $0x0  }
0x7f: {  	[sflag:s10] =	ssyncadd.s32 $0xFFFFC000  }
0x80: {  	[tilespmem:s8], [sflag:$0x5] =	stream.indirect.gather [spmem:s2], $0x80, s21, s5, $0xb8;
	[tilespmem:$0x165C0] =	vst v63  }
0x81: {  	_ =	swait.ge [sflag:s13], $0x4000  }
0x82: {  	[sflag:s13] =	ssyncset.done $0x0  }
0x83: {  	s0 =	rddreg [dreg:$0x17];
	[sflag:s13] =	ssyncadd.s32 $0xFFFFC000  }
0x84: {  	[hbm4b:s0+s1] =	stream.linear.scatter [tilespmem:s9], [sflag:$0x4], $0x4000, $0x38;
	[tilespmem:$0x165C0] =	vst v63  }
0x85: {  	_ =	swait.ge [sflag:s14], $0x4000  }
0x86: {  	[sflag:s14] =	ssyncset.done $0x0  }
0x87: {  	[sflag:s14] =	ssyncadd.s32 $0xFFFFC000  }
0x88: {  	[tilespmem:s15], [sflag:$0x7] =	stream.indirect.gather [spmem:s2], $0x80, s20, s5, $0xb8;
	[tilespmem:$0x165C0] =	vst v63  }
0x89: {  	_ =	swait.ge [sflag:s12], $0x4000  }
0x8a: {  	[sflag:s12] =	ssyncset.done $0x0  }
0x8b: {  	s0 =	rddreg [dreg:$0x18];
	[sflag:s12] =	ssyncadd.s32 $0xFFFFC000  }
0x8c: {  	[hbm4b:s0+s1] =	stream.linear.scatter [tilespmem:s8], [sflag:$0x6], $0x4000, $0x38;
	[tilespmem:$0x165C0] =	vst v63  }
0x8d: {  	_ =	swait.ge [sflag:s7], $0x4000  }
0x8e: {  	[sflag:s7] =	ssyncset.done $0x0  }
0x8f: {  	[sflag:s7] =	ssyncadd.s32 $0xFFFFC000  }
0x90: {  	[tilespmem:s3], [sflag:$0x1] =	stream.indirect.gather [spmem:s2], $0x80, s19, s5, $0xb8;
	[tilespmem:$0x165C0] =	vst v63  }
0x91: {  	_ =	swait.ge [sflag:s16], $0x4000  }
0x92: {  	[sflag:s16] =	ssyncset.done $0x0  }
0x93: {  	s0 =	rddreg [dreg:$0x19];
	[sflag:s16] =	ssyncadd.s32 $0xFFFFC000  }
0x94: {  	[hbm4b:s0+s1] =	stream.linear.scatter [tilespmem:s15], [sflag:$0x8], $0x4000, $0x38;
	[tilespmem:$0x165C0] =	vst v63  }
0x95: {  	_ =	swait.ge [sflag:s11], $0x4000  }
0x96: {  	[sflag:s11] =	ssyncset.done $0x0  }
0x97: {  	[sflag:s11] =	ssyncadd.s32 $0xFFFFC000  }
0x98: {  	[tilespmem:s9], [sflag:$0x3] =	stream.indirect.gather [spmem:s2], $0x80, s18, s5, $0xb8;
	[tilespmem:$0x165C0] =	vst v63  }
0x99: {  	_ =	swait.ge [sflag:s6], $0x4000  }
0x9a: {  	[sflag:s6] =	ssyncset.done $0x0  }
0x9b: {  	s0 =	rddreg [dreg:$0xb];
	[sflag:s6] =	ssyncadd.s32 $0xFFFFC000  }
0x9c: {  	[hbm4b:s0+s1] =	stream.linear.scatter [tilespmem:s3], [sflag:$0x2], $0x4000, $0x38;
	[tilespmem:$0x165C0] =	vst v63  }
0x9d: {  	_ =	swait.ge [sflag:s10], $0x4000  }
0x9e: {  	[sflag:s10] =	ssyncset.done $0x0  }
0x9f: {  	s0 =	simm.s32 $0x64C0;
	[sflag:s10] =	ssyncadd.s32 $0xFFFFC000  }
0xa0: {  	[tilespmem:s8], [sflag:$0x5] =	stream.indirect.gather [spmem:s2], $0x80, s0, s5, $0xb8;
	[tilespmem:$0x165C0] =	vst v63  }
0xa1: {  	_ =	swait.ge [sflag:s13], $0x4000  }
0xa2: {  	[sflag:s13] =	ssyncset.done $0x0  }
0xa3: {  	s0 =	rddreg [dreg:$0xc];
	[sflag:s13] =	ssyncadd.s32 $0xFFFFC000  }
0xa4: {  	[hbm4b:s0+s1] =	stream.linear.scatter [tilespmem:s9], [sflag:$0x4], $0x4000, $0x38;
	[tilespmem:$0x165C0] =	vst v63  }
0xa5: {  	_ =	swait.ge [sflag:s12], $0x4000  }
0xa6: {  	[sflag:s12] =	ssyncset.done $0x0  }
0xa7: {  	s0 =	rddreg [dreg:$0xd];
	[sflag:s12] =	ssyncadd.s32 $0xFFFFC000  }
0xa8: {  	[hbm4b:s0+s1] =	stream.linear.scatter [tilespmem:s8], [sflag:$0x6], $0x4000, $0x38;
	[tilespmem:$0x165C0] =	vst v63  }
0xa9: {  	_ =	swait.ge [sflag:s14], $0x4000  }
0xaa: {  	[sflag:s14] =	ssyncset.done $0x0  }
0xab: {  	[sflag:s14] =	ssyncadd.s32 $0xFFFFC000  }
0xac: {  	_ =	swait.ge [sflag:s7], $0x4000  }
0xad: {  	[sflag:s7] =	ssyncset.done $0x0  }
0xae: {  	[sflag:s7] =	ssyncadd.s32 $0xFFFFC000  }
0xaf: {  	_ =	swait.ge [sflag:s11], $0x4000  }
0xb0: {  	[sflag:s11] =	ssyncset.done $0x0  }
0xb1: {  	[sflag:s11] =	ssyncadd.s32 $0xFFFFC000  }
0xb2: {  	_ =	swait.ge [sflag:s10], $0x4000  }
0xb3: {  	[sflag:s10] =	ssyncset.done $0x0  }
0xb4: {  	s31 =	sadd.s32 $0xFFFFFFFF, s17;
	s0 =	rddreg [dreg:$0x8];
	[sflag:s10] =	ssyncadd.s32 $0xFFFFC000  }
0xb5: {  	[tilespmem:s3], [sflag:$0x1] =	stream.indirect.gather [hbm4b:s0+s5], $0x80, s4, s5, $0xb8;
	[tilespmem:$0x165C0] =	vst v63  }
0xb6: {  	p2 =	sne.s32 s31, $0x0;
	_ =	swait.ge [sflag:s6], $0x4000  }
.Ltmp1:
0xb7: {  	[sflag:s6] =	ssyncset.done $0x0;
	(pc) =	sbr.rel @!p2 .LBB2_3-.Ltmp1, $4  }
0xb8: {  	s0 =	rddreg [dreg:$0xe];
	[sflag:s6] =	ssyncadd.s32 $0xFFFFC000  }
0xb9: {  	[hbm4b:s0+s1] =	stream.linear.scatter [tilespmem:s3], [sflag:$0x2], $0x4000, $0x38;
	[tilespmem:$0x165C0] =	vst v63  }
0xba: {  	_ =	swait.ge [sflag:s7], $0x4000  }
0xbb: {  	p1 =	por $0x1, $0x1;
	s0 =	rddreg [dreg:$0x1a];
	[sflag:s7] =	ssyncset.done $0x0  }
.LBB2_4:
0xbc: {  	s17 =	rddreg [dreg:$0x7];
	[sflag:s7] =	ssyncadd.s32 $0xFFFFC000  }
0xbd: {  	[spmem:s0], [sflag:s29] =	dma.local @!p0 [hbm:s17], $0xBB80  }
0xbe: {  	_ =	swait.ge @!p0 [sflag:s30], $0xBB80  }
0xbf: {  	[sflag:s30] =	ssyncset.done @!p0 $0x0  }
0xc0: {  	s17 =	rddreg [dreg:$0x9];
	[sflag:s30] =	ssyncadd.s32 @!p0 $0xFFFF4480  }
0xc1: {  	[tilespmem:s26], [sflag:$0x9] =	stream.linear.gather [hbm4b:s17+s1], $0x780, $0x38;
	[tilespmem:$0x165C0] =	vst v63  }
0xc2: {  	_ =	swait.ge [sflag:s28], $0x780  }
0xc3: {  	[sflag:s28] =	ssyncset.done $0x0  }
0xc4: {  	s17 =	rddreg [dreg:$0xa];
	[sflag:s28] =	ssyncadd.s32 $0xFFFFF880  }
0xc5: {  	[tilespmem:s4], [sflag:$0x9] =	stream.linear.gather [hbm4b:s17+s1], $0x80, $0x38;
	[tilespmem:$0x165C0] =	vst v63  }
0xc6: {  	_ =	swait.ge [sflag:s28], $0x80  }
0xc7: {  	[sflag:s28] =	ssyncset.done $0x0  }
0xc8: {  	[sflag:s28] =	ssyncadd.s32 $0xFFFFFF80  }
0xc9: {  	[bflag:$0x0] =	sbarrier.arrive $0xFFFF  }
0xca: {  	[tilespmem:s3], [sflag:$0x1] =	stream.indirect.gather [spmem:s2], $0x80, s26, s5, $0xb8;
	[tilespmem:$0x165C0] =	vst v63  }
0xcb: {  	s17 =	rddreg [dreg:$0x1b]  }
0xcc: {  	[tilespmem:s9], [sflag:$0x3] =	stream.indirect.gather [spmem:s2], $0x80, s17, s5, $0xb8;
	[tilespmem:$0x165C0] =	vst v63  }
0xcd: {  	_ =	swait.ge [sflag:s6], $0x4000  }
0xce: {  	[sflag:s6] =	ssyncset.done $0x0  }
0xcf: {  	[sflag:s6] =	ssyncadd.s32 $0xFFFFC000  }
0xd0: {  	[hbm4b:s22+s1] =	stream.linear.scatter [tilespmem:s3], [sflag:$0x2], $0x4000, $0x38;
	[tilespmem:$0x165C0] =	vst v63  }
0xd1: {  	s17 =	rddreg [dreg:$0x1c]  }
0xd2: {  	[tilespmem:s8], [sflag:$0x5] =	stream.indirect.gather [spmem:s2], $0x80, s17, s5, $0xb8;
	[tilespmem:$0x165C0] =	vst v63  }
0xd3: {  	_ =	swait.ge [sflag:s13], $0x4000  }
0xd4: {  	[sflag:s13] =	ssyncset.done $0x0  }
0xd5: {  	s0 =	rddreg [dreg:$0xf];
	[sflag:s13] =	ssyncadd.s32 $0xFFFFC000  }
0xd6: {  	[hbm4b:s0+s1] =	stream.linear.scatter [tilespmem:s9], [sflag:$0x4], $0x4000, $0x38;
	[tilespmem:$0x165C0] =	vst v63  }
0xd7: {  	s17 =	rddreg [dreg:$0x1d]  }
0xd8: {  	[tilespmem:s15], [sflag:$0x7] =	stream.indirect.gather [spmem:s2], $0x80, s17, s5, $0xb8;
	[tilespmem:$0x165C0] =	vst v63  }
0xd9: {  	_ =	swait.ge [sflag:s12], $0x4000  }
0xda: {  	[sflag:s12] =	ssyncset.done $0x0  }
0xdb: {  	s0 =	rddreg [dreg:$0x10];
	[sflag:s12] =	ssyncadd.s32 $0xFFFFC000  }
0xdc: {  	[hbm4b:s0+s1] =	stream.linear.scatter [tilespmem:s8], [sflag:$0x6], $0x4000, $0x38;
	[tilespmem:$0x165C0] =	vst v63  }
0xdd: {  	_ =	swait.ge [sflag:s7], $0x4000  }
0xde: {  	[sflag:s7] =	ssyncset.done $0x0  }
0xdf: {  	s0 =	rddreg [dreg:$0x1e];
	[sflag:s7] =	ssyncadd.s32 $0xFFFFC000  }
0xe0: {  	[tilespmem:s3], [sflag:$0x1] =	stream.indirect.gather [spmem:s2], $0x80, s0, s5, $0xb8;
	[tilespmem:$0x165C0] =	vst v63  }
0xe1: {  	_ =	swait.ge [sflag:s16], $0x4000  }
0xe2: {  	[sflag:s16] =	ssyncset.done $0x0  }
0xe3: {  	s0 =	rddreg [dreg:$0x11];
	[sflag:s16] =	ssyncadd.s32 $0xFFFFC000  }
0xe4: {  	[hbm4b:s0+s1] =	stream.linear.scatter [tilespmem:s15], [sflag:$0x8], $0x4000, $0x38;
	[tilespmem:$0x165C0] =	vst v63  }
0xe5: {  	_ =	swait.ge [sflag:s11], $0x4000  }
0xe6: {  	[sflag:s11] =	ssyncset.done $0x0  }
0xe7: {  	s0 =	rddreg [dreg:$0x1f];
	[sflag:s11] =	ssyncadd.s32 $0xFFFFC000  }
0xe8: {  	[tilespmem:s9], [sflag:$0x3] =	stream.indirect.gather [spmem:s2], $0x80, s0, s5, $0xb8;
	[tilespmem:$0x165C0] =	vst v63  }
0xe9: {  	_ =	swait.ge [sflag:s6], $0x4000  }
0xea: {  	[sflag:s6] =	ssyncset.done $0x0  }
0xeb: {  	s0 =	rddreg [dreg:$0x12];
	[sflag:s6] =	ssyncadd.s32 $0xFFFFC000  }
0xec: {  	[hbm4b:s0+s1] =	stream.linear.scatter [tilespmem:s3], [sflag:$0x2], $0x4000, $0x38;
	[tilespmem:$0x165C0] =	vst v63  }
0xed: {  	_ =	swait.ge [sflag:s10], $0x4000  }
0xee: {  	s0 =	sld [smem:$0x7FD]  }
0xef: {  	[sflag:s10] =	ssyncset.done $0x0  }
0xf0: {  	[sflag:s10] =	ssyncadd.s32 $0xFFFFC000  }
0xf1: {  	[tilespmem:s8], [sflag:$0x5] =	stream.indirect.gather [spmem:s2], $0x80, s0, s5, $0xb8;
	[tilespmem:$0x165C0] =	vst v63  }
0xf2: {  	_ =	swait.ge [sflag:s13], $0x4000  }
0xf3: {  	[sflag:s13] =	ssyncset.done $0x0  }
0xf4: {  	s0 =	rddreg [dreg:$0x13];
	[sflag:s13] =	ssyncadd.s32 $0xFFFFC000  }
0xf5: {  	[hbm4b:s0+s1] =	stream.linear.scatter [tilespmem:s9], [sflag:$0x4], $0x4000, $0x38;
	[tilespmem:$0x165C0] =	vst v63  }
0xf6: {  	_ =	swait.ge [sflag:s14], $0x4000  }
0xf7: {  	[sflag:s14] =	ssyncset.done $0x0  }
0xf8: {  	[sflag:s14] =	ssyncadd.s32 $0xFFFFC000  }
0xf9: {  	[tilespmem:s15], [sflag:$0x7] =	stream.indirect.gather [spmem:s2], $0x80, s25, s5, $0xb8;
	[tilespmem:$0x165C0] =	vst v63  }
0xfa: {  	_ =	swait.ge [sflag:s12], $0x4000  }
0xfb: {  	[sflag:s12] =	ssyncset.done $0x0  }
0xfc: {  	s0 =	rddreg [dreg:$0x14];
	[sflag:s12] =	ssyncadd.s32 $0xFFFFC000  }
0xfd: {  	[hbm4b:s0+s1] =	stream.linear.scatter [tilespmem:s8], [sflag:$0x6], $0x4000, $0x38;
	[tilespmem:$0x165C0] =	vst v63  }
0xfe: {  	_ =	swait.ge [sflag:s7], $0x4000  }
0xff: {  	[sflag:s7] =	ssyncset.done $0x0  }
0x100: {  	[sflag:s7] =	ssyncadd.s32 $0xFFFFC000  }
0x101: {  	[tilespmem:s3], [sflag:$0x1] =	stream.indirect.gather [spmem:s2], $0x80, s24, s5, $0xb8;
	[tilespmem:$0x165C0] =	vst v63  }
0x102: {  	_ =	swait.ge [sflag:s16], $0x4000  }
0x103: {  	[sflag:s16] =	ssyncset.done $0x0  }
0x104: {  	s0 =	rddreg [dreg:$0x15];
	[sflag:s16] =	ssyncadd.s32 $0xFFFFC000  }
0x105: {  	[hbm4b:s0+s1] =	stream.linear.scatter [tilespmem:s15], [sflag:$0x8], $0x4000, $0x38;
	[tilespmem:$0x165C0] =	vst v63  }
0x106: {  	_ =	swait.ge [sflag:s11], $0x4000  }
0x107: {  	[sflag:s11] =	ssyncset.done $0x0  }
0x108: {  	[sflag:s11] =	ssyncadd.s32 $0xFFFFC000  }
0x109: {  	[tilespmem:s9], [sflag:$0x3] =	stream.indirect.gather [spmem:s2], $0x80, s23, s5, $0xb8;
	[tilespmem:$0x165C0] =	vst v63  }
0x10a: {  	_ =	swait.ge [sflag:s6], $0x4000  }
0x10b: {  	[sflag:s6] =	ssyncset.done $0x0  }
0x10c: {  	s0 =	rddreg [dreg:$0x16];
	[sflag:s6] =	ssyncadd.s32 $0xFFFFC000  }
0x10d: {  	[hbm4b:s0+s1] =	stream.linear.scatter [tilespmem:s3], [sflag:$0x2], $0x4000, $0x38;
	[tilespmem:$0x165C0] =	vst v63  }
0x10e: {  	_ =	swait.ge [sflag:s10], $0x4000  }
0x10f: {  	[sflag:s10] =	ssyncset.done $0x0  }
0x110: {  	[sflag:s10] =	ssyncadd.s32 $0xFFFFC000  }
0x111: {  	[tilespmem:s8], [sflag:$0x5] =	stream.indirect.gather [spmem:s2], $0x80, s21, s5, $0xb8;
	[tilespmem:$0x165C0] =	vst v63  }
0x112: {  	_ =	swait.ge [sflag:s13], $0x4000  }
0x113: {  	[sflag:s13] =	ssyncset.done $0x0  }
0x114: {  	s0 =	rddreg [dreg:$0x17];
	[sflag:s13] =	ssyncadd.s32 $0xFFFFC000  }
0x115: {  	[hbm4b:s0+s1] =	stream.linear.scatter [tilespmem:s9], [sflag:$0x4], $0x4000, $0x38;
	[tilespmem:$0x165C0] =	vst v63  }
0x116: {  	_ =	swait.ge [sflag:s14], $0x4000  }
0x117: {  	[sflag:s14] =	ssyncset.done $0x0  }
0x118: {  	[sflag:s14] =	ssyncadd.s32 $0xFFFFC000  }
0x119: {  	[tilespmem:s15], [sflag:$0x7] =	stream.indirect.gather [spmem:s2], $0x80, s20, s5, $0xb8;
	[tilespmem:$0x165C0] =	vst v63  }
0x11a: {  	_ =	swait.ge [sflag:s12], $0x4000  }
0x11b: {  	[sflag:s12] =	ssyncset.done $0x0  }
0x11c: {  	s0 =	rddreg [dreg:$0x18];
	[sflag:s12] =	ssyncadd.s32 $0xFFFFC000  }
0x11d: {  	[hbm4b:s0+s1] =	stream.linear.scatter [tilespmem:s8], [sflag:$0x6], $0x4000, $0x38;
	[tilespmem:$0x165C0] =	vst v63  }
0x11e: {  	_ =	swait.ge [sflag:s7], $0x4000  }
0x11f: {  	[sflag:s7] =	ssyncset.done $0x0  }
0x120: {  	[sflag:s7] =	ssyncadd.s32 $0xFFFFC000  }
0x121: {  	[tilespmem:s3], [sflag:$0x1] =	stream.indirect.gather [spmem:s2], $0x80, s19, s5, $0xb8;
	[tilespmem:$0x165C0] =	vst v63  }
0x122: {  	_ =	swait.ge [sflag:s16], $0x4000  }
0x123: {  	[sflag:s16] =	ssyncset.done $0x0  }
0x124: {  	s0 =	rddreg [dreg:$0x19];
	[sflag:s16] =	ssyncadd.s32 $0xFFFFC000  }
0x125: {  	[hbm4b:s0+s1] =	stream.linear.scatter [tilespmem:s15], [sflag:$0x8], $0x4000, $0x38;
	[tilespmem:$0x165C0] =	vst v63  }
0x126: {  	_ =	swait.ge [sflag:s11], $0x4000  }
0x127: {  	[sflag:s11] =	ssyncset.done $0x0  }
0x128: {  	[sflag:s11] =	ssyncadd.s32 $0xFFFFC000  }
0x129: {  	[tilespmem:s9], [sflag:$0x3] =	stream.indirect.gather [spmem:s2], $0x80, s18, s5, $0xb8;
	[tilespmem:$0x165C0] =	vst v63  }
0x12a: {  	_ =	swait.ge [sflag:s6], $0x4000  }
0x12b: {  	[sflag:s6] =	ssyncset.done $0x0  }
0x12c: {  	s0 =	rddreg [dreg:$0xb];
	[sflag:s6] =	ssyncadd.s32 $0xFFFFC000  }
0x12d: {  	[hbm4b:s0+s1] =	stream.linear.scatter [tilespmem:s3], [sflag:$0x2], $0x4000, $0x38;
	[tilespmem:$0x165C0] =	vst v63  }
0x12e: {  	_ =	swait.ge [sflag:s10], $0x4000  }
0x12f: {  	[sflag:s10] =	ssyncset.done $0x0  }
0x130: {  	s17 =	simm.s32 $0x64C0;
	[sflag:s10] =	ssyncadd.s32 $0xFFFFC000  }
0x131: {  	[tilespmem:s8], [sflag:$0x5] =	stream.indirect.gather [spmem:s2], $0x80, s17, s5, $0xb8;
	[tilespmem:$0x165C0] =	vst v63  }
0x132: {  	_ =	swait.ge [sflag:s13], $0x4000  }
0x133: {  	[sflag:s13] =	ssyncset.done $0x0  }
0x134: {  	s17 =	rddreg [dreg:$0xc];
	[sflag:s13] =	ssyncadd.s32 $0xFFFFC000  }
0x135: {  	[hbm4b:s17+s1] =	stream.linear.scatter [tilespmem:s9], [sflag:$0x4], $0x4000, $0x38;
	[tilespmem:$0x165C0] =	vst v63  }
0x136: {  	_ =	swait.ge [sflag:s12], $0x4000  }
0x137: {  	[sflag:s12] =	ssyncset.done $0x0  }
0x138: {  	s17 =	rddreg [dreg:$0xd];
	[sflag:s12] =	ssyncadd.s32 $0xFFFFC000  }
0x139: {  	[hbm4b:s17+s1] =	stream.linear.scatter [tilespmem:s8], [sflag:$0x6], $0x4000, $0x38;
	[tilespmem:$0x165C0] =	vst v63  }
0x13a: {  	_ =	swait.ge [sflag:s14], $0x4000  }
0x13b: {  	[sflag:s14] =	ssyncset.done $0x0  }
0x13c: {  	[sflag:s14] =	ssyncadd.s32 $0xFFFFC000  }
0x13d: {  	_ =	swait.ge [sflag:s7], $0x4000  }
0x13e: {  	[sflag:s7] =	ssyncset.done $0x0  }
0x13f: {  	[sflag:s7] =	ssyncadd.s32 $0xFFFFC000  }
0x140: {  	_ =	swait.ge [sflag:s11], $0x4000  }
0x141: {  	[sflag:s11] =	ssyncset.done $0x0  }
0x142: {  	[sflag:s11] =	ssyncadd.s32 $0xFFFFC000  }
0x143: {  	_ =	swait.ge [sflag:s10], $0x4000  }
0x144: {  	[sflag:s10] =	ssyncset.done $0x0  }
0x145: {  	s31 =	sadd.s32 $0xFFFFFFFF, s31;
	s17 =	rddreg [dreg:$0x8];
	[sflag:s10] =	ssyncadd.s32 $0xFFFFC000  }
0x146: {  	[tilespmem:s3], [sflag:$0x1] =	stream.indirect.gather [hbm4b:s17+s5], $0x80, s4, s5, $0xb8;
	[tilespmem:$0x165C0] =	vst v63  }
0x147: {  	p2 =	sne.s32 s31, $0x0;
	_ =	swait.ge [sflag:s6], $0x4000  }
.Ltmp2:
0x148: {  	[sflag:s6] =	ssyncset.done $0x0;
	(pc) =	sbr.rel @p2 .LBB2_4-.Ltmp2, $4  }
0x149: {  	s17 =	rddreg [dreg:$0xe];
	[sflag:s6] =	ssyncadd.s32 $0xFFFFC000  }
0x14a: {  	[hbm4b:s17+s1] =	stream.linear.scatter [tilespmem:s3], [sflag:$0x2], $0x4000, $0x38;
	[tilespmem:$0x165C0] =	vst v63  }
0x14b: {  	_ =	swait.ge [sflag:s7], $0x4000  }
0x14c: {  	s0 =	rddreg [dreg:$0x1a];
	[sflag:s7] =	ssyncset.done $0x0  }
0x14d: {  	s31 =	simm.s32 $0x64C0;
	s30 =	rddreg [dreg:$0x6]  }
.LBB2_6:
0x14e: {  	s17 =	rddreg [dreg:$0x7];
	[sflag:s7] =	ssyncadd.s32 @p1 $0xFFFFC000;
	s29 =	simm.s32 @!p0 $0x1C09  }
0x14f: {  	[spmem:s0], [sflag:s29] =	dma.local @!p0 [hbm:s17], $0xBB80  }
0x150: {  	s0 =	simm.s32 @!p0 $0x9  }
0x151: {  	_ =	swait.ge @!p0 [sflag:s0], $0xBB80  }
0x152: {  	[sflag:s0] =	ssyncset.done @!p0 $0x0  }
0x153: {  	s29 =	rddreg [dreg:$0x9];
	[sflag:s0] =	ssyncadd.s32 @!p0 $0xFFFF4480  }
0x154: {  	[tilespmem:s26], [sflag:$0x9] =	stream.linear.gather [hbm4b:s29+s1], $0x780, $0x38;
	[tilespmem:$0x165C0] =	vst v63  }
0x155: {  	_ =	swait.ge [sflag:s28], $0x780  }
0x156: {  	[sflag:s28] =	ssyncset.done $0x0  }
0x157: {  	s29 =	rddreg [dreg:$0xa];
	[sflag:s28] =	ssyncadd.s32 $0xFFFFF880  }
0x158: {  	[tilespmem:s4], [sflag:$0x9] =	stream.linear.gather [hbm4b:s29+s1], $0x80, $0x38;
	[tilespmem:$0x165C0] =	vst v63  }
0x159: {  	_ =	swait.ge [sflag:s28], $0x80  }
0x15a: {  	[sflag:s28] =	ssyncset.done $0x0  }
0x15b: {  	[sflag:s28] =	ssyncadd.s32 $0xFFFFFF80  }
0x15c: {  	[bflag:$0x0] =	sbarrier.arrive $0xFFFF  }
0x15d: {  	[tilespmem:s3], [sflag:$0x1] =	stream.indirect.gather [spmem:s2], $0x80, s26, s5, $0xb8;
	[tilespmem:$0x165C0] =	vst v63  }
0x15e: {  	s17 =	rddreg [dreg:$0x1b]  }
0x15f: {  	[tilespmem:s9], [sflag:$0x3] =	stream.indirect.gather [spmem:s2], $0x80, s17, s5, $0xb8;
	[tilespmem:$0x165C0] =	vst v63  }
0x160: {  	_ =	swait.ge [sflag:s6], $0x4000  }
0x161: {  	[sflag:s6] =	ssyncset.done $0x0  }
0x162: {  	[sflag:s6] =	ssyncadd.s32 $0xFFFFC000  }
0x163: {  	[hbm4b:s22+s1] =	stream.linear.scatter [tilespmem:s3], [sflag:$0x2], $0x4000, $0x38;
	[tilespmem:$0x165C0] =	vst v63  }
0x164: {  	s26 =	rddreg [dreg:$0x1c]  }
0x165: {  	[tilespmem:s8], [sflag:$0x5] =	stream.indirect.gather [spmem:s2], $0x80, s26, s5, $0xb8;
	[tilespmem:$0x165C0] =	vst v63  }
0x166: {  	_ =	swait.ge [sflag:s13], $0x4000  }
0x167: {  	[sflag:s13] =	ssyncset.done $0x0  }
0x168: {  	s28 =	rddreg [dreg:$0xf];
	[sflag:s13] =	ssyncadd.s32 $0xFFFFC000  }
0x169: {  	[hbm4b:s28+s1] =	stream.linear.scatter [tilespmem:s9], [sflag:$0x4], $0x4000, $0x38;
	[tilespmem:$0x165C0] =	vst v63  }
0x16a: {  	s29 =	rddreg [dreg:$0x1d]  }
0x16b: {  	[tilespmem:s15], [sflag:$0x7] =	stream.indirect.gather [spmem:s2], $0x80, s29, s5, $0xb8;
	[tilespmem:$0x165C0] =	vst v63  }
0x16c: {  	_ =	swait.ge [sflag:s12], $0x4000  }
0x16d: {  	[sflag:s12] =	ssyncset.done $0x0  }
0x16e: {  	s22 =	rddreg [dreg:$0x10];
	[sflag:s12] =	ssyncadd.s32 $0xFFFFC000  }
0x16f: {  	[hbm4b:s22+s1] =	stream.linear.scatter [tilespmem:s8], [sflag:$0x6], $0x4000, $0x38;
	[tilespmem:$0x165C0] =	vst v63  }
0x170: {  	_ =	swait.ge [sflag:s7], $0x4000  }
0x171: {  	[sflag:s7] =	ssyncset.done $0x0  }
0x172: {  	s26 =	rddreg [dreg:$0x1e];
	[sflag:s7] =	ssyncadd.s32 $0xFFFFC000  }
0x173: {  	[tilespmem:s3], [sflag:$0x1] =	stream.indirect.gather [spmem:s2], $0x80, s26, s5, $0xb8;
	[tilespmem:$0x165C0] =	vst v63  }
0x174: {  	_ =	swait.ge [sflag:s16], $0x4000  }
0x175: {  	[sflag:s16] =	ssyncset.done $0x0  }
0x176: {  	s28 =	rddreg [dreg:$0x11];
	[sflag:s16] =	ssyncadd.s32 $0xFFFFC000  }
0x177: {  	[hbm4b:s28+s1] =	stream.linear.scatter [tilespmem:s15], [sflag:$0x8], $0x4000, $0x38;
	[tilespmem:$0x165C0] =	vst v63  }
0x178: {  	_ =	swait.ge [sflag:s11], $0x4000  }
0x179: {  	[sflag:s11] =	ssyncset.done $0x0  }
0x17a: {  	s29 =	rddreg [dreg:$0x1f];
	[sflag:s11] =	ssyncadd.s32 $0xFFFFC000  }
0x17b: {  	[tilespmem:s9], [sflag:$0x3] =	stream.indirect.gather [spmem:s2], $0x80, s29, s5, $0xb8;
	[tilespmem:$0x165C0] =	vst v63  }
0x17c: {  	_ =	swait.ge [sflag:s6], $0x4000  }
0x17d: {  	[sflag:s6] =	ssyncset.done $0x0  }
0x17e: {  	s17 =	rddreg [dreg:$0x12];
	[sflag:s6] =	ssyncadd.s32 $0xFFFFC000  }
0x17f: {  	[hbm4b:s17+s1] =	stream.linear.scatter [tilespmem:s3], [sflag:$0x2], $0x4000, $0x38;
	[tilespmem:$0x165C0] =	vst v63  }
0x180: {  	_ =	swait.ge [sflag:s10], $0x4000  }
0x181: {  	s22 =	sld [smem:$0x7FD]  }
0x182: {  	[sflag:s10] =	ssyncset.done $0x0  }
0x183: {  	[sflag:s10] =	ssyncadd.s32 $0xFFFFC000  }
0x184: {  	[tilespmem:s8], [sflag:$0x5] =	stream.indirect.gather [spmem:s2], $0x80, s22, s5, $0xb8;
	[tilespmem:$0x165C0] =	vst v63  }
0x185: {  	_ =	swait.ge [sflag:s13], $0x4000  }
0x186: {  	[sflag:s13] =	ssyncset.done $0x0  }
0x187: {  	s26 =	rddreg [dreg:$0x13];
	[sflag:s13] =	ssyncadd.s32 $0xFFFFC000  }
0x188: {  	[hbm4b:s26+s1] =	stream.linear.scatter [tilespmem:s9], [sflag:$0x4], $0x4000, $0x38;
	[tilespmem:$0x165C0] =	vst v63  }
0x189: {  	_ =	swait.ge [sflag:s14], $0x4000  }
0x18a: {  	[sflag:s14] =	ssyncset.done $0x0  }
0x18b: {  	[sflag:s14] =	ssyncadd.s32 $0xFFFFC000  }
0x18c: {  	[tilespmem:s15], [sflag:$0x7] =	stream.indirect.gather [spmem:s2], $0x80, s25, s5, $0xb8;
	[tilespmem:$0x165C0] =	vst v63  }
0x18d: {  	_ =	swait.ge [sflag:s12], $0x4000  }
0x18e: {  	[sflag:s12] =	ssyncset.done $0x0  }
0x18f: {  	s28 =	rddreg [dreg:$0x14];
	[sflag:s12] =	ssyncadd.s32 $0xFFFFC000  }
0x190: {  	[hbm4b:s28+s1] =	stream.linear.scatter [tilespmem:s8], [sflag:$0x6], $0x4000, $0x38;
	[tilespmem:$0x165C0] =	vst v63  }
0x191: {  	_ =	swait.ge [sflag:s7], $0x4000  }
0x192: {  	[sflag:s7] =	ssyncset.done $0x0  }
0x193: {  	[sflag:s7] =	ssyncadd.s32 $0xFFFFC000  }
0x194: {  	[tilespmem:s3], [sflag:$0x1] =	stream.indirect.gather [spmem:s2], $0x80, s24, s5, $0xb8;
	[tilespmem:$0x165C0] =	vst v63  }
0x195: {  	_ =	swait.ge [sflag:s16], $0x4000  }
0x196: {  	[sflag:s16] =	ssyncset.done $0x0  }
0x197: {  	s29 =	rddreg [dreg:$0x15];
	[sflag:s16] =	ssyncadd.s32 $0xFFFFC000  }
0x198: {  	[hbm4b:s29+s1] =	stream.linear.scatter [tilespmem:s15], [sflag:$0x8], $0x4000, $0x38;
	[tilespmem:$0x165C0] =	vst v63  }
0x199: {  	_ =	swait.ge [sflag:s11], $0x4000  }
0x19a: {  	[sflag:s11] =	ssyncset.done $0x0  }
0x19b: {  	[sflag:s11] =	ssyncadd.s32 $0xFFFFC000  }
0x19c: {  	[tilespmem:s9], [sflag:$0x3] =	stream.indirect.gather [spmem:s2], $0x80, s23, s5, $0xb8;
	[tilespmem:$0x165C0] =	vst v63  }
0x19d: {  	_ =	swait.ge [sflag:s6], $0x4000  }
0x19e: {  	[sflag:s6] =	ssyncset.done $0x0  }
0x19f: {  	s17 =	rddreg [dreg:$0x16];
	[sflag:s6] =	ssyncadd.s32 $0xFFFFC000  }
0x1a0: {  	[hbm4b:s17+s1] =	stream.linear.scatter [tilespmem:s3], [sflag:$0x2], $0x4000, $0x38;
	[tilespmem:$0x165C0] =	vst v63  }
0x1a1: {  	_ =	swait.ge [sflag:s10], $0x4000  }
0x1a2: {  	[sflag:s10] =	ssyncset.done $0x0  }
0x1a3: {  	[sflag:s10] =	ssyncadd.s32 $0xFFFFC000  }
0x1a4: {  	[tilespmem:s8], [sflag:$0x5] =	stream.indirect.gather [spmem:s2], $0x80, s21, s5, $0xb8;
	[tilespmem:$0x165C0] =	vst v63  }
0x1a5: {  	_ =	swait.ge [sflag:s13], $0x4000  }
0x1a6: {  	[sflag:s13] =	ssyncset.done $0x0  }
0x1a7: {  	s22 =	rddreg [dreg:$0x17];
	[sflag:s13] =	ssyncadd.s32 $0xFFFFC000  }
0x1a8: {  	[hbm4b:s22+s1] =	stream.linear.scatter [tilespmem:s9], [sflag:$0x4], $0x4000, $0x38;
	[tilespmem:$0x165C0] =	vst v63  }
0x1a9: {  	_ =	swait.ge [sflag:s14], $0x4000  }
0x1aa: {  	[sflag:s14] =	ssyncset.done $0x0  }
0x1ab: {  	[sflag:s14] =	ssyncadd.s32 $0xFFFFC000  }
0x1ac: {  	[tilespmem:s15], [sflag:$0x7] =	stream.indirect.gather [spmem:s2], $0x80, s20, s5, $0xb8;
	[tilespmem:$0x165C0] =	vst v63  }
0x1ad: {  	_ =	swait.ge [sflag:s12], $0x4000  }
0x1ae: {  	[sflag:s12] =	ssyncset.done $0x0  }
0x1af: {  	s23 =	rddreg [dreg:$0x18];
	[sflag:s12] =	ssyncadd.s32 $0xFFFFC000  }
0x1b0: {  	[hbm4b:s23+s1] =	stream.linear.scatter [tilespmem:s8], [sflag:$0x6], $0x4000, $0x38;
	[tilespmem:$0x165C0] =	vst v63  }
0x1b1: {  	_ =	swait.ge [sflag:s7], $0x4000  }
0x1b2: {  	[sflag:s7] =	ssyncset.done $0x0  }
0x1b3: {  	[sflag:s7] =	ssyncadd.s32 $0xFFFFC000  }
0x1b4: {  	[tilespmem:s3], [sflag:$0x1] =	stream.indirect.gather [spmem:s2], $0x80, s19, s5, $0xb8;
	[tilespmem:$0x165C0] =	vst v63  }
0x1b5: {  	_ =	swait.ge [sflag:s16], $0x4000  }
0x1b6: {  	[sflag:s16] =	ssyncset.done $0x0  }
0x1b7: {  	s24 =	rddreg [dreg:$0x19];
	[sflag:s16] =	ssyncadd.s32 $0xFFFFC000  }
0x1b8: {  	[hbm4b:s24+s1] =	stream.linear.scatter [tilespmem:s15], [sflag:$0x8], $0x4000, $0x38;
	[tilespmem:$0x165C0] =	vst v63  }
0x1b9: {  	_ =	swait.ge [sflag:s11], $0x4000  }
0x1ba: {  	[sflag:s11] =	ssyncset.done $0x0  }
0x1bb: {  	[sflag:s11] =	ssyncadd.s32 $0xFFFFC000  }
0x1bc: {  	[tilespmem:s9], [sflag:$0x3] =	stream.indirect.gather [spmem:s2], $0x80, s18, s5, $0xb8;
	[tilespmem:$0x165C0] =	vst v63  }
0x1bd: {  	_ =	swait.ge [sflag:s6], $0x4000  }
0x1be: {  	[sflag:s6] =	ssyncset.done $0x0  }
0x1bf: {  	s25 =	rddreg [dreg:$0xb];
	[sflag:s6] =	ssyncadd.s32 $0xFFFFC000  }
0x1c0: {  	[hbm4b:s25+s1] =	stream.linear.scatter [tilespmem:s3], [sflag:$0x2], $0x4000, $0x38;
	[tilespmem:$0x165C0] =	vst v63  }
0x1c1: {  	_ =	swait.ge [sflag:s10], $0x4000  }
0x1c2: {  	[sflag:s10] =	ssyncset.done $0x0  }
0x1c3: {  	[sflag:s10] =	ssyncadd.s32 $0xFFFFC000  }
0x1c4: {  	[tilespmem:s8], [sflag:$0x5] =	stream.indirect.gather [spmem:s2], $0x80, s31, s5, $0xb8;
	[tilespmem:$0x165C0] =	vst v63  }
0x1c5: {  	_ =	swait.ge [sflag:s13], $0x4000  }
0x1c6: {  	[sflag:s13] =	ssyncset.done $0x0  }
0x1c7: {  	s26 =	rddreg [dreg:$0xc];
	[sflag:s13] =	ssyncadd.s32 $0xFFFFC000  }
0x1c8: {  	[hbm4b:s26+s1] =	stream.linear.scatter [tilespmem:s9], [sflag:$0x4], $0x4000, $0x38;
	[tilespmem:$0x165C0] =	vst v63  }
0x1c9: {  	_ =	swait.ge [sflag:s12], $0x4000  }
0x1ca: {  	[sflag:s12] =	ssyncset.done $0x0  }
0x1cb: {  	s28 =	rddreg [dreg:$0xd];
	[sflag:s12] =	ssyncadd.s32 $0xFFFFC000  }
0x1cc: {  	[hbm4b:s28+s1] =	stream.linear.scatter [tilespmem:s8], [sflag:$0x6], $0x4000, $0x38;
	[tilespmem:$0x165C0] =	vst v63  }
0x1cd: {  	_ =	swait.ge [sflag:s14], $0x4000  }
0x1ce: {  	[sflag:s14] =	ssyncset.done $0x0  }
0x1cf: {  	[sflag:s14] =	ssyncadd.s32 $0xFFFFC000  }
0x1d0: {  	_ =	swait.ge [sflag:s7], $0x4000  }
0x1d1: {  	[sflag:s7] =	ssyncset.done $0x0  }
0x1d2: {  	[sflag:s7] =	ssyncadd.s32 $0xFFFFC000  }
0x1d3: {  	_ =	swait.ge [sflag:s11], $0x4000  }
0x1d4: {  	[sflag:s11] =	ssyncset.done $0x0  }
0x1d5: {  	[sflag:s11] =	ssyncadd.s32 $0xFFFFC000  }
0x1d6: {  	_ =	swait.ge [sflag:s10], $0x4000  }
0x1d7: {  	[sflag:s10] =	ssyncset.done $0x0  }
0x1d8: {  	s29 =	rddreg [dreg:$0x8];
	[sflag:s10] =	ssyncadd.s32 $0xFFFFC000  }
0x1d9: {  	[tilespmem:s3], [sflag:$0x1] =	stream.indirect.gather [hbm4b:s29+s5], $0x80, s4, s5, $0xb8;
	[tilespmem:$0x165C0] =	vst v63  }
0x1da: {  	_ =	swait.ge [sflag:s6], $0x4000  }
0x1db: {  	[sflag:s6] =	ssyncset.done $0x0  }
0x1dc: {  	s31 =	rddreg [dreg:$0xe];
	[sflag:s6] =	ssyncadd.s32 $0xFFFFC000  }
0x1dd: {  	[hbm4b:s31+s1] =	stream.linear.scatter [tilespmem:s3], [sflag:$0x2], $0x4000, $0x38;
	[tilespmem:$0x165C0] =	vst v63  }
0x1de: {  	_ =	swait.ge [sflag:s7], $0x4000  }
0x1df: {  	[sflag:s7] =	ssyncset.done $0x0  }
0x1e0: {  	[sflag:s7] =	ssyncadd.s32 $0xFFFFC000  }
0x1e1: {  	_ =	sfence.sel $0x180000  }
0x1e2: {  	[bflag:$0x0] =	sbarrier.arrive $0xFFFF  }
0x1e3: {  	_ =	strace $0x90000047  }
0x1e4: {  	s0 =	sadd.s32 @!p0 $0x100000, s30;
	[bflag:$0x2] =	sbarrier.arrive $0xFFFF  }
0x1e5: {  	[sflag:s0] =	ssyncadd.tile.s32 @!p0 $0x1;
	_ =	shalt  }
.LBB2_1:
.Ltmp3:
0x1e6: {  	(pc) =	sbr.rel .LBB2_6-.Ltmp3, $2  }
0x1e7: {  	_ =	sdelay $0x2  }
0x1e8: {  	s31 =	simm.s32 $0x64C0  }
.LBB2_3:
.Ltmp4:
0x1e9: {  	(pc) =	sbr.rel .LBB2_6-.Ltmp4, $2  }
0x1ea: {  	_ =	sdelay $0x2  }
0x1eb: {  	s31 =	simm.s32 $0x64C0;
	s30 =	rddreg [dreg:$0x6]  }
.Lfunc_end2:
_tile_overlayer_lowered:
.L_overlay_start_2:
0x1ec: {  	(tag) =	ssettag $0x2  }
0x1ed: {  	s0 =	rddreg [dreg:$0x0];
	s2 =	stileid.u32  }
0x1ee: {  	s1 =	rddreg [dreg:$0x1];
	p0 =	sne.s32 s2, $0x0  }
0x1ef: {  	s3 =	rddreg [dreg:$0x2];
	[bflag:$0x3] =	sbarrier.arrive $0xFFFF;
	s2 =	simm.s32 @!p0 $0x1C09  }
0x1f0: {  	[timem:s3], [sflag:s2] =	dma.local @!p0 [hbm:s0], s1  }
0x1f1: {  	s0 =	simm.s32 @!p0 $0x9  }
0x1f2: {  	_ =	swait.ge @!p0 [sflag:s0], s1  }
0x1f3: {  	s1 =	ssub.s32 @!p0 $0x0, s1;
	[sflag:s0] =	ssyncset.done @!p0 $0x0  }
0x1f4: {  	[sflag:s0] =	ssyncadd.s32 @!p0 s1  }
0x1f5: {  	[bflag:$0x3] =	sbarrier.arrive $0xFFFF  }
0x1f6: {  	_ =	shalt  }

// kernel: kernel.9.cloned.1.call-start
scs
__scs_entry_jumppad:
0x0: {  	(pc) =	sbr.rel $0x88, $3  }
0x1: {  	(tag) =	ssettag $0x0;
	lr =	simm.s32 $0x1  }
0x2: {  	[smem:$0x3F95] =	sst lr;
	_ =	strace $0xD0000000  }
0x3: {  	_ = 	snop  }
0x4: {  	_ = 	snop  }
0x5: {  	_ = 	snop  }
0x6: {  	_ = 	snop  }
0x7: {  	_ = 	snop  }
__scs_overlays_trampoline_lowered:
0x8: {  	[smem:$0x3FA4] =	sst s0  }
0x9: {  	[smem:$0x3FA5] =	sst s1  }
0xa: {  	[smem:$0x3FA6] =	sst s2  }
0xb: {  	[smem:$0x3FA7] =	sst s3  }
0xc: {  	[smem:$0x3FA8] =	sst s4  }
0xd: {  	[smem:$0x3FA9] =	sst s5  }
0xe: {  	[smem:$0x3FAA] =	sst s6  }
0xf: {  	[smem:$0x3FAB] =	sst s7  }
0x10: {  	[smem:$0x3FAC] =	sst s8  }
0x11: {  	[smem:$0x3FAD] =	sst s9;
	s0 =	simm.s32 @!p0 $0x0  }
0x12: {  	s1 =	sld [smem:$0x3F93];
	s0 =	simm.s32 @p0 $0x1  }
0x13: {  	[smem:$0x3FAE] =	sst s0;
	s0 =	simm.s32 @!p1 $0x0  }
0x14: {  	s2 =	sld [smem:$0x3F92];
	s0 =	simm.s32 @p1 $0x1  }
0x15: {  	[smem:$0x3FAF] =	sst s0;
	s0 =	simm.s32 @!p2 $0x0  }
0x16: {  	s3 =	sld [smem:$0x3FDB];
	s0 =	simm.s32 @p2 $0x1  }
0x17: {  	s4 =	simm.s32 $0x1BF5;
	[smem:$0x3FB1] =	sst s0  }
0x18: {  	s0 =	sld [smem:$0x3F94];
	_ =	swait.ge [sflag:s4], $0x0  }
0x19: {  	s7 =	sld [smem:$0x3F95]  }
0x1a: {  	s8 =	sadd.s32 $0xFFFFE003, lr  }
0x1b: {  	s9 =	sadd.s32 $0xFFFFFEF7, lr;
	s5 =	simm.s32 $0xFFFFFFFF;
	p2 =	slt.u32 s8, $0xFFFFF086  }
0x1c: {  	p1 =	slt.u32 s9, $0xF7A;
	s5 =	simm.s32 @!p2 $0x0  }
0x1d: {  	s5 =	simm.s32 @p1 $0x1;
	p0 =	seq.s32 s7, s2  }
0x1e: {  	s7 =	smul.u32 @!p0 $0xF7A, s2;
	p2 =	seq.s32 @!p0 s5, $0x0  }
0x1f: {  	s9 =	smul.u32 $0xF7A, s1;
	s8 =	simm.s32 @!p0 $0x1BF5;
	p2 =	por !p2, p0  }
0x20: {  	[sflag:s8] =	ssyncset.s32 @!p0 $0xFFFFF086;
	s6 =	sadd.s32 @!p0 s3, s7;
	s7 =	simm.s32 @!p0 $0x108  }
0x21: {  	s3 =	sadd.s32 s3, s9;
	s6 =	sadd.s32 @!p0 $0x88, s6;
	s7 =	simm.s32 @p2 $0x1082  }
0x22: {  	[simem:s7], [sflag:s8] =	dma.local @!p0 [hbm:s6], $0xF7A  }
0x23: {  	s9 =	sor.u32 $0xD0000000, s2;
	s6 =	simm.s32 $0x108;
	_ =	swait.ge @!p0 [sflag:s8], $0x0  }
0x24: {  	s3 =	sadd.s32 $0x88, s3;
	s6 =	simm.s32 @!p1 $0x1082;
	[sflag:s4] =	ssyncset.s32 $0xFFFFF086  }
0x25: {  	[simem:s6], [sflag:s4] =	dma.local [hbm:s3], $0xF7A  }
0x26: {  	[smem:$0x3F95] =	sst s1;
	(tag) =	ssettag s2;
	_ =	strace s9  }
0x27: {  	s1 =	sld [smem:$0x3FA5]  }
0x28: {  	s2 =	sld [smem:$0x3FA6]  }
0x29: {  	s4 =	sld [smem:$0x3FA8]  }
0x2a: {  	p0 =	seq.s32 s5, $0x0;
	s5 =	sld [smem:$0x3FA9]  }
0x2b: {  	s6 =	sld [smem:$0x3FAA]  }
0x2c: {  	s7 =	sld [smem:$0x3FAB]  }
0x2d: {  	s3 =	simm.s32 $0x108;
	s8 =	sld [smem:$0x3FAC]  }
0x2e: {  	s3 =	simm.s32 @!p0 $0x1082;
	s9 =	sld [smem:$0x3FAD]  }
0x2f: {  	lr =	sadd.s32 s0, s3;
	s0 =	sld [smem:$0x3FA4]  }
0x30: {  	s3 =	sld [smem:$0x3FA7]  }
0x31: {  	[smem:$0x3FB0] =	sst s10  }
0x32: {  	s10 =	sld [smem:$0x3FAE];
	_ =	sdelay $0x3  }
0x33: {  	p0 =	seq.s32 s10, $0x1;
	s10 =	sld [smem:$0x3FB0];
	_ =	sdelay $0x3  }
0x34: {  	[smem:$0x3FB0] =	sst s10  }
0x35: {  	s10 =	sld [smem:$0x3FAF];
	_ =	sdelay $0x3  }
0x36: {  	p1 =	seq.s32 s10, $0x1;
	s10 =	sld [smem:$0x3FB0];
	_ =	sdelay $0x3  }
0x37: {  	[smem:$0x3FB0] =	sst s10  }
0x38: {  	s10 =	sld [smem:$0x3FB1]  }
0x39: {  	_ = 	snop;
	(pc) =	sbr.ind lr, $3  }
0x3a: {  	_ = 	snop  }
0x3b: {  	_ = 	snop  }
0x3c: {  	p2 =	seq.s32 s10, $0x1;
	s10 =	sld [smem:$0x3FB0]  }
0x3d: {  	_ =	shalt  }
0x3e: {  	_ =	shalt  }
0x3f: {  	_ =	shalt  }
0x40: {  	_ =	shalt  }
0x41: {  	_ =	shalt  }
0x42: {  	_ =	shalt  }
0x43: {  	_ =	shalt  }
0x44: {  	_ =	shalt  }
0x45: {  	_ =	shalt  }
0x46: {  	_ =	shalt  }
0x47: {  	_ =	shalt  }
0x48: {  	_ =	shalt  }
0x49: {  	_ =	shalt  }
0x4a: {  	_ =	shalt  }
0x4b: {  	_ =	shalt  }
0x4c: {  	_ =	shalt  }
0x4d: {  	_ =	shalt  }
0x4e: {  	_ =	shalt  }
0x4f: {  	_ =	shalt  }
0x50: {  	_ =	shalt  }
0x51: {  	_ =	shalt  }
0x52: {  	_ =	shalt  }
0x53: {  	_ =	shalt  }
0x54: {  	_ =	shalt  }
0x55: {  	_ =	shalt  }
0x56: {  	_ =	shalt  }
0x57: {  	_ =	shalt  }
0x58: {  	_ =	shalt  }
0x59: {  	_ =	shalt  }
0x5a: {  	_ =	shalt  }
0x5b: {  	_ =	shalt  }
0x5c: {  	_ =	shalt  }
0x5d: {  	_ =	shalt  }
0x5e: {  	_ =	shalt  }
0x5f: {  	_ =	shalt  }
0x60: {  	_ =	shalt  }
0x61: {  	_ =	shalt  }
0x62: {  	_ =	shalt  }
0x63: {  	_ =	shalt  }
0x64: {  	_ =	shalt  }
0x65: {  	_ =	shalt  }
0x66: {  	_ =	shalt  }
0x67: {  	_ =	shalt  }
0x68: {  	_ =	shalt  }
0x69: {  	_ =	shalt  }
0x6a: {  	_ =	shalt  }
0x6b: {  	_ =	shalt  }
0x6c: {  	_ =	shalt  }
0x6d: {  	_ =	shalt  }
0x6e: {  	_ =	shalt  }
0x6f: {  	_ =	shalt  }
0x70: {  	_ =	shalt  }
0x71: {  	_ =	shalt  }
0x72: {  	_ =	shalt  }
0x73: {  	_ =	shalt  }
0x74: {  	_ =	shalt  }
0x75: {  	_ =	shalt  }
0x76: {  	_ =	shalt  }
0x77: {  	_ =	shalt  }
0x78: {  	_ =	shalt  }
0x79: {  	_ =	shalt  }
0x7a: {  	_ =	shalt  }
0x7b: {  	_ =	shalt  }
0x7c: {  	_ =	shalt  }
0x7d: {  	_ =	shalt  }
0x7e: {  	_ =	shalt  }
0x7f: {  	_ =	shalt  }
0x80: {  	_ =	shalt  }
0x81: {  	_ =	shalt  }
0x82: {  	_ =	shalt  }
0x83: {  	_ =	shalt  }
0x84: {  	_ =	shalt  }
0x85: {  	_ =	shalt  }
0x86: {  	_ =	shalt  }
0x87: {  	_ =	shalt  }
.Lfunc_end0:
.L_simem_size_0:
called_computation.1_lowered:
.L_overlay_start_0:
0x88: {  	s2 =	sld [smem:$0x3FD9]  }
0x89: {  	s3 =	sld [smem:$0x3FFE];
	_ =	sdelay $0x1  }
0x8a: {  	s1 =	srdreg.scid  }
0x8b: {  	s0 =	sand.u32 $0x1, s1  }
0x8c: {  	s15 =	sshll.u32 s0, $0xA;
	s2 =	sadd.s32 s3, s2  }
0x8d: {  	s2 =	sadd.s32 s2, s15  }
0x8e: {  	[smem:$0x3FBC] =	sst s2  }
0x8f: {  	_ = 	snop  }
0x90: {  	s16 =	sld [smem:$0x3FD0];
	_ =	sdelay $0x2  }
0x91: {  	s4 =	simm.s32 $0xB;
	s5 =	simm.s32 $0x10;
	s2 =	sld [smem:$0x3FBF]  }
0x92: {  	[smem:s5], [sflag:s4] =	dma.local [hbm:s16], $0x1  }
0x93: {  	_ =	swait.eq [sflag:s4], $0x1  }
0x94: {  	[sflag:s4] =	ssyncset.done $0x0  }
0x95: {  	[sflag:s4] =	ssyncadd.s32 $0xFFFFFFFF  }
0x96: {  	s17 =	sld [smem:$0x11];
	(tm) =	ssettm $0x1  }
0x97: {  	s18 =	sld [smem:$0x3FFB];
	_ =	sdelay $0x3  }
0x98: {  	_ =	strace s18  }
0x99: {  	s3 =	sld [smem:$0x3FFC];
	_ =	sdelay $0x3  }
0x9a: {  	_ =	strace s3  }
0x9b: {  	s3 =	sld [smem:$0x3FFD];
	_ =	sdelay $0x3  }
0x9c: {  	_ =	strace s3  }
0x9d: {  	_ =	strace $0x8FFFFFFF  }
0x9e: {  	s19 =	sld [smem:$0x3FDB];
	_ =	sdelay $0x1  }
0x9f: {  	s20 =	simm.s32 $_scs_section_size  }
0xa0: {  	s6 =	simm.s32 $_size__tile_overlayer_lowered;
	s7 =	simm.s32 $_tile_overlayer_lowered  }
0xa1: {  	s8 =	simm.s32 $0x1BFF;
	s21 =	sshll.u32 s7, $0x1;
	s5 =	sadd.s32 s20, s19  }
0xa2: {  	s22 =	simm.s32 $0x0;
	s6 =	sshll.u32 s6, $0x1;
	s7 =	sadd.s32 s21, s5  }
0xa3: {  	[timem:s22], [sflag:s8] =	dma.local [hbm:s7], s6  }
0xa4: {  	_ =	swait.ge [sflag:s8], s6  }
0xa5: {  	s6 =	ssub.s32 $0x0, s6;
	[sflag:s8] =	ssyncset.done $0x0  }
0xa6: {  	[sflag:s8] =	ssyncadd.s32 s6;
	_ =	sdelay $0x1  }
0xa7: {  	s23 =	simm.s32 $0x1B8B  }
0xa8: {  	_ =	swait.ge [sflag:s23], $0x1  }
0xa9: {  	[sflag:s23] =	ssyncset.done $0x0  }
0xaa: {  	[sflag:s23] =	ssyncadd.s32 $0xFFFFFFFF  }
0xab: {  	s6 =	sld [smem:$0x0]  }
0xac: {  	s7 =	sand.u32 $0xFFFFFFFE, s1  }
0xad: {  	p0 =	sne.s32 s1, s7  }
0xae: {  	s7 =	sshll.u32 @p0 s7, $0xE  }
0xaf: {  	s7 =	sadd.s32 @p0 $0x11B8D, s7;
	s8 =	sshll.u32 @p0 s6, $0x11  }
0xb0: {  	s7 =	sor.u32 @p0 s8, s7  }
0xb1: {  	[sflag:s7] =	ssyncadd.remote.s32 @p0 $0x1;
	_ =	sdelay $0x1  }
0xb2: {  	s7 =	simm.s32 @p0 $0x1B8D  }
0xb3: {  	_ =	swait.eq @p0 [sflag:s7], $0x1  }
0xb4: {  	[sflag:s7] =	ssyncadd.s32 @p0 $0xFFFFFFFF  }
0xb5: {  	s8 =	sshll.u32 @!p0 s1, $0xE  }
0xb6: {  	s8 =	sor.u32 @!p0 $0x4000, s8;
	s7 =	simm.s32 @!p0 $0x1B8D  }
0xb7: {  	s6 =	sshll.u32 @!p0 s6, $0x11;
	s8 =	sadd.s32 @!p0 $0x11B8D, s8;
	_ =	swait.eq @!p0 [sflag:s7], $0x1  }
0xb8: {  	s6 =	sor.u32 @!p0 s6, s8;
	[sflag:s7] =	ssyncadd.s32 @!p0 $0xFFFFFFFF  }
0xb9: {  	s25 =	simm.s32 $0x1B8E;
	s24 =	sld [smem:$0x3FFE];
	[sflag:s6] =	ssyncadd.remote.s32 @!p0 $0x1  }
0xba: {  	s26 =	simm.s32 $execute0_lowered;
	[smem:$0x3FD2] =	sst s25  }
0xbb: {  	s7 =	sshll.u32 s26, $0x1;
	_ =	strace $0x80000049;
	[dreg:$0x1] =	wrdreg $0xFFFFFFFF  }
0xbc: {  	s28 =	simm.s32 $_size_execute0_lowered;
	s5 =	sadd.s32 s5, s7;
	[dreg:$0x0] =	wrdreg $0x0  }
0xbd: {  	s7 =	sshll.u32 s28, $0x1;
	[dreg:$0x2] =	wrdreg s5  }
0xbe: {  	[dreg:$0x3] =	wrdreg s7  }
0xbf: {  	[dreg:$0x4] =	wrdreg $0xC0  }
0xc0: {  	_ =	task [dreg:s22], $0x5FFFF  }
0xc1: {  	[dreg:$0x1] =	wrdreg $0xFFFFFFFF  }
0xc2: {  	[dreg:$0x0] =	wrdreg $0x60  }
0xc3: {  	[dreg:$0x2] =	wrdreg s24  }
0xc4: {  	[dreg:$0x3] =	wrdreg s2  }
0xc5: {  	[dreg:$0x4] =	wrdreg s17  }
0xc6: {  	[dreg:$0x5] =	wrdreg $0x0  }
0xc7: {  	[dreg:$0x6] =	wrdreg $0xA  }
0xc8: {  	_ =	task.clear_ibuf [dreg:s22], $0x7FFFF;
	_ =	strace $0x90000049  }
0xc9: {  	s29 =	simm.s32 $0xA;
	_ =	strace $0x8000004B  }
0xca: {  	_ =	swait.ge [sflag:s29], $0x1  }
0xcb: {  	[sflag:s29] =	ssyncadd.s32 $0xFFFFFFFF  }
0xcc: {  	_ =	strace $0x9000004B  }
0xcd: {  	_ =	sfence  }
0xce: {  	s30 =	sld [smem:$0x0];
	_ =	sdelay $0x2  }
0xcf: {  	s31 =	sshll.u32 s1, $0xD;
	s1 =	sshrl.u32 s1, $0x2  }
0xd0: {  	s4 =	sand.u32 $0x4000, s31;
	s1 =	sadd.s32 s1, s30  }
0xd1: {  	s0 =	sor.u32 s4, s0;
	s1 =	sshll.u32 s1, $0x11  }
0xd2: {  	s0 =	sor.u32 s1, s0  }
0xd3: {  	s0 =	sadd.s32 $0x8F2B, s0  }
0xd4: {  	[sflag:s0] =	ssyncadd.remote.s32 $0x1  }
0xd5: {  	_ =	sfence.sel $0xFFFF  }
0xd6: {  	[dreg:$0x0] =	wrdreg $0xFFFFFFFF;
	(pc) =	sbr.abs _section_cstart, $3  }
0xd7: {  	[dreg:$0x1] =	wrdreg $0xFFFFFFFF  }
0xd8: {  	_ =	task.clear_ibuf [dreg:s22], $0x2FFFF;
	_ =	strace $0x9FFFFFFF  }
0xd9: {  	(tm) =	ssettm $0x7FFFFFFF  }
tec
execute0_lowered:
.L_overlay_start_1:
0x0: {  	(tag) =	ssettag $0x1  }
0x1: {  	s6 =	rddreg [dreg:$0x0];
	s1 =	srdreg.scid  }
0x2: {  	s0 =	stileid.u32;
	s2 =	rddreg [dreg:$0x2]  }
0x3: {  	s3 =	rddreg [dreg:$0x3];
	s28 =	simm.s32 $0x11600;
	s29 =	simm.s32 $0x3  }
0x4: {  	s30 =	simm.s32 $0x15600;
	s31 =	simm.s32 $0x5;
	s1 =	sand.u32 $0x1, s1  }
0x5: {  	s4 =	sshll.u32 s0, $0x1;
	s5 =	sadd.s32 $0x18000, s6;
	s20 =	smul.u32 $0x64, s0  }
0x6: {  	p0 =	sne.s32 s0, $0x0;
	s7 =	sor.u32 s1, s4;
	s4 =	simm.s32 $0x0  }
0x7: {  	s11 =	ssub.s32 $0x2, s1;
	s8 =	smul.u32 $0x32, s7;
	[smem:$0x7FF] =	sst s4  }
0x8: {  	s10 =	smul.u32 $0x320, s7;
	s13 =	sshrl.u32 s11, $0x1;
	s22 =	sshll.u32 s7, $0xF  }
0x9: {  	s14 =	smul.u32 $0x32000, s7;
	_ =	strace $0x8000004A;
	s9 =	sadd.s32 $0x30, s8  }
0xa: {  	s6 =	sadd.s32 s10, s6;
	s10 =	ssub.s32 s11, s13;
	s13 =	smul.u32 $0x19, s7  }
0xb: {  	s8 =	sadd.s32 $0x31, s8;
	s11 =	sand.u32 $0x18000, s22;
	s7 =	smul.u32 $0x12000, s7  }
0xc: {  	s17 =	sand.u32 $0x7E0000, s14;
	s22 =	smul.u32 $0x32, s1;
	s12 =	sshrl.u32 s9, $0x5  }
0xd: {  	s9 =	sshrl.u32 s9, $0x3;
	s23 =	sshrl.u32 s8, $0x5;
	s25 =	sshrl.u32 s8, $0x3  }
0xe: {  	s6 =	sadd.s32 $0x11C00, s6;
	s8 =	sshll.u32 s8, $0xE;
	s12 =	smul.u32 $0x5, s12  }
0xf: {  	s9 =	sand.u32 $0x3, s9;
	s24 =	smul.u32 $0x5, s23;
	[dreg:$0x5] =	wrdreg s6  }
0x10: {  	s8 =	sand.u32 $0x1C000, s8;
	s16 =	sadd.s32 $0x18, s13;
	s7 =	sand.u32 $0x1E000, s7  }
0x11: {  	s23 =	sshrl.u32 s14, $0x3;
	s13 =	smul.u32 $0xC8000, s1;
	s14 =	smax.u32 s10, $0x1  }
0x12: {  	s7 =	sor.u32 s7, s17;
	s21 =	sshll.u32 s16, $0x6;
	s9 =	sadd.s32 s9, s12  }
0x13: {  	[dreg:$0xb] =	wrdreg s14;
	s17 =	smul.u32 $0xC80, s0;
	s9 =	sshll.u32 s9, $0x11  }
0x14: {  	s12 =	sand.u32 $0x3, s25;
	s19 =	sshrl.u32 s7, $0x3;
	s9 =	sor.u32 s11, s9  }
0x15: {  	s25 =	smul.u32 $0x32, s0;
	s26 =	sadd.s32 $0x20000, s9;
	s9 =	sadd.s32 s12, s24  }
0x16: {  	s7 =	sadd.s32 s22, s20;
	s22 =	simm.s32 $0x80;
	s9 =	sshll.u32 s9, $0x11  }
0x17: {  	s11 =	sshrl.u32 s16, $0x4;
	s6 =	sshrl.u32 s26, $0x3;
	s8 =	sor.u32 s8, s9  }
0x18: {  	s18 =	smul.u32 $0x1400, s11;
	s6 =	sadd.s32 s2, s6;
	s15 =	sadd.s32 $0x20000, s8  }
0x19: {  	s24 =	smul.u32 $0x190000, s0;
	[dreg:$0x6] =	wrdreg s6;
	s6 =	sshrl.u32 s15, $0x3  }
0x1a: {  	s11 =	sadd.s32 s5, s23;
	s23 =	simm.s32 $0xD600;
	s6 =	sadd.s32 s2, s6  }
0x1b: {  	s26 =	smul.u32 $0x19, s1;
	[dreg:$0x7] =	wrdreg s6;
	s6 =	sadd.s32 s5, s19  }
0x1c: {  	s1 =	smul.u32 $0x640, s1;
	[dreg:$0x8] =	wrdreg s6;
	s6 =	sand.u32 $0x3C0, s21  }
0x1d: {  	s0 =	simm.s32 $0x7;
	s11 =	sadd.s32 $0x400, s11;
	s6 =	sor.u32 s6, s18  }
0x1e: {  	[dreg:$0x9] =	wrdreg s11;
	s1 =	sadd.s32 s1, s17;
	s6 =	sshll.u32 s6, $0x4  }
0x1f: {  	s15 =	sadd.s32 s26, s25;
	[dreg:$0x11] =	wrdreg s1;
	s6 =	sadd.s32 s2, s6  }
0x20: {  	s26 =	simm.s32 $0x1;
	[dreg:$0xa] =	wrdreg s6;
	s6 =	sadd.s32 $0x3, s7  }
0x21: {  	s16 =	sshll.u32 s15, $0xA;
	s7 =	sadd.s32 s13, s24;
	[dreg:$0xc] =	wrdreg s6  }
0x22: {  	[dreg:$0xd] =	wrdreg s7;
	s7 =	sadd.s32 s16, s5;
	s6 =	sadd.s32 $0x3, s15  }
.Ltmp0:
0x23: {  	s18 =	sadd.s32 $0x1400, s7;
	[dreg:$0xe] =	wrdreg s6;
	(pc) =	sbr.rel .LBB2_1-.Ltmp0, $4  }
0x24: {  	s1 =	simm.s32 $0x2;
	s20 =	sadd.s32 $0x1000, s7;
	[dreg:$0xf] =	wrdreg s18  }
0x25: {  	s6 =	sshll.u32 s6, $0xA;
	s25 =	sadd.s32 $0x800, s7;
	[dreg:$0x10] =	wrdreg s20  }
0x26: {  	s19 =	simm.s32 $0x9600;
	s21 =	sadd.s32 s6, s5;
	[dreg:$0x13] =	wrdreg s25  }
0x27: {  	s24 =	simm.s32 $0x4;
	s6 =	simm.s32 $0x0;
	[dreg:$0x12] =	wrdreg s21  }
.LBB2_6:
0x28: {  	_ =	swait.ge [sflag:s26], $0x2000  }
0x29: {  	[sflag:s26] =	ssyncset.done $0x0  }
0x2a: {  	s5 =	rddreg [dreg:$0xa];
	[sflag:s26] =	ssyncadd.s32 $0xFFFFE000  }
0x2b: {  	[hbm4b:s5+s4] =	stream.linear.scatter [tilespmem:s19], [sflag:$0x2], $0x2000, $0x38;
	[tilespmem:$0x19600] =	vst v63  }
0x2c: {  	_ =	swait.ge [sflag:s24], $0x2000  }
0x2d: {  	[sflag:s24] =	ssyncset.done $0x0  }
0x2e: {  	[sflag:s24] =	ssyncadd.s32 $0xFFFFE000  }
0x2f: {  	_ =	swait.ge [sflag:s14], $0x2000  }
0x30: {  	[sflag:s14] =	ssyncset.done $0x0  }
0x31: {  	[sflag:s14] =	ssyncadd.s32 $0xFFFFE000  }
0x32: {  	_ =	swait.ge [sflag:s15], $0x2000  }
0x33: {  	[sflag:s15] =	ssyncset.done $0x0  }
0x34: {  	[sflag:s15] =	ssyncadd.s32 $0xFFFFE000  }
0x35: {  	_ =	swait.ge [sflag:s1], $0x2000  }
0x36: {  	s6 =	rddreg [dreg:$0x14]  }
0x37: {  	s25 =	rddreg [dreg:$0xb];
	s6 =	sadd.s32 $0x1, s6  }
0x38: {  	p1 =	sne.s32 s6, s25  }
.Ltmp1:
0x39: {  	_ = 	snop;
	(pc) =	sbr.rel @!p1 .LBB2_7-.Ltmp1, $3  }
0x3a: {  	_ =	sdelay $0x1  }
0x3b: {  	[sflag:s1] =	ssyncset.done $0x0  }
0x3c: {  	[sflag:s1] =	ssyncadd.s32 $0xFFFFE000  }
.LBB2_1:
0x3d: {  	[dreg:$0x14] =	wrdreg s6  }
0x3e: {  	s5 =	sshrl.u32 @!p0 s3, $0x3;
	s6 =	simm.s32 @!p0 $0x1C09;
	s7 =	rddreg [dreg:$0x1]  }
0x3f: {  	[spmem:s5], [sflag:s6] =	dma.local @!p0 [hbm:s7], $0xFA00  }
0x40: {  	s5 =	simm.s32 @!p0 $0x9  }
0x41: {  	_ =	swait.ge @!p0 [sflag:s5], $0xFA00  }
0x42: {  	s8 =	simm.s32 $0x7D00;
	[sflag:s5] =	ssyncset.done @!p0 $0x0  }
0x43: {  	s9 =	simm.s32 $0x9;
	s7 =	rddreg [dreg:$0x5];
	[sflag:s5] =	ssyncadd.s32 @!p0 $0xFFFF0600  }
0x44: {  	[tilespmem:s8], [sflag:$0x9] =	stream.linear.gather [hbm4b:s7+s4], $0x1900, $0x38;
	[tilespmem:$0x19600] =	vst v63  }
0x45: {  	_ =	swait.ge [sflag:s9], $0x1900  }
0x46: {  	[sflag:s9] =	ssyncset.done $0x0  }
0x47: {  	[sflag:s9] =	ssyncadd.s32 $0xFFFFE700  }
0x48: {  	[bflag:$0x0] =	sbarrier.arrive $0xFFFF  }
0x49: {  	[tilespmem:s19], [sflag:$0x1] =	stream.indirect.gather [spmem:s3], $0x80, s8, s22, $0xb8;
	[tilespmem:$0x19600] =	vst v63  }
0x4a: {  	s10 =	simm.s32 $0x7D80;
	s13 =	rddreg [dreg:$0xc]  }
0x4b: {  	p1 =	por $0x1, $0x1;
	s11 =	sadd.s32 $0xFFFFFFFD, s13;
	s12 =	sadd.s32 $0xFFFFFFFF, s13  }
0x4c: {  	[tilespmem:s23], [sflag:$0x3] =	stream.indirect.gather [spmem:s3], $0x80, s10, s22, $0xb8;
	[tilespmem:$0x19600] =	vst v63  }
0x4d: {  	s14 =	sshrl.u32 s13, $0x3;
	s20 =	sadd.s32 $0xFFFFFFFE, s13;
	s8 =	sshrl.u32 s11, $0x5  }
0x4e: {  	s9 =	sshrl.u32 s12, $0x5;
	s5 =	sshrl.u32 s11, $0x3;
	s6 =	sshrl.u32 s12, $0x3  }
0x4f: {  	s10 =	sshrl.u32 s13, $0x5;
	s7 =	sand.u32 $0x3, s14;
	s9 =	smul.u32 $0x5, s9  }
0x50: {  	s14 =	rddreg [dreg:$0xd];
	s25 =	sshrl.u32 s20, $0x5;
	s8 =	smul.u32 $0x5, s8  }
0x51: {  	s6 =	sand.u32 $0x3, s6;
	s5 =	sand.u32 $0x3, s5;
	s15 =	smul.u32 $0x5, s10  }
0x52: {  	s17 =	sadd.s32 $0x8000, s14;
	s18 =	sadd.s32 $0xC000, s14;
	s11 =	sadd.s32 $0x4000, s14  }
0x53: {  	s12 =	sand.u32 $0x18000, s14;
	s10 =	sshrl.u32 s20, $0x3;
	_ =	swait.ge [sflag:s26], $0x4000  }
0x54: {  	s14 =	sadd.s32 $0x10000, s14;
	s10 =	sand.u32 $0x3, s10;
	[sflag:s26] =	ssyncset.done $0x0  }
0x55: {  	s6 =	sadd.s32 s6, s9;
	s8 =	sadd.s32 s5, s8;
	s7 =	sadd.s32 s7, s15  }
0x56: {  	s9 =	sand.u32 $0x1C000, s18;
	[sflag:s26] =	ssyncadd.s32 $0xFFFFC000;
	s16 =	sshll.u32 s6, $0x11  }
0x57: {  	s6 =	sand.u32 $0x18000, s17;
	s7 =	sshll.u32 s7, $0x11;
	s18 =	sshll.u32 s8, $0x11  }
0x58: {  	s8 =	sadd.s32 $0x4, s13;
	s5 =	sor.u32 s6, s16;
	s21 =	sor.u32 s9, s7  }
0x59: {  	s13 =	sadd.s32 $0xFFFFFFFD, s8;
	s15 =	sshrl.u32 s8, $0x3;
	s16 =	sand.u32 $0x1C000, s11  }
0x5a: {  	s17 =	sadd.s32 $0xFFFFFFFF, s8;
	s7 =	smul.u32 $0x5, s25;
	s5 =	sadd.s32 $0x20000, s5  }
0x5b: {  	s9 =	sadd.s32 $0x20000, s21;
	s20 =	sshrl.u32 s13, $0x5;
	s13 =	sshrl.u32 s13, $0x3  }
0x5c: {  	s21 =	sshrl.u32 s17, $0x5;
	s15 =	sand.u32 $0x3, s15;
	s17 =	sshrl.u32 s17, $0x3  }
0x5d: {  	s6 =	sshrl.u32 s5, $0x3;
	s5 =	sshrl.u32 s9, $0x3;
	s11 =	smul.u32 $0x5, s20  }
0x5e: {  	s9 =	sor.u32 s12, s18;
	s12 =	smul.u32 $0x5, s21;
	s13 =	sand.u32 $0x3, s13  }
0x5f: {  	s17 =	sand.u32 $0x3, s17;
	s7 =	sadd.s32 s10, s7;
	s18 =	sadd.s32 $0x8000, s14  }
0x60: {  	s21 =	sshrl.u32 s8, $0x5;
	s9 =	sadd.s32 $0x20000, s9;
	s7 =	sshll.u32 s7, $0x11  }
0x61: {  	s20 =	sand.u32 $0x18000, s18;
	s18 =	simm.s32 $0x7E80;
	s9 =	sshrl.u32 s9, $0x3  }
0x62: {  	s12 =	sadd.s32 s17, s12;
	s17 =	simm.s32 @!p1 $0x6;
	s9 =	sadd.s32 s2, s9  }
0x63: {  	[hbm4b:s9+s4] =	stream.linear.scatter [tilespmem:s19], [sflag:$0x2], $0x4000, $0x38;
	[tilespmem:$0x19600] =	vst v63  }
0x64: {  	s6 =	sadd.s32 s2, s6;
	s13 =	sadd.s32 s13, s11;
	_ =	swait.ge @!p1 [sflag:s17], $0x4000  }
0x65: {  	s11 =	sadd.s32 $0xFFFFFFFE, s8;
	s7 =	sor.u32 s16, s7;
	[sflag:s17] =	ssyncset.done @!p1 $0x0  }
0x66: {  	s25 =	sshll.u32 s12, $0x11;
	s12 =	simm.s32 $0x7E00;
	[sflag:s17] =	ssyncadd.s32 @!p1 $0xFFFFC000  }
0x67: {  	[tilespmem:s28], [sflag:$0x5] =	stream.indirect.gather [spmem:s3], $0x80, s12, s22, $0xb8;
	[tilespmem:$0x19600] =	vst v63  }
0x68: {  	s16 =	smul.u32 $0x5, s21;
	s7 =	sadd.s32 $0x20000, s7;
	_ =	swait.ge [sflag:s29], $0x4000  }
0x69: {  	s21 =	sadd.s32 $0xC000, s14;
	s7 =	sshrl.u32 s7, $0x3;
	[sflag:s29] =	ssyncset.done $0x0  }
0x6a: {  	s7 =	sadd.s32 s2, s7;
	s12 =	simm.s32 @!p1 $0x8;
	[sflag:s29] =	ssyncadd.s32 $0xFFFFC000  }
0x6b: {  	[hbm4b:s7+s4] =	stream.linear.scatter [tilespmem:s23], [sflag:$0x4], $0x4000, $0x38;
	[tilespmem:$0x19600] =	vst v63  }
0x6c: {  	s25 =	sor.u32 s20, s25;
	s20 =	simm.s32 $0x1000;
	_ =	swait.ge @!p1 [sflag:s12], $0x4000  }
0x6d: {  	s9 =	sadd.s32 s15, s16;
	s15 =	sadd.s32 $0x4000, s14;
	[sflag:s12] =	ssyncset.done @!p1 $0x0  }
0x6e: {  	s16 =	sand.u32 $0x18000, s14;
	s14 =	sadd.s32 $0x10000, s14;
	[sflag:s12] =	ssyncadd.s32 @!p1 $0xFFFFC000  }
0x6f: {  	[tilespmem:s30], [sflag:$0x7] =	stream.indirect.gather [spmem:s3], $0x80, s18, s22, $0xb8;
	[tilespmem:$0x19600] =	vst v63  }
0x70: {  	s9 =	sshll.u32 s9, $0x11;
	s17 =	sshrl.u32 s11, $0x5;
	_ =	swait.ge [sflag:s31], $0x4000  }
0x71: {  	s23 =	sand.u32 $0x1C000, s21;
	s7 =	sadd.s32 $0x20000, s25;
	[sflag:s31] =	ssyncset.done $0x0  }
0x72: {  	s25 =	simm.s32 $0x7F00;
	s9 =	sor.u32 s23, s9;
	[sflag:s31] =	ssyncadd.s32 $0xFFFFC000  }
0x73: {  	[hbm4b:s6+s4] =	stream.linear.scatter [tilespmem:s28], [sflag:$0x6], $0x4000, $0x38;
	[tilespmem:$0x19600] =	vst v63  }
0x74: {  	s10 =	sshrl.u32 s7, $0x3;
	s7 =	sshll.u32 s13, $0x11;
	_ =	swait.ge [sflag:s1], $0x4000  }
0x75: {  	s13 =	sadd.s32 s2, s5;
	s9 =	sadd.s32 $0x20000, s9;
	[sflag:s1] =	ssyncset.done $0x0  }
0x76: {  	s12 =	simm.s32 $0x7F80;
	p1 =	por $0x0, $0x0;
	[sflag:s1] =	ssyncadd.s32 $0xFFFFC000  }
0x77: {  	[tilespmem:s19], [sflag:$0x1] =	stream.indirect.gather [spmem:s3], $0x80, s25, s22, $0xb8;
	[tilespmem:$0x19600] =	vst v63  }
0x78: {  	s6 =	sshrl.u32 s9, $0x3;
	s9 =	simm.s32 $0x200;
	_ =	swait.ge [sflag:s0], $0x4000  }
.LBB2_2:
0x79: {  	s18 =	sshrl.u32 s11, $0x3  }
0x7a: {  	s8 =	sadd.s32 $0x4, s8;
	[sflag:s0] =	ssyncset.done $0x0;
	s21 =	smov.u32 s20  }
0x7b: {  	s5 =	smov.u32 s6;
	s15 =	sand.u32 $0x1C000, s15;
	s7 =	sor.u32 s16, s7  }
0x7c: {  	s6 =	sadd.s32 $0xFFFFFFFD, s8;
	s11 =	sshrl.u32 s8, $0x3;
	s7 =	sadd.s32 $0x20000, s7  }
0x7d: {  	s19 =	sshrl.u32 s6, $0x5;
	s23 =	sshrl.u32 s6, $0x3;
	s6 =	sand.u32 $0x3, s11  }
0x7e: {  	s11 =	smul.u32 $0x5, s19;
	s19 =	sand.u32 $0x3, s23;
	s23 =	sadd.s32 $0xFFFFFFFF, s8  }
0x7f: {  	s25 =	sshrl.u32 s23, $0x5;
	s23 =	sshrl.u32 s23, $0x3;
	[sflag:s0] =	ssyncadd.s32 $0xFFFFC000  }
0x80: {  	s7 =	sshrl.u32 s7, $0x3;
	s25 =	smul.u32 $0x5, s25;
	s23 =	sand.u32 $0x3, s23  }
0x81: {  	[hbm4b:s13+s4] =	stream.linear.scatter [tilespmem:s30], [sflag:$0x8], $0x4000, $0x38;
	[tilespmem:$0x19600] =	vst v63  }
0x82: {  	s16 =	sadd.s32 s23, s25;
	s23 =	simm.s32 $0xD600;
	_ =	swait.ge [sflag:s24], $0x4000  }
0x83: {  	s13 =	sadd.s32 s19, s11;
	s19 =	simm.s32 $0x9600;
	[sflag:s24] =	ssyncset.done $0x0  }
0x84: {  	s17 =	smul.u32 $0x5, s17;
	s11 =	sadd.s32 $0xFFFFFFFE, s8;
	[sflag:s24] =	ssyncadd.s32 $0xFFFFC000  }
0x85: {  	[tilespmem:s23], [sflag:$0x3] =	stream.indirect.gather [spmem:s3], $0x80, s12, s22, $0xb8;
	[tilespmem:$0x19600] =	vst v63  }
0x86: {  	s18 =	sand.u32 $0x3, s18;
	s12 =	simm.s32 @!p1 $0x6;
	_ =	swait.ge [sflag:s26], $0x4000  }
0x87: {  	s17 =	sadd.s32 s18, s17;
	s7 =	sadd.s32 s2, s7;
	[sflag:s26] =	ssyncset.done $0x0  }
0x88: {  	s17 =	sshll.u32 s17, $0x11;
	s16 =	sshll.u32 s16, $0x11;
	[sflag:s26] =	ssyncadd.s32 $0xFFFFC000  }
0x89: {  	[hbm4b:s7+s4] =	stream.linear.scatter [tilespmem:s19], [sflag:$0x2], $0x4000, $0x38;
	[tilespmem:$0x19600] =	vst v63  }
0x8a: {  	s15 =	sor.u32 s15, s17;
	s7 =	sadd.s32 $0x7E00, s9;
	_ =	swait.ge @!p1 [sflag:s12], $0x4000  }
0x8b: {  	s17 =	sadd.s32 $0x8000, s14;
	s15 =	sadd.s32 $0x20000, s15;
	[sflag:s12] =	ssyncset.done @!p1 $0x0  }
0x8c: {  	s18 =	sand.u32 $0x18000, s17;
	[sflag:s12] =	ssyncadd.s32 @!p1 $0xFFFFC000;
	s12 =	sshrl.u32 s15, $0x3  }
0x8d: {  	[tilespmem:s28], [sflag:$0x5] =	stream.indirect.gather [spmem:s3], $0x80, s7, s22, $0xb8;
	[tilespmem:$0x19600] =	vst v63  }
0x8e: {  	s7 =	sadd.s32 s2, s12;
	s12 =	simm.s32 @!p1 $0x8;
	_ =	swait.ge [sflag:s29], $0x4000  }
0x8f: {  	s17 =	sshrl.u32 s11, $0x5;
	s15 =	sor.u32 s18, s16;
	[sflag:s29] =	ssyncset.done $0x0  }
0x90: {  	s20 =	sadd.s32 $0x800, s20;
	s16 =	sshrl.u32 s8, $0x5;
	[sflag:s29] =	ssyncadd.s32 $0xFFFFC000  }
0x91: {  	p2 =	sne.s32 s20, $0x6000;
	s15 =	sadd.s32 $0x20000, s15;
	s16 =	smul.u32 $0x5, s16  }
0x92: {  	s18 =	sadd.s32 $0x7E80, s9;
	s15 =	sshrl.u32 s15, $0x3  }
0x93: {  	[hbm4b:s7+s4] =	stream.linear.scatter [tilespmem:s23], [sflag:$0x4], $0x4000, $0x38;
	[tilespmem:$0x19600] =	vst v63  }
0x94: {  	s6 =	sadd.s32 s6, s16;
	s7 =	sadd.s32 $0xC000, s14;
	_ =	swait.ge @!p1 [sflag:s12], $0x4000  }
0x95: {  	s6 =	sshll.u32 s6, $0x11;
	s7 =	sand.u32 $0x1C000, s7;
	[sflag:s12] =	ssyncset.done @!p1 $0x0  }
0x96: {  	s6 =	sor.u32 s7, s6;
	s7 =	sadd.s32 s2, s10;
	[sflag:s12] =	ssyncadd.s32 @!p1 $0xFFFFC000  }
0x97: {  	[tilespmem:s30], [sflag:$0x7] =	stream.indirect.gather [spmem:s3], $0x80, s18, s22, $0xb8;
	[tilespmem:$0x19600] =	vst v63  }
0x98: {  	s10 =	smov.u32 s15;
	s6 =	sadd.s32 $0x20000, s6;
	_ =	swait.ge [sflag:s31], $0x4000  }
0x99: {  	s6 =	sshrl.u32 s6, $0x3;
	[sflag:s31] =	ssyncset.done $0x0  }
0x9a: {  	s16 =	sadd.s32 $0x7F00, s9;
	s12 =	sadd.s32 $0x7F80, s9;
	[sflag:s31] =	ssyncadd.s32 $0xFFFFC000  }
0x9b: {  	[hbm4b:s7+s4] =	stream.linear.scatter [tilespmem:s28], [sflag:$0x6], $0x4000, $0x38;
	[tilespmem:$0x19600] =	vst v63  }
.Ltmp2:
0x9c: {  	s9 =	sshra.s32 s21, $0x2;
	_ =	swait.ge [sflag:s1], $0x4000;
	(pc) =	sbr.rel @p2 .LBB2_2-.Ltmp2, $4  }
0x9d: {  	s7 =	sshll.u32 s13, $0x11;
	s13 =	sadd.s32 s2, s5;
	[sflag:s1] =	ssyncset.done $0x0  }
0x9e: {  	s15 =	sadd.s32 $0x4000, s14;
	p1 =	seq.s32 s21, $0x0;
	[sflag:s1] =	ssyncadd.s32 $0xFFFFC000  }
0x9f: {  	[tilespmem:s19], [sflag:$0x1] =	stream.indirect.gather [spmem:s3], $0x80, s16, s22, $0xb8;
	[tilespmem:$0x19600] =	vst v63  }
0xa0: {  	s16 =	sand.u32 $0x18000, s14;
	s14 =	sadd.s32 $0x10000, s14;
	_ =	swait.ge [sflag:s0], $0x4000  }
0xa1: {  	[sflag:s0] =	ssyncset.done $0x0  }
0xa2: {  	[sflag:s0] =	ssyncadd.s32 $0xFFFFC000  }
0xa3: {  	[hbm4b:s13+s4] =	stream.linear.scatter [tilespmem:s30], [sflag:$0x8], $0x4000, $0x38;
	[tilespmem:$0x19600] =	vst v63  }
0xa4: {  	_ =	swait.ge [sflag:s24], $0x4000  }
0xa5: {  	[sflag:s24] =	ssyncset.done $0x0  }
0xa6: {  	s5 =	sor.u32 s16, s7;
	[sflag:s24] =	ssyncadd.s32 $0xFFFFC000  }
0xa7: {  	[tilespmem:s23], [sflag:$0x3] =	stream.indirect.gather [spmem:s3], $0x80, s12, s22, $0xb8;
	[tilespmem:$0x19600] =	vst v63  }
0xa8: {  	s5 =	sadd.s32 $0x20000, s5;
	_ =	swait.ge [sflag:s26], $0x4000  }
0xa9: {  	s21 =	sshrl.u32 s11, $0x3;
	s5 =	sshrl.u32 s5, $0x3;
	[sflag:s26] =	ssyncset.done $0x0  }
0xaa: {  	s8 =	smul.u32 $0x5, s17;
	s5 =	sadd.s32 s2, s5;
	[sflag:s26] =	ssyncadd.s32 $0xFFFFC000  }
0xab: {  	[hbm4b:s5+s4] =	stream.linear.scatter [tilespmem:s19], [sflag:$0x2], $0x4000, $0x38;
	[tilespmem:$0x19600] =	vst v63  }
0xac: {  	s7 =	sand.u32 $0x3, s21;
	s5 =	simm.s32 @!p1 $0x6  }
0xad: {  	s7 =	sadd.s32 s7, s8;
	_ =	swait.ge @!p1 [sflag:s5], $0x4000  }
0xae: {  	s25 =	sand.u32 $0x1C000, s15;
	s7 =	sshll.u32 s7, $0x11;
	[sflag:s5] =	ssyncset.done @!p1 $0x0  }
0xaf: {  	s11 =	sadd.s32 $0x7E00, s9;
	s7 =	sor.u32 s25, s7;
	[sflag:s5] =	ssyncadd.s32 @!p1 $0xFFFFC000  }
0xb0: {  	[tilespmem:s28], [sflag:$0x5] =	stream.indirect.gather [spmem:s3], $0x80, s11, s22, $0xb8;
	[tilespmem:$0x19600] =	vst v63  }
0xb1: {  	s12 =	sadd.s32 $0x20000, s7;
	_ =	swait.ge [sflag:s29], $0x4000  }
0xb2: {  	s5 =	sshrl.u32 s12, $0x3;
	[sflag:s29] =	ssyncset.done $0x0  }
0xb3: {  	s5 =	sadd.s32 s2, s5;
	[sflag:s29] =	ssyncadd.s32 $0xFFFFC000  }
0xb4: {  	[hbm4b:s5+s4] =	stream.linear.scatter [tilespmem:s23], [sflag:$0x4], $0x4000, $0x38;
	[tilespmem:$0x19600] =	vst v63  }
0xb5: {  	s5 =	simm.s32 @!p1 $0x8  }
0xb6: {  	_ =	swait.ge @!p1 [sflag:s5], $0x4000  }
0xb7: {  	[sflag:s5] =	ssyncset.done @!p1 $0x0  }
0xb8: {  	s13 =	sadd.s32 $0x7E80, s9;
	[sflag:s5] =	ssyncadd.s32 @!p1 $0xFFFFC000  }
0xb9: {  	[tilespmem:s30], [sflag:$0x7] =	stream.indirect.gather [spmem:s3], $0x80, s13, s22, $0xb8;
	[tilespmem:$0x19600] =	vst v63  }
0xba: {  	_ =	swait.ge [sflag:s31], $0x4000  }
0xbb: {  	[sflag:s31] =	ssyncset.done $0x0  }
0xbc: {  	s14 =	sadd.s32 s2, s10;
	[sflag:s31] =	ssyncadd.s32 $0xFFFFC000  }
0xbd: {  	[hbm4b:s14+s4] =	stream.linear.scatter [tilespmem:s28], [sflag:$0x6], $0x4000, $0x38;
	[tilespmem:$0x19600] =	vst v63  }
0xbe: {  	_ =	swait.ge [sflag:s1], $0x4000  }
0xbf: {  	[sflag:s1] =	ssyncset.done $0x0  }
0xc0: {  	s15 =	sadd.s32 $0x7F00, s9;
	[sflag:s1] =	ssyncadd.s32 $0xFFFFC000  }
0xc1: {  	[tilespmem:s19], [sflag:$0x1] =	stream.indirect.gather [spmem:s3], $0x80, s15, s22, $0xb8;
	[tilespmem:$0x19600] =	vst v63  }
0xc2: {  	_ =	swait.ge [sflag:s0], $0x4000  }
0xc3: {  	[sflag:s0] =	ssyncset.done $0x0  }
0xc4: {  	s16 =	sadd.s32 s2, s6;
	[sflag:s0] =	ssyncadd.s32 $0xFFFFC000  }
0xc5: {  	[hbm4b:s16+s4] =	stream.linear.scatter [tilespmem:s30], [sflag:$0x8], $0x4000, $0x38;
	[tilespmem:$0x19600] =	vst v63  }
0xc6: {  	_ =	swait.ge [sflag:s24], $0x4000  }
0xc7: {  	[sflag:s24] =	ssyncset.done $0x0  }
0xc8: {  	s17 =	sadd.s32 $0x7F80, s9;
	[sflag:s24] =	ssyncadd.s32 $0xFFFFC000  }
0xc9: {  	[tilespmem:s23], [sflag:$0x3] =	stream.indirect.gather [spmem:s3], $0x80, s17, s22, $0xb8;
	[tilespmem:$0x19600] =	vst v63  }
0xca: {  	_ =	swait.ge [sflag:s26], $0x4000  }
0xcb: {  	[sflag:s26] =	ssyncset.done $0x0  }
0xcc: {  	s5 =	simm.s32 $0x0;
	s18 =	rddreg [dreg:$0x6];
	[sflag:s26] =	ssyncadd.s32 $0xFFFFC000  }
0xcd: {  	[hbm4b:s18+s5] =	stream.linear.scatter [tilespmem:s19], [sflag:$0x2], $0x4000, $0x38;
	[tilespmem:$0x19600] =	vst v63  }
0xce: {  	_ =	swait.ge [sflag:s29], $0x4000  }
0xcf: {  	[sflag:s29] =	ssyncset.done $0x0  }
0xd0: {  	s14 =	simm.s32 $0x6;
	s20 =	rddreg [dreg:$0x7];
	[sflag:s29] =	ssyncadd.s32 $0xFFFFC000  }
0xd1: {  	[hbm4b:s20+s5] =	stream.linear.scatter [tilespmem:s23], [sflag:$0x4], $0x4000, $0x38;
	[tilespmem:$0x19600] =	vst v63  }
0xd2: {  	_ =	swait.ge [sflag:s14], $0x4000  }
0xd3: {  	[sflag:s14] =	ssyncset.done $0x0  }
0xd4: {  	s15 =	simm.s32 $0x8;
	[sflag:s14] =	ssyncadd.s32 $0xFFFFC000  }
0xd5: {  	_ =	swait.ge [sflag:s15], $0x4000  }
0xd6: {  	[sflag:s15] =	ssyncset.done $0x0  }
0xd7: {  	[sflag:s15] =	ssyncadd.s32 $0xFFFFC000  }
0xd8: {  	_ =	swait.ge [sflag:s1], $0x4000  }
0xd9: {  	[sflag:s1] =	ssyncset.done $0x0  }
0xda: {  	[sflag:s1] =	ssyncadd.s32 $0xFFFFC000  }
0xdb: {  	_ =	swait.ge [sflag:s24], $0x4000  }
0xdc: {  	s21 =	rddreg [dreg:$0x8]  }
0xdd: {  	s25 =	rddreg [dreg:$0x9]  }
0xde: {  	s6 =	rddreg [dreg:$0x11]  }
0xdf: {  	s8 =	rddreg [dreg:$0xe]  }
0xe0: {  	s10 =	rddreg [dreg:$0xf]  }
0xe1: {  	[sflag:s24] =	ssyncset.done $0x0;
	s11 =	rddreg [dreg:$0x10]  }
0xe2: {  	s12 =	rddreg [dreg:$0x12];
	[sflag:s24] =	ssyncadd.s32 $0xFFFFC000  }
0xe3: {  	[tilespmem:s19], [sflag:$0x1] =	stream.linear.gather [hbm4b:s21+s5], $0x2000, $0x38;
	[tilespmem:$0x19600] =	vst v63  }
0xe4: {  	s13 =	rddreg [dreg:$0x13]  }
0xe5: {  	[tilespmem:s23], [sflag:$0x3] =	stream.linear.gather [hbm4b:s25+s5], $0x2000, $0x38;
	[tilespmem:$0x19600] =	vst v63  }
.LBB2_4:
0xe6: {  	s7 =	sadd.s32 $0xFFFFFFFD, s8  }
0xe7: {  	s7 =	sshrl.u32 s7, $0x4  }
0xe8: {  	s7 =	smul.u32 $0x1400, s7  }
0xe9: {  	s9 =	sand.u32 $0x3C0, s6  }
0xea: {  	_ =	swait.ge [sflag:s26], $0x2000;
	s7 =	sor.u32 s9, s7  }
0xeb: {  	[sflag:s26] =	ssyncset.done $0x0;
	s7 =	sshll.u32 s7, $0x4  }
0xec: {  	p1 =	seq.s32 s5, $0x0;
	[sflag:s26] =	ssyncadd.s32 $0xFFFFE000;
	s7 =	sadd.s32 s2, s7  }
0xed: {  	[hbm4b:s7+s4] =	stream.linear.scatter [tilespmem:s19], [sflag:$0x2], $0x2000, $0x38;
	[tilespmem:$0x19600] =	vst v63  }
0xee: {  	s7 =	simm.s32 @!p1 $0x6  }
0xef: {  	_ =	swait.ge @!p1 [sflag:s7], $0x2000  }
0xf0: {  	s20 =	sadd.s32 $0xFFFFFFFE, s8;
	[sflag:s7] =	ssyncset.done @!p1 $0x0  }
0xf1: {  	s21 =	sadd.s32 $0x40, s6;
	[sflag:s7] =	ssyncadd.s32 @!p1 $0xFFFFE000;
	s7 =	sshrl.u32 s20, $0x4  }
0xf2: {  	s18 =	sadd.s32 s5, s13;
	s9 =	sand.u32 $0x3C0, s21;
	s7 =	smul.u32 $0x1400, s7  }
0xf3: {  	[tilespmem:s28], [sflag:$0x5] =	stream.linear.gather [hbm4b:s18+s4], $0x2000, $0x38;
	[tilespmem:$0x19600] =	vst v63  }
0xf4: {  	_ =	swait.ge [sflag:s29], $0x2000;
	s7 =	sor.u32 s9, s7  }
0xf5: {  	[sflag:s29] =	ssyncset.done $0x0;
	s7 =	sshll.u32 s7, $0x4  }
0xf6: {  	[sflag:s29] =	ssyncadd.s32 $0xFFFFE000;
	s7 =	sadd.s32 s2, s7  }
0xf7: {  	[hbm4b:s7+s4] =	stream.linear.scatter [tilespmem:s23], [sflag:$0x4], $0x2000, $0x38;
	[tilespmem:$0x19600] =	vst v63  }
0xf8: {  	s7 =	simm.s32 @!p1 $0x8  }
0xf9: {  	s25 =	sadd.s32 $0xFFFFFFFF, s8;
	s16 =	sadd.s32 s5, s12;
	_ =	swait.ge @!p1 [sflag:s7], $0x2000  }
0xfa: {  	s17 =	sshrl.u32 s25, $0x4;
	s18 =	sadd.s32 $0x80, s6;
	[sflag:s7] =	ssyncset.done @!p1 $0x0  }
0xfb: {  	s9 =	sand.u32 $0x3C0, s18;
	[sflag:s7] =	ssyncadd.s32 @!p1 $0xFFFFE000;
	s7 =	smul.u32 $0x1400, s17  }
0xfc: {  	[tilespmem:s30], [sflag:$0x7] =	stream.linear.gather [hbm4b:s16+s4], $0x2000, $0x38;
	[tilespmem:$0x19600] =	vst v63  }
0xfd: {  	_ =	swait.ge [sflag:s31], $0x2000;
	s7 =	sor.u32 s9, s7  }
0xfe: {  	[sflag:s31] =	ssyncset.done $0x0;
	s7 =	sshll.u32 s7, $0x4  }
0xff: {  	[sflag:s31] =	ssyncadd.s32 $0xFFFFE000;
	s7 =	sadd.s32 s2, s7  }
0x100: {  	[hbm4b:s7+s4] =	stream.linear.scatter [tilespmem:s28], [sflag:$0x6], $0x2000, $0x38;
	[tilespmem:$0x19600] =	vst v63  }
0x101: {  	s25 =	sadd.s32 $0xC0, s6;
	_ =	swait.ge [sflag:s1], $0x2000  }
0x102: {  	s21 =	sshrl.u32 s8, $0x4;
	s20 =	sadd.s32 s5, s11;
	[sflag:s1] =	ssyncset.done $0x0  }
0x103: {  	p1 =	seq.s32 s5, $0x5000;
	s7 =	smul.u32 $0x1400, s21;
	[sflag:s1] =	ssyncadd.s32 $0xFFFFE000  }
0x104: {  	[tilespmem:s19], [sflag:$0x1] =	stream.linear.gather [hbm4b:s20+s4], $0x2000, $0x38;
	[tilespmem:$0x19600] =	vst v63  }
.Ltmp3:
0x105: {  	s9 =	sand.u32 $0x3C0, s25;
	(pc) =	sbr.rel @p1 .LBB2_6-.Ltmp3, $4  }
0x106: {  	s7 =	sor.u32 s9, s7;
	_ =	swait.ge [sflag:s0], $0x2000  }
0x107: {  	s7 =	sshll.u32 s7, $0x4;
	[sflag:s0] =	ssyncset.done $0x0  }
0x108: {  	s7 =	sadd.s32 s2, s7;
	[sflag:s0] =	ssyncadd.s32 $0xFFFFE000  }
0x109: {  	[hbm4b:s7+s4] =	stream.linear.scatter [tilespmem:s30], [sflag:$0x8], $0x2000, $0x38;
	[tilespmem:$0x19600] =	vst v63  }
.Ltmp4:
0x10a: {  	(pc) =	sbr.rel .LBB2_4-.Ltmp4, $4  }
0x10b: {  	_ =	swait.ge [sflag:s24], $0x2000  }
0x10c: {  	s7 =	sadd.s32 s5, s10;
	s5 =	sadd.s32 $0x1000, s5;
	[sflag:s24] =	ssyncset.done $0x0  }
0x10d: {  	s8 =	sadd.s32 $0x4, s8;
	s6 =	sadd.s32 $0x100, s6;
	[sflag:s24] =	ssyncadd.s32 $0xFFFFE000  }
0x10e: {  	[tilespmem:s23], [sflag:$0x3] =	stream.linear.gather [hbm4b:s7+s4], $0x2000, $0x38;
	[tilespmem:$0x19600] =	vst v63  }
.LBB2_7:
0x10f: {  	_ =	sfence.sel $0x180000  }
0x110: {  	[bflag:$0x0] =	sbarrier.arrive $0xFFFF  }
0x111: {  	_ =	strace $0x9000004A  }
0x112: {  	[bflag:$0x2] =	sbarrier.arrive $0xFFFF  }
0x113: {  	s0 =	rddreg [dreg:$0x4]  }
0x114: {  	s0 =	sadd.s32 @!p0 $0x100000, s0  }
0x115: {  	[sflag:s0] =	ssyncadd.tile.s32 @!p0 $0x1;
	_ =	shalt  }
.Lfunc_end2:
_tile_overlayer_lowered:
.L_overlay_start_2:
0x116: {  	(tag) =	ssettag $0x2  }
0x117: {  	s0 =	rddreg [dreg:$0x0];
	s2 =	stileid.u32  }
0x118: {  	s1 =	rddreg [dreg:$0x1];
	p0 =	sne.s32 s2, $0x0  }
0x119: {  	s3 =	rddreg [dreg:$0x2];
	[bflag:$0x3] =	sbarrier.arrive $0xFFFF;
	s2 =	simm.s32 @!p0 $0x1C09  }
0x11a: {  	[timem:s3], [sflag:s2] =	dma.local @!p0 [hbm:s0], s1  }
0x11b: {  	s0 =	simm.s32 @!p0 $0x9  }
0x11c: {  	_ =	swait.ge @!p0 [sflag:s0], s1  }
0x11d: {  	s1 =	ssub.s32 @!p0 $0x0, s1;
	[sflag:s0] =	ssyncset.done @!p0 $0x0  }
0x11e: {  	[sflag:s0] =	ssyncadd.s32 @!p0 s1  }
0x11f: {  	[bflag:$0x3] =	sbarrier.arrive $0xFFFF  }
0x120: {  	_ =	shalt  }

</sc_bundles>
